<compile_context>
chip_gen: v7x
topology: tpu7x:2x2x1
jax: 0.10.2.dev20260603
libtpu: 0.0.44.dev20260713+nightly
codegen_flags: <defaults>
</compile_context>

<pallas_src>
import functools
import jax
import jax.numpy as jnp
from jax import lax
from jax.experimental import pallas as pl
from jax.experimental.pallas import tpu as pltpu
from jax.experimental.pallas import tpu_sc as plsc

_NOISE_SCALE = 0.1
_BT = 1024
_L = 16


def _score_body(noise_ref, x_ref, wg_ref, bg_ref, s_ref):
    s = jnp.dot(x_ref[...], wg_ref[...], preferred_element_type=jnp.float32)
    s_ref[...] = s + bg_ref[...] + noise_ref[...]


def _make_sc_gate(t_tokens, n_e):
    n_workers = 32
    chunk = t_tokens // n_workers
    n_groups = chunk // _L
    mesh = plsc.VectorSubcoreMesh(core_axis_name="c", subcore_axis_name="s")

    @functools.partial(
        pl.kernel,
        mesh=mesh,
        out_type=jax.ShapeDtypeStruct((n_e, t_tokens), jnp.float32),
        scratch_types=[
            pltpu.VMEM((n_e, chunk), jnp.float32),
            pltpu.VMEM((n_e, chunk), jnp.float32),
        ],
    )
    def sc_gate(s_hbm, c_hbm, s_v, c_v):
        wid = lax.axis_index("s") * 2 + lax.axis_index("c")
        base = wid * chunk
        pltpu.sync_copy(s_hbm.at[:, pl.ds(base, chunk)], s_v)
        for g in range(n_groups):
            sl = pl.ds(g * _L, _L)
            w = [s_v[e, sl] for e in range(n_e)]
            m = w[0]
            for e in range(1, n_e):
                m = jnp.maximum(m, w[e])
            p = [jnp.exp(we - m) for we in w]
            den = p[0]
            for e in range(1, n_e):
                den = den + p[e]
            w = [pe / den for pe in p]
            m1 = jnp.maximum(w[0], w[1])
            m2 = jnp.minimum(w[0], w[1])
            for e in range(2, n_e):
                gt1 = w[e] > m1
                m2 = jnp.where(gt1, m1, jnp.maximum(m2, w[e]))
                m1 = jnp.where(gt1, w[e], m1)
            taken1 = m1 - m1
            taken2 = m1 - m1
            for e in range(n_e):
                eq1 = jnp.where(w[e] == m1, 1.0, 0.0)
                eq2 = jnp.where(w[e] == m2, 1.0, 0.0)
                f1 = eq1 * (1.0 - taken1)
                f2 = eq2 * (1.0 - f1) * (1.0 - taken2)
                taken1 = taken1 + f1
                taken2 = taken2 + f2
                c_v[e, sl] = w[e] * (f1 + f2 - f1 * f2)
        pltpu.sync_copy(c_v, c_hbm.at[:, pl.ds(base, chunk)])

    return sc_gate


def _expert_body(c_ref, x_ref, wcat_ref, be_ref, out_ref, xcat_ref):
    n_e = c_ref.shape[1]
    dim = x_ref.shape[1]
    c = c_ref[...]
    xb = x_ref[...].astype(jnp.bfloat16)
    cb = c.astype(jnp.bfloat16)
    for e in range(n_e):
        xcat_ref[:, e * dim:(e + 1) * dim] = xb * cb[:, e:e + 1]
    out_ref[...] = (
        jnp.dot(xcat_ref[...], wcat_ref[...], preferred_element_type=jnp.float32)
        + jnp.dot(c, be_ref[...], preferred_element_type=jnp.float32))


@jax.jit
def _run(x, Wg, bg, We, be):
    orig_shape = x.shape
    dim = x.shape[-1]
    xf = x.reshape(-1, dim)
    t = xf.shape[0]
    n_e = Wg.shape[-1]
    f = We.shape[-1]
    noise = jax.random.normal(jax.random.key(42), (t, n_e), jnp.float32) * _NOISE_SCALE
    wcat = We.astype(jnp.bfloat16).reshape(n_e * dim, f)

    s_t = pl.pallas_call(
        _score_body,
        grid=(t // _BT,),
        in_specs=[
            pl.BlockSpec((_BT, n_e), lambda i: (i, 0)),
            pl.BlockSpec((_BT, dim), lambda i: (i, 0)),
            pl.BlockSpec((dim, n_e), lambda i: (0, 0)),
            pl.BlockSpec((1, n_e), lambda i: (0, 0)),
        ],
        out_specs=pl.BlockSpec((_BT, n_e), lambda i: (i, 0)),
        out_shape=jax.ShapeDtypeStruct((t, n_e), jnp.float32),
        compiler_params=pltpu.CompilerParams(
            dimension_semantics=("parallel",),
        ),
    )(noise, xf, Wg, bg.reshape(1, n_e))

    c = _make_sc_gate(t, n_e)(s_t.T).T

    out = pl.pallas_call(
        _expert_body,
        grid=(t // _BT,),
        in_specs=[
            pl.BlockSpec((_BT, n_e), lambda i: (i, 0)),
            pl.BlockSpec((_BT, dim), lambda i: (i, 0)),
            pl.BlockSpec((n_e * dim, f), lambda i: (0, 0)),
            pl.BlockSpec((n_e, f), lambda i: (0, 0)),
        ],
        out_specs=pl.BlockSpec((_BT, f), lambda i: (i, 0)),
        out_shape=jax.ShapeDtypeStruct((t, f), jnp.float32),
        scratch_shapes=[
            pltpu.VMEM((_BT, n_e * dim), jnp.bfloat16),
        ],
        compiler_params=pltpu.CompilerParams(
            dimension_semantics=("parallel",),
        ),
    )(c, xf, wcat, be)
    return out.reshape(orig_shape)


def kernel(x, Wg, bg, We, be):
    return _run(x, Wg, bg, We, be)

# --- scband reference (transcript-rebuilt; emitter-appended) ---
"""Pipeline reference for scband-noisy-mixture-of-experts1-71536975282233 (READ-ONLY COPY).

The authoritative reference and input builder live on the scoring server;
editing this copy changes nothing except your own understanding.
"""

import jax, jax.numpy as jnp
import numpy as np

DIM = 768
NUM_EXPERTS = 8
EXPERT_DIM = 768
TOP_K = 2
NOISE_SCALE = 0.1


def setup_inputs(seed: int = 0) -> dict:
    key = jax.random.key(seed)
    ks = jax.random.split(key, 4)
    x = jax.random.normal(ks[0], (1, 64, 64, DIM), dtype=jnp.float32)
    Wg = jax.random.normal(ks[1], (DIM, NUM_EXPERTS), dtype=jnp.float32) / np.sqrt(DIM)
    bg = jnp.zeros((NUM_EXPERTS,), dtype=jnp.float32)
    We = jax.random.normal(ks[2], (NUM_EXPERTS, DIM, EXPERT_DIM), dtype=jnp.float32) / np.sqrt(DIM)
    be = jnp.zeros((NUM_EXPERTS, EXPERT_DIM), dtype=jnp.float32)
    return {"x": x, "Wg": Wg, "bg": bg, "We": We, "be": be}


def reference(x, Wg, bg, We, be):
    original_shape = x.shape
    dim = x.shape[-1]
    x_flat = x.reshape(-1, dim)
    # gate
    gate_scores = x_flat @ Wg + bg
    # noisy gating: torch.randn_like -> fixed-key jax normal for determinism
    noise = jax.random.normal(jax.random.key(42), gate_scores.shape, dtype=jnp.float32) * NOISE_SCALE
    gate_scores = gate_scores + noise
    gate_weights = jax.nn.softmax(gate_scores, axis=-1)
    top_k_weights, top_k_indices = jax.lax.top_k(gate_weights, TOP_K)
    # dense computation of all experts, stacked over expert axis: [T, E, F]
    expert_outputs = jnp.einsum('td,edf->tef', x_flat, We) + be[None, :, :]
    output_flat = jnp.zeros_like(x_flat)
    for i in range(TOP_K):
        expert_idx = top_k_indices[:, i]
        expert_weight = top_k_weights[:, i]
        expert_output = jnp.take_along_axis(expert_outputs, expert_idx[:, None, None], axis=1)[:, 0, :]
        output_flat = output_flat + expert_output * expert_weight[:, None]
    return output_flat.reshape(original_shape)

if __name__ == "__main__":
    import jax
    _d = setup_inputs()
    print(jax.jit(kernel)(*tuple(_d.values())))

</pallas_src>

<mosaic_0001>
#map = affine_map<(d0, d1) -> (0, 0)>
module attributes {stable_mosaic.version = 14 : i64} {
  func.func @sc_gate(%arg0: i32, %arg1: i32, %arg2: memref<8x4096xf32, #tpu.memory_space<hbm>>, %arg3: memref<8x4096xf32, #tpu.memory_space<hbm>>, %arg4: memref<8x128xf32, #tpu.memory_space<vmem>>, %arg5: memref<8x128xf32, #tpu.memory_space<vmem>>) attributes {dimension_semantics = [#tpu.dimension_semantics<core_parallel>, #tpu.dimension_semantics<subcore_parallel>], iteration_bounds = array<i64: 2, 16>, scalar_prefetch = 0 : i64, scratch_operands = 2 : i64, tpu.core_type = #tpu.core_type<sc_vector_subcore>, window_params = [{transform_indices = #map}, {transform_indices = #map}]} {
    %mul3A = arith.constant 2 : i32
    %mul3A_0 = arith.muli %arg1, %mul3A : i32
    %add3A = arith.addi %mul3A_0, %arg0 : i32
    %mul3A_1 = arith.constant 128 : i32
    %mul3A_2 = arith.muli %add3A, %mul3A_1 : i32
    "tpu.region"() ({
      %run_scoped3A = tpu.sem_alloc : memref<!tpu.dma_semaphore, #tpu.memory_space<semaphore_mem>>
      %dma_start3A = arith.constant 0 : i32
      %dma_start3A_3143 = tpu.memref_slice %arg2[%dma_start3A, %mul3A_2] : memref<8x4096xf32, #tpu.memory_space<hbm>> -> memref<8x128xf32, #tpu.memory_space<hbm>>
      %dma_start3A_3144 = arith.constant 0 : i32
      %dma_start3A_3145 = tpu.memref_slice %arg2[%dma_start3A_3144, %mul3A_2] : memref<8x4096xf32, #tpu.memory_space<hbm>> -> memref<8x128xf32, #tpu.memory_space<hbm>>
      tpu.enqueue_dma source(%dma_start3A_3145 : memref<8x128xf32, #tpu.memory_space<hbm>>) target(%arg4 : memref<8x128xf32, #tpu.memory_space<vmem>>) target_semaphore(%run_scoped3A : memref<!tpu.dma_semaphore, #tpu.memory_space<semaphore_mem>>)
      %dma_wait3A = arith.constant 0 : i32
      %dma_wait3A_3146 = tpu.memref_slice %arg2[%dma_wait3A, %mul3A_2] : memref<8x4096xf32, #tpu.memory_space<hbm>> -> memref<8x128xf32, #tpu.memory_space<hbm>>
      %dma_wait3A_3147 = arith.constant 0 : i32
      %dma_wait3A_3148 = tpu.memref_slice %arg2[%dma_wait3A_3147, %mul3A_2] : memref<8x4096xf32, #tpu.memory_space<hbm>> -> memref<8x128xf32, #tpu.memory_space<hbm>>
      tpu.wait_dma2 semaphore(%run_scoped3A : memref<!tpu.dma_semaphore, #tpu.memory_space<semaphore_mem>>) src(%dma_wait3A_3148 : memref<8x128xf32, #tpu.memory_space<hbm>>) dst(%arg4 : memref<8x128xf32, #tpu.memory_space<vmem>>)
      tpu.yield
    }) : () -> ()
    %get3A = arith.constant 0 : i32
    %get3A_3 = arith.index_cast %get3A : i32 to index
    %get3A_4 = arith.constant 0 : index
    %get3A_5 = tpu.vector_load %arg4[%get3A_3, %get3A_4] {strides = array<i32>} : memref<8x128xf32, #tpu.memory_space<vmem>>, vector<1x16xf32>,
    %get3A_6 = vector.shape_cast %get3A_5 : vector<1x16xf32> to vector<16xf32>
    %get3A_7 = arith.constant 1 : i32
    %get3A_8 = arith.index_cast %get3A_7 : i32 to index
    %get3A_9 = arith.constant 0 : index
    %get3A_10 = tpu.vector_load %arg4[%get3A_8, %get3A_9] {strides = array<i32>} : memref<8x128xf32, #tpu.memory_space<vmem>>, vector<1x16xf32>,
    %get3A_11 = vector.shape_cast %get3A_10 : vector<1x16xf32> to vector<16xf32>
    %get3A_12 = arith.constant 2 : i32
    %get3A_13 = arith.index_cast %get3A_12 : i32 to index
    %get3A_14 = arith.constant 0 : index
    %get3A_15 = tpu.vector_load %arg4[%get3A_13, %get3A_14] {strides = array<i32>} : memref<8x128xf32, #tpu.memory_space<vmem>>, vector<1x16xf32>,
    %get3A_16 = vector.shape_cast %get3A_15 : vector<1x16xf32> to vector<16xf32>
    %get3A_17 = arith.constant 3 : i32
    %get3A_18 = arith.index_cast %get3A_17 : i32 to index
    %get3A_19 = arith.constant 0 : index
    %get3A_20 = tpu.vector_load %arg4[%get3A_18, %get3A_19] {strides = array<i32>} : memref<8x128xf32, #tpu.memory_space<vmem>>, vector<1x16xf32>,
    %get3A_21 = vector.shape_cast %get3A_20 : vector<1x16xf32> to vector<16xf32>
    %get3A_22 = arith.constant 4 : i32
    %get3A_23 = arith.index_cast %get3A_22 : i32 to index
    %get3A_24 = arith.constant 0 : index
    %get3A_25 = tpu.vector_load %arg4[%get3A_23, %get3A_24] {strides = array<i32>} : memref<8x128xf32, #tpu.memory_space<vmem>>, vector<1x16xf32>,
    %get3A_26 = vector.shape_cast %get3A_25 : vector<1x16xf32> to vector<16xf32>
    %get3A_27 = arith.constant 5 : i32
    %get3A_28 = arith.index_cast %get3A_27 : i32 to index
    %get3A_29 = arith.constant 0 : index
    %get3A_30 = tpu.vector_load %arg4[%get3A_28, %get3A_29] {strides = array<i32>} : memref<8x128xf32, #tpu.memory_space<vmem>>, vector<1x16xf32>,
    %get3A_31 = vector.shape_cast %get3A_30 : vector<1x16xf32> to vector<16xf32>
    %get3A_32 = arith.constant 6 : i32
    %get3A_33 = arith.index_cast %get3A_32 : i32 to index
    %get3A_34 = arith.constant 0 : index
    %get3A_35 = tpu.vector_load %arg4[%get3A_33, %get3A_34] {strides = array<i32>} : memref<8x128xf32, #tpu.memory_space<vmem>>, vector<1x16xf32>,
    %get3A_36 = vector.shape_cast %get3A_35 : vector<1x16xf32> to vector<16xf32>
    %get3A_37 = arith.constant 7 : i32
    %get3A_38 = arith.index_cast %get3A_37 : i32 to index
    %get3A_39 = arith.constant 0 : index
    %get3A_40 = tpu.vector_load %arg4[%get3A_38, %get3A_39] {strides = array<i32>} : memref<8x128xf32, #tpu.memory_space<vmem>>, vector<1x16xf32>,
    %get3A_41 = vector.shape_cast %get3A_40 : vector<1x16xf32> to vector<16xf32>
    %max3A = arith.maximumf %get3A_6, %get3A_11 : vector<16xf32>
    %max3A_42 = arith.maximumf %max3A, %get3A_16 : vector<16xf32>
    %max3A_43 = arith.maximumf %max3A_42, %get3A_21 : vector<16xf32>
    %max3A_44 = arith.maximumf %max3A_43, %get3A_26 : vector<16xf32>
    %max3A_45 = arith.maximumf %max3A_44, %get3A_31 : vector<16xf32>
    %max3A_46 = arith.maximumf %max3A_45, %get3A_36 : vector<16xf32>
    %max3A_47 = arith.maximumf %max3A_46, %get3A_41 : vector<16xf32>
    %sub3A = arith.subf %get3A_6, %max3A_47 : vector<16xf32>
    %exp3A = math.exp %sub3A : vector<16xf32>
    %sub3A_48 = arith.subf %get3A_11, %max3A_47 : vector<16xf32>
    %exp3A_49 = math.exp %sub3A_48 : vector<16xf32>
    %sub3A_50 = arith.subf %get3A_16, %max3A_47 : vector<16xf32>
    %exp3A_51 = math.exp %sub3A_50 : vector<16xf32>
    %sub3A_52 = arith.subf %get3A_21, %max3A_47 : vector<16xf32>
    %exp3A_53 = math.exp %sub3A_52 : vector<16xf32>
    %sub3A_54 = arith.subf %get3A_26, %max3A_47 : vector<16xf32>
    %exp3A_55 = math.exp %sub3A_54 : vector<16xf32>
    %sub3A_56 = arith.subf %get3A_31, %max3A_47 : vector<16xf32>
    %exp3A_57 = math.exp %sub3A_56 : vector<16xf32>
    %sub3A_58 = arith.subf %get3A_36, %max3A_47 : vector<16xf32>
    %exp3A_59 = math.exp %sub3A_58 : vector<16xf32>
    %sub3A_60 = arith.subf %get3A_41, %max3A_47 : vector<16xf32>
    %exp3A_61 = math.exp %sub3A_60 : vector<16xf32>
    %add3A_62 = arith.addf %exp3A, %exp3A_49 : vector<16xf32>
    %add3A_63 = arith.addf %add3A_62, %exp3A_51 : vector<16xf32>
    %add3A_64 = arith.addf %add3A_63, %exp3A_53 : vector<16xf32>
    %add3A_65 = arith.addf %add3A_64, %exp3A_55 : vector<16xf32>
    %add3A_66 = arith.addf %add3A_65, %exp3A_57 : vector<16xf32>
    %add3A_67 = arith.addf %add3A_66, %exp3A_59 : vector<16xf32>
    %add3A_68 = arith.addf %add3A_67, %exp3A_61 : vector<16xf32>
    %div3A = arith.divf %exp3A, %add3A_68 : vector<16xf32>
    %div3A_69 = arith.divf %exp3A_49, %add3A_68 : vector<16xf32>
    %div3A_70 = arith.divf %exp3A_51, %add3A_68 : vector<16xf32>
    %div3A_71 = arith.divf %exp3A_53, %add3A_68 : vector<16xf32>
    %div3A_72 = arith.divf %exp3A_55, %add3A_68 : vector<16xf32>
    %div3A_73 = arith.divf %exp3A_57, %add3A_68 : vector<16xf32>
    %div3A_74 = arith.divf %exp3A_59, %add3A_68 : vector<16xf32>
    %div3A_75 = arith.divf %exp3A_61, %add3A_68 : vector<16xf32>
    %max3A_76 = arith.maximumf %div3A, %div3A_69 : vector<16xf32>
    %min3A = arith.minimumf %div3A, %div3A_69 : vector<16xf32>
    %gt3A = arith.cmpf ogt, %div3A_70, %max3A_76 : vector<16xf32>
    %max3A_77 = arith.maximumf %min3A, %div3A_70 : vector<16xf32>
    %select_n3A = arith.select %gt3A, %max3A_76, %max3A_77 : vector<16xi1>, vector<16xf32>
    %select_n3A_78 = arith.select %gt3A, %div3A_70, %max3A_76 : vector<16xi1>, vector<16xf32>
    %gt3A_79 = arith.cmpf ogt, %div3A_71, %select_n3A_78 : vector<16xf32>
    %max3A_80 = arith.maximumf %select_n3A, %div3A_71 : vector<16xf32>
    %select_n3A_81 = arith.select %gt3A_79, %select_n3A_78, %max3A_80 : vector<16xi1>, vector<16xf32>
    %select_n3A_82 = arith.select %gt3A_79, %div3A_71, %select_n3A_78 : vector<16xi1>, vector<16xf32>
    %gt3A_83 = arith.cmpf ogt, %div3A_72, %select_n3A_82 : vector<16xf32>
    %max3A_84 = arith.maximumf %select_n3A_81, %div3A_72 : vector<16xf32>
    %select_n3A_85 = arith.select %gt3A_83, %select_n3A_82, %max3A_84 : vector<16xi1>, vector<16xf32>
    %select_n3A_86 = arith.select %gt3A_83, %div3A_72, %select_n3A_82 : vector<16xi1>, vector<16xf32>
    %gt3A_87 = arith.cmpf ogt, %div3A_73, %select_n3A_86 : vector<16xf32>
    %max3A_88 = arith.maximumf %select_n3A_85, %div3A_73 : vector<16xf32>
    %select_n3A_89 = arith.select %gt3A_87, %select_n3A_86, %max3A_88 : vector<16xi1>, vector<16xf32>
    %select_n3A_90 = arith.select %gt3A_87, %div3A_73, %select_n3A_86 : vector<16xi1>, vector<16xf32>
    %gt3A_91 = arith.cmpf ogt, %div3A_74, %select_n3A_90 : vector<16xf32>
    %max3A_92 = arith.maximumf %select_n3A_89, %div3A_74 : vector<16xf32>
    %select_n3A_93 = arith.select %gt3A_91, %select_n3A_90, %max3A_92 : vector<16xi1>, vector<16xf32>
    %select_n3A_94 = arith.select %gt3A_91, %div3A_74, %select_n3A_90 : vector<16xi1>, vector<16xf32>
    %gt3A_95 = arith.cmpf ogt, %div3A_75, %select_n3A_94 : vector<16xf32>
    %max3A_96 = arith.maximumf %select_n3A_93, %div3A_75 : vector<16xf32>
    %select_n3A_97 = arith.select %gt3A_95, %select_n3A_94, %max3A_96 : vector<16xi1>, vector<16xf32>
    %select_n3A_98 = arith.select %gt3A_95, %div3A_75, %select_n3A_94 : vector<16xi1>, vector<16xf32>
    %sub3A_99 = arith.subf %select_n3A_98, %select_n3A_98 : vector<16xf32>
    %sub3A_100 = arith.subf %select_n3A_98, %select_n3A_98 : vector<16xf32>
    %eq3A = arith.cmpf oeq, %div3A, %select_n3A_98 : vector<16xf32>
    %jit3A = arith.constant 1.000000e+00 : f32
    %jit3A_101 = arith.constant 0.000000e+00 : f32
    %broadcast_in_dim3A = vector.broadcast %jit3A : f32 to vector<16xf32>
    %broadcast_in_dim3A_102 = vector.broadcast %jit3A_101 : f32 to vector<16xf32>
    %select_n3A_103 = arith.select %eq3A, %broadcast_in_dim3A, %broadcast_in_dim3A_102 : vector<16xi1>, vector<16xf32>
    %eq3A_104 = arith.cmpf oeq, %div3A, %select_n3A_97 : vector<16xf32>
    %jit3A_105 = arith.constant 1.000000e+00 : f32
    %jit3A_106 = arith.constant 0.000000e+00 : f32
    %broadcast_in_dim3A_107 = vector.broadcast %jit3A_105 : f32 to vector<16xf32>
    %broadcast_in_dim3A_108 = vector.broadcast %jit3A_106 : f32 to vector<16xf32>
    %select_n3A_109 = arith.select %eq3A_104, %broadcast_in_dim3A_107, %broadcast_in_dim3A_108 : vector<16xi1>, vector<16xf32>
    %sub3A_110 = arith.constant 1.000000e+00 : f32
    %sub3A_111 = vector.broadcast %sub3A_110 : f32 to vector<16xf32>
    %sub3A_112 = arith.subf %sub3A_111, %sub3A_99 : vector<16xf32>
    %mul3A_113 = arith.mulf %select_n3A_103, %sub3A_112 : vector<16xf32>
    %sub3A_114 = arith.constant 1.000000e+00 : f32
    %sub3A_115 = vector.broadcast %sub3A_114 : f32 to vector<16xf32>
    %sub3A_116 = arith.subf %sub3A_115, %mul3A_113 : vector<16xf32>
    %mul3A_117 = arith.mulf %select_n3A_109, %sub3A_116 : vector<16xf32>
    %sub3A_118 = arith.constant 1.000000e+00 : f32
    %sub3A_119 = vector.broadcast %sub3A_118 : f32 to vector<16xf32>
    %sub3A_120 = arith.subf %sub3A_119, %sub3A_100 : vector<16xf32>
    %mul3A_121 = arith.mulf %mul3A_117, %sub3A_120 : vector<16xf32>
    %add3A_122 = arith.addf %sub3A_99, %mul3A_113 : vector<16xf32>
    %add3A_123 = arith.addf %sub3A_100, %mul3A_121 : vector<16xf32>
    %add3A_124 = arith.addf %mul3A_113, %mul3A_121 : vector<16xf32>
    %mul3A_125 = arith.mulf %mul3A_113, %mul3A_121 : vector<16xf32>
    %sub3A_126 = arith.subf %add3A_124, %mul3A_125 : vector<16xf32>
    %mul3A_127 = arith.mulf %div3A, %sub3A_126 : vector<16xf32>
    %swap3A = arith.constant 0 : i32
    %swap3A_128 = arith.index_cast %swap3A : i32 to index
    %swap3A_129 = arith.constant 0 : index
    %swap3A_130 = tpu.vector_load %arg5[%swap3A_128, %swap3A_129] {strides = array<i32>} : memref<8x128xf32, #tpu.memory_space<vmem>>, vector<1x16xf32>,
    %swap3A_131 = vector.shape_cast %swap3A_130 : vector<1x16xf32> to vector<16xf32>
    %swap3A_132 = vector.shape_cast %mul3A_127 : vector<16xf32> to vector<1x16xf32>
    tpu.vector_store %arg5[%swap3A_128, %swap3A_129], %swap3A_132 {strides = array<i32>} : memref<8x128xf32, #tpu.memory_space<vmem>>, vector<1x16xf32>,
    %eq3A_133 = arith.cmpf oeq, %div3A_69, %select_n3A_98 : vector<16xf32>
    %jit3A_134 = arith.constant 1.000000e+00 : f32
    %jit3A_135 = arith.constant 0.000000e+00 : f32
    %broadcast_in_dim3A_136 = vector.broadcast %jit3A_134 : f32 to vector<16xf32>
    %broadcast_in_dim3A_137 = vector.broadcast %jit3A_135 : f32 to vector<16xf32>
    %select_n3A_138 = arith.select %eq3A_133, %broadcast_in_dim3A_136, %broadcast_in_dim3A_137 : vector<16xi1>, vector<16xf32>
    %eq3A_139 = arith.cmpf oeq, %div3A_69, %select_n3A_97 : vector<16xf32>
    %jit3A_140 = arith.constant 1.000000e+00 : f32
    %jit3A_141 = arith.constant 0.000000e+00 : f32
    %broadcast_in_dim3A_142 = vector.broadcast %jit3A_140 : f32 to vector<16xf32>
    %broadcast_in_dim3A_143 = vector.broadcast %jit3A_141 : f32 to vector<16xf32>
    %select_n3A_144 = arith.select %eq3A_139, %broadcast_in_dim3A_142, %broadcast_in_dim3A_143 : vector<16xi1>, vector<16xf32>
    %sub3A_145 = arith.constant 1.000000e+00 : f32
    %sub3A_146 = vector.broadcast %sub3A_145 : f32 to vector<16xf32>
    %sub3A_147 = arith.subf %sub3A_146, %add3A_122 : vector<16xf32>
    %mul3A_148 = arith.mulf %select_n3A_138, %sub3A_147 : vector<16xf32>
    %sub3A_149 = arith.constant 1.000000e+00 : f32
    %sub3A_150 = vector.broadcast %sub3A_149 : f32 to vector<16xf32>
    %sub3A_151 = arith.subf %sub3A_150, %mul3A_148 : vector<16xf32>
    %mul3A_152 = arith.mulf %select_n3A_144, %sub3A_151 : vector<16xf32>
    %sub3A_153 = arith.constant 1.000000e+00 : f32
    %sub3A_154 = vector.broadcast %sub3A_153 : f32 to vector<16xf32>
    %sub3A_155 = arith.subf %sub3A_154, %add3A_123 : vector<16xf32>
    %mul3A_156 = arith.mulf %mul3A_152, %sub3A_155 : vector<16xf32>
    %add3A_157 = arith.addf %add3A_122, %mul3A_148 : vector<16xf32>
    %add3A_158 = arith.addf %add3A_123, %mul3A_156 : vector<16xf32>
    %add3A_159 = arith.addf %mul3A_148, %mul3A_156 : vector<16xf32>
    %mul3A_160 = arith.mulf %mul3A_148, %mul3A_156 : vector<16xf32>
    %sub3A_161 = arith.subf %add3A_159, %mul3A_160 : vector<16xf32>
    %mul3A_162 = arith.mulf %div3A_69, %sub3A_161 : vector<16xf32>
    %swap3A_163 = arith.constant 1 : i32
    %swap3A_164 = arith.index_cast %swap3A_163 : i32 to index
    %swap3A_165 = arith.constant 0 : index
    %swap3A_166 = tpu.vector_load %arg5[%swap3A_164, %swap3A_165] {strides = array<i32>} : memref<8x128xf32, #tpu.memory_space<vmem>>, vector<1x16xf32>,
    %swap3A_167 = vector.shape_cast %swap3A_166 : vector<1x16xf32> to vector<16xf32>
    %swap3A_168 = vector.shape_cast %mul3A_162 : vector<16xf32> to vector<1x16xf32>
    tpu.vector_store %arg5[%swap3A_164, %swap3A_165], %swap3A_168 {strides = array<i32>} : memref<8x128xf32, #tpu.memory_space<vmem>>, vector<1x16xf32>,
    %eq3A_169 = arith.cmpf oeq, %div3A_70, %select_n3A_98 : vector<16xf32>
    %jit3A_170 = arith.constant 1.000000e+00 : f32
    %jit3A_171 = arith.constant 0.000000e+00 : f32
    %broadcast_in_dim3A_172 = vector.broadcast %jit3A_170 : f32 to vector<16xf32>
    %broadcast_in_dim3A_173 = vector.broadcast %jit3A_171 : f32 to vector<16xf32>
    %select_n3A_174 = arith.select %eq3A_169, %broadcast_in_dim3A_172, %broadcast_in_dim3A_173 : vector<16xi1>, vector<16xf32>
    %eq3A_175 = arith.cmpf oeq, %div3A_70, %select_n3A_97 : vector<16xf32>
    %jit3A_176 = arith.constant 1.000000e+00 : f32
    %jit3A_177 = arith.constant 0.000000e+00 : f32
    %broadcast_in_dim3A_178 = vector.broadcast %jit3A_176 : f32 to vector<16xf32>
    %broadcast_in_dim3A_179 = vector.broadcast %jit3A_177 : f32 to vector<16xf32>
    %select_n3A_180 = arith.select %eq3A_175, %broadcast_in_dim3A_178, %broadcast_in_dim3A_179 : vector<16xi1>, vector<16xf32>
    %sub3A_181 = arith.constant 1.000000e+00 : f32
    %sub3A_182 = vector.broadcast %sub3A_181 : f32 to vector<16xf32>
    %sub3A_183 = arith.subf %sub3A_182, %add3A_157 : vector<16xf32>
    %mul3A_184 = arith.mulf %select_n3A_174, %sub3A_183 : vector<16xf32>
    %sub3A_185 = arith.constant 1.000000e+00 : f32
    %sub3A_186 = vector.broadcast %sub3A_185 : f32 to vector<16xf32>
    %sub3A_187 = arith.subf %sub3A_186, %mul3A_184 : vector<16xf32>
    %mul3A_188 = arith.mulf %select_n3A_180, %sub3A_187 : vector<16xf32>
    %sub3A_189 = arith.constant 1.000000e+00 : f32
    %sub3A_190 = vector.broadcast %sub3A_189 : f32 to vector<16xf32>
    %sub3A_191 = arith.subf %sub3A_190, %add3A_158 : vector<16xf32>
    %mul3A_192 = arith.mulf %mul3A_188, %sub3A_191 : vector<16xf32>
    %add3A_193 = arith.addf %add3A_157, %mul3A_184 : vector<16xf32>
    %add3A_194 = arith.addf %add3A_158, %mul3A_192 : vector<16xf32>
    %add3A_195 = arith.addf %mul3A_184, %mul3A_192 : vector<16xf32>
    %mul3A_196 = arith.mulf %mul3A_184, %mul3A_192 : vector<16xf32>
    %sub3A_197 = arith.subf %add3A_195, %mul3A_196 : vector<16xf32>
    %mul3A_198 = arith.mulf %div3A_70, %sub3A_197 : vector<16xf32>
    %swap3A_199 = arith.constant 2 : i32
    %swap3A_200 = arith.index_cast %swap3A_199 : i32 to index
    %swap3A_201 = arith.constant 0 : index
    %swap3A_202 = tpu.vector_load %arg5[%swap3A_200, %swap3A_201] {strides = array<i32>} : memref<8x128xf32, #tpu.memory_space<vmem>>, vector<1x16xf32>,
    %swap3A_203 = vector.shape_cast %swap3A_202 : vector<1x16xf32> to vector<16xf32>
    %swap3A_204 = vector.shape_cast %mul3A_198 : vector<16xf32> to vector<1x16xf32>
    tpu.vector_store %arg5[%swap3A_200, %swap3A_201], %swap3A_204 {strides = array<i32>} : memref<8x128xf32, #tpu.memory_space<vmem>>, vector<1x16xf32>,
    %eq3A_205 = arith.cmpf oeq, %div3A_71, %select_n3A_98 : vector<16xf32>
    %jit3A_206 = arith.constant 1.000000e+00 : f32
    %jit3A_207 = arith.constant 0.000000e+00 : f32
    %broadcast_in_dim3A_208 = vector.broadcast %jit3A_206 : f32 to vector<16xf32>
    %broadcast_in_dim3A_209 = vector.broadcast %jit3A_207 : f32 to vector<16xf32>
    %select_n3A_210 = arith.select %eq3A_205, %broadcast_in_dim3A_208, %broadcast_in_dim3A_209 : vector<16xi1>, vector<16xf32>
    %eq3A_211 = arith.cmpf oeq, %div3A_71, %select_n3A_97 : vector<16xf32>
    %jit3A_212 = arith.constant 1.000000e+00 : f32
    %jit3A_213 = arith.constant 0.000000e+00 : f32
    %broadcast_in_dim3A_214 = vector.broadcast %jit3A_212 : f32 to vector<16xf32>
    %broadcast_in_dim3A_215 = vector.broadcast %jit3A_213 : f32 to vector<16xf32>
    %select_n3A_216 = arith.select %eq3A_211, %broadcast_in_dim3A_214, %broadcast_in_dim3A_215 : vector<16xi1>, vector<16xf32>
    %sub3A_217 = arith.constant 1.000000e+00 : f32
    %sub3A_218 = vector.broadcast %sub3A_217 : f32 to vector<16xf32>
    %sub3A_219 = arith.subf %sub3A_218, %add3A_193 : vector<16xf32>
    %mul3A_220 = arith.mulf %select_n3A_210, %sub3A_219 : vector<16xf32>
    %sub3A_221 = arith.constant 1.000000e+00 : f32
    %sub3A_222 = vector.broadcast %sub3A_221 : f32 to vector<16xf32>
    %sub3A_223 = arith.subf %sub3A_222, %mul3A_220 : vector<16xf32>
    %mul3A_224 = arith.mulf %select_n3A_216, %sub3A_223 : vector<16xf32>
    %sub3A_225 = arith.constant 1.000000e+00 : f32
    %sub3A_226 = vector.broadcast %sub3A_225 : f32 to vector<16xf32>
    %sub3A_227 = arith.subf %sub3A_226, %add3A_194 : vector<16xf32>
    %mul3A_228 = arith.mulf %mul3A_224, %sub3A_227 : vector<16xf32>
    %add3A_229 = arith.addf %add3A_193, %mul3A_220 : vector<16xf32>
    %add3A_230 = arith.addf %add3A_194, %mul3A_228 : vector<16xf32>
    %add3A_231 = arith.addf %mul3A_220, %mul3A_228 : vector<16xf32>
    %mul3A_232 = arith.mulf %mul3A_220, %mul3A_228 : vector<16xf32>
    %sub3A_233 = arith.subf %add3A_231, %mul3A_232 : vector<16xf32>
    %mul3A_234 = arith.mulf %div3A_71, %sub3A_233 : vector<16xf32>
    %swap3A_235 = arith.constant 3 : i32
    %swap3A_236 = arith.index_cast %swap3A_235 : i32 to index
    %swap3A_237 = arith.constant 0 : index
    %swap3A_238 = tpu.vector_load %arg5[%swap3A_236, %swap3A_237] {strides = array<i32>} : memref<8x128xf32, #tpu.memory_space<vmem>>, vector<1x16xf32>,
    %swap3A_239 = vector.shape_cast %swap3A_238 : vector<1x16xf32> to vector<16xf32>
    %swap3A_240 = vector.shape_cast %mul3A_234 : vector<16xf32> to vector<1x16xf32>
    tpu.vector_store %arg5[%swap3A_236, %swap3A_237], %swap3A_240 {strides = array<i32>} : memref<8x128xf32, #tpu.memory_space<vmem>>, vector<1x16xf32>,
    %eq3A_241 = arith.cmpf oeq, %div3A_72, %select_n3A_98 : vector<16xf32>
    %jit3A_242 = arith.constant 1.000000e+00 : f32
    %jit3A_243 = arith.constant 0.000000e+00 : f32
    %broadcast_in_dim3A_244 = vector.broadcast %jit3A_242 : f32 to vector<16xf32>
    %broadcast_in_dim3A_245 = vector.broadcast %jit3A_243 : f32 to vector<16xf32>
    %select_n3A_246 = arith.select %eq3A_241, %broadcast_in_dim3A_244, %broadcast_in_dim3A_245 : vector<16xi1>, vector<16xf32>
    %eq3A_247 = arith.cmpf oeq, %div3A_72, %select_n3A_97 : vector<16xf32>
    %jit3A_248 = arith.constant 1.000000e+00 : f32
    %jit3A_249 = arith.constant 0.000000e+00 : f32
    %broadcast_in_dim3A_250 = vector.broadcast %jit3A_248 : f32 to vector<16xf32>
    %broadcast_in_dim3A_251 = vector.broadcast %jit3A_249 : f32 to vector<16xf32>
    %select_n3A_252 = arith.select %eq3A_247, %broadcast_in_dim3A_250, %broadcast_in_dim3A_251 : vector<16xi1>, vector<16xf32>
    %sub3A_253 = arith.constant 1.000000e+00 : f32
    %sub3A_254 = vector.broadcast %sub3A_253 : f32 to vector<16xf32>
    %sub3A_255 = arith.subf %sub3A_254, %add3A_229 : vector<16xf32>
    %mul3A_256 = arith.mulf %select_n3A_246, %sub3A_255 : vector<16xf32>
    %sub3A_257 = arith.constant 1.000000e+00 : f32
    %sub3A_258 = vector.broadcast %sub3A_257 : f32 to vector<16xf32>
    %sub3A_259 = arith.subf %sub3A_258, %mul3A_256 : vector<16xf32>
    %mul3A_260 = arith.mulf %select_n3A_252, %sub3A_259 : vector<16xf32>
    %sub3A_261 = arith.constant 1.000000e+00 : f32
    %sub3A_262 = vector.broadcast %sub3A_261 : f32 to vector<16xf32>
    %sub3A_263 = arith.subf %sub3A_262, %add3A_230 : vector<16xf32>
    %mul3A_264 = arith.mulf %mul3A_260, %sub3A_263 : vector<16xf32>
    %add3A_265 = arith.addf %add3A_229, %mul3A_256 : vector<16xf32>
    %add3A_266 = arith.addf %add3A_230, %mul3A_264 : vector<16xf32>
    %add3A_267 = arith.addf %mul3A_256, %mul3A_264 : vector<16xf32>
    %mul3A_268 = arith.mulf %mul3A_256, %mul3A_264 : vector<16xf32>
    %sub3A_269 = arith.subf %add3A_267, %mul3A_268 : vector<16xf32>
    %mul3A_270 = arith.mulf %div3A_72, %sub3A_269 : vector<16xf32>
    %swap3A_271 = arith.constant 4 : i32
    %swap3A_272 = arith.index_cast %swap3A_271 : i32 to index
    %swap3A_273 = arith.constant 0 : index
    %swap3A_274 = tpu.vector_load %arg5[%swap3A_272, %swap3A_273] {strides = array<i32>} : memref<8x128xf32, #tpu.memory_space<vmem>>, vector<1x16xf32>,
    %swap3A_275 = vector.shape_cast %swap3A_274 : vector<1x16xf32> to vector<16xf32>
    %swap3A_276 = vector.shape_cast %mul3A_270 : vector<16xf32> to vector<1x16xf32>
    tpu.vector_store %arg5[%swap3A_272, %swap3A_273], %swap3A_276 {strides = array<i32>} : memref<8x128xf32, #tpu.memory_space<vmem>>, vector<1x16xf32>,
    %eq3A_277 = arith.cmpf oeq, %div3A_73, %select_n3A_98 : vector<16xf32>
    %jit3A_278 = arith.constant 1.000000e+00 : f32
    %jit3A_279 = arith.constant 0.000000e+00 : f32
    %broadcast_in_dim3A_280 = vector.broadcast %jit3A_278 : f32 to vector<16xf32>
    %broadcast_in_dim3A_281 = vector.broadcast %jit3A_279 : f32 to vector<16xf32>
    %select_n3A_282 = arith.select %eq3A_277, %broadcast_in_dim3A_280, %broadcast_in_dim3A_281 : vector<16xi1>, vector<16xf32>
    %eq3A_283 = arith.cmpf oeq, %div3A_73, %select_n3A_97 : vector<16xf32>
    %jit3A_284 = arith.constant 1.000000e+00 : f32
    %jit3A_285 = arith.constant 0.000000e+00 : f32
    %broadcast_in_dim3A_286 = vector.broadcast %jit3A_284 : f32 to vector<16xf32>
    %broadcast_in_dim3A_287 = vector.broadcast %jit3A_285 : f32 to vector<16xf32>
    %select_n3A_288 = arith.select %eq3A_283, %broadcast_in_dim3A_286, %broadcast_in_dim3A_287 : vector<16xi1>, vector<16xf32>
    %sub3A_289 = arith.constant 1.000000e+00 : f32
    %sub3A_290 = vector.broadcast %sub3A_289 : f32 to vector<16xf32>
    %sub3A_291 = arith.subf %sub3A_290, %add3A_265 : vector<16xf32>
    %mul3A_292 = arith.mulf %select_n3A_282, %sub3A_291 : vector<16xf32>
    %sub3A_293 = arith.constant 1.000000e+00 : f32
    %sub3A_294 = vector.broadcast %sub3A_293 : f32 to vector<16xf32>
    %sub3A_295 = arith.subf %sub3A_294, %mul3A_292 : vector<16xf32>
    %mul3A_296 = arith.mulf %select_n3A_288, %sub3A_295 : vector<16xf32>
    %sub3A_297 = arith.constant 1.000000e+00 : f32
    %sub3A_298 = vector.broadcast %sub3A_297 : f32 to vector<16xf32>
    %sub3A_299 = arith.subf %sub3A_298, %add3A_266 : vector<16xf32>
    %mul3A_300 = arith.mulf %mul3A_296, %sub3A_299 : vector<16xf32>
    %add3A_301 = arith.addf %add3A_265, %mul3A_292 : vector<16xf32>
    %add3A_302 = arith.addf %add3A_266, %mul3A_300 : vector<16xf32>
    %add3A_303 = arith.addf %mul3A_292, %mul3A_300 : vector<16xf32>
    %mul3A_304 = arith.mulf %mul3A_292, %mul3A_300 : vector<16xf32>
    %sub3A_305 = arith.subf %add3A_303, %mul3A_304 : vector<16xf32>
    %mul3A_306 = arith.mulf %div3A_73, %sub3A_305 : vector<16xf32>
    %swap3A_307 = arith.constant 5 : i32
    %swap3A_308 = arith.index_cast %swap3A_307 : i32 to index
    %swap3A_309 = arith.constant 0 : index
    %swap3A_310 = tpu.vector_load %arg5[%swap3A_308, %swap3A_309] {strides = array<i32>} : memref<8x128xf32, #tpu.memory_space<vmem>>, vector<1x16xf32>,
    %swap3A_311 = vector.shape_cast %swap3A_310 : vector<1x16xf32> to vector<16xf32>
    %swap3A_312 = vector.shape_cast %mul3A_306 : vector<16xf32> to vector<1x16xf32>
    tpu.vector_store %arg5[%swap3A_308, %swap3A_309], %swap3A_312 {strides = array<i32>} : memref<8x128xf32, #tpu.memory_space<vmem>>, vector<1x16xf32>,
    %eq3A_313 = arith.cmpf oeq, %div3A_74, %select_n3A_98 : vector<16xf32>
    %jit3A_314 = arith.constant 1.000000e+00 : f32
    %jit3A_315 = arith.constant 0.000000e+00 : f32
    %broadcast_in_dim3A_316 = vector.broadcast %jit3A_314 : f32 to vector<16xf32>
    %broadcast_in_dim3A_317 = vector.broadcast %jit3A_315 : f32 to vector<16xf32>
    %select_n3A_318 = arith.select %eq3A_313, %broadcast_in_dim3A_316, %broadcast_in_dim3A_317 : vector<16xi1>, vector<16xf32>
    %eq3A_319 = arith.cmpf oeq, %div3A_74, %select_n3A_97 : vector<16xf32>
    %jit3A_320 = arith.constant 1.000000e+00 : f32
    %jit3A_321 = arith.constant 0.000000e+00 : f32
    %broadcast_in_dim3A_322 = vector.broadcast %jit3A_320 : f32 to vector<16xf32>
    %broadcast_in_dim3A_323 = vector.broadcast %jit3A_321 : f32 to vector<16xf32>
    %select_n3A_324 = arith.select %eq3A_319, %broadcast_in_dim3A_322, %broadcast_in_dim3A_323 : vector<16xi1>, vector<16xf32>
    %sub3A_325 = arith.constant 1.000000e+00 : f32
    %sub3A_326 = vector.broadcast %sub3A_325 : f32 to vector<16xf32>
    %sub3A_327 = arith.subf %sub3A_326, %add3A_301 : vector<16xf32>
    %mul3A_328 = arith.mulf %select_n3A_318, %sub3A_327 : vector<16xf32>
    %sub3A_329 = arith.constant 1.000000e+00 : f32
    %sub3A_330 = vector.broadcast %sub3A_329 : f32 to vector<16xf32>
    %sub3A_331 = arith.subf %sub3A_330, %mul3A_328 : vector<16xf32>
    %mul3A_332 = arith.mulf %select_n3A_324, %sub3A_331 : vector<16xf32>
    %sub3A_333 = arith.constant 1.000000e+00 : f32
    %sub3A_334 = vector.broadcast %sub3A_333 : f32 to vector<16xf32>
    %sub3A_335 = arith.subf %sub3A_334, %add3A_302 : vector<16xf32>
    %mul3A_336 = arith.mulf %mul3A_332, %sub3A_335 : vector<16xf32>
    %add3A_337 = arith.addf %add3A_301, %mul3A_328 : vector<16xf32>
    %add3A_338 = arith.addf %add3A_302, %mul3A_336 : vector<16xf32>
    %add3A_339 = arith.addf %mul3A_328, %mul3A_336 : vector<16xf32>
    %mul3A_340 = arith.mulf %mul3A_328, %mul3A_336 : vector<16xf32>
    %sub3A_341 = arith.subf %add3A_339, %mul3A_340 : vector<16xf32>
    %mul3A_342 = arith.mulf %div3A_74, %sub3A_341 : vector<16xf32>
    %swap3A_343 = arith.constant 6 : i32
    %swap3A_344 = arith.index_cast %swap3A_343 : i32 to index
    %swap3A_345 = arith.constant 0 : index
    %swap3A_346 = tpu.vector_load %arg5[%swap3A_344, %swap3A_345] {strides = array<i32>} : memref<8x128xf32, #tpu.memory_space<vmem>>, vector<1x16xf32>,
    %swap3A_347 = vector.shape_cast %swap3A_346 : vector<1x16xf32> to vector<16xf32>
    %swap3A_348 = vector.shape_cast %mul3A_342 : vector<16xf32> to vector<1x16xf32>
    tpu.vector_store %arg5[%swap3A_344, %swap3A_345], %swap3A_348 {strides = array<i32>} : memref<8x128xf32, #tpu.memory_space<vmem>>, vector<1x16xf32>,
    %eq3A_349 = arith.cmpf oeq, %div3A_75, %select_n3A_98 : vector<16xf32>
    %jit3A_350 = arith.constant 1.000000e+00 : f32
    %jit3A_351 = arith.constant 0.000000e+00 : f32
    %broadcast_in_dim3A_352 = vector.broadcast %jit3A_350 : f32 to vector<16xf32>
    %broadcast_in_dim3A_353 = vector.broadcast %jit3A_351 : f32 to vector<16xf32>
    %select_n3A_354 = arith.select %eq3A_349, %broadcast_in_dim3A_352, %broadcast_in_dim3A_353 : vector<16xi1>, vector<16xf32>
    %eq3A_355 = arith.cmpf oeq, %div3A_75, %select_n3A_97 : vector<16xf32>
    %jit3A_356 = arith.constant 1.000000e+00 : f32
    %jit3A_357 = arith.constant 0.000000e+00 : f32
    %broadcast_in_dim3A_358 = vector.broadcast %jit3A_356 : f32 to vector<16xf32>
    %broadcast_in_dim3A_359 = vector.broadcast %jit3A_357 : f32 to vector<16xf32>
    %select_n3A_360 = arith.select %eq3A_355, %broadcast_in_dim3A_358, %broadcast_in_dim3A_359 : vector<16xi1>, vector<16xf32>
    %sub3A_361 = arith.constant 1.000000e+00 : f32
    %sub3A_362 = vector.broadcast %sub3A_361 : f32 to vector<16xf32>
    %sub3A_363 = arith.subf %sub3A_362, %add3A_337 : vector<16xf32>
    %mul3A_364 = arith.mulf %select_n3A_354, %sub3A_363 : vector<16xf32>
    %sub3A_365 = arith.constant 1.000000e+00 : f32
    %sub3A_366 = vector.broadcast %sub3A_365 : f32 to vector<16xf32>
    %sub3A_367 = arith.subf %sub3A_366, %mul3A_364 : vector<16xf32>
    %mul3A_368 = arith.mulf %select_n3A_360, %sub3A_367 : vector<16xf32>
    %sub3A_369 = arith.constant 1.000000e+00 : f32
    %sub3A_370 = vector.broadcast %sub3A_369 : f32 to vector<16xf32>
    %sub3A_371 = arith.subf %sub3A_370, %add3A_338 : vector<16xf32>
    %mul3A_372 = arith.mulf %mul3A_368, %sub3A_371 : vector<16xf32>
    %add3A_373 = arith.addf %add3A_337, %mul3A_364 : vector<16xf32>
    %add3A_374 = arith.addf %add3A_338, %mul3A_372 : vector<16xf32>
    %add3A_375 = arith.addf %mul3A_364, %mul3A_372 : vector<16xf32>
    %mul3A_376 = arith.mulf %mul3A_364, %mul3A_372 : vector<16xf32>
    %sub3A_377 = arith.subf %add3A_375, %mul3A_376 : vector<16xf32>
    %mul3A_378 = arith.mulf %div3A_75, %sub3A_377 : vector<16xf32>
    %swap3A_379 = arith.constant 7 : i32
    %swap3A_380 = arith.index_cast %swap3A_379 : i32 to index
    %swap3A_381 = arith.constant 0 : index
    %swap3A_382 = tpu.vector_load %arg5[%swap3A_380, %swap3A_381] {strides = array<i32>} : memref<8x128xf32, #tpu.memory_space<vmem>>, vector<1x16xf32>,
    %swap3A_383 = vector.shape_cast %swap3A_382 : vector<1x16xf32> to vector<16xf32>
    %swap3A_384 = vector.shape_cast %mul3A_378 : vector<16xf32> to vector<1x16xf32>
    tpu.vector_store %arg5[%swap3A_380, %swap3A_381], %swap3A_384 {strides = array<i32>} : memref<8x128xf32, #tpu.memory_space<vmem>>, vector<1x16xf32>,
    %get3A_385 = arith.constant 0 : i32
    %get3A_386 = arith.index_cast %get3A_385 : i32 to index
    %get3A_387 = arith.constant 16 : index
    %get3A_388 = tpu.vector_load %arg4[%get3A_386, %get3A_387] {strides = array<i32>} : memref<8x128xf32, #tpu.memory_space<vmem>>, vector<1x16xf32>,
    %get3A_389 = vector.shape_cast %get3A_388 : vector<1x16xf32> to vector<16xf32>
    %get3A_390 = arith.constant 1 : i32
    %get3A_391 = arith.index_cast %get3A_390 : i32 to index
    %get3A_392 = arith.constant 16 : index
    %get3A_393 = tpu.vector_load %arg4[%get3A_391, %get3A_392] {strides = array<i32>} : memref<8x128xf32, #tpu.memory_space<vmem>>, vector<1x16xf32>,
    %get3A_394 = vector.shape_cast %get3A_393 : vector<1x16xf32> to vector<16xf32>
    %get3A_395 = arith.constant 2 : i32
    %get3A_396 = arith.index_cast %get3A_395 : i32 to index
    %get3A_397 = arith.constant 16 : index
    %get3A_398 = tpu.vector_load %arg4[%get3A_396, %get3A_397] {strides = array<i32>} : memref<8x128xf32, #tpu.memory_space<vmem>>, vector<1x16xf32>,
    %get3A_399 = vector.shape_cast %get3A_398 : vector<1x16xf32> to vector<16xf32>
    %get3A_400 = arith.constant 3 : i32
    %get3A_401 = arith.index_cast %get3A_400 : i32 to index
    %get3A_402 = arith.constant 16 : index
    %get3A_403 = tpu.vector_load %arg4[%get3A_401, %get3A_402] {strides = array<i32>} : memref<8x128xf32, #tpu.memory_space<vmem>>, vector<1x16xf32>,
    %get3A_404 = vector.shape_cast %get3A_403 : vector<1x16xf32> to vector<16xf32>
    %get3A_405 = arith.constant 4 : i32
    %get3A_406 = arith.index_cast %get3A_405 : i32 to index
    %get3A_407 = arith.constant 16 : index
    %get3A_408 = tpu.vector_load %arg4[%get3A_406, %get3A_407] {strides = array<i32>} : memref<8x128xf32, #tpu.memory_space<vmem>>, vector<1x16xf32>,
    %get3A_409 = vector.shape_cast %get3A_408 : vector<1x16xf32> to vector<16xf32>
    %get3A_410 = arith.constant 5 : i32
    %get3A_411 = arith.index_cast %get3A_410 : i32 to index
    %get3A_412 = arith.constant 16 : index
    %get3A_413 = tpu.vector_load %arg4[%get3A_411, %get3A_412] {strides = array<i32>} : memref<8x128xf32, #tpu.memory_space<vmem>>, vector<1x16xf32>,
    %get3A_414 = vector.shape_cast %get3A_413 : vector<1x16xf32> to vector<16xf32>
    %get3A_415 = arith.constant 6 : i32
    %get3A_416 = arith.index_cast %get3A_415 : i32 to index
    %get3A_417 = arith.constant 16 : index
    %get3A_418 = tpu.vector_load %arg4[%get3A_416, %get3A_417] {strides = array<i32>} : memref<8x128xf32, #tpu.memory_space<vmem>>, vector<1x16xf32>,
    %get3A_419 = vector.shape_cast %get3A_418 : vector<1x16xf32> to vector<16xf32>
    %get3A_420 = arith.constant 7 : i32
    %get3A_421 = arith.index_cast %get3A_420 : i32 to index
    %get3A_422 = arith.constant 16 : index
    %get3A_423 = tpu.vector_load %arg4[%get3A_421, %get3A_422] {strides = array<i32>} : memref<8x128xf32, #tpu.memory_space<vmem>>, vector<1x16xf32>,
    %get3A_424 = vector.shape_cast %get3A_423 : vector<1x16xf32> to vector<16xf32>
    %max3A_425 = arith.maximumf %get3A_389, %get3A_394 : vector<16xf32>
    %max3A_426 = arith.maximumf %max3A_425, %get3A_399 : vector<16xf32>
    %max3A_427 = arith.maximumf %max3A_426, %get3A_404 : vector<16xf32>
    %max3A_428 = arith.maximumf %max3A_427, %get3A_409 : vector<16xf32>
    %max3A_429 = arith.maximumf %max3A_428, %get3A_414 : vector<16xf32>
    %max3A_430 = arith.maximumf %max3A_429, %get3A_419 : vector<16xf32>
    %max3A_431 = arith.maximumf %max3A_430, %get3A_424 : vector<16xf32>
    %sub3A_432 = arith.subf %get3A_389, %max3A_431 : vector<16xf32>
    %exp3A_433 = math.exp %sub3A_432 : vector<16xf32>
    %sub3A_434 = arith.subf %get3A_394, %max3A_431 : vector<16xf32>
    %exp3A_435 = math.exp %sub3A_434 : vector<16xf32>
    %sub3A_436 = arith.subf %get3A_399, %max3A_431 : vector<16xf32>
    %exp3A_437 = math.exp %sub3A_436 : vector<16xf32>
    %sub3A_438 = arith.subf %get3A_404, %max3A_431 : vector<16xf32>
    %exp3A_439 = math.exp %sub3A_438 : vector<16xf32>
    %sub3A_440 = arith.subf %get3A_409, %max3A_431 : vector<16xf32>
    %exp3A_441 = math.exp %sub3A_440 : vector<16xf32>
    %sub3A_442 = arith.subf %get3A_414, %max3A_431 : vector<16xf32>
    %exp3A_443 = math.exp %sub3A_442 : vector<16xf32>
    %sub3A_444 = arith.subf %get3A_419, %max3A_431 : vector<16xf32>
    %exp3A_445 = math.exp %sub3A_444 : vector<16xf32>
    %sub3A_446 = arith.subf %get3A_424, %max3A_431 : vector<16xf32>
    %exp3A_447 = math.exp %sub3A_446 : vector<16xf32>
    %add3A_448 = arith.addf %exp3A_433, %exp3A_435 : vector<16xf32>
    %add3A_449 = arith.addf %add3A_448, %exp3A_437 : vector<16xf32>
    %add3A_450 = arith.addf %add3A_449, %exp3A_439 : vector<16xf32>
    %add3A_451 = arith.addf %add3A_450, %exp3A_441 : vector<16xf32>
    %add3A_452 = arith.addf %add3A_451, %exp3A_443 : vector<16xf32>
    %add3A_453 = arith.addf %add3A_452, %exp3A_445 : vector<16xf32>
    %add3A_454 = arith.addf %add3A_453, %exp3A_447 : vector<16xf32>
    %div3A_455 = arith.divf %exp3A_433, %add3A_454 : vector<16xf32>
    %div3A_456 = arith.divf %exp3A_435, %add3A_454 : vector<16xf32>
    %div3A_457 = arith.divf %exp3A_437, %add3A_454 : vector<16xf32>
    %div3A_458 = arith.divf %exp3A_439, %add3A_454 : vector<16xf32>
    %div3A_459 = arith.divf %exp3A_441, %add3A_454 : vector<16xf32>
    %div3A_460 = arith.divf %exp3A_443, %add3A_454 : vector<16xf32>
    %div3A_461 = arith.divf %exp3A_445, %add3A_454 : vector<16xf32>
    %div3A_462 = arith.divf %exp3A_447, %add3A_454 : vector<16xf32>
    %max3A_463 = arith.maximumf %div3A_455, %div3A_456 : vector<16xf32>
    %min3A_464 = arith.minimumf %div3A_455, %div3A_456 : vector<16xf32>
    %gt3A_465 = arith.cmpf ogt, %div3A_457, %max3A_463 : vector<16xf32>
    %max3A_466 = arith.maximumf %min3A_464, %div3A_457 : vector<16xf32>
    %select_n3A_467 = arith.select %gt3A_465, %max3A_463, %max3A_466 : vector<16xi1>, vector<16xf32>
    %select_n3A_468 = arith.select %gt3A_465, %div3A_457, %max3A_463 : vector<16xi1>, vector<16xf32>
    %gt3A_469 = arith.cmpf ogt, %div3A_458, %select_n3A_468 : vector<16xf32>
    %max3A_470 = arith.maximumf %select_n3A_467, %div3A_458 : vector<16xf32>
    %select_n3A_471 = arith.select %gt3A_469, %select_n3A_468, %max3A_470 : vector<16xi1>, vector<16xf32>
    %select_n3A_472 = arith.select %gt3A_469, %div3A_458, %select_n3A_468 : vector<16xi1>, vector<16xf32>
    %gt3A_473 = arith.cmpf ogt, %div3A_459, %select_n3A_472 : vector<16xf32>
    %max3A_474 = arith.maximumf %select_n3A_471, %div3A_459 : vector<16xf32>
    %select_n3A_475 = arith.select %gt3A_473, %select_n3A_472, %max3A_474 : vector<16xi1>, vector<16xf32>
    %select_n3A_476 = arith.select %gt3A_473, %div3A_459, %select_n3A_472 : vector<16xi1>, vector<16xf32>
    %gt3A_477 = arith.cmpf ogt, %div3A_460, %select_n3A_476 : vector<16xf32>
    %max3A_478 = arith.maximumf %select_n3A_475, %div3A_460 : vector<16xf32>
    %select_n3A_479 = arith.select %gt3A_477, %select_n3A_476, %max3A_478 : vector<16xi1>, vector<16xf32>
    %select_n3A_480 = arith.select %gt3A_477, %div3A_460, %select_n3A_476 : vector<16xi1>, vector<16xf32>
    %gt3A_481 = arith.cmpf ogt, %div3A_461, %select_n3A_480 : vector<16xf32>
    %max3A_482 = arith.maximumf %select_n3A_479, %div3A_461 : vector<16xf32>
    %select_n3A_483 = arith.select %gt3A_481, %select_n3A_480, %max3A_482 : vector<16xi1>, vector<16xf32>
    %select_n3A_484 = arith.select %gt3A_481, %div3A_461, %select_n3A_480 : vector<16xi1>, vector<16xf32>
    %gt3A_485 = arith.cmpf ogt, %div3A_462, %select_n3A_484 : vector<16xf32>
    %max3A_486 = arith.maximumf %select_n3A_483, %div3A_462 : vector<16xf32>
    %select_n3A_487 = arith.select %gt3A_485, %select_n3A_484, %max3A_486 : vector<16xi1>, vector<16xf32>
    %select_n3A_488 = arith.select %gt3A_485, %div3A_462, %select_n3A_484 : vector<16xi1>, vector<16xf32>
    %sub3A_489 = arith.subf %select_n3A_488, %select_n3A_488 : vector<16xf32>
    %sub3A_490 = arith.subf %select_n3A_488, %select_n3A_488 : vector<16xf32>
    %eq3A_491 = arith.cmpf oeq, %div3A_455, %select_n3A_488 : vector<16xf32>
    %jit3A_492 = arith.constant 1.000000e+00 : f32
    %jit3A_493 = arith.constant 0.000000e+00 : f32
    %broadcast_in_dim3A_494 = vector.broadcast %jit3A_492 : f32 to vector<16xf32>
    %broadcast_in_dim3A_495 = vector.broadcast %jit3A_493 : f32 to vector<16xf32>
    %select_n3A_496 = arith.select %eq3A_491, %broadcast_in_dim3A_494, %broadcast_in_dim3A_495 : vector<16xi1>, vector<16xf32>
    %eq3A_497 = arith.cmpf oeq, %div3A_455, %select_n3A_487 : vector<16xf32>
    %jit3A_498 = arith.constant 1.000000e+00 : f32
    %jit3A_499 = arith.constant 0.000000e+00 : f32
    %broadcast_in_dim3A_500 = vector.broadcast %jit3A_498 : f32 to vector<16xf32>
    %broadcast_in_dim3A_501 = vector.broadcast %jit3A_499 : f32 to vector<16xf32>
    %select_n3A_502 = arith.select %eq3A_497, %broadcast_in_dim3A_500, %broadcast_in_dim3A_501 : vector<16xi1>, vector<16xf32>
    %sub3A_503 = arith.constant 1.000000e+00 : f32
    %sub3A_504 = vector.broadcast %sub3A_503 : f32 to vector<16xf32>
    %sub3A_505 = arith.subf %sub3A_504, %sub3A_489 : vector<16xf32>
    %mul3A_506 = arith.mulf %select_n3A_496, %sub3A_505 : vector<16xf32>
    %sub3A_507 = arith.constant 1.000000e+00 : f32
    %sub3A_508 = vector.broadcast %sub3A_507 : f32 to vector<16xf32>
    %sub3A_509 = arith.subf %sub3A_508, %mul3A_506 : vector<16xf32>
    %mul3A_510 = arith.mulf %select_n3A_502, %sub3A_509 : vector<16xf32>
    %sub3A_511 = arith.constant 1.000000e+00 : f32
    %sub3A_512 = vector.broadcast %sub3A_511 : f32 to vector<16xf32>
    %sub3A_513 = arith.subf %sub3A_512, %sub3A_490 : vector<16xf32>
    %mul3A_514 = arith.mulf %mul3A_510, %sub3A_513 : vector<16xf32>
    %add3A_515 = arith.addf %sub3A_489, %mul3A_506 : vector<16xf32>
    %add3A_516 = arith.addf %sub3A_490, %mul3A_514 : vector<16xf32>
    %add3A_517 = arith.addf %mul3A_506, %mul3A_514 : vector<16xf32>
    %mul3A_518 = arith.mulf %mul3A_506, %mul3A_514 : vector<16xf32>
    %sub3A_519 = arith.subf %add3A_517, %mul3A_518 : vector<16xf32>
    %mul3A_520 = arith.mulf %div3A_455, %sub3A_519 : vector<16xf32>
    %swap3A_521 = arith.constant 0 : i32
    %swap3A_522 = arith.index_cast %swap3A_521 : i32 to index
    %swap3A_523 = arith.constant 16 : index
    %swap3A_524 = tpu.vector_load %arg5[%swap3A_522, %swap3A_523] {strides = array<i32>} : memref<8x128xf32, #tpu.memory_space<vmem>>, vector<1x16xf32>,
    %swap3A_525 = vector.shape_cast %swap3A_524 : vector<1x16xf32> to vector<16xf32>
    %swap3A_526 = vector.shape_cast %mul3A_520 : vector<16xf32> to vector<1x16xf32>
    tpu.vector_store %arg5[%swap3A_522, %swap3A_523], %swap3A_526 {strides = array<i32>} : memref<8x128xf32, #tpu.memory_space<vmem>>, vector<1x16xf32>,
    %eq3A_527 = arith.cmpf oeq, %div3A_456, %select_n3A_488 : vector<16xf32>
    %jit3A_528 = arith.constant 1.000000e+00 : f32
    %jit3A_529 = arith.constant 0.000000e+00 : f32
    %broadcast_in_dim3A_530 = vector.broadcast %jit3A_528 : f32 to vector<16xf32>
    %broadcast_in_dim3A_531 = vector.broadcast %jit3A_529 : f32 to vector<16xf32>
    %select_n3A_532 = arith.select %eq3A_527, %broadcast_in_dim3A_530, %broadcast_in_dim3A_531 : vector<16xi1>, vector<16xf32>
    %eq3A_533 = arith.cmpf oeq, %div3A_456, %select_n3A_487 : vector<16xf32>
    %jit3A_534 = arith.constant 1.000000e+00 : f32
    %jit3A_535 = arith.constant 0.000000e+00 : f32
    %broadcast_in_dim3A_536 = vector.broadcast %jit3A_534 : f32 to vector<16xf32>
    %broadcast_in_dim3A_537 = vector.broadcast %jit3A_535 : f32 to vector<16xf32>
    %select_n3A_538 = arith.select %eq3A_533, %broadcast_in_dim3A_536, %broadcast_in_dim3A_537 : vector<16xi1>, vector<16xf32>
    %sub3A_539 = arith.constant 1.000000e+00 : f32
    %sub3A_540 = vector.broadcast %sub3A_539 : f32 to vector<16xf32>
    %sub3A_541 = arith.subf %sub3A_540, %add3A_515 : vector<16xf32>
    %mul3A_542 = arith.mulf %select_n3A_532, %sub3A_541 : vector<16xf32>
    %sub3A_543 = arith.constant 1.000000e+00 : f32
    %sub3A_544 = vector.broadcast %sub3A_543 : f32 to vector<16xf32>
    %sub3A_545 = arith.subf %sub3A_544, %mul3A_542 : vector<16xf32>
    %mul3A_546 = arith.mulf %select_n3A_538, %sub3A_545 : vector<16xf32>
    %sub3A_547 = arith.constant 1.000000e+00 : f32
    %sub3A_548 = vector.broadcast %sub3A_547 : f32 to vector<16xf32>
    %sub3A_549 = arith.subf %sub3A_548, %add3A_516 : vector<16xf32>
    %mul3A_550 = arith.mulf %mul3A_546, %sub3A_549 : vector<16xf32>
    %add3A_551 = arith.addf %add3A_515, %mul3A_542 : vector<16xf32>
    %add3A_552 = arith.addf %add3A_516, %mul3A_550 : vector<16xf32>
    %add3A_553 = arith.addf %mul3A_542, %mul3A_550 : vector<16xf32>
    %mul3A_554 = arith.mulf %mul3A_542, %mul3A_550 : vector<16xf32>
    %sub3A_555 = arith.subf %add3A_553, %mul3A_554 : vector<16xf32>
    %mul3A_556 = arith.mulf %div3A_456, %sub3A_555 : vector<16xf32>
    %swap3A_557 = arith.constant 1 : i32
    %swap3A_558 = arith.index_cast %swap3A_557 : i32 to index
    %swap3A_559 = arith.constant 16 : index
    %swap3A_560 = tpu.vector_load %arg5[%swap3A_558, %swap3A_559] {strides = array<i32>} : memref<8x128xf32, #tpu.memory_space<vmem>>, vector<1x16xf32>,
    %swap3A_561 = vector.shape_cast %swap3A_560 : vector<1x16xf32> to vector<16xf32>
    %swap3A_562 = vector.shape_cast %mul3A_556 : vector<16xf32> to vector<1x16xf32>
    tpu.vector_store %arg5[%swap3A_558, %swap3A_559], %swap3A_562 {strides = array<i32>} : memref<8x128xf32, #tpu.memory_space<vmem>>, vector<1x16xf32>,
    %eq3A_563 = arith.cmpf oeq, %div3A_457, %select_n3A_488 : vector<16xf32>
    %jit3A_564 = arith.constant 1.000000e+00 : f32
    %jit3A_565 = arith.constant 0.000000e+00 : f32
    %broadcast_in_dim3A_566 = vector.broadcast %jit3A_564 : f32 to vector<16xf32>
    %broadcast_in_dim3A_567 = vector.broadcast %jit3A_565 : f32 to vector<16xf32>
    %select_n3A_568 = arith.select %eq3A_563, %broadcast_in_dim3A_566, %broadcast_in_dim3A_567 : vector<16xi1>, vector<16xf32>
    %eq3A_569 = arith.cmpf oeq, %div3A_457, %select_n3A_487 : vector<16xf32>
    %jit3A_570 = arith.constant 1.000000e+00 : f32
    %jit3A_571 = arith.constant 0.000000e+00 : f32
    %broadcast_in_dim3A_572 = vector.broadcast %jit3A_570 : f32 to vector<16xf32>
    %broadcast_in_dim3A_573 = vector.broadcast %jit3A_571 : f32 to vector<16xf32>
    %select_n3A_574 = arith.select %eq3A_569, %broadcast_in_dim3A_572, %broadcast_in_dim3A_573 : vector<16xi1>, vector<16xf32>
    %sub3A_575 = arith.constant 1.000000e+00 : f32
    %sub3A_576 = vector.broadcast %sub3A_575 : f32 to vector<16xf32>
    %sub3A_577 = arith.subf %sub3A_576, %add3A_551 : vector<16xf32>
    %mul3A_578 = arith.mulf %select_n3A_568, %sub3A_577 : vector<16xf32>
    %sub3A_579 = arith.constant 1.000000e+00 : f32
    %sub3A_580 = vector.broadcast %sub3A_579 : f32 to vector<16xf32>
    %sub3A_581 = arith.subf %sub3A_580, %mul3A_578 : vector<16xf32>
    %mul3A_582 = arith.mulf %select_n3A_574, %sub3A_581 : vector<16xf32>
    %sub3A_583 = arith.constant 1.000000e+00 : f32
    %sub3A_584 = vector.broadcast %sub3A_583 : f32 to vector<16xf32>
    %sub3A_585 = arith.subf %sub3A_584, %add3A_552 : vector<16xf32>
    %mul3A_586 = arith.mulf %mul3A_582, %sub3A_585 : vector<16xf32>
    %add3A_587 = arith.addf %add3A_551, %mul3A_578 : vector<16xf32>
    %add3A_588 = arith.addf %add3A_552, %mul3A_586 : vector<16xf32>
    %add3A_589 = arith.addf %mul3A_578, %mul3A_586 : vector<16xf32>
    %mul3A_590 = arith.mulf %mul3A_578, %mul3A_586 : vector<16xf32>
    %sub3A_591 = arith.subf %add3A_589, %mul3A_590 : vector<16xf32>
    %mul3A_592 = arith.mulf %div3A_457, %sub3A_591 : vector<16xf32>
    %swap3A_593 = arith.constant 2 : i32
    %swap3A_594 = arith.index_cast %swap3A_593 : i32 to index
    %swap3A_595 = arith.constant 16 : index
    %swap3A_596 = tpu.vector_load %arg5[%swap3A_594, %swap3A_595] {strides = array<i32>} : memref<8x128xf32, #tpu.memory_space<vmem>>, vector<1x16xf32>,
    %swap3A_597 = vector.shape_cast %swap3A_596 : vector<1x16xf32> to vector<16xf32>
    %swap3A_598 = vector.shape_cast %mul3A_592 : vector<16xf32> to vector<1x16xf32>
    tpu.vector_store %arg5[%swap3A_594, %swap3A_595], %swap3A_598 {strides = array<i32>} : memref<8x128xf32, #tpu.memory_space<vmem>>, vector<1x16xf32>,
    %eq3A_599 = arith.cmpf oeq, %div3A_458, %select_n3A_488 : vector<16xf32>
    %jit3A_600 = arith.constant 1.000000e+00 : f32
    %jit3A_601 = arith.constant 0.000000e+00 : f32
    %broadcast_in_dim3A_602 = vector.broadcast %jit3A_600 : f32 to vector<16xf32>
    %broadcast_in_dim3A_603 = vector.broadcast %jit3A_601 : f32 to vector<16xf32>
    %select_n3A_604 = arith.select %eq3A_599, %broadcast_in_dim3A_602, %broadcast_in_dim3A_603 : vector<16xi1>, vector<16xf32>
    %eq3A_605 = arith.cmpf oeq, %div3A_458, %select_n3A_487 : vector<16xf32>
    %jit3A_606 = arith.constant 1.000000e+00 : f32
    %jit3A_607 = arith.constant 0.000000e+00 : f32
    %broadcast_in_dim3A_608 = vector.broadcast %jit3A_606 : f32 to vector<16xf32>
    %broadcast_in_dim3A_609 = vector.broadcast %jit3A_607 : f32 to vector<16xf32>
    %select_n3A_610 = arith.select %eq3A_605, %broadcast_in_dim3A_608, %broadcast_in_dim3A_609 : vector<16xi1>, vector<16xf32>
    %sub3A_611 = arith.constant 1.000000e+00 : f32
    %sub3A_612 = vector.broadcast %sub3A_611 : f32 to vector<16xf32>
    %sub3A_613 = arith.subf %sub3A_612, %add3A_587 : vector<16xf32>
    %mul3A_614 = arith.mulf %select_n3A_604, %sub3A_613 : vector<16xf32>
    %sub3A_615 = arith.constant 1.000000e+00 : f32
    %sub3A_616 = vector.broadcast %sub3A_615 : f32 to vector<16xf32>
    %sub3A_617 = arith.subf %sub3A_616, %mul3A_614 : vector<16xf32>
    %mul3A_618 = arith.mulf %select_n3A_610, %sub3A_617 : vector<16xf32>
    %sub3A_619 = arith.constant 1.000000e+00 : f32
    %sub3A_620 = vector.broadcast %sub3A_619 : f32 to vector<16xf32>
    %sub3A_621 = arith.subf %sub3A_620, %add3A_588 : vector<16xf32>
    %mul3A_622 = arith.mulf %mul3A_618, %sub3A_621 : vector<16xf32>
    %add3A_623 = arith.addf %add3A_587, %mul3A_614 : vector<16xf32>
    %add3A_624 = arith.addf %add3A_588, %mul3A_622 : vector<16xf32>
    %add3A_625 = arith.addf %mul3A_614, %mul3A_622 : vector<16xf32>
    %mul3A_626 = arith.mulf %mul3A_614, %mul3A_622 : vector<16xf32>
    %sub3A_627 = arith.subf %add3A_625, %mul3A_626 : vector<16xf32>
    %mul3A_628 = arith.mulf %div3A_458, %sub3A_627 : vector<16xf32>
    %swap3A_629 = arith.constant 3 : i32
    %swap3A_630 = arith.index_cast %swap3A_629 : i32 to index
    %swap3A_631 = arith.constant 16 : index
    %swap3A_632 = tpu.vector_load %arg5[%swap3A_630, %swap3A_631] {strides = array<i32>} : memref<8x128xf32, #tpu.memory_space<vmem>>, vector<1x16xf32>,
    %swap3A_633 = vector.shape_cast %swap3A_632 : vector<1x16xf32> to vector<16xf32>
    %swap3A_634 = vector.shape_cast %mul3A_628 : vector<16xf32> to vector<1x16xf32>
    tpu.vector_store %arg5[%swap3A_630, %swap3A_631], %swap3A_634 {strides = array<i32>} : memref<8x128xf32, #tpu.memory_space<vmem>>, vector<1x16xf32>,
    %eq3A_635 = arith.cmpf oeq, %div3A_459, %select_n3A_488 : vector<16xf32>
    %jit3A_636 = arith.constant 1.000000e+00 : f32
    %jit3A_637 = arith.constant 0.000000e+00 : f32
    %broadcast_in_dim3A_638 = vector.broadcast %jit3A_636 : f32 to vector<16xf32>
    %broadcast_in_dim3A_639 = vector.broadcast %jit3A_637 : f32 to vector<16xf32>
    %select_n3A_640 = arith.select %eq3A_635, %broadcast_in_dim3A_638, %broadcast_in_dim3A_639 : vector<16xi1>, vector<16xf32>
    %eq3A_641 = arith.cmpf oeq, %div3A_459, %select_n3A_487 : vector<16xf32>
    %jit3A_642 = arith.constant 1.000000e+00 : f32
    %jit3A_643 = arith.constant 0.000000e+00 : f32
    %broadcast_in_dim3A_644 = vector.broadcast %jit3A_642 : f32 to vector<16xf32>
    %broadcast_in_dim3A_645 = vector.broadcast %jit3A_643 : f32 to vector<16xf32>
    %select_n3A_646 = arith.select %eq3A_641, %broadcast_in_dim3A_644, %broadcast_in_dim3A_645 : vector<16xi1>, vector<16xf32>
    %sub3A_647 = arith.constant 1.000000e+00 : f32
    %sub3A_648 = vector.broadcast %sub3A_647 : f32 to vector<16xf32>
    %sub3A_649 = arith.subf %sub3A_648, %add3A_623 : vector<16xf32>
    %mul3A_650 = arith.mulf %select_n3A_640, %sub3A_649 : vector<16xf32>
    %sub3A_651 = arith.constant 1.000000e+00 : f32
    %sub3A_652 = vector.broadcast %sub3A_651 : f32 to vector<16xf32>
    %sub3A_653 = arith.subf %sub3A_652, %mul3A_650 : vector<16xf32>
    %mul3A_654 = arith.mulf %select_n3A_646, %sub3A_653 : vector<16xf32>
    %sub3A_655 = arith.constant 1.000000e+00 : f32
    %sub3A_656 = vector.broadcast %sub3A_655 : f32 to vector<16xf32>
    %sub3A_657 = arith.subf %sub3A_656, %add3A_624 : vector<16xf32>
    %mul3A_658 = arith.mulf %mul3A_654, %sub3A_657 : vector<16xf32>
    %add3A_659 = arith.addf %add3A_623, %mul3A_650 : vector<16xf32>
    %add3A_660 = arith.addf %add3A_624, %mul3A_658 : vector<16xf32>
    %add3A_661 = arith.addf %mul3A_650, %mul3A_658 : vector<16xf32>
    %mul3A_662 = arith.mulf %mul3A_650, %mul3A_658 : vector<16xf32>
    %sub3A_663 = arith.subf %add3A_661, %mul3A_662 : vector<16xf32>
    %mul3A_664 = arith.mulf %div3A_459, %sub3A_663 : vector<16xf32>
    %swap3A_665 = arith.constant 4 : i32
    %swap3A_666 = arith.index_cast %swap3A_665 : i32 to index
    %swap3A_667 = arith.constant 16 : index
    %swap3A_668 = tpu.vector_load %arg5[%swap3A_666, %swap3A_667] {strides = array<i32>} : memref<8x128xf32, #tpu.memory_space<vmem>>, vector<1x16xf32>,
    %swap3A_669 = vector.shape_cast %swap3A_668 : vector<1x16xf32> to vector<16xf32>
    %swap3A_670 = vector.shape_cast %mul3A_664 : vector<16xf32> to vector<1x16xf32>
    tpu.vector_store %arg5[%swap3A_666, %swap3A_667], %swap3A_670 {strides = array<i32>} : memref<8x128xf32, #tpu.memory_space<vmem>>, vector<1x16xf32>,
    %eq3A_671 = arith.cmpf oeq, %div3A_460, %select_n3A_488 : vector<16xf32>
    %jit3A_672 = arith.constant 1.000000e+00 : f32
    %jit3A_673 = arith.constant 0.000000e+00 : f32
    %broadcast_in_dim3A_674 = vector.broadcast %jit3A_672 : f32 to vector<16xf32>
    %broadcast_in_dim3A_675 = vector.broadcast %jit3A_673 : f32 to vector<16xf32>
    %select_n3A_676 = arith.select %eq3A_671, %broadcast_in_dim3A_674, %broadcast_in_dim3A_675 : vector<16xi1>, vector<16xf32>
    %eq3A_677 = arith.cmpf oeq, %div3A_460, %select_n3A_487 : vector<16xf32>
    %jit3A_678 = arith.constant 1.000000e+00 : f32
    %jit3A_679 = arith.constant 0.000000e+00 : f32
    %broadcast_in_dim3A_680 = vector.broadcast %jit3A_678 : f32 to vector<16xf32>
    %broadcast_in_dim3A_681 = vector.broadcast %jit3A_679 : f32 to vector<16xf32>
    %select_n3A_682 = arith.select %eq3A_677, %broadcast_in_dim3A_680, %broadcast_in_dim3A_681 : vector<16xi1>, vector<16xf32>
    %sub3A_683 = arith.constant 1.000000e+00 : f32
    %sub3A_684 = vector.broadcast %sub3A_683 : f32 to vector<16xf32>
    %sub3A_685 = arith.subf %sub3A_684, %add3A_659 : vector<16xf32>
    %mul3A_686 = arith.mulf %select_n3A_676, %sub3A_685 : vector<16xf32>
    %sub3A_687 = arith.constant 1.000000e+00 : f32
    %sub3A_688 = vector.broadcast %sub3A_687 : f32 to vector<16xf32>
    %sub3A_689 = arith.subf %sub3A_688, %mul3A_686 : vector<16xf32>
    %mul3A_690 = arith.mulf %select_n3A_682, %sub3A_689 : vector<16xf32>
    %sub3A_691 = arith.constant 1.000000e+00 : f32
    %sub3A_692 = vector.broadcast %sub3A_691 : f32 to vector<16xf32>
    %sub3A_693 = arith.subf %sub3A_692, %add3A_660 : vector<16xf32>
    %mul3A_694 = arith.mulf %mul3A_690, %sub3A_693 : vector<16xf32>
    %add3A_695 = arith.addf %add3A_659, %mul3A_686 : vector<16xf32>
    %add3A_696 = arith.addf %add3A_660, %mul3A_694 : vector<16xf32>
    %add3A_697 = arith.addf %mul3A_686, %mul3A_694 : vector<16xf32>
    %mul3A_698 = arith.mulf %mul3A_686, %mul3A_694 : vector<16xf32>
    %sub3A_699 = arith.subf %add3A_697, %mul3A_698 : vector<16xf32>
    %mul3A_700 = arith.mulf %div3A_460, %sub3A_699 : vector<16xf32>
    %swap3A_701 = arith.constant 5 : i32
    %swap3A_702 = arith.index_cast %swap3A_701 : i32 to index
    %swap3A_703 = arith.constant 16 : index
    %swap3A_704 = tpu.vector_load %arg5[%swap3A_702, %swap3A_703] {strides = array<i32>} : memref<8x128xf32, #tpu.memory_space<vmem>>, vector<1x16xf32>,
    %swap3A_705 = vector.shape_cast %swap3A_704 : vector<1x16xf32> to vector<16xf32>
    %swap3A_706 = vector.shape_cast %mul3A_700 : vector<16xf32> to vector<1x16xf32>
    tpu.vector_store %arg5[%swap3A_702, %swap3A_703], %swap3A_706 {strides = array<i32>} : memref<8x128xf32, #tpu.memory_space<vmem>>, vector<1x16xf32>,
    %eq3A_707 = arith.cmpf oeq, %div3A_461, %select_n3A_488 : vector<16xf32>
    %jit3A_708 = arith.constant 1.000000e+00 : f32
    %jit3A_709 = arith.constant 0.000000e+00 : f32
    %broadcast_in_dim3A_710 = vector.broadcast %jit3A_708 : f32 to vector<16xf32>
    %broadcast_in_dim3A_711 = vector.broadcast %jit3A_709 : f32 to vector<16xf32>
    %select_n3A_712 = arith.select %eq3A_707, %broadcast_in_dim3A_710, %broadcast_in_dim3A_711 : vector<16xi1>, vector<16xf32>
    %eq3A_713 = arith.cmpf oeq, %div3A_461, %select_n3A_487 : vector<16xf32>
    %jit3A_714 = arith.constant 1.000000e+00 : f32
    %jit3A_715 = arith.constant 0.000000e+00 : f32
    %broadcast_in_dim3A_716 = vector.broadcast %jit3A_714 : f32 to vector<16xf32>
    %broadcast_in_dim3A_717 = vector.broadcast %jit3A_715 : f32 to vector<16xf32>
    %select_n3A_718 = arith.select %eq3A_713, %broadcast_in_dim3A_716, %broadcast_in_dim3A_717 : vector<16xi1>, vector<16xf32>
    %sub3A_719 = arith.constant 1.000000e+00 : f32
    %sub3A_720 = vector.broadcast %sub3A_719 : f32 to vector<16xf32>
    %sub3A_721 = arith.subf %sub3A_720, %add3A_695 : vector<16xf32>
    %mul3A_722 = arith.mulf %select_n3A_712, %sub3A_721 : vector<16xf32>
    %sub3A_723 = arith.constant 1.000000e+00 : f32
    %sub3A_724 = vector.broadcast %sub3A_723 : f32 to vector<16xf32>
    %sub3A_725 = arith.subf %sub3A_724, %mul3A_722 : vector<16xf32>
    %mul3A_726 = arith.mulf %select_n3A_718, %sub3A_725 : vector<16xf32>
    %sub3A_727 = arith.constant 1.000000e+00 : f32
    %sub3A_728 = vector.broadcast %sub3A_727 : f32 to vector<16xf32>
    %sub3A_729 = arith.subf %sub3A_728, %add3A_696 : vector<16xf32>
    %mul3A_730 = arith.mulf %mul3A_726, %sub3A_729 : vector<16xf32>
    %add3A_731 = arith.addf %add3A_695, %mul3A_722 : vector<16xf32>
    %add3A_732 = arith.addf %add3A_696, %mul3A_730 : vector<16xf32>
    %add3A_733 = arith.addf %mul3A_722, %mul3A_730 : vector<16xf32>
    %mul3A_734 = arith.mulf %mul3A_722, %mul3A_730 : vector<16xf32>
    %sub3A_735 = arith.subf %add3A_733, %mul3A_734 : vector<16xf32>
    %mul3A_736 = arith.mulf %div3A_461, %sub3A_735 : vector<16xf32>
    %swap3A_737 = arith.constant 6 : i32
    %swap3A_738 = arith.index_cast %swap3A_737 : i32 to index
    %swap3A_739 = arith.constant 16 : index
    %swap3A_740 = tpu.vector_load %arg5[%swap3A_738, %swap3A_739] {strides = array<i32>} : memref<8x128xf32, #tpu.memory_space<vmem>>, vector<1x16xf32>,
    %swap3A_741 = vector.shape_cast %swap3A_740 : vector<1x16xf32> to vector<16xf32>
    %swap3A_742 = vector.shape_cast %mul3A_736 : vector<16xf32> to vector<1x16xf32>
    tpu.vector_store %arg5[%swap3A_738, %swap3A_739], %swap3A_742 {strides = array<i32>} : memref<8x128xf32, #tpu.memory_space<vmem>>, vector<1x16xf32>,
    %eq3A_743 = arith.cmpf oeq, %div3A_462, %select_n3A_488 : vector<16xf32>
    %jit3A_744 = arith.constant 1.000000e+00 : f32
    %jit3A_745 = arith.constant 0.000000e+00 : f32
    %broadcast_in_dim3A_746 = vector.broadcast %jit3A_744 : f32 to vector<16xf32>
    %broadcast_in_dim3A_747 = vector.broadcast %jit3A_745 : f32 to vector<16xf32>
    %select_n3A_748 = arith.select %eq3A_743, %broadcast_in_dim3A_746, %broadcast_in_dim3A_747 : vector<16xi1>, vector<16xf32>
    %eq3A_749 = arith.cmpf oeq, %div3A_462, %select_n3A_487 : vector<16xf32>
    %jit3A_750 = arith.constant 1.000000e+00 : f32
    %jit3A_751 = arith.constant 0.000000e+00 : f32
    %broadcast_in_dim3A_752 = vector.broadcast %jit3A_750 : f32 to vector<16xf32>
    %broadcast_in_dim3A_753 = vector.broadcast %jit3A_751 : f32 to vector<16xf32>
    %select_n3A_754 = arith.select %eq3A_749, %broadcast_in_dim3A_752, %broadcast_in_dim3A_753 : vector<16xi1>, vector<16xf32>
    %sub3A_755 = arith.constant 1.000000e+00 : f32
    %sub3A_756 = vector.broadcast %sub3A_755 : f32 to vector<16xf32>
    %sub3A_757 = arith.subf %sub3A_756, %add3A_731 : vector<16xf32>
    %mul3A_758 = arith.mulf %select_n3A_748, %sub3A_757 : vector<16xf32>
    %sub3A_759 = arith.constant 1.000000e+00 : f32
    %sub3A_760 = vector.broadcast %sub3A_759 : f32 to vector<16xf32>
    %sub3A_761 = arith.subf %sub3A_760, %mul3A_758 : vector<16xf32>
    %mul3A_762 = arith.mulf %select_n3A_754, %sub3A_761 : vector<16xf32>
    %sub3A_763 = arith.constant 1.000000e+00 : f32
    %sub3A_764 = vector.broadcast %sub3A_763 : f32 to vector<16xf32>
    %sub3A_765 = arith.subf %sub3A_764, %add3A_732 : vector<16xf32>
    %mul3A_766 = arith.mulf %mul3A_762, %sub3A_765 : vector<16xf32>
    %add3A_767 = arith.addf %add3A_731, %mul3A_758 : vector<16xf32>
    %add3A_768 = arith.addf %add3A_732, %mul3A_766 : vector<16xf32>
    %add3A_769 = arith.addf %mul3A_758, %mul3A_766 : vector<16xf32>
    %mul3A_770 = arith.mulf %mul3A_758, %mul3A_766 : vector<16xf32>
    %sub3A_771 = arith.subf %add3A_769, %mul3A_770 : vector<16xf32>
    %mul3A_772 = arith.mulf %div3A_462, %sub3A_771 : vector<16xf32>
    %swap3A_773 = arith.constant 7 : i32
    %swap3A_774 = arith.index_cast %swap3A_773 : i32 to index
    %swap3A_775 = arith.constant 16 : index
    %swap3A_776 = tpu.vector_load %arg5[%swap3A_774, %swap3A_775] {strides = array<i32>} : memref<8x128xf32, #tpu.memory_space<vmem>>, vector<1x16xf32>,
    %swap3A_777 = vector.shape_cast %swap3A_776 : vector<1x16xf32> to vector<16xf32>
    %swap3A_778 = vector.shape_cast %mul3A_772 : vector<16xf32> to vector<1x16xf32>
    tpu.vector_store %arg5[%swap3A_774, %swap3A_775], %swap3A_778 {strides = array<i32>} : memref<8x128xf32, #tpu.memory_space<vmem>>, vector<1x16xf32>,
    %get3A_779 = arith.constant 0 : i32
    %get3A_780 = arith.index_cast %get3A_779 : i32 to index
    %get3A_781 = arith.constant 32 : index
    %get3A_782 = tpu.vector_load %arg4[%get3A_780, %get3A_781] {strides = array<i32>} : memref<8x128xf32, #tpu.memory_space<vmem>>, vector<1x16xf32>,
    %get3A_783 = vector.shape_cast %get3A_782 : vector<1x16xf32> to vector<16xf32>
    %get3A_784 = arith.constant 1 : i32
    %get3A_785 = arith.index_cast %get3A_784 : i32 to index
    %get3A_786 = arith.constant 32 : index
    %get3A_787 = tpu.vector_load %arg4[%get3A_785, %get3A_786] {strides = array<i32>} : memref<8x128xf32, #tpu.memory_space<vmem>>, vector<1x16xf32>,
    %get3A_788 = vector.shape_cast %get3A_787 : vector<1x16xf32> to vector<16xf32>
    %get3A_789 = arith.constant 2 : i32
    %get3A_790 = arith.index_cast %get3A_789 : i32 to index
    %get3A_791 = arith.constant 32 : index
    %get3A_792 = tpu.vector_load %arg4[%get3A_790, %get3A_791] {strides = array<i32>} : memref<8x128xf32, #tpu.memory_space<vmem>>, vector<1x16xf32>,
    %get3A_793 = vector.shape_cast %get3A_792 : vector<1x16xf32> to vector<16xf32>
    %get3A_794 = arith.constant 3 : i32
    %get3A_795 = arith.index_cast %get3A_794 : i32 to index
    %get3A_796 = arith.constant 32 : index
    %get3A_797 = tpu.vector_load %arg4[%get3A_795, %get3A_796] {strides = array<i32>} : memref<8x128xf32, #tpu.memory_space<vmem>>, vector<1x16xf32>,
    %get3A_798 = vector.shape_cast %get3A_797 : vector<1x16xf32> to vector<16xf32>
    %get3A_799 = arith.constant 4 : i32
    %get3A_800 = arith.index_cast %get3A_799 : i32 to index
    %get3A_801 = arith.constant 32 : index
    %get3A_802 = tpu.vector_load %arg4[%get3A_800, %get3A_801] {strides = array<i32>} : memref<8x128xf32, #tpu.memory_space<vmem>>, vector<1x16xf32>,
    %get3A_803 = vector.shape_cast %get3A_802 : vector<1x16xf32> to vector<16xf32>
    %get3A_804 = arith.constant 5 : i32
    %get3A_805 = arith.index_cast %get3A_804 : i32 to index
    %get3A_806 = arith.constant 32 : index
    %get3A_807 = tpu.vector_load %arg4[%get3A_805, %get3A_806] {strides = array<i32>} : memref<8x128xf32, #tpu.memory_space<vmem>>, vector<1x16xf32>,
    %get3A_808 = vector.shape_cast %get3A_807 : vector<1x16xf32> to vector<16xf32>
    %get3A_809 = arith.constant 6 : i32
    %get3A_810 = arith.index_cast %get3A_809 : i32 to index
    %get3A_811 = arith.constant 32 : index
    %get3A_812 = tpu.vector_load %arg4[%get3A_810, %get3A_811] {strides = array<i32>} : memref<8x128xf32, #tpu.memory_space<vmem>>, vector<1x16xf32>,
    %get3A_813 = vector.shape_cast %get3A_812 : vector<1x16xf32> to vector<16xf32>
    %get3A_814 = arith.constant 7 : i32
    %get3A_815 = arith.index_cast %get3A_814 : i32 to index
    %get3A_816 = arith.constant 32 : index
    %get3A_817 = tpu.vector_load %arg4[%get3A_815, %get3A_816] {strides = array<i32>} : memref<8x128xf32, #tpu.memory_space<vmem>>, vector<1x16xf32>,
    %get3A_818 = vector.shape_cast %get3A_817 : vector<1x16xf32> to vector<16xf32>
    %max3A_819 = arith.maximumf %get3A_783, %get3A_788 : vector<16xf32>
    %max3A_820 = arith.maximumf %max3A_819, %get3A_793 : vector<16xf32>
    %max3A_821 = arith.maximumf %max3A_820, %get3A_798 : vector<16xf32>
    %max3A_822 = arith.maximumf %max3A_821, %get3A_803 : vector<16xf32>
    %max3A_823 = arith.maximumf %max3A_822, %get3A_808 : vector<16xf32>
    %max3A_824 = arith.maximumf %max3A_823, %get3A_813 : vector<16xf32>
    %max3A_825 = arith.maximumf %max3A_824, %get3A_818 : vector<16xf32>
    %sub3A_826 = arith.subf %get3A_783, %max3A_825 : vector<16xf32>
    %exp3A_827 = math.exp %sub3A_826 : vector<16xf32>
    %sub3A_828 = arith.subf %get3A_788, %max3A_825 : vector<16xf32>
    %exp3A_829 = math.exp %sub3A_828 : vector<16xf32>
    %sub3A_830 = arith.subf %get3A_793, %max3A_825 : vector<16xf32>
    %exp3A_831 = math.exp %sub3A_830 : vector<16xf32>
    %sub3A_832 = arith.subf %get3A_798, %max3A_825 : vector<16xf32>
    %exp3A_833 = math.exp %sub3A_832 : vector<16xf32>
    %sub3A_834 = arith.subf %get3A_803, %max3A_825 : vector<16xf32>
    %exp3A_835 = math.exp %sub3A_834 : vector<16xf32>
    %sub3A_836 = arith.subf %get3A_808, %max3A_825 : vector<16xf32>
    %exp3A_837 = math.exp %sub3A_836 : vector<16xf32>
    %sub3A_838 = arith.subf %get3A_813, %max3A_825 : vector<16xf32>
    %exp3A_839 = math.exp %sub3A_838 : vector<16xf32>
    %sub3A_840 = arith.subf %get3A_818, %max3A_825 : vector<16xf32>
    %exp3A_841 = math.exp %sub3A_840 : vector<16xf32>
    %add3A_842 = arith.addf %exp3A_827, %exp3A_829 : vector<16xf32>
    %add3A_843 = arith.addf %add3A_842, %exp3A_831 : vector<16xf32>
    %add3A_844 = arith.addf %add3A_843, %exp3A_833 : vector<16xf32>
    %add3A_845 = arith.addf %add3A_844, %exp3A_835 : vector<16xf32>
    %add3A_846 = arith.addf %add3A_845, %exp3A_837 : vector<16xf32>
    %add3A_847 = arith.addf %add3A_846, %exp3A_839 : vector<16xf32>
    %add3A_848 = arith.addf %add3A_847, %exp3A_841 : vector<16xf32>
    %div3A_849 = arith.divf %exp3A_827, %add3A_848 : vector<16xf32>
    %div3A_850 = arith.divf %exp3A_829, %add3A_848 : vector<16xf32>
    %div3A_851 = arith.divf %exp3A_831, %add3A_848 : vector<16xf32>
    %div3A_852 = arith.divf %exp3A_833, %add3A_848 : vector<16xf32>
    %div3A_853 = arith.divf %exp3A_835, %add3A_848 : vector<16xf32>
    %div3A_854 = arith.divf %exp3A_837, %add3A_848 : vector<16xf32>
    %div3A_855 = arith.divf %exp3A_839, %add3A_848 : vector<16xf32>
    %div3A_856 = arith.divf %exp3A_841, %add3A_848 : vector<16xf32>
    %max3A_857 = arith.maximumf %div3A_849, %div3A_850 : vector<16xf32>
    %min3A_858 = arith.minimumf %div3A_849, %div3A_850 : vector<16xf32>
    %gt3A_859 = arith.cmpf ogt, %div3A_851, %max3A_857 : vector<16xf32>
    %max3A_860 = arith.maximumf %min3A_858, %div3A_851 : vector<16xf32>
    %select_n3A_861 = arith.select %gt3A_859, %max3A_857, %max3A_860 : vector<16xi1>, vector<16xf32>
    %select_n3A_862 = arith.select %gt3A_859, %div3A_851, %max3A_857 : vector<16xi1>, vector<16xf32>
    %gt3A_863 = arith.cmpf ogt, %div3A_852, %select_n3A_862 : vector<16xf32>
    %max3A_864 = arith.maximumf %select_n3A_861, %div3A_852 : vector<16xf32>
    %select_n3A_865 = arith.select %gt3A_863, %select_n3A_862, %max3A_864 : vector<16xi1>, vector<16xf32>
    %select_n3A_866 = arith.select %gt3A_863, %div3A_852, %select_n3A_862 : vector<16xi1>, vector<16xf32>
    %gt3A_867 = arith.cmpf ogt, %div3A_853, %select_n3A_866 : vector<16xf32>
    %max3A_868 = arith.maximumf %select_n3A_865, %div3A_853 : vector<16xf32>
    %select_n3A_869 = arith.select %gt3A_867, %select_n3A_866, %max3A_868 : vector<16xi1>, vector<16xf32>
    %select_n3A_870 = arith.select %gt3A_867, %div3A_853, %select_n3A_866 : vector<16xi1>, vector<16xf32>
    %gt3A_871 = arith.cmpf ogt, %div3A_854, %select_n3A_870 : vector<16xf32>
    %max3A_872 = arith.maximumf %select_n3A_869, %div3A_854 : vector<16xf32>
    %select_n3A_873 = arith.select %gt3A_871, %select_n3A_870, %max3A_872 : vector<16xi1>, vector<16xf32>
    %select_n3A_874 = arith.select %gt3A_871, %div3A_854, %select_n3A_870 : vector<16xi1>, vector<16xf32>
    %gt3A_875 = arith.cmpf ogt, %div3A_855, %select_n3A_874 : vector<16xf32>
    %max3A_876 = arith.maximumf %select_n3A_873, %div3A_855 : vector<16xf32>
    %select_n3A_877 = arith.select %gt3A_875, %select_n3A_874, %max3A_876 : vector<16xi1>, vector<16xf32>
    %select_n3A_878 = arith.select %gt3A_875, %div3A_855, %select_n3A_874 : vector<16xi1>, vector<16xf32>
    %gt3A_879 = arith.cmpf ogt, %div3A_856, %select_n3A_878 : vector<16xf32>
    %max3A_880 = arith.maximumf %select_n3A_877, %div3A_856 : vector<16xf32>
    %select_n3A_881 = arith.select %gt3A_879, %select_n3A_878, %max3A_880 : vector<16xi1>, vector<16xf32>
    %select_n3A_882 = arith.select %gt3A_879, %div3A_856, %select_n3A_878 : vector<16xi1>, vector<16xf32>
    %sub3A_883 = arith.subf %select_n3A_882, %select_n3A_882 : vector<16xf32>
    %sub3A_884 = arith.subf %select_n3A_882, %select_n3A_882 : vector<16xf32>
    %eq3A_885 = arith.cmpf oeq, %div3A_849, %select_n3A_882 : vector<16xf32>
    %jit3A_886 = arith.constant 1.000000e+00 : f32
    %jit3A_887 = arith.constant 0.000000e+00 : f32
    %broadcast_in_dim3A_888 = vector.broadcast %jit3A_886 : f32 to vector<16xf32>
    %broadcast_in_dim3A_889 = vector.broadcast %jit3A_887 : f32 to vector<16xf32>
    %select_n3A_890 = arith.select %eq3A_885, %broadcast_in_dim3A_888, %broadcast_in_dim3A_889 : vector<16xi1>, vector<16xf32>
    %eq3A_891 = arith.cmpf oeq, %div3A_849, %select_n3A_881 : vector<16xf32>
    %jit3A_892 = arith.constant 1.000000e+00 : f32
    %jit3A_893 = arith.constant 0.000000e+00 : f32
    %broadcast_in_dim3A_894 = vector.broadcast %jit3A_892 : f32 to vector<16xf32>
    %broadcast_in_dim3A_895 = vector.broadcast %jit3A_893 : f32 to vector<16xf32>
    %select_n3A_896 = arith.select %eq3A_891, %broadcast_in_dim3A_894, %broadcast_in_dim3A_895 : vector<16xi1>, vector<16xf32>
    %sub3A_897 = arith.constant 1.000000e+00 : f32
    %sub3A_898 = vector.broadcast %sub3A_897 : f32 to vector<16xf32>
    %sub3A_899 = arith.subf %sub3A_898, %sub3A_883 : vector<16xf32>
    %mul3A_900 = arith.mulf %select_n3A_890, %sub3A_899 : vector<16xf32>
    %sub3A_901 = arith.constant 1.000000e+00 : f32
    %sub3A_902 = vector.broadcast %sub3A_901 : f32 to vector<16xf32>
    %sub3A_903 = arith.subf %sub3A_902, %mul3A_900 : vector<16xf32>
    %mul3A_904 = arith.mulf %select_n3A_896, %sub3A_903 : vector<16xf32>
    %sub3A_905 = arith.constant 1.000000e+00 : f32
    %sub3A_906 = vector.broadcast %sub3A_905 : f32 to vector<16xf32>
    %sub3A_907 = arith.subf %sub3A_906, %sub3A_884 : vector<16xf32>
    %mul3A_908 = arith.mulf %mul3A_904, %sub3A_907 : vector<16xf32>
    %add3A_909 = arith.addf %sub3A_883, %mul3A_900 : vector<16xf32>
    %add3A_910 = arith.addf %sub3A_884, %mul3A_908 : vector<16xf32>
    %add3A_911 = arith.addf %mul3A_900, %mul3A_908 : vector<16xf32>
    %mul3A_912 = arith.mulf %mul3A_900, %mul3A_908 : vector<16xf32>
    %sub3A_913 = arith.subf %add3A_911, %mul3A_912 : vector<16xf32>
    %mul3A_914 = arith.mulf %div3A_849, %sub3A_913 : vector<16xf32>
    %swap3A_915 = arith.constant 0 : i32
    %swap3A_916 = arith.index_cast %swap3A_915 : i32 to index
    %swap3A_917 = arith.constant 32 : index
    %swap3A_918 = tpu.vector_load %arg5[%swap3A_916, %swap3A_917] {strides = array<i32>} : memref<8x128xf32, #tpu.memory_space<vmem>>, vector<1x16xf32>,
    %swap3A_919 = vector.shape_cast %swap3A_918 : vector<1x16xf32> to vector<16xf32>
    %swap3A_920 = vector.shape_cast %mul3A_914 : vector<16xf32> to vector<1x16xf32>
    tpu.vector_store %arg5[%swap3A_916, %swap3A_917], %swap3A_920 {strides = array<i32>} : memref<8x128xf32, #tpu.memory_space<vmem>>, vector<1x16xf32>,
    %eq3A_921 = arith.cmpf oeq, %div3A_850, %select_n3A_882 : vector<16xf32>
    %jit3A_922 = arith.constant 1.000000e+00 : f32
    %jit3A_923 = arith.constant 0.000000e+00 : f32
    %broadcast_in_dim3A_924 = vector.broadcast %jit3A_922 : f32 to vector<16xf32>
    %broadcast_in_dim3A_925 = vector.broadcast %jit3A_923 : f32 to vector<16xf32>
    %select_n3A_926 = arith.select %eq3A_921, %broadcast_in_dim3A_924, %broadcast_in_dim3A_925 : vector<16xi1>, vector<16xf32>
    %eq3A_927 = arith.cmpf oeq, %div3A_850, %select_n3A_881 : vector<16xf32>
    %jit3A_928 = arith.constant 1.000000e+00 : f32
    %jit3A_929 = arith.constant 0.000000e+00 : f32
    %broadcast_in_dim3A_930 = vector.broadcast %jit3A_928 : f32 to vector<16xf32>
    %broadcast_in_dim3A_931 = vector.broadcast %jit3A_929 : f32 to vector<16xf32>
    %select_n3A_932 = arith.select %eq3A_927, %broadcast_in_dim3A_930, %broadcast_in_dim3A_931 : vector<16xi1>, vector<16xf32>
    %sub3A_933 = arith.constant 1.000000e+00 : f32
    %sub3A_934 = vector.broadcast %sub3A_933 : f32 to vector<16xf32>
    %sub3A_935 = arith.subf %sub3A_934, %add3A_909 : vector<16xf32>
    %mul3A_936 = arith.mulf %select_n3A_926, %sub3A_935 : vector<16xf32>
    %sub3A_937 = arith.constant 1.000000e+00 : f32
    %sub3A_938 = vector.broadcast %sub3A_937 : f32 to vector<16xf32>
    %sub3A_939 = arith.subf %sub3A_938, %mul3A_936 : vector<16xf32>
    %mul3A_940 = arith.mulf %select_n3A_932, %sub3A_939 : vector<16xf32>
    %sub3A_941 = arith.constant 1.000000e+00 : f32
    %sub3A_942 = vector.broadcast %sub3A_941 : f32 to vector<16xf32>
    %sub3A_943 = arith.subf %sub3A_942, %add3A_910 : vector<16xf32>
    %mul3A_944 = arith.mulf %mul3A_940, %sub3A_943 : vector<16xf32>
    %add3A_945 = arith.addf %add3A_909, %mul3A_936 : vector<16xf32>
    %add3A_946 = arith.addf %add3A_910, %mul3A_944 : vector<16xf32>
    %add3A_947 = arith.addf %mul3A_936, %mul3A_944 : vector<16xf32>
    %mul3A_948 = arith.mulf %mul3A_936, %mul3A_944 : vector<16xf32>
    %sub3A_949 = arith.subf %add3A_947, %mul3A_948 : vector<16xf32>
    %mul3A_950 = arith.mulf %div3A_850, %sub3A_949 : vector<16xf32>
    %swap3A_951 = arith.constant 1 : i32
    %swap3A_952 = arith.index_cast %swap3A_951 : i32 to index
    %swap3A_953 = arith.constant 32 : index
    %swap3A_954 = tpu.vector_load %arg5[%swap3A_952, %swap3A_953] {strides = array<i32>} : memref<8x128xf32, #tpu.memory_space<vmem>>, vector<1x16xf32>,
    %swap3A_955 = vector.shape_cast %swap3A_954 : vector<1x16xf32> to vector<16xf32>
    %swap3A_956 = vector.shape_cast %mul3A_950 : vector<16xf32> to vector<1x16xf32>
    tpu.vector_store %arg5[%swap3A_952, %swap3A_953], %swap3A_956 {strides = array<i32>} : memref<8x128xf32, #tpu.memory_space<vmem>>, vector<1x16xf32>,
    %eq3A_957 = arith.cmpf oeq, %div3A_851, %select_n3A_882 : vector<16xf32>
    %jit3A_958 = arith.constant 1.000000e+00 : f32
    %jit3A_959 = arith.constant 0.000000e+00 : f32
    %broadcast_in_dim3A_960 = vector.broadcast %jit3A_958 : f32 to vector<16xf32>
    %broadcast_in_dim3A_961 = vector.broadcast %jit3A_959 : f32 to vector<16xf32>
    %select_n3A_962 = arith.select %eq3A_957, %broadcast_in_dim3A_960, %broadcast_in_dim3A_961 : vector<16xi1>, vector<16xf32>
    %eq3A_963 = arith.cmpf oeq, %div3A_851, %select_n3A_881 : vector<16xf32>
    %jit3A_964 = arith.constant 1.000000e+00 : f32
    %jit3A_965 = arith.constant 0.000000e+00 : f32
    %broadcast_in_dim3A_966 = vector.broadcast %jit3A_964 : f32 to vector<16xf32>
    %broadcast_in_dim3A_967 = vector.broadcast %jit3A_965 : f32 to vector<16xf32>
    %select_n3A_968 = arith.select %eq3A_963, %broadcast_in_dim3A_966, %broadcast_in_dim3A_967 : vector<16xi1>, vector<16xf32>
    %sub3A_969 = arith.constant 1.000000e+00 : f32
    %sub3A_970 = vector.broadcast %sub3A_969 : f32 to vector<16xf32>
    %sub3A_971 = arith.subf %sub3A_970, %add3A_945 : vector<16xf32>
    %mul3A_972 = arith.mulf %select_n3A_962, %sub3A_971 : vector<16xf32>
    %sub3A_973 = arith.constant 1.000000e+00 : f32
    %sub3A_974 = vector.broadcast %sub3A_973 : f32 to vector<16xf32>
    %sub3A_975 = arith.subf %sub3A_974, %mul3A_972 : vector<16xf32>
    %mul3A_976 = arith.mulf %select_n3A_968, %sub3A_975 : vector<16xf32>
    %sub3A_977 = arith.constant 1.000000e+00 : f32
    %sub3A_978 = vector.broadcast %sub3A_977 : f32 to vector<16xf32>
    %sub3A_979 = arith.subf %sub3A_978, %add3A_946 : vector<16xf32>
    %mul3A_980 = arith.mulf %mul3A_976, %sub3A_979 : vector<16xf32>
    %add3A_981 = arith.addf %add3A_945, %mul3A_972 : vector<16xf32>
    %add3A_982 = arith.addf %add3A_946, %mul3A_980 : vector<16xf32>
    %add3A_983 = arith.addf %mul3A_972, %mul3A_980 : vector<16xf32>
    %mul3A_984 = arith.mulf %mul3A_972, %mul3A_980 : vector<16xf32>
    %sub3A_985 = arith.subf %add3A_983, %mul3A_984 : vector<16xf32>
    %mul3A_986 = arith.mulf %div3A_851, %sub3A_985 : vector<16xf32>
    %swap3A_987 = arith.constant 2 : i32
    %swap3A_988 = arith.index_cast %swap3A_987 : i32 to index
    %swap3A_989 = arith.constant 32 : index
    %swap3A_990 = tpu.vector_load %arg5[%swap3A_988, %swap3A_989] {strides = array<i32>} : memref<8x128xf32, #tpu.memory_space<vmem>>, vector<1x16xf32>,
    %swap3A_991 = vector.shape_cast %swap3A_990 : vector<1x16xf32> to vector<16xf32>
    %swap3A_992 = vector.shape_cast %mul3A_986 : vector<16xf32> to vector<1x16xf32>
    tpu.vector_store %arg5[%swap3A_988, %swap3A_989], %swap3A_992 {strides = array<i32>} : memref<8x128xf32, #tpu.memory_space<vmem>>, vector<1x16xf32>,
    %eq3A_993 = arith.cmpf oeq, %div3A_852, %select_n3A_882 : vector<16xf32>
    %jit3A_994 = arith.constant 1.000000e+00 : f32
    %jit3A_995 = arith.constant 0.000000e+00 : f32
    %broadcast_in_dim3A_996 = vector.broadcast %jit3A_994 : f32 to vector<16xf32>
    %broadcast_in_dim3A_997 = vector.broadcast %jit3A_995 : f32 to vector<16xf32>
    %select_n3A_998 = arith.select %eq3A_993, %broadcast_in_dim3A_996, %broadcast_in_dim3A_997 : vector<16xi1>, vector<16xf32>
    %eq3A_999 = arith.cmpf oeq, %div3A_852, %select_n3A_881 : vector<16xf32>
    %jit3A_1000 = arith.constant 1.000000e+00 : f32
    %jit3A_1001 = arith.constant 0.000000e+00 : f32
    %broadcast_in_dim3A_1002 = vector.broadcast %jit3A_1000 : f32 to vector<16xf32>
    %broadcast_in_dim3A_1003 = vector.broadcast %jit3A_1001 : f32 to vector<16xf32>
    %select_n3A_1004 = arith.select %eq3A_999, %broadcast_in_dim3A_1002, %broadcast_in_dim3A_1003 : vector<16xi1>, vector<16xf32>
    %sub3A_1005 = arith.constant 1.000000e+00 : f32
    %sub3A_1006 = vector.broadcast %sub3A_1005 : f32 to vector<16xf32>
    %sub3A_1007 = arith.subf %sub3A_1006, %add3A_981 : vector<16xf32>
    %mul3A_1008 = arith.mulf %select_n3A_998, %sub3A_1007 : vector<16xf32>
    %sub3A_1009 = arith.constant 1.000000e+00 : f32
    %sub3A_1010 = vector.broadcast %sub3A_1009 : f32 to vector<16xf32>
    %sub3A_1011 = arith.subf %sub3A_1010, %mul3A_1008 : vector<16xf32>
    %mul3A_1012 = arith.mulf %select_n3A_1004, %sub3A_1011 : vector<16xf32>
    %sub3A_1013 = arith.constant 1.000000e+00 : f32
    %sub3A_1014 = vector.broadcast %sub3A_1013 : f32 to vector<16xf32>
    %sub3A_1015 = arith.subf %sub3A_1014, %add3A_982 : vector<16xf32>
    %mul3A_1016 = arith.mulf %mul3A_1012, %sub3A_1015 : vector<16xf32>
    %add3A_1017 = arith.addf %add3A_981, %mul3A_1008 : vector<16xf32>
    %add3A_1018 = arith.addf %add3A_982, %mul3A_1016 : vector<16xf32>
    %add3A_1019 = arith.addf %mul3A_1008, %mul3A_1016 : vector<16xf32>
    %mul3A_1020 = arith.mulf %mul3A_1008, %mul3A_1016 : vector<16xf32>
    %sub3A_1021 = arith.subf %add3A_1019, %mul3A_1020 : vector<16xf32>
    %mul3A_1022 = arith.mulf %div3A_852, %sub3A_1021 : vector<16xf32>
    %swap3A_1023 = arith.constant 3 : i32
    %swap3A_1024 = arith.index_cast %swap3A_1023 : i32 to index
    %swap3A_1025 = arith.constant 32 : index
    %swap3A_1026 = tpu.vector_load %arg5[%swap3A_1024, %swap3A_1025] {strides = array<i32>} : memref<8x128xf32, #tpu.memory_space<vmem>>, vector<1x16xf32>,
    %swap3A_1027 = vector.shape_cast %swap3A_1026 : vector<1x16xf32> to vector<16xf32>
    %swap3A_1028 = vector.shape_cast %mul3A_1022 : vector<16xf32> to vector<1x16xf32>
    tpu.vector_store %arg5[%swap3A_1024, %swap3A_1025], %swap3A_1028 {strides = array<i32>} : memref<8x128xf32, #tpu.memory_space<vmem>>, vector<1x16xf32>,
    %eq3A_1029 = arith.cmpf oeq, %div3A_853, %select_n3A_882 : vector<16xf32>
    %jit3A_1030 = arith.constant 1.000000e+00 : f32
    %jit3A_1031 = arith.constant 0.000000e+00 : f32
    %broadcast_in_dim3A_1032 = vector.broadcast %jit3A_1030 : f32 to vector<16xf32>
    %broadcast_in_dim3A_1033 = vector.broadcast %jit3A_1031 : f32 to vector<16xf32>
    %select_n3A_1034 = arith.select %eq3A_1029, %broadcast_in_dim3A_1032, %broadcast_in_dim3A_1033 : vector<16xi1>, vector<16xf32>
    %eq3A_1035 = arith.cmpf oeq, %div3A_853, %select_n3A_881 : vector<16xf32>
    %jit3A_1036 = arith.constant 1.000000e+00 : f32
    %jit3A_1037 = arith.constant 0.000000e+00 : f32
    %broadcast_in_dim3A_1038 = vector.broadcast %jit3A_1036 : f32 to vector<16xf32>
    %broadcast_in_dim3A_1039 = vector.broadcast %jit3A_1037 : f32 to vector<16xf32>
    %select_n3A_1040 = arith.select %eq3A_1035, %broadcast_in_dim3A_1038, %broadcast_in_dim3A_1039 : vector<16xi1>, vector<16xf32>
    %sub3A_1041 = arith.constant 1.000000e+00 : f32
    %sub3A_1042 = vector.broadcast %sub3A_1041 : f32 to vector<16xf32>
    %sub3A_1043 = arith.subf %sub3A_1042, %add3A_1017 : vector<16xf32>
    %mul3A_1044 = arith.mulf %select_n3A_1034, %sub3A_1043 : vector<16xf32>
    %sub3A_1045 = arith.constant 1.000000e+00 : f32
    %sub3A_1046 = vector.broadcast %sub3A_1045 : f32 to vector<16xf32>
    %sub3A_1047 = arith.subf %sub3A_1046, %mul3A_1044 : vector<16xf32>
    %mul3A_1048 = arith.mulf %select_n3A_1040, %sub3A_1047 : vector<16xf32>
    %sub3A_1049 = arith.constant 1.000000e+00 : f32
    %sub3A_1050 = vector.broadcast %sub3A_1049 : f32 to vector<16xf32>
    %sub3A_1051 = arith.subf %sub3A_1050, %add3A_1018 : vector<16xf32>
    %mul3A_1052 = arith.mulf %mul3A_1048, %sub3A_1051 : vector<16xf32>
    %add3A_1053 = arith.addf %add3A_1017, %mul3A_1044 : vector<16xf32>
    %add3A_1054 = arith.addf %add3A_1018, %mul3A_1052 : vector<16xf32>
    %add3A_1055 = arith.addf %mul3A_1044, %mul3A_1052 : vector<16xf32>
    %mul3A_1056 = arith.mulf %mul3A_1044, %mul3A_1052 : vector<16xf32>
    %sub3A_1057 = arith.subf %add3A_1055, %mul3A_1056 : vector<16xf32>
    %mul3A_1058 = arith.mulf %div3A_853, %sub3A_1057 : vector<16xf32>
    %swap3A_1059 = arith.constant 4 : i32
    %swap3A_1060 = arith.index_cast %swap3A_1059 : i32 to index
    %swap3A_1061 = arith.constant 32 : index
    %swap3A_1062 = tpu.vector_load %arg5[%swap3A_1060, %swap3A_1061] {strides = array<i32>} : memref<8x128xf32, #tpu.memory_space<vmem>>, vector<1x16xf32>,
    %swap3A_1063 = vector.shape_cast %swap3A_1062 : vector<1x16xf32> to vector<16xf32>
    %swap3A_1064 = vector.shape_cast %mul3A_1058 : vector<16xf32> to vector<1x16xf32>
    tpu.vector_store %arg5[%swap3A_1060, %swap3A_1061], %swap3A_1064 {strides = array<i32>} : memref<8x128xf32, #tpu.memory_space<vmem>>, vector<1x16xf32>,
    %eq3A_1065 = arith.cmpf oeq, %div3A_854, %select_n3A_882 : vector<16xf32>
    %jit3A_1066 = arith.constant 1.000000e+00 : f32
    %jit3A_1067 = arith.constant 0.000000e+00 : f32
    %broadcast_in_dim3A_1068 = vector.broadcast %jit3A_1066 : f32 to vector<16xf32>
    %broadcast_in_dim3A_1069 = vector.broadcast %jit3A_1067 : f32 to vector<16xf32>
    %select_n3A_1070 = arith.select %eq3A_1065, %broadcast_in_dim3A_1068, %broadcast_in_dim3A_1069 : vector<16xi1>, vector<16xf32>
    %eq3A_1071 = arith.cmpf oeq, %div3A_854, %select_n3A_881 : vector<16xf32>
    %jit3A_1072 = arith.constant 1.000000e+00 : f32
    %jit3A_1073 = arith.constant 0.000000e+00 : f32
    %broadcast_in_dim3A_1074 = vector.broadcast %jit3A_1072 : f32 to vector<16xf32>
    %broadcast_in_dim3A_1075 = vector.broadcast %jit3A_1073 : f32 to vector<16xf32>
    %select_n3A_1076 = arith.select %eq3A_1071, %broadcast_in_dim3A_1074, %broadcast_in_dim3A_1075 : vector<16xi1>, vector<16xf32>
    %sub3A_1077 = arith.constant 1.000000e+00 : f32
    %sub3A_1078 = vector.broadcast %sub3A_1077 : f32 to vector<16xf32>
    %sub3A_1079 = arith.subf %sub3A_1078, %add3A_1053 : vector<16xf32>
    %mul3A_1080 = arith.mulf %select_n3A_1070, %sub3A_1079 : vector<16xf32>
    %sub3A_1081 = arith.constant 1.000000e+00 : f32
    %sub3A_1082 = vector.broadcast %sub3A_1081 : f32 to vector<16xf32>
    %sub3A_1083 = arith.subf %sub3A_1082, %mul3A_1080 : vector<16xf32>
    %mul3A_1084 = arith.mulf %select_n3A_1076, %sub3A_1083 : vector<16xf32>
    %sub3A_1085 = arith.constant 1.000000e+00 : f32
    %sub3A_1086 = vector.broadcast %sub3A_1085 : f32 to vector<16xf32>
    %sub3A_1087 = arith.subf %sub3A_1086, %add3A_1054 : vector<16xf32>
    %mul3A_1088 = arith.mulf %mul3A_1084, %sub3A_1087 : vector<16xf32>
    %add3A_1089 = arith.addf %add3A_1053, %mul3A_1080 : vector<16xf32>
    %add3A_1090 = arith.addf %add3A_1054, %mul3A_1088 : vector<16xf32>
    %add3A_1091 = arith.addf %mul3A_1080, %mul3A_1088 : vector<16xf32>
    %mul3A_1092 = arith.mulf %mul3A_1080, %mul3A_1088 : vector<16xf32>
    %sub3A_1093 = arith.subf %add3A_1091, %mul3A_1092 : vector<16xf32>
    %mul3A_1094 = arith.mulf %div3A_854, %sub3A_1093 : vector<16xf32>
    %swap3A_1095 = arith.constant 5 : i32
    %swap3A_1096 = arith.index_cast %swap3A_1095 : i32 to index
    %swap3A_1097 = arith.constant 32 : index
    %swap3A_1098 = tpu.vector_load %arg5[%swap3A_1096, %swap3A_1097] {strides = array<i32>} : memref<8x128xf32, #tpu.memory_space<vmem>>, vector<1x16xf32>,
    %swap3A_1099 = vector.shape_cast %swap3A_1098 : vector<1x16xf32> to vector<16xf32>
    %swap3A_1100 = vector.shape_cast %mul3A_1094 : vector<16xf32> to vector<1x16xf32>
    tpu.vector_store %arg5[%swap3A_1096, %swap3A_1097], %swap3A_1100 {strides = array<i32>} : memref<8x128xf32, #tpu.memory_space<vmem>>, vector<1x16xf32>,
    %eq3A_1101 = arith.cmpf oeq, %div3A_855, %select_n3A_882 : vector<16xf32>
    %jit3A_1102 = arith.constant 1.000000e+00 : f32
    %jit3A_1103 = arith.constant 0.000000e+00 : f32
    %broadcast_in_dim3A_1104 = vector.broadcast %jit3A_1102 : f32 to vector<16xf32>
    %broadcast_in_dim3A_1105 = vector.broadcast %jit3A_1103 : f32 to vector<16xf32>
    %select_n3A_1106 = arith.select %eq3A_1101, %broadcast_in_dim3A_1104, %broadcast_in_dim3A_1105 : vector<16xi1>, vector<16xf32>
    %eq3A_1107 = arith.cmpf oeq, %div3A_855, %select_n3A_881 : vector<16xf32>
    %jit3A_1108 = arith.constant 1.000000e+00 : f32
    %jit3A_1109 = arith.constant 0.000000e+00 : f32
    %broadcast_in_dim3A_1110 = vector.broadcast %jit3A_1108 : f32 to vector<16xf32>
    %broadcast_in_dim3A_1111 = vector.broadcast %jit3A_1109 : f32 to vector<16xf32>
    %select_n3A_1112 = arith.select %eq3A_1107, %broadcast_in_dim3A_1110, %broadcast_in_dim3A_1111 : vector<16xi1>, vector<16xf32>
    %sub3A_1113 = arith.constant 1.000000e+00 : f32
    %sub3A_1114 = vector.broadcast %sub3A_1113 : f32 to vector<16xf32>
    %sub3A_1115 = arith.subf %sub3A_1114, %add3A_1089 : vector<16xf32>
    %mul3A_1116 = arith.mulf %select_n3A_1106, %sub3A_1115 : vector<16xf32>
    %sub3A_1117 = arith.constant 1.000000e+00 : f32
    %sub3A_1118 = vector.broadcast %sub3A_1117 : f32 to vector<16xf32>
    %sub3A_1119 = arith.subf %sub3A_1118, %mul3A_1116 : vector<16xf32>
    %mul3A_1120 = arith.mulf %select_n3A_1112, %sub3A_1119 : vector<16xf32>
    %sub3A_1121 = arith.constant 1.000000e+00 : f32
    %sub3A_1122 = vector.broadcast %sub3A_1121 : f32 to vector<16xf32>
    %sub3A_1123 = arith.subf %sub3A_1122, %add3A_1090 : vector<16xf32>
    %mul3A_1124 = arith.mulf %mul3A_1120, %sub3A_1123 : vector<16xf32>
    %add3A_1125 = arith.addf %add3A_1089, %mul3A_1116 : vector<16xf32>
    %add3A_1126 = arith.addf %add3A_1090, %mul3A_1124 : vector<16xf32>
    %add3A_1127 = arith.addf %mul3A_1116, %mul3A_1124 : vector<16xf32>
    %mul3A_1128 = arith.mulf %mul3A_1116, %mul3A_1124 : vector<16xf32>
    %sub3A_1129 = arith.subf %add3A_1127, %mul3A_1128 : vector<16xf32>
    %mul3A_1130 = arith.mulf %div3A_855, %sub3A_1129 : vector<16xf32>
    %swap3A_1131 = arith.constant 6 : i32
    %swap3A_1132 = arith.index_cast %swap3A_1131 : i32 to index
    %swap3A_1133 = arith.constant 32 : index
    %swap3A_1134 = tpu.vector_load %arg5[%swap3A_1132, %swap3A_1133] {strides = array<i32>} : memref<8x128xf32, #tpu.memory_space<vmem>>, vector<1x16xf32>,
    %swap3A_1135 = vector.shape_cast %swap3A_1134 : vector<1x16xf32> to vector<16xf32>
    %swap3A_1136 = vector.shape_cast %mul3A_1130 : vector<16xf32> to vector<1x16xf32>
    tpu.vector_store %arg5[%swap3A_1132, %swap3A_1133], %swap3A_1136 {strides = array<i32>} : memref<8x128xf32, #tpu.memory_space<vmem>>, vector<1x16xf32>,
    %eq3A_1137 = arith.cmpf oeq, %div3A_856, %select_n3A_882 : vector<16xf32>
    %jit3A_1138 = arith.constant 1.000000e+00 : f32
    %jit3A_1139 = arith.constant 0.000000e+00 : f32
    %broadcast_in_dim3A_1140 = vector.broadcast %jit3A_1138 : f32 to vector<16xf32>
    %broadcast_in_dim3A_1141 = vector.broadcast %jit3A_1139 : f32 to vector<16xf32>
    %select_n3A_1142 = arith.select %eq3A_1137, %broadcast_in_dim3A_1140, %broadcast_in_dim3A_1141 : vector<16xi1>, vector<16xf32>
    %eq3A_1143 = arith.cmpf oeq, %div3A_856, %select_n3A_881 : vector<16xf32>
    %jit3A_1144 = arith.constant 1.000000e+00 : f32
    %jit3A_1145 = arith.constant 0.000000e+00 : f32
    %broadcast_in_dim3A_1146 = vector.broadcast %jit3A_1144 : f32 to vector<16xf32>
    %broadcast_in_dim3A_1147 = vector.broadcast %jit3A_1145 : f32 to vector<16xf32>
    %select_n3A_1148 = arith.select %eq3A_1143, %broadcast_in_dim3A_1146, %broadcast_in_dim3A_1147 : vector<16xi1>, vector<16xf32>
    %sub3A_1149 = arith.constant 1.000000e+00 : f32
    %sub3A_1150 = vector.broadcast %sub3A_1149 : f32 to vector<16xf32>
    %sub3A_1151 = arith.subf %sub3A_1150, %add3A_1125 : vector<16xf32>
    %mul3A_1152 = arith.mulf %select_n3A_1142, %sub3A_1151 : vector<16xf32>
    %sub3A_1153 = arith.constant 1.000000e+00 : f32
    %sub3A_1154 = vector.broadcast %sub3A_1153 : f32 to vector<16xf32>
    %sub3A_1155 = arith.subf %sub3A_1154, %mul3A_1152 : vector<16xf32>
    %mul3A_1156 = arith.mulf %select_n3A_1148, %sub3A_1155 : vector<16xf32>
    %sub3A_1157 = arith.constant 1.000000e+00 : f32
    %sub3A_1158 = vector.broadcast %sub3A_1157 : f32 to vector<16xf32>
    %sub3A_1159 = arith.subf %sub3A_1158, %add3A_1126 : vector<16xf32>
    %mul3A_1160 = arith.mulf %mul3A_1156, %sub3A_1159 : vector<16xf32>
    %add3A_1161 = arith.addf %add3A_1125, %mul3A_1152 : vector<16xf32>
    %add3A_1162 = arith.addf %add3A_1126, %mul3A_1160 : vector<16xf32>
    %add3A_1163 = arith.addf %mul3A_1152, %mul3A_1160 : vector<16xf32>
    %mul3A_1164 = arith.mulf %mul3A_1152, %mul3A_1160 : vector<16xf32>
    %sub3A_1165 = arith.subf %add3A_1163, %mul3A_1164 : vector<16xf32>
    %mul3A_1166 = arith.mulf %div3A_856, %sub3A_1165 : vector<16xf32>
    %swap3A_1167 = arith.constant 7 : i32
    %swap3A_1168 = arith.index_cast %swap3A_1167 : i32 to index
    %swap3A_1169 = arith.constant 32 : index
    %swap3A_1170 = tpu.vector_load %arg5[%swap3A_1168, %swap3A_1169] {strides = array<i32>} : memref<8x128xf32, #tpu.memory_space<vmem>>, vector<1x16xf32>,
    %swap3A_1171 = vector.shape_cast %swap3A_1170 : vector<1x16xf32> to vector<16xf32>
    %swap3A_1172 = vector.shape_cast %mul3A_1166 : vector<16xf32> to vector<1x16xf32>
    tpu.vector_store %arg5[%swap3A_1168, %swap3A_1169], %swap3A_1172 {strides = array<i32>} : memref<8x128xf32, #tpu.memory_space<vmem>>, vector<1x16xf32>,
    %get3A_1173 = arith.constant 0 : i32
    %get3A_1174 = arith.index_cast %get3A_1173 : i32 to index
    %get3A_1175 = arith.constant 48 : index
    %get3A_1176 = tpu.vector_load %arg4[%get3A_1174, %get3A_1175] {strides = array<i32>} : memref<8x128xf32, #tpu.memory_space<vmem>>, vector<1x16xf32>,
    %get3A_1177 = vector.shape_cast %get3A_1176 : vector<1x16xf32> to vector<16xf32>
    %get3A_1178 = arith.constant 1 : i32
    %get3A_1179 = arith.index_cast %get3A_1178 : i32 to index
    %get3A_1180 = arith.constant 48 : index
    %get3A_1181 = tpu.vector_load %arg4[%get3A_1179, %get3A_1180] {strides = array<i32>} : memref<8x128xf32, #tpu.memory_space<vmem>>, vector<1x16xf32>,
    %get3A_1182 = vector.shape_cast %get3A_1181 : vector<1x16xf32> to vector<16xf32>
    %get3A_1183 = arith.constant 2 : i32
    %get3A_1184 = arith.index_cast %get3A_1183 : i32 to index
    %get3A_1185 = arith.constant 48 : index
    %get3A_1186 = tpu.vector_load %arg4[%get3A_1184, %get3A_1185] {strides = array<i32>} : memref<8x128xf32, #tpu.memory_space<vmem>>, vector<1x16xf32>,
    %get3A_1187 = vector.shape_cast %get3A_1186 : vector<1x16xf32> to vector<16xf32>
    %get3A_1188 = arith.constant 3 : i32
    %get3A_1189 = arith.index_cast %get3A_1188 : i32 to index
    %get3A_1190 = arith.constant 48 : index
    %get3A_1191 = tpu.vector_load %arg4[%get3A_1189, %get3A_1190] {strides = array<i32>} : memref<8x128xf32, #tpu.memory_space<vmem>>, vector<1x16xf32>,
    %get3A_1192 = vector.shape_cast %get3A_1191 : vector<1x16xf32> to vector<16xf32>
    %get3A_1193 = arith.constant 4 : i32
    %get3A_1194 = arith.index_cast %get3A_1193 : i32 to index
    %get3A_1195 = arith.constant 48 : index
    %get3A_1196 = tpu.vector_load %arg4[%get3A_1194, %get3A_1195] {strides = array<i32>} : memref<8x128xf32, #tpu.memory_space<vmem>>, vector<1x16xf32>,
    %get3A_1197 = vector.shape_cast %get3A_1196 : vector<1x16xf32> to vector<16xf32>
    %get3A_1198 = arith.constant 5 : i32
    %get3A_1199 = arith.index_cast %get3A_1198 : i32 to index
    %get3A_1200 = arith.constant 48 : index
    %get3A_1201 = tpu.vector_load %arg4[%get3A_1199, %get3A_1200] {strides = array<i32>} : memref<8x128xf32, #tpu.memory_space<vmem>>, vector<1x16xf32>,
    %get3A_1202 = vector.shape_cast %get3A_1201 : vector<1x16xf32> to vector<16xf32>
    %get3A_1203 = arith.constant 6 : i32
    %get3A_1204 = arith.index_cast %get3A_1203 : i32 to index
    %get3A_1205 = arith.constant 48 : index
    %get3A_1206 = tpu.vector_load %arg4[%get3A_1204, %get3A_1205] {strides = array<i32>} : memref<8x128xf32, #tpu.memory_space<vmem>>, vector<1x16xf32>,
    %get3A_1207 = vector.shape_cast %get3A_1206 : vector<1x16xf32> to vector<16xf32>
    %get3A_1208 = arith.constant 7 : i32
    %get3A_1209 = arith.index_cast %get3A_1208 : i32 to index
    %get3A_1210 = arith.constant 48 : index
    %get3A_1211 = tpu.vector_load %arg4[%get3A_1209, %get3A_1210] {strides = array<i32>} : memref<8x128xf32, #tpu.memory_space<vmem>>, vector<1x16xf32>,
    %get3A_1212 = vector.shape_cast %get3A_1211 : vector<1x16xf32> to vector<16xf32>
    %max3A_1213 = arith.maximumf %get3A_1177, %get3A_1182 : vector<16xf32>
    %max3A_1214 = arith.maximumf %max3A_1213, %get3A_1187 : vector<16xf32>
    %max3A_1215 = arith.maximumf %max3A_1214, %get3A_1192 : vector<16xf32>
    %max3A_1216 = arith.maximumf %max3A_1215, %get3A_1197 : vector<16xf32>
    %max3A_1217 = arith.maximumf %max3A_1216, %get3A_1202 : vector<16xf32>
    %max3A_1218 = arith.maximumf %max3A_1217, %get3A_1207 : vector<16xf32>
    %max3A_1219 = arith.maximumf %max3A_1218, %get3A_1212 : vector<16xf32>
    %sub3A_1220 = arith.subf %get3A_1177, %max3A_1219 : vector<16xf32>
    %exp3A_1221 = math.exp %sub3A_1220 : vector<16xf32>
    %sub3A_1222 = arith.subf %get3A_1182, %max3A_1219 : vector<16xf32>
    %exp3A_1223 = math.exp %sub3A_1222 : vector<16xf32>
    %sub3A_1224 = arith.subf %get3A_1187, %max3A_1219 : vector<16xf32>
    %exp3A_1225 = math.exp %sub3A_1224 : vector<16xf32>
    %sub3A_1226 = arith.subf %get3A_1192, %max3A_1219 : vector<16xf32>
    %exp3A_1227 = math.exp %sub3A_1226 : vector<16xf32>
    %sub3A_1228 = arith.subf %get3A_1197, %max3A_1219 : vector<16xf32>
    %exp3A_1229 = math.exp %sub3A_1228 : vector<16xf32>
    %sub3A_1230 = arith.subf %get3A_1202, %max3A_1219 : vector<16xf32>
    %exp3A_1231 = math.exp %sub3A_1230 : vector<16xf32>
    %sub3A_1232 = arith.subf %get3A_1207, %max3A_1219 : vector<16xf32>
    %exp3A_1233 = math.exp %sub3A_1232 : vector<16xf32>
    %sub3A_1234 = arith.subf %get3A_1212, %max3A_1219 : vector<16xf32>
    %exp3A_1235 = math.exp %sub3A_1234 : vector<16xf32>
    %add3A_1236 = arith.addf %exp3A_1221, %exp3A_1223 : vector<16xf32>
    %add3A_1237 = arith.addf %add3A_1236, %exp3A_1225 : vector<16xf32>
    %add3A_1238 = arith.addf %add3A_1237, %exp3A_1227 : vector<16xf32>
    %add3A_1239 = arith.addf %add3A_1238, %exp3A_1229 : vector<16xf32>
    %add3A_1240 = arith.addf %add3A_1239, %exp3A_1231 : vector<16xf32>
    %add3A_1241 = arith.addf %add3A_1240, %exp3A_1233 : vector<16xf32>
    %add3A_1242 = arith.addf %add3A_1241, %exp3A_1235 : vector<16xf32>
    %div3A_1243 = arith.divf %exp3A_1221, %add3A_1242 : vector<16xf32>
    %div3A_1244 = arith.divf %exp3A_1223, %add3A_1242 : vector<16xf32>
    %div3A_1245 = arith.divf %exp3A_1225, %add3A_1242 : vector<16xf32>
    %div3A_1246 = arith.divf %exp3A_1227, %add3A_1242 : vector<16xf32>
    %div3A_1247 = arith.divf %exp3A_1229, %add3A_1242 : vector<16xf32>
    %div3A_1248 = arith.divf %exp3A_1231, %add3A_1242 : vector<16xf32>
    %div3A_1249 = arith.divf %exp3A_1233, %add3A_1242 : vector<16xf32>
    %div3A_1250 = arith.divf %exp3A_1235, %add3A_1242 : vector<16xf32>
    %max3A_1251 = arith.maximumf %div3A_1243, %div3A_1244 : vector<16xf32>
    %min3A_1252 = arith.minimumf %div3A_1243, %div3A_1244 : vector<16xf32>
    %gt3A_1253 = arith.cmpf ogt, %div3A_1245, %max3A_1251 : vector<16xf32>
    %max3A_1254 = arith.maximumf %min3A_1252, %div3A_1245 : vector<16xf32>
    %select_n3A_1255 = arith.select %gt3A_1253, %max3A_1251, %max3A_1254 : vector<16xi1>, vector<16xf32>
    %select_n3A_1256 = arith.select %gt3A_1253, %div3A_1245, %max3A_1251 : vector<16xi1>, vector<16xf32>
    %gt3A_1257 = arith.cmpf ogt, %div3A_1246, %select_n3A_1256 : vector<16xf32>
    %max3A_1258 = arith.maximumf %select_n3A_1255, %div3A_1246 : vector<16xf32>
    %select_n3A_1259 = arith.select %gt3A_1257, %select_n3A_1256, %max3A_1258 : vector<16xi1>, vector<16xf32>
    %select_n3A_1260 = arith.select %gt3A_1257, %div3A_1246, %select_n3A_1256 : vector<16xi1>, vector<16xf32>
    %gt3A_1261 = arith.cmpf ogt, %div3A_1247, %select_n3A_1260 : vector<16xf32>
    %max3A_1262 = arith.maximumf %select_n3A_1259, %div3A_1247 : vector<16xf32>
    %select_n3A_1263 = arith.select %gt3A_1261, %select_n3A_1260, %max3A_1262 : vector<16xi1>, vector<16xf32>
    %select_n3A_1264 = arith.select %gt3A_1261, %div3A_1247, %select_n3A_1260 : vector<16xi1>, vector<16xf32>
    %gt3A_1265 = arith.cmpf ogt, %div3A_1248, %select_n3A_1264 : vector<16xf32>
    %max3A_1266 = arith.maximumf %select_n3A_1263, %div3A_1248 : vector<16xf32>
    %select_n3A_1267 = arith.select %gt3A_1265, %select_n3A_1264, %max3A_1266 : vector<16xi1>, vector<16xf32>
    %select_n3A_1268 = arith.select %gt3A_1265, %div3A_1248, %select_n3A_1264 : vector<16xi1>, vector<16xf32>
    %gt3A_1269 = arith.cmpf ogt, %div3A_1249, %select_n3A_1268 : vector<16xf32>
    %max3A_1270 = arith.maximumf %select_n3A_1267, %div3A_1249 : vector<16xf32>
    %select_n3A_1271 = arith.select %gt3A_1269, %select_n3A_1268, %max3A_1270 : vector<16xi1>, vector<16xf32>
    %select_n3A_1272 = arith.select %gt3A_1269, %div3A_1249, %select_n3A_1268 : vector<16xi1>, vector<16xf32>
    %gt3A_1273 = arith.cmpf ogt, %div3A_1250, %select_n3A_1272 : vector<16xf32>
    %max3A_1274 = arith.maximumf %select_n3A_1271, %div3A_1250 : vector<16xf32>
    %select_n3A_1275 = arith.select %gt3A_1273, %select_n3A_1272, %max3A_1274 : vector<16xi1>, vector<16xf32>
    %select_n3A_1276 = arith.select %gt3A_1273, %div3A_1250, %select_n3A_1272 : vector<16xi1>, vector<16xf32>
    %sub3A_1277 = arith.subf %select_n3A_1276, %select_n3A_1276 : vector<16xf32>
    %sub3A_1278 = arith.subf %select_n3A_1276, %select_n3A_1276 : vector<16xf32>
    %eq3A_1279 = arith.cmpf oeq, %div3A_1243, %select_n3A_1276 : vector<16xf32>
    %jit3A_1280 = arith.constant 1.000000e+00 : f32
    %jit3A_1281 = arith.constant 0.000000e+00 : f32
    %broadcast_in_dim3A_1282 = vector.broadcast %jit3A_1280 : f32 to vector<16xf32>
    %broadcast_in_dim3A_1283 = vector.broadcast %jit3A_1281 : f32 to vector<16xf32>
    %select_n3A_1284 = arith.select %eq3A_1279, %broadcast_in_dim3A_1282, %broadcast_in_dim3A_1283 : vector<16xi1>, vector<16xf32>
    %eq3A_1285 = arith.cmpf oeq, %div3A_1243, %select_n3A_1275 : vector<16xf32>
    %jit3A_1286 = arith.constant 1.000000e+00 : f32
    %jit3A_1287 = arith.constant 0.000000e+00 : f32
    %broadcast_in_dim3A_1288 = vector.broadcast %jit3A_1286 : f32 to vector<16xf32>
    %broadcast_in_dim3A_1289 = vector.broadcast %jit3A_1287 : f32 to vector<16xf32>
    %select_n3A_1290 = arith.select %eq3A_1285, %broadcast_in_dim3A_1288, %broadcast_in_dim3A_1289 : vector<16xi1>, vector<16xf32>
    %sub3A_1291 = arith.constant 1.000000e+00 : f32
    %sub3A_1292 = vector.broadcast %sub3A_1291 : f32 to vector<16xf32>
    %sub3A_1293 = arith.subf %sub3A_1292, %sub3A_1277 : vector<16xf32>
    %mul3A_1294 = arith.mulf %select_n3A_1284, %sub3A_1293 : vector<16xf32>
    %sub3A_1295 = arith.constant 1.000000e+00 : f32
    %sub3A_1296 = vector.broadcast %sub3A_1295 : f32 to vector<16xf32>
    %sub3A_1297 = arith.subf %sub3A_1296, %mul3A_1294 : vector<16xf32>
    %mul3A_1298 = arith.mulf %select_n3A_1290, %sub3A_1297 : vector<16xf32>
    %sub3A_1299 = arith.constant 1.000000e+00 : f32
    %sub3A_1300 = vector.broadcast %sub3A_1299 : f32 to vector<16xf32>
    %sub3A_1301 = arith.subf %sub3A_1300, %sub3A_1278 : vector<16xf32>
    %mul3A_1302 = arith.mulf %mul3A_1298, %sub3A_1301 : vector<16xf32>
    %add3A_1303 = arith.addf %sub3A_1277, %mul3A_1294 : vector<16xf32>
    %add3A_1304 = arith.addf %sub3A_1278, %mul3A_1302 : vector<16xf32>
    %add3A_1305 = arith.addf %mul3A_1294, %mul3A_1302 : vector<16xf32>
    %mul3A_1306 = arith.mulf %mul3A_1294, %mul3A_1302 : vector<16xf32>
    %sub3A_1307 = arith.subf %add3A_1305, %mul3A_1306 : vector<16xf32>
    %mul3A_1308 = arith.mulf %div3A_1243, %sub3A_1307 : vector<16xf32>
    %swap3A_1309 = arith.constant 0 : i32
    %swap3A_1310 = arith.index_cast %swap3A_1309 : i32 to index
    %swap3A_1311 = arith.constant 48 : index
    %swap3A_1312 = tpu.vector_load %arg5[%swap3A_1310, %swap3A_1311] {strides = array<i32>} : memref<8x128xf32, #tpu.memory_space<vmem>>, vector<1x16xf32>,
    %swap3A_1313 = vector.shape_cast %swap3A_1312 : vector<1x16xf32> to vector<16xf32>
    %swap3A_1314 = vector.shape_cast %mul3A_1308 : vector<16xf32> to vector<1x16xf32>
    tpu.vector_store %arg5[%swap3A_1310, %swap3A_1311], %swap3A_1314 {strides = array<i32>} : memref<8x128xf32, #tpu.memory_space<vmem>>, vector<1x16xf32>,
    %eq3A_1315 = arith.cmpf oeq, %div3A_1244, %select_n3A_1276 : vector<16xf32>
    %jit3A_1316 = arith.constant 1.000000e+00 : f32
    %jit3A_1317 = arith.constant 0.000000e+00 : f32
    %broadcast_in_dim3A_1318 = vector.broadcast %jit3A_1316 : f32 to vector<16xf32>
    %broadcast_in_dim3A_1319 = vector.broadcast %jit3A_1317 : f32 to vector<16xf32>
    %select_n3A_1320 = arith.select %eq3A_1315, %broadcast_in_dim3A_1318, %broadcast_in_dim3A_1319 : vector<16xi1>, vector<16xf32>
    %eq3A_1321 = arith.cmpf oeq, %div3A_1244, %select_n3A_1275 : vector<16xf32>
    %jit3A_1322 = arith.constant 1.000000e+00 : f32
    %jit3A_1323 = arith.constant 0.000000e+00 : f32
    %broadcast_in_dim3A_1324 = vector.broadcast %jit3A_1322 : f32 to vector<16xf32>
    %broadcast_in_dim3A_1325 = vector.broadcast %jit3A_1323 : f32 to vector<16xf32>
    %select_n3A_1326 = arith.select %eq3A_1321, %broadcast_in_dim3A_1324, %broadcast_in_dim3A_1325 : vector<16xi1>, vector<16xf32>
    %sub3A_1327 = arith.constant 1.000000e+00 : f32
    %sub3A_1328 = vector.broadcast %sub3A_1327 : f32 to vector<16xf32>
    %sub3A_1329 = arith.subf %sub3A_1328, %add3A_1303 : vector<16xf32>
    %mul3A_1330 = arith.mulf %select_n3A_1320, %sub3A_1329 : vector<16xf32>
    %sub3A_1331 = arith.constant 1.000000e+00 : f32
    %sub3A_1332 = vector.broadcast %sub3A_1331 : f32 to vector<16xf32>
    %sub3A_1333 = arith.subf %sub3A_1332, %mul3A_1330 : vector<16xf32>
    %mul3A_1334 = arith.mulf %select_n3A_1326, %sub3A_1333 : vector<16xf32>
    %sub3A_1335 = arith.constant 1.000000e+00 : f32
    %sub3A_1336 = vector.broadcast %sub3A_1335 : f32 to vector<16xf32>
    %sub3A_1337 = arith.subf %sub3A_1336, %add3A_1304 : vector<16xf32>
    %mul3A_1338 = arith.mulf %mul3A_1334, %sub3A_1337 : vector<16xf32>
    %add3A_1339 = arith.addf %add3A_1303, %mul3A_1330 : vector<16xf32>
    %add3A_1340 = arith.addf %add3A_1304, %mul3A_1338 : vector<16xf32>
    %add3A_1341 = arith.addf %mul3A_1330, %mul3A_1338 : vector<16xf32>
    %mul3A_1342 = arith.mulf %mul3A_1330, %mul3A_1338 : vector<16xf32>
    %sub3A_1343 = arith.subf %add3A_1341, %mul3A_1342 : vector<16xf32>
    %mul3A_1344 = arith.mulf %div3A_1244, %sub3A_1343 : vector<16xf32>
    %swap3A_1345 = arith.constant 1 : i32
    %swap3A_1346 = arith.index_cast %swap3A_1345 : i32 to index
    %swap3A_1347 = arith.constant 48 : index
    %swap3A_1348 = tpu.vector_load %arg5[%swap3A_1346, %swap3A_1347] {strides = array<i32>} : memref<8x128xf32, #tpu.memory_space<vmem>>, vector<1x16xf32>,
    %swap3A_1349 = vector.shape_cast %swap3A_1348 : vector<1x16xf32> to vector<16xf32>
    %swap3A_1350 = vector.shape_cast %mul3A_1344 : vector<16xf32> to vector<1x16xf32>
    tpu.vector_store %arg5[%swap3A_1346, %swap3A_1347], %swap3A_1350 {strides = array<i32>} : memref<8x128xf32, #tpu.memory_space<vmem>>, vector<1x16xf32>,
    %eq3A_1351 = arith.cmpf oeq, %div3A_1245, %select_n3A_1276 : vector<16xf32>
    %jit3A_1352 = arith.constant 1.000000e+00 : f32
    %jit3A_1353 = arith.constant 0.000000e+00 : f32
    %broadcast_in_dim3A_1354 = vector.broadcast %jit3A_1352 : f32 to vector<16xf32>
    %broadcast_in_dim3A_1355 = vector.broadcast %jit3A_1353 : f32 to vector<16xf32>
    %select_n3A_1356 = arith.select %eq3A_1351, %broadcast_in_dim3A_1354, %broadcast_in_dim3A_1355 : vector<16xi1>, vector<16xf32>
    %eq3A_1357 = arith.cmpf oeq, %div3A_1245, %select_n3A_1275 : vector<16xf32>
    %jit3A_1358 = arith.constant 1.000000e+00 : f32
    %jit3A_1359 = arith.constant 0.000000e+00 : f32
    %broadcast_in_dim3A_1360 = vector.broadcast %jit3A_1358 : f32 to vector<16xf32>
    %broadcast_in_dim3A_1361 = vector.broadcast %jit3A_1359 : f32 to vector<16xf32>
    %select_n3A_1362 = arith.select %eq3A_1357, %broadcast_in_dim3A_1360, %broadcast_in_dim3A_1361 : vector<16xi1>, vector<16xf32>
    %sub3A_1363 = arith.constant 1.000000e+00 : f32
    %sub3A_1364 = vector.broadcast %sub3A_1363 : f32 to vector<16xf32>
    %sub3A_1365 = arith.subf %sub3A_1364, %add3A_1339 : vector<16xf32>
    %mul3A_1366 = arith.mulf %select_n3A_1356, %sub3A_1365 : vector<16xf32>
    %sub3A_1367 = arith.constant 1.000000e+00 : f32
    %sub3A_1368 = vector.broadcast %sub3A_1367 : f32 to vector<16xf32>
    %sub3A_1369 = arith.subf %sub3A_1368, %mul3A_1366 : vector<16xf32>
    %mul3A_1370 = arith.mulf %select_n3A_1362, %sub3A_1369 : vector<16xf32>
    %sub3A_1371 = arith.constant 1.000000e+00 : f32
    %sub3A_1372 = vector.broadcast %sub3A_1371 : f32 to vector<16xf32>
    %sub3A_1373 = arith.subf %sub3A_1372, %add3A_1340 : vector<16xf32>
    %mul3A_1374 = arith.mulf %mul3A_1370, %sub3A_1373 : vector<16xf32>
    %add3A_1375 = arith.addf %add3A_1339, %mul3A_1366 : vector<16xf32>
    %add3A_1376 = arith.addf %add3A_1340, %mul3A_1374 : vector<16xf32>
    %add3A_1377 = arith.addf %mul3A_1366, %mul3A_1374 : vector<16xf32>
    %mul3A_1378 = arith.mulf %mul3A_1366, %mul3A_1374 : vector<16xf32>
    %sub3A_1379 = arith.subf %add3A_1377, %mul3A_1378 : vector<16xf32>
    %mul3A_1380 = arith.mulf %div3A_1245, %sub3A_1379 : vector<16xf32>
    %swap3A_1381 = arith.constant 2 : i32
    %swap3A_1382 = arith.index_cast %swap3A_1381 : i32 to index
    %swap3A_1383 = arith.constant 48 : index
    %swap3A_1384 = tpu.vector_load %arg5[%swap3A_1382, %swap3A_1383] {strides = array<i32>} : memref<8x128xf32, #tpu.memory_space<vmem>>, vector<1x16xf32>,
    %swap3A_1385 = vector.shape_cast %swap3A_1384 : vector<1x16xf32> to vector<16xf32>
    %swap3A_1386 = vector.shape_cast %mul3A_1380 : vector<16xf32> to vector<1x16xf32>
    tpu.vector_store %arg5[%swap3A_1382, %swap3A_1383], %swap3A_1386 {strides = array<i32>} : memref<8x128xf32, #tpu.memory_space<vmem>>, vector<1x16xf32>,
    %eq3A_1387 = arith.cmpf oeq, %div3A_1246, %select_n3A_1276 : vector<16xf32>
    %jit3A_1388 = arith.constant 1.000000e+00 : f32
    %jit3A_1389 = arith.constant 0.000000e+00 : f32
    %broadcast_in_dim3A_1390 = vector.broadcast %jit3A_1388 : f32 to vector<16xf32>
    %broadcast_in_dim3A_1391 = vector.broadcast %jit3A_1389 : f32 to vector<16xf32>
    %select_n3A_1392 = arith.select %eq3A_1387, %broadcast_in_dim3A_1390, %broadcast_in_dim3A_1391 : vector<16xi1>, vector<16xf32>
    %eq3A_1393 = arith.cmpf oeq, %div3A_1246, %select_n3A_1275 : vector<16xf32>
    %jit3A_1394 = arith.constant 1.000000e+00 : f32
    %jit3A_1395 = arith.constant 0.000000e+00 : f32
    %broadcast_in_dim3A_1396 = vector.broadcast %jit3A_1394 : f32 to vector<16xf32>
    %broadcast_in_dim3A_1397 = vector.broadcast %jit3A_1395 : f32 to vector<16xf32>
    %select_n3A_1398 = arith.select %eq3A_1393, %broadcast_in_dim3A_1396, %broadcast_in_dim3A_1397 : vector<16xi1>, vector<16xf32>
    %sub3A_1399 = arith.constant 1.000000e+00 : f32
    %sub3A_1400 = vector.broadcast %sub3A_1399 : f32 to vector<16xf32>
    %sub3A_1401 = arith.subf %sub3A_1400, %add3A_1375 : vector<16xf32>
    %mul3A_1402 = arith.mulf %select_n3A_1392, %sub3A_1401 : vector<16xf32>
    %sub3A_1403 = arith.constant 1.000000e+00 : f32
    %sub3A_1404 = vector.broadcast %sub3A_1403 : f32 to vector<16xf32>
    %sub3A_1405 = arith.subf %sub3A_1404, %mul3A_1402 : vector<16xf32>
    %mul3A_1406 = arith.mulf %select_n3A_1398, %sub3A_1405 : vector<16xf32>
    %sub3A_1407 = arith.constant 1.000000e+00 : f32
    %sub3A_1408 = vector.broadcast %sub3A_1407 : f32 to vector<16xf32>
    %sub3A_1409 = arith.subf %sub3A_1408, %add3A_1376 : vector<16xf32>
    %mul3A_1410 = arith.mulf %mul3A_1406, %sub3A_1409 : vector<16xf32>
    %add3A_1411 = arith.addf %add3A_1375, %mul3A_1402 : vector<16xf32>
    %add3A_1412 = arith.addf %add3A_1376, %mul3A_1410 : vector<16xf32>
    %add3A_1413 = arith.addf %mul3A_1402, %mul3A_1410 : vector<16xf32>
    %mul3A_1414 = arith.mulf %mul3A_1402, %mul3A_1410 : vector<16xf32>
    %sub3A_1415 = arith.subf %add3A_1413, %mul3A_1414 : vector<16xf32>
    %mul3A_1416 = arith.mulf %div3A_1246, %sub3A_1415 : vector<16xf32>
    %swap3A_1417 = arith.constant 3 : i32
    %swap3A_1418 = arith.index_cast %swap3A_1417 : i32 to index
    %swap3A_1419 = arith.constant 48 : index
    %swap3A_1420 = tpu.vector_load %arg5[%swap3A_1418, %swap3A_1419] {strides = array<i32>} : memref<8x128xf32, #tpu.memory_space<vmem>>, vector<1x16xf32>,
    %swap3A_1421 = vector.shape_cast %swap3A_1420 : vector<1x16xf32> to vector<16xf32>
    %swap3A_1422 = vector.shape_cast %mul3A_1416 : vector<16xf32> to vector<1x16xf32>
    tpu.vector_store %arg5[%swap3A_1418, %swap3A_1419], %swap3A_1422 {strides = array<i32>} : memref<8x128xf32, #tpu.memory_space<vmem>>, vector<1x16xf32>,
    %eq3A_1423 = arith.cmpf oeq, %div3A_1247, %select_n3A_1276 : vector<16xf32>
    %jit3A_1424 = arith.constant 1.000000e+00 : f32
    %jit3A_1425 = arith.constant 0.000000e+00 : f32
    %broadcast_in_dim3A_1426 = vector.broadcast %jit3A_1424 : f32 to vector<16xf32>
    %broadcast_in_dim3A_1427 = vector.broadcast %jit3A_1425 : f32 to vector<16xf32>
    %select_n3A_1428 = arith.select %eq3A_1423, %broadcast_in_dim3A_1426, %broadcast_in_dim3A_1427 : vector<16xi1>, vector<16xf32>
    %eq3A_1429 = arith.cmpf oeq, %div3A_1247, %select_n3A_1275 : vector<16xf32>
    %jit3A_1430 = arith.constant 1.000000e+00 : f32
    %jit3A_1431 = arith.constant 0.000000e+00 : f32
    %broadcast_in_dim3A_1432 = vector.broadcast %jit3A_1430 : f32 to vector<16xf32>
    %broadcast_in_dim3A_1433 = vector.broadcast %jit3A_1431 : f32 to vector<16xf32>
    %select_n3A_1434 = arith.select %eq3A_1429, %broadcast_in_dim3A_1432, %broadcast_in_dim3A_1433 : vector<16xi1>, vector<16xf32>
    %sub3A_1435 = arith.constant 1.000000e+00 : f32
    %sub3A_1436 = vector.broadcast %sub3A_1435 : f32 to vector<16xf32>
    %sub3A_1437 = arith.subf %sub3A_1436, %add3A_1411 : vector<16xf32>
    %mul3A_1438 = arith.mulf %select_n3A_1428, %sub3A_1437 : vector<16xf32>
    %sub3A_1439 = arith.constant 1.000000e+00 : f32
    %sub3A_1440 = vector.broadcast %sub3A_1439 : f32 to vector<16xf32>
    %sub3A_1441 = arith.subf %sub3A_1440, %mul3A_1438 : vector<16xf32>
    %mul3A_1442 = arith.mulf %select_n3A_1434, %sub3A_1441 : vector<16xf32>
    %sub3A_1443 = arith.constant 1.000000e+00 : f32
    %sub3A_1444 = vector.broadcast %sub3A_1443 : f32 to vector<16xf32>
    %sub3A_1445 = arith.subf %sub3A_1444, %add3A_1412 : vector<16xf32>
    %mul3A_1446 = arith.mulf %mul3A_1442, %sub3A_1445 : vector<16xf32>
    %add3A_1447 = arith.addf %add3A_1411, %mul3A_1438 : vector<16xf32>
    %add3A_1448 = arith.addf %add3A_1412, %mul3A_1446 : vector<16xf32>
    %add3A_1449 = arith.addf %mul3A_1438, %mul3A_1446 : vector<16xf32>
    %mul3A_1450 = arith.mulf %mul3A_1438, %mul3A_1446 : vector<16xf32>
    %sub3A_1451 = arith.subf %add3A_1449, %mul3A_1450 : vector<16xf32>
    %mul3A_1452 = arith.mulf %div3A_1247, %sub3A_1451 : vector<16xf32>
    %swap3A_1453 = arith.constant 4 : i32
    %swap3A_1454 = arith.index_cast %swap3A_1453 : i32 to index
    %swap3A_1455 = arith.constant 48 : index
    %swap3A_1456 = tpu.vector_load %arg5[%swap3A_1454, %swap3A_1455] {strides = array<i32>} : memref<8x128xf32, #tpu.memory_space<vmem>>, vector<1x16xf32>,
    %swap3A_1457 = vector.shape_cast %swap3A_1456 : vector<1x16xf32> to vector<16xf32>
    %swap3A_1458 = vector.shape_cast %mul3A_1452 : vector<16xf32> to vector<1x16xf32>
    tpu.vector_store %arg5[%swap3A_1454, %swap3A_1455], %swap3A_1458 {strides = array<i32>} : memref<8x128xf32, #tpu.memory_space<vmem>>, vector<1x16xf32>,
    %eq3A_1459 = arith.cmpf oeq, %div3A_1248, %select_n3A_1276 : vector<16xf32>
    %jit3A_1460 = arith.constant 1.000000e+00 : f32
    %jit3A_1461 = arith.constant 0.000000e+00 : f32
    %broadcast_in_dim3A_1462 = vector.broadcast %jit3A_1460 : f32 to vector<16xf32>
    %broadcast_in_dim3A_1463 = vector.broadcast %jit3A_1461 : f32 to vector<16xf32>
    %select_n3A_1464 = arith.select %eq3A_1459, %broadcast_in_dim3A_1462, %broadcast_in_dim3A_1463 : vector<16xi1>, vector<16xf32>
    %eq3A_1465 = arith.cmpf oeq, %div3A_1248, %select_n3A_1275 : vector<16xf32>
    %jit3A_1466 = arith.constant 1.000000e+00 : f32
    %jit3A_1467 = arith.constant 0.000000e+00 : f32
    %broadcast_in_dim3A_1468 = vector.broadcast %jit3A_1466 : f32 to vector<16xf32>
    %broadcast_in_dim3A_1469 = vector.broadcast %jit3A_1467 : f32 to vector<16xf32>
    %select_n3A_1470 = arith.select %eq3A_1465, %broadcast_in_dim3A_1468, %broadcast_in_dim3A_1469 : vector<16xi1>, vector<16xf32>
    %sub3A_1471 = arith.constant 1.000000e+00 : f32
    %sub3A_1472 = vector.broadcast %sub3A_1471 : f32 to vector<16xf32>
    %sub3A_1473 = arith.subf %sub3A_1472, %add3A_1447 : vector<16xf32>
    %mul3A_1474 = arith.mulf %select_n3A_1464, %sub3A_1473 : vector<16xf32>
    %sub3A_1475 = arith.constant 1.000000e+00 : f32
    %sub3A_1476 = vector.broadcast %sub3A_1475 : f32 to vector<16xf32>
    %sub3A_1477 = arith.subf %sub3A_1476, %mul3A_1474 : vector<16xf32>
    %mul3A_1478 = arith.mulf %select_n3A_1470, %sub3A_1477 : vector<16xf32>
    %sub3A_1479 = arith.constant 1.000000e+00 : f32
    %sub3A_1480 = vector.broadcast %sub3A_1479 : f32 to vector<16xf32>
    %sub3A_1481 = arith.subf %sub3A_1480, %add3A_1448 : vector<16xf32>
    %mul3A_1482 = arith.mulf %mul3A_1478, %sub3A_1481 : vector<16xf32>
    %add3A_1483 = arith.addf %add3A_1447, %mul3A_1474 : vector<16xf32>
    %add3A_1484 = arith.addf %add3A_1448, %mul3A_1482 : vector<16xf32>
    %add3A_1485 = arith.addf %mul3A_1474, %mul3A_1482 : vector<16xf32>
    %mul3A_1486 = arith.mulf %mul3A_1474, %mul3A_1482 : vector<16xf32>
    %sub3A_1487 = arith.subf %add3A_1485, %mul3A_1486 : vector<16xf32>
    %mul3A_1488 = arith.mulf %div3A_1248, %sub3A_1487 : vector<16xf32>
    %swap3A_1489 = arith.constant 5 : i32
    %swap3A_1490 = arith.index_cast %swap3A_1489 : i32 to index
    %swap3A_1491 = arith.constant 48 : index
    %swap3A_1492 = tpu.vector_load %arg5[%swap3A_1490, %swap3A_1491] {strides = array<i32>} : memref<8x128xf32, #tpu.memory_space<vmem>>, vector<1x16xf32>,
    %swap3A_1493 = vector.shape_cast %swap3A_1492 : vector<1x16xf32> to vector<16xf32>
    %swap3A_1494 = vector.shape_cast %mul3A_1488 : vector<16xf32> to vector<1x16xf32>
    tpu.vector_store %arg5[%swap3A_1490, %swap3A_1491], %swap3A_1494 {strides = array<i32>} : memref<8x128xf32, #tpu.memory_space<vmem>>, vector<1x16xf32>,
    %eq3A_1495 = arith.cmpf oeq, %div3A_1249, %select_n3A_1276 : vector<16xf32>
    %jit3A_1496 = arith.constant 1.000000e+00 : f32
    %jit3A_1497 = arith.constant 0.000000e+00 : f32
    %broadcast_in_dim3A_1498 = vector.broadcast %jit3A_1496 : f32 to vector<16xf32>
    %broadcast_in_dim3A_1499 = vector.broadcast %jit3A_1497 : f32 to vector<16xf32>
    %select_n3A_1500 = arith.select %eq3A_1495, %broadcast_in_dim3A_1498, %broadcast_in_dim3A_1499 : vector<16xi1>, vector<16xf32>
    %eq3A_1501 = arith.cmpf oeq, %div3A_1249, %select_n3A_1275 : vector<16xf32>
    %jit3A_1502 = arith.constant 1.000000e+00 : f32
    %jit3A_1503 = arith.constant 0.000000e+00 : f32
    %broadcast_in_dim3A_1504 = vector.broadcast %jit3A_1502 : f32 to vector<16xf32>
    %broadcast_in_dim3A_1505 = vector.broadcast %jit3A_1503 : f32 to vector<16xf32>
    %select_n3A_1506 = arith.select %eq3A_1501, %broadcast_in_dim3A_1504, %broadcast_in_dim3A_1505 : vector<16xi1>, vector<16xf32>
    %sub3A_1507 = arith.constant 1.000000e+00 : f32
    %sub3A_1508 = vector.broadcast %sub3A_1507 : f32 to vector<16xf32>
    %sub3A_1509 = arith.subf %sub3A_1508, %add3A_1483 : vector<16xf32>
    %mul3A_1510 = arith.mulf %select_n3A_1500, %sub3A_1509 : vector<16xf32>
    %sub3A_1511 = arith.constant 1.000000e+00 : f32
    %sub3A_1512 = vector.broadcast %sub3A_1511 : f32 to vector<16xf32>
    %sub3A_1513 = arith.subf %sub3A_1512, %mul3A_1510 : vector<16xf32>
    %mul3A_1514 = arith.mulf %select_n3A_1506, %sub3A_1513 : vector<16xf32>
    %sub3A_1515 = arith.constant 1.000000e+00 : f32
    %sub3A_1516 = vector.broadcast %sub3A_1515 : f32 to vector<16xf32>
    %sub3A_1517 = arith.subf %sub3A_1516, %add3A_1484 : vector<16xf32>
    %mul3A_1518 = arith.mulf %mul3A_1514, %sub3A_1517 : vector<16xf32>
    %add3A_1519 = arith.addf %add3A_1483, %mul3A_1510 : vector<16xf32>
    %add3A_1520 = arith.addf %add3A_1484, %mul3A_1518 : vector<16xf32>
    %add3A_1521 = arith.addf %mul3A_1510, %mul3A_1518 : vector<16xf32>
    %mul3A_1522 = arith.mulf %mul3A_1510, %mul3A_1518 : vector<16xf32>
    %sub3A_1523 = arith.subf %add3A_1521, %mul3A_1522 : vector<16xf32>
    %mul3A_1524 = arith.mulf %div3A_1249, %sub3A_1523 : vector<16xf32>
    %swap3A_1525 = arith.constant 6 : i32
    %swap3A_1526 = arith.index_cast %swap3A_1525 : i32 to index
    %swap3A_1527 = arith.constant 48 : index
    %swap3A_1528 = tpu.vector_load %arg5[%swap3A_1526, %swap3A_1527] {strides = array<i32>} : memref<8x128xf32, #tpu.memory_space<vmem>>, vector<1x16xf32>,
    %swap3A_1529 = vector.shape_cast %swap3A_1528 : vector<1x16xf32> to vector<16xf32>
    %swap3A_1530 = vector.shape_cast %mul3A_1524 : vector<16xf32> to vector<1x16xf32>
    tpu.vector_store %arg5[%swap3A_1526, %swap3A_1527], %swap3A_1530 {strides = array<i32>} : memref<8x128xf32, #tpu.memory_space<vmem>>, vector<1x16xf32>,
    %eq3A_1531 = arith.cmpf oeq, %div3A_1250, %select_n3A_1276 : vector<16xf32>
    %jit3A_1532 = arith.constant 1.000000e+00 : f32
    %jit3A_1533 = arith.constant 0.000000e+00 : f32
    %broadcast_in_dim3A_1534 = vector.broadcast %jit3A_1532 : f32 to vector<16xf32>
    %broadcast_in_dim3A_1535 = vector.broadcast %jit3A_1533 : f32 to vector<16xf32>
    %select_n3A_1536 = arith.select %eq3A_1531, %broadcast_in_dim3A_1534, %broadcast_in_dim3A_1535 : vector<16xi1>, vector<16xf32>
    %eq3A_1537 = arith.cmpf oeq, %div3A_1250, %select_n3A_1275 : vector<16xf32>
    %jit3A_1538 = arith.constant 1.000000e+00 : f32
    %jit3A_1539 = arith.constant 0.000000e+00 : f32
    %broadcast_in_dim3A_1540 = vector.broadcast %jit3A_1538 : f32 to vector<16xf32>
    %broadcast_in_dim3A_1541 = vector.broadcast %jit3A_1539 : f32 to vector<16xf32>
    %select_n3A_1542 = arith.select %eq3A_1537, %broadcast_in_dim3A_1540, %broadcast_in_dim3A_1541 : vector<16xi1>, vector<16xf32>
    %sub3A_1543 = arith.constant 1.000000e+00 : f32
    %sub3A_1544 = vector.broadcast %sub3A_1543 : f32 to vector<16xf32>
    %sub3A_1545 = arith.subf %sub3A_1544, %add3A_1519 : vector<16xf32>
    %mul3A_1546 = arith.mulf %select_n3A_1536, %sub3A_1545 : vector<16xf32>
    %sub3A_1547 = arith.constant 1.000000e+00 : f32
    %sub3A_1548 = vector.broadcast %sub3A_1547 : f32 to vector<16xf32>
    %sub3A_1549 = arith.subf %sub3A_1548, %mul3A_1546 : vector<16xf32>
    %mul3A_1550 = arith.mulf %select_n3A_1542, %sub3A_1549 : vector<16xf32>
    %sub3A_1551 = arith.constant 1.000000e+00 : f32
    %sub3A_1552 = vector.broadcast %sub3A_1551 : f32 to vector<16xf32>
    %sub3A_1553 = arith.subf %sub3A_1552, %add3A_1520 : vector<16xf32>
    %mul3A_1554 = arith.mulf %mul3A_1550, %sub3A_1553 : vector<16xf32>
    %add3A_1555 = arith.addf %add3A_1519, %mul3A_1546 : vector<16xf32>
    %add3A_1556 = arith.addf %add3A_1520, %mul3A_1554 : vector<16xf32>
    %add3A_1557 = arith.addf %mul3A_1546, %mul3A_1554 : vector<16xf32>
    %mul3A_1558 = arith.mulf %mul3A_1546, %mul3A_1554 : vector<16xf32>
    %sub3A_1559 = arith.subf %add3A_1557, %mul3A_1558 : vector<16xf32>
    %mul3A_1560 = arith.mulf %div3A_1250, %sub3A_1559 : vector<16xf32>
    %swap3A_1561 = arith.constant 7 : i32
    %swap3A_1562 = arith.index_cast %swap3A_1561 : i32 to index
    %swap3A_1563 = arith.constant 48 : index
    %swap3A_1564 = tpu.vector_load %arg5[%swap3A_1562, %swap3A_1563] {strides = array<i32>} : memref<8x128xf32, #tpu.memory_space<vmem>>, vector<1x16xf32>,
    %swap3A_1565 = vector.shape_cast %swap3A_1564 : vector<1x16xf32> to vector<16xf32>
    %swap3A_1566 = vector.shape_cast %mul3A_1560 : vector<16xf32> to vector<1x16xf32>
    tpu.vector_store %arg5[%swap3A_1562, %swap3A_1563], %swap3A_1566 {strides = array<i32>} : memref<8x128xf32, #tpu.memory_space<vmem>>, vector<1x16xf32>,
    %get3A_1567 = arith.constant 0 : i32
    %get3A_1568 = arith.index_cast %get3A_1567 : i32 to index
    %get3A_1569 = arith.constant 64 : index
    %get3A_1570 = tpu.vector_load %arg4[%get3A_1568, %get3A_1569] {strides = array<i32>} : memref<8x128xf32, #tpu.memory_space<vmem>>, vector<1x16xf32>,
    %get3A_1571 = vector.shape_cast %get3A_1570 : vector<1x16xf32> to vector<16xf32>
    %get3A_1572 = arith.constant 1 : i32
    %get3A_1573 = arith.index_cast %get3A_1572 : i32 to index
    %get3A_1574 = arith.constant 64 : index
    %get3A_1575 = tpu.vector_load %arg4[%get3A_1573, %get3A_1574] {strides = array<i32>} : memref<8x128xf32, #tpu.memory_space<vmem>>, vector<1x16xf32>,
    %get3A_1576 = vector.shape_cast %get3A_1575 : vector<1x16xf32> to vector<16xf32>
    %get3A_1577 = arith.constant 2 : i32
    %get3A_1578 = arith.index_cast %get3A_1577 : i32 to index
    %get3A_1579 = arith.constant 64 : index
    %get3A_1580 = tpu.vector_load %arg4[%get3A_1578, %get3A_1579] {strides = array<i32>} : memref<8x128xf32, #tpu.memory_space<vmem>>, vector<1x16xf32>,
    %get3A_1581 = vector.shape_cast %get3A_1580 : vector<1x16xf32> to vector<16xf32>
    %get3A_1582 = arith.constant 3 : i32
    %get3A_1583 = arith.index_cast %get3A_1582 : i32 to index
    %get3A_1584 = arith.constant 64 : index
    %get3A_1585 = tpu.vector_load %arg4[%get3A_1583, %get3A_1584] {strides = array<i32>} : memref<8x128xf32, #tpu.memory_space<vmem>>, vector<1x16xf32>,
    %get3A_1586 = vector.shape_cast %get3A_1585 : vector<1x16xf32> to vector<16xf32>
    %get3A_1587 = arith.constant 4 : i32
    %get3A_1588 = arith.index_cast %get3A_1587 : i32 to index
    %get3A_1589 = arith.constant 64 : index
    %get3A_1590 = tpu.vector_load %arg4[%get3A_1588, %get3A_1589] {strides = array<i32>} : memref<8x128xf32, #tpu.memory_space<vmem>>, vector<1x16xf32>,
    %get3A_1591 = vector.shape_cast %get3A_1590 : vector<1x16xf32> to vector<16xf32>
    %get3A_1592 = arith.constant 5 : i32
    %get3A_1593 = arith.index_cast %get3A_1592 : i32 to index
    %get3A_1594 = arith.constant 64 : index
    %get3A_1595 = tpu.vector_load %arg4[%get3A_1593, %get3A_1594] {strides = array<i32>} : memref<8x128xf32, #tpu.memory_space<vmem>>, vector<1x16xf32>,
    %get3A_1596 = vector.shape_cast %get3A_1595 : vector<1x16xf32> to vector<16xf32>
    %get3A_1597 = arith.constant 6 : i32
    %get3A_1598 = arith.index_cast %get3A_1597 : i32 to index
    %get3A_1599 = arith.constant 64 : index
    %get3A_1600 = tpu.vector_load %arg4[%get3A_1598, %get3A_1599] {strides = array<i32>} : memref<8x128xf32, #tpu.memory_space<vmem>>, vector<1x16xf32>,
    %get3A_1601 = vector.shape_cast %get3A_1600 : vector<1x16xf32> to vector<16xf32>
    %get3A_1602 = arith.constant 7 : i32
    %get3A_1603 = arith.index_cast %get3A_1602 : i32 to index
    %get3A_1604 = arith.constant 64 : index
    %get3A_1605 = tpu.vector_load %arg4[%get3A_1603, %get3A_1604] {strides = array<i32>} : memref<8x128xf32, #tpu.memory_space<vmem>>, vector<1x16xf32>,
    %get3A_1606 = vector.shape_cast %get3A_1605 : vector<1x16xf32> to vector<16xf32>
    %max3A_1607 = arith.maximumf %get3A_1571, %get3A_1576 : vector<16xf32>
    %max3A_1608 = arith.maximumf %max3A_1607, %get3A_1581 : vector<16xf32>
    %max3A_1609 = arith.maximumf %max3A_1608, %get3A_1586 : vector<16xf32>
    %max3A_1610 = arith.maximumf %max3A_1609, %get3A_1591 : vector<16xf32>
    %max3A_1611 = arith.maximumf %max3A_1610, %get3A_1596 : vector<16xf32>
    %max3A_1612 = arith.maximumf %max3A_1611, %get3A_1601 : vector<16xf32>
    %max3A_1613 = arith.maximumf %max3A_1612, %get3A_1606 : vector<16xf32>
    %sub3A_1614 = arith.subf %get3A_1571, %max3A_1613 : vector<16xf32>
    %exp3A_1615 = math.exp %sub3A_1614 : vector<16xf32>
    %sub3A_1616 = arith.subf %get3A_1576, %max3A_1613 : vector<16xf32>
    %exp3A_1617 = math.exp %sub3A_1616 : vector<16xf32>
    %sub3A_1618 = arith.subf %get3A_1581, %max3A_1613 : vector<16xf32>
    %exp3A_1619 = math.exp %sub3A_1618 : vector<16xf32>
    %sub3A_1620 = arith.subf %get3A_1586, %max3A_1613 : vector<16xf32>
    %exp3A_1621 = math.exp %sub3A_1620 : vector<16xf32>
    %sub3A_1622 = arith.subf %get3A_1591, %max3A_1613 : vector<16xf32>
    %exp3A_1623 = math.exp %sub3A_1622 : vector<16xf32>
    %sub3A_1624 = arith.subf %get3A_1596, %max3A_1613 : vector<16xf32>
    %exp3A_1625 = math.exp %sub3A_1624 : vector<16xf32>
    %sub3A_1626 = arith.subf %get3A_1601, %max3A_1613 : vector<16xf32>
    %exp3A_1627 = math.exp %sub3A_1626 : vector<16xf32>
    %sub3A_1628 = arith.subf %get3A_1606, %max3A_1613 : vector<16xf32>
    %exp3A_1629 = math.exp %sub3A_1628 : vector<16xf32>
    %add3A_1630 = arith.addf %exp3A_1615, %exp3A_1617 : vector<16xf32>
    %add3A_1631 = arith.addf %add3A_1630, %exp3A_1619 : vector<16xf32>
    %add3A_1632 = arith.addf %add3A_1631, %exp3A_1621 : vector<16xf32>
    %add3A_1633 = arith.addf %add3A_1632, %exp3A_1623 : vector<16xf32>
    %add3A_1634 = arith.addf %add3A_1633, %exp3A_1625 : vector<16xf32>
    %add3A_1635 = arith.addf %add3A_1634, %exp3A_1627 : vector<16xf32>
    %add3A_1636 = arith.addf %add3A_1635, %exp3A_1629 : vector<16xf32>
    %div3A_1637 = arith.divf %exp3A_1615, %add3A_1636 : vector<16xf32>
    %div3A_1638 = arith.divf %exp3A_1617, %add3A_1636 : vector<16xf32>
    %div3A_1639 = arith.divf %exp3A_1619, %add3A_1636 : vector<16xf32>
    %div3A_1640 = arith.divf %exp3A_1621, %add3A_1636 : vector<16xf32>
    %div3A_1641 = arith.divf %exp3A_1623, %add3A_1636 : vector<16xf32>
    %div3A_1642 = arith.divf %exp3A_1625, %add3A_1636 : vector<16xf32>
    %div3A_1643 = arith.divf %exp3A_1627, %add3A_1636 : vector<16xf32>
    %div3A_1644 = arith.divf %exp3A_1629, %add3A_1636 : vector<16xf32>
    %max3A_1645 = arith.maximumf %div3A_1637, %div3A_1638 : vector<16xf32>
    %min3A_1646 = arith.minimumf %div3A_1637, %div3A_1638 : vector<16xf32>
    %gt3A_1647 = arith.cmpf ogt, %div3A_1639, %max3A_1645 : vector<16xf32>
    %max3A_1648 = arith.maximumf %min3A_1646, %div3A_1639 : vector<16xf32>
    %select_n3A_1649 = arith.select %gt3A_1647, %max3A_1645, %max3A_1648 : vector<16xi1>, vector<16xf32>
    %select_n3A_1650 = arith.select %gt3A_1647, %div3A_1639, %max3A_1645 : vector<16xi1>, vector<16xf32>
    %gt3A_1651 = arith.cmpf ogt, %div3A_1640, %select_n3A_1650 : vector<16xf32>
    %max3A_1652 = arith.maximumf %select_n3A_1649, %div3A_1640 : vector<16xf32>
    %select_n3A_1653 = arith.select %gt3A_1651, %select_n3A_1650, %max3A_1652 : vector<16xi1>, vector<16xf32>
    %select_n3A_1654 = arith.select %gt3A_1651, %div3A_1640, %select_n3A_1650 : vector<16xi1>, vector<16xf32>
    %gt3A_1655 = arith.cmpf ogt, %div3A_1641, %select_n3A_1654 : vector<16xf32>
    %max3A_1656 = arith.maximumf %select_n3A_1653, %div3A_1641 : vector<16xf32>
    %select_n3A_1657 = arith.select %gt3A_1655, %select_n3A_1654, %max3A_1656 : vector<16xi1>, vector<16xf32>
    %select_n3A_1658 = arith.select %gt3A_1655, %div3A_1641, %select_n3A_1654 : vector<16xi1>, vector<16xf32>
    %gt3A_1659 = arith.cmpf ogt, %div3A_1642, %select_n3A_1658 : vector<16xf32>
    %max3A_1660 = arith.maximumf %select_n3A_1657, %div3A_1642 : vector<16xf32>
    %select_n3A_1661 = arith.select %gt3A_1659, %select_n3A_1658, %max3A_1660 : vector<16xi1>, vector<16xf32>
    %select_n3A_1662 = arith.select %gt3A_1659, %div3A_1642, %select_n3A_1658 : vector<16xi1>, vector<16xf32>
    %gt3A_1663 = arith.cmpf ogt, %div3A_1643, %select_n3A_1662 : vector<16xf32>
    %max3A_1664 = arith.maximumf %select_n3A_1661, %div3A_1643 : vector<16xf32>
    %select_n3A_1665 = arith.select %gt3A_1663, %select_n3A_1662, %max3A_1664 : vector<16xi1>, vector<16xf32>
    %select_n3A_1666 = arith.select %gt3A_1663, %div3A_1643, %select_n3A_1662 : vector<16xi1>, vector<16xf32>
    %gt3A_1667 = arith.cmpf ogt, %div3A_1644, %select_n3A_1666 : vector<16xf32>
    %max3A_1668 = arith.maximumf %select_n3A_1665, %div3A_1644 : vector<16xf32>
    %select_n3A_1669 = arith.select %gt3A_1667, %select_n3A_1666, %max3A_1668 : vector<16xi1>, vector<16xf32>
    %select_n3A_1670 = arith.select %gt3A_1667, %div3A_1644, %select_n3A_1666 : vector<16xi1>, vector<16xf32>
    %sub3A_1671 = arith.subf %select_n3A_1670, %select_n3A_1670 : vector<16xf32>
    %sub3A_1672 = arith.subf %select_n3A_1670, %select_n3A_1670 : vector<16xf32>
    %eq3A_1673 = arith.cmpf oeq, %div3A_1637, %select_n3A_1670 : vector<16xf32>
    %jit3A_1674 = arith.constant 1.000000e+00 : f32
    %jit3A_1675 = arith.constant 0.000000e+00 : f32
    %broadcast_in_dim3A_1676 = vector.broadcast %jit3A_1674 : f32 to vector<16xf32>
    %broadcast_in_dim3A_1677 = vector.broadcast %jit3A_1675 : f32 to vector<16xf32>
    %select_n3A_1678 = arith.select %eq3A_1673, %broadcast_in_dim3A_1676, %broadcast_in_dim3A_1677 : vector<16xi1>, vector<16xf32>
    %eq3A_1679 = arith.cmpf oeq, %div3A_1637, %select_n3A_1669 : vector<16xf32>
    %jit3A_1680 = arith.constant 1.000000e+00 : f32
    %jit3A_1681 = arith.constant 0.000000e+00 : f32
    %broadcast_in_dim3A_1682 = vector.broadcast %jit3A_1680 : f32 to vector<16xf32>
    %broadcast_in_dim3A_1683 = vector.broadcast %jit3A_1681 : f32 to vector<16xf32>
    %select_n3A_1684 = arith.select %eq3A_1679, %broadcast_in_dim3A_1682, %broadcast_in_dim3A_1683 : vector<16xi1>, vector<16xf32>
    %sub3A_1685 = arith.constant 1.000000e+00 : f32
    %sub3A_1686 = vector.broadcast %sub3A_1685 : f32 to vector<16xf32>
    %sub3A_1687 = arith.subf %sub3A_1686, %sub3A_1671 : vector<16xf32>
    %mul3A_1688 = arith.mulf %select_n3A_1678, %sub3A_1687 : vector<16xf32>
    %sub3A_1689 = arith.constant 1.000000e+00 : f32
    %sub3A_1690 = vector.broadcast %sub3A_1689 : f32 to vector<16xf32>
    %sub3A_1691 = arith.subf %sub3A_1690, %mul3A_1688 : vector<16xf32>
    %mul3A_1692 = arith.mulf %select_n3A_1684, %sub3A_1691 : vector<16xf32>
    %sub3A_1693 = arith.constant 1.000000e+00 : f32
    %sub3A_1694 = vector.broadcast %sub3A_1693 : f32 to vector<16xf32>
    %sub3A_1695 = arith.subf %sub3A_1694, %sub3A_1672 : vector<16xf32>
    %mul3A_1696 = arith.mulf %mul3A_1692, %sub3A_1695 : vector<16xf32>
    %add3A_1697 = arith.addf %sub3A_1671, %mul3A_1688 : vector<16xf32>
    %add3A_1698 = arith.addf %sub3A_1672, %mul3A_1696 : vector<16xf32>
    %add3A_1699 = arith.addf %mul3A_1688, %mul3A_1696 : vector<16xf32>
    %mul3A_1700 = arith.mulf %mul3A_1688, %mul3A_1696 : vector<16xf32>
    %sub3A_1701 = arith.subf %add3A_1699, %mul3A_1700 : vector<16xf32>
    %mul3A_1702 = arith.mulf %div3A_1637, %sub3A_1701 : vector<16xf32>
    %swap3A_1703 = arith.constant 0 : i32
    %swap3A_1704 = arith.index_cast %swap3A_1703 : i32 to index
    %swap3A_1705 = arith.constant 64 : index
    %swap3A_1706 = tpu.vector_load %arg5[%swap3A_1704, %swap3A_1705] {strides = array<i32>} : memref<8x128xf32, #tpu.memory_space<vmem>>, vector<1x16xf32>,
    %swap3A_1707 = vector.shape_cast %swap3A_1706 : vector<1x16xf32> to vector<16xf32>
    %swap3A_1708 = vector.shape_cast %mul3A_1702 : vector<16xf32> to vector<1x16xf32>
    tpu.vector_store %arg5[%swap3A_1704, %swap3A_1705], %swap3A_1708 {strides = array<i32>} : memref<8x128xf32, #tpu.memory_space<vmem>>, vector<1x16xf32>,
    %eq3A_1709 = arith.cmpf oeq, %div3A_1638, %select_n3A_1670 : vector<16xf32>
    %jit3A_1710 = arith.constant 1.000000e+00 : f32
    %jit3A_1711 = arith.constant 0.000000e+00 : f32
    %broadcast_in_dim3A_1712 = vector.broadcast %jit3A_1710 : f32 to vector<16xf32>
    %broadcast_in_dim3A_1713 = vector.broadcast %jit3A_1711 : f32 to vector<16xf32>
    %select_n3A_1714 = arith.select %eq3A_1709, %broadcast_in_dim3A_1712, %broadcast_in_dim3A_1713 : vector<16xi1>, vector<16xf32>
    %eq3A_1715 = arith.cmpf oeq, %div3A_1638, %select_n3A_1669 : vector<16xf32>
    %jit3A_1716 = arith.constant 1.000000e+00 : f32
    %jit3A_1717 = arith.constant 0.000000e+00 : f32
    %broadcast_in_dim3A_1718 = vector.broadcast %jit3A_1716 : f32 to vector<16xf32>
    %broadcast_in_dim3A_1719 = vector.broadcast %jit3A_1717 : f32 to vector<16xf32>
    %select_n3A_1720 = arith.select %eq3A_1715, %broadcast_in_dim3A_1718, %broadcast_in_dim3A_1719 : vector<16xi1>, vector<16xf32>
    %sub3A_1721 = arith.constant 1.000000e+00 : f32
    %sub3A_1722 = vector.broadcast %sub3A_1721 : f32 to vector<16xf32>
    %sub3A_1723 = arith.subf %sub3A_1722, %add3A_1697 : vector<16xf32>
    %mul3A_1724 = arith.mulf %select_n3A_1714, %sub3A_1723 : vector<16xf32>
    %sub3A_1725 = arith.constant 1.000000e+00 : f32
    %sub3A_1726 = vector.broadcast %sub3A_1725 : f32 to vector<16xf32>
    %sub3A_1727 = arith.subf %sub3A_1726, %mul3A_1724 : vector<16xf32>
    %mul3A_1728 = arith.mulf %select_n3A_1720, %sub3A_1727 : vector<16xf32>
    %sub3A_1729 = arith.constant 1.000000e+00 : f32
    %sub3A_1730 = vector.broadcast %sub3A_1729 : f32 to vector<16xf32>
    %sub3A_1731 = arith.subf %sub3A_1730, %add3A_1698 : vector<16xf32>
    %mul3A_1732 = arith.mulf %mul3A_1728, %sub3A_1731 : vector<16xf32>
    %add3A_1733 = arith.addf %add3A_1697, %mul3A_1724 : vector<16xf32>
    %add3A_1734 = arith.addf %add3A_1698, %mul3A_1732 : vector<16xf32>
    %add3A_1735 = arith.addf %mul3A_1724, %mul3A_1732 : vector<16xf32>
    %mul3A_1736 = arith.mulf %mul3A_1724, %mul3A_1732 : vector<16xf32>
    %sub3A_1737 = arith.subf %add3A_1735, %mul3A_1736 : vector<16xf32>
    %mul3A_1738 = arith.mulf %div3A_1638, %sub3A_1737 : vector<16xf32>
    %swap3A_1739 = arith.constant 1 : i32
    %swap3A_1740 = arith.index_cast %swap3A_1739 : i32 to index
    %swap3A_1741 = arith.constant 64 : index
    %swap3A_1742 = tpu.vector_load %arg5[%swap3A_1740, %swap3A_1741] {strides = array<i32>} : memref<8x128xf32, #tpu.memory_space<vmem>>, vector<1x16xf32>,
    %swap3A_1743 = vector.shape_cast %swap3A_1742 : vector<1x16xf32> to vector<16xf32>
    %swap3A_1744 = vector.shape_cast %mul3A_1738 : vector<16xf32> to vector<1x16xf32>
    tpu.vector_store %arg5[%swap3A_1740, %swap3A_1741], %swap3A_1744 {strides = array<i32>} : memref<8x128xf32, #tpu.memory_space<vmem>>, vector<1x16xf32>,
    %eq3A_1745 = arith.cmpf oeq, %div3A_1639, %select_n3A_1670 : vector<16xf32>
    %jit3A_1746 = arith.constant 1.000000e+00 : f32
    %jit3A_1747 = arith.constant 0.000000e+00 : f32
    %broadcast_in_dim3A_1748 = vector.broadcast %jit3A_1746 : f32 to vector<16xf32>
    %broadcast_in_dim3A_1749 = vector.broadcast %jit3A_1747 : f32 to vector<16xf32>
    %select_n3A_1750 = arith.select %eq3A_1745, %broadcast_in_dim3A_1748, %broadcast_in_dim3A_1749 : vector<16xi1>, vector<16xf32>
    %eq3A_1751 = arith.cmpf oeq, %div3A_1639, %select_n3A_1669 : vector<16xf32>
    %jit3A_1752 = arith.constant 1.000000e+00 : f32
    %jit3A_1753 = arith.constant 0.000000e+00 : f32
    %broadcast_in_dim3A_1754 = vector.broadcast %jit3A_1752 : f32 to vector<16xf32>
    %broadcast_in_dim3A_1755 = vector.broadcast %jit3A_1753 : f32 to vector<16xf32>
    %select_n3A_1756 = arith.select %eq3A_1751, %broadcast_in_dim3A_1754, %broadcast_in_dim3A_1755 : vector<16xi1>, vector<16xf32>
    %sub3A_1757 = arith.constant 1.000000e+00 : f32
    %sub3A_1758 = vector.broadcast %sub3A_1757 : f32 to vector<16xf32>
    %sub3A_1759 = arith.subf %sub3A_1758, %add3A_1733 : vector<16xf32>
    %mul3A_1760 = arith.mulf %select_n3A_1750, %sub3A_1759 : vector<16xf32>
    %sub3A_1761 = arith.constant 1.000000e+00 : f32
    %sub3A_1762 = vector.broadcast %sub3A_1761 : f32 to vector<16xf32>
    %sub3A_1763 = arith.subf %sub3A_1762, %mul3A_1760 : vector<16xf32>
    %mul3A_1764 = arith.mulf %select_n3A_1756, %sub3A_1763 : vector<16xf32>
    %sub3A_1765 = arith.constant 1.000000e+00 : f32
    %sub3A_1766 = vector.broadcast %sub3A_1765 : f32 to vector<16xf32>
    %sub3A_1767 = arith.subf %sub3A_1766, %add3A_1734 : vector<16xf32>
    %mul3A_1768 = arith.mulf %mul3A_1764, %sub3A_1767 : vector<16xf32>
    %add3A_1769 = arith.addf %add3A_1733, %mul3A_1760 : vector<16xf32>
    %add3A_1770 = arith.addf %add3A_1734, %mul3A_1768 : vector<16xf32>
    %add3A_1771 = arith.addf %mul3A_1760, %mul3A_1768 : vector<16xf32>
    %mul3A_1772 = arith.mulf %mul3A_1760, %mul3A_1768 : vector<16xf32>
    %sub3A_1773 = arith.subf %add3A_1771, %mul3A_1772 : vector<16xf32>
    %mul3A_1774 = arith.mulf %div3A_1639, %sub3A_1773 : vector<16xf32>
    %swap3A_1775 = arith.constant 2 : i32
    %swap3A_1776 = arith.index_cast %swap3A_1775 : i32 to index
    %swap3A_1777 = arith.constant 64 : index
    %swap3A_1778 = tpu.vector_load %arg5[%swap3A_1776, %swap3A_1777] {strides = array<i32>} : memref<8x128xf32, #tpu.memory_space<vmem>>, vector<1x16xf32>,
    %swap3A_1779 = vector.shape_cast %swap3A_1778 : vector<1x16xf32> to vector<16xf32>
    %swap3A_1780 = vector.shape_cast %mul3A_1774 : vector<16xf32> to vector<1x16xf32>
    tpu.vector_store %arg5[%swap3A_1776, %swap3A_1777], %swap3A_1780 {strides = array<i32>} : memref<8x128xf32, #tpu.memory_space<vmem>>, vector<1x16xf32>,
    %eq3A_1781 = arith.cmpf oeq, %div3A_1640, %select_n3A_1670 : vector<16xf32>
    %jit3A_1782 = arith.constant 1.000000e+00 : f32
    %jit3A_1783 = arith.constant 0.000000e+00 : f32
    %broadcast_in_dim3A_1784 = vector.broadcast %jit3A_1782 : f32 to vector<16xf32>
    %broadcast_in_dim3A_1785 = vector.broadcast %jit3A_1783 : f32 to vector<16xf32>
    %select_n3A_1786 = arith.select %eq3A_1781, %broadcast_in_dim3A_1784, %broadcast_in_dim3A_1785 : vector<16xi1>, vector<16xf32>
    %eq3A_1787 = arith.cmpf oeq, %div3A_1640, %select_n3A_1669 : vector<16xf32>
    %jit3A_1788 = arith.constant 1.000000e+00 : f32
    %jit3A_1789 = arith.constant 0.000000e+00 : f32
    %broadcast_in_dim3A_1790 = vector.broadcast %jit3A_1788 : f32 to vector<16xf32>
    %broadcast_in_dim3A_1791 = vector.broadcast %jit3A_1789 : f32 to vector<16xf32>
    %select_n3A_1792 = arith.select %eq3A_1787, %broadcast_in_dim3A_1790, %broadcast_in_dim3A_1791 : vector<16xi1>, vector<16xf32>
    %sub3A_1793 = arith.constant 1.000000e+00 : f32
    %sub3A_1794 = vector.broadcast %sub3A_1793 : f32 to vector<16xf32>
    %sub3A_1795 = arith.subf %sub3A_1794, %add3A_1769 : vector<16xf32>
    %mul3A_1796 = arith.mulf %select_n3A_1786, %sub3A_1795 : vector<16xf32>
    %sub3A_1797 = arith.constant 1.000000e+00 : f32
    %sub3A_1798 = vector.broadcast %sub3A_1797 : f32 to vector<16xf32>
    %sub3A_1799 = arith.subf %sub3A_1798, %mul3A_1796 : vector<16xf32>
    %mul3A_1800 = arith.mulf %select_n3A_1792, %sub3A_1799 : vector<16xf32>
    %sub3A_1801 = arith.constant 1.000000e+00 : f32
    %sub3A_1802 = vector.broadcast %sub3A_1801 : f32 to vector<16xf32>
    %sub3A_1803 = arith.subf %sub3A_1802, %add3A_1770 : vector<16xf32>
    %mul3A_1804 = arith.mulf %mul3A_1800, %sub3A_1803 : vector<16xf32>
    %add3A_1805 = arith.addf %add3A_1769, %mul3A_1796 : vector<16xf32>
    %add3A_1806 = arith.addf %add3A_1770, %mul3A_1804 : vector<16xf32>
    %add3A_1807 = arith.addf %mul3A_1796, %mul3A_1804 : vector<16xf32>
    %mul3A_1808 = arith.mulf %mul3A_1796, %mul3A_1804 : vector<16xf32>
    %sub3A_1809 = arith.subf %add3A_1807, %mul3A_1808 : vector<16xf32>
    %mul3A_1810 = arith.mulf %div3A_1640, %sub3A_1809 : vector<16xf32>
    %swap3A_1811 = arith.constant 3 : i32
    %swap3A_1812 = arith.index_cast %swap3A_1811 : i32 to index
    %swap3A_1813 = arith.constant 64 : index
    %swap3A_1814 = tpu.vector_load %arg5[%swap3A_1812, %swap3A_1813] {strides = array<i32>} : memref<8x128xf32, #tpu.memory_space<vmem>>, vector<1x16xf32>,
    %swap3A_1815 = vector.shape_cast %swap3A_1814 : vector<1x16xf32> to vector<16xf32>
    %swap3A_1816 = vector.shape_cast %mul3A_1810 : vector<16xf32> to vector<1x16xf32>
    tpu.vector_store %arg5[%swap3A_1812, %swap3A_1813], %swap3A_1816 {strides = array<i32>} : memref<8x128xf32, #tpu.memory_space<vmem>>, vector<1x16xf32>,
    %eq3A_1817 = arith.cmpf oeq, %div3A_1641, %select_n3A_1670 : vector<16xf32>
    %jit3A_1818 = arith.constant 1.000000e+00 : f32
    %jit3A_1819 = arith.constant 0.000000e+00 : f32
    %broadcast_in_dim3A_1820 = vector.broadcast %jit3A_1818 : f32 to vector<16xf32>
    %broadcast_in_dim3A_1821 = vector.broadcast %jit3A_1819 : f32 to vector<16xf32>
    %select_n3A_1822 = arith.select %eq3A_1817, %broadcast_in_dim3A_1820, %broadcast_in_dim3A_1821 : vector<16xi1>, vector<16xf32>
    %eq3A_1823 = arith.cmpf oeq, %div3A_1641, %select_n3A_1669 : vector<16xf32>
    %jit3A_1824 = arith.constant 1.000000e+00 : f32
    %jit3A_1825 = arith.constant 0.000000e+00 : f32
    %broadcast_in_dim3A_1826 = vector.broadcast %jit3A_1824 : f32 to vector<16xf32>
    %broadcast_in_dim3A_1827 = vector.broadcast %jit3A_1825 : f32 to vector<16xf32>
    %select_n3A_1828 = arith.select %eq3A_1823, %broadcast_in_dim3A_1826, %broadcast_in_dim3A_1827 : vector<16xi1>, vector<16xf32>
    %sub3A_1829 = arith.constant 1.000000e+00 : f32
    %sub3A_1830 = vector.broadcast %sub3A_1829 : f32 to vector<16xf32>
    %sub3A_1831 = arith.subf %sub3A_1830, %add3A_1805 : vector<16xf32>
    %mul3A_1832 = arith.mulf %select_n3A_1822, %sub3A_1831 : vector<16xf32>
    %sub3A_1833 = arith.constant 1.000000e+00 : f32
    %sub3A_1834 = vector.broadcast %sub3A_1833 : f32 to vector<16xf32>
    %sub3A_1835 = arith.subf %sub3A_1834, %mul3A_1832 : vector<16xf32>
    %mul3A_1836 = arith.mulf %select_n3A_1828, %sub3A_1835 : vector<16xf32>
    %sub3A_1837 = arith.constant 1.000000e+00 : f32
    %sub3A_1838 = vector.broadcast %sub3A_1837 : f32 to vector<16xf32>
    %sub3A_1839 = arith.subf %sub3A_1838, %add3A_1806 : vector<16xf32>
    %mul3A_1840 = arith.mulf %mul3A_1836, %sub3A_1839 : vector<16xf32>
    %add3A_1841 = arith.addf %add3A_1805, %mul3A_1832 : vector<16xf32>
    %add3A_1842 = arith.addf %add3A_1806, %mul3A_1840 : vector<16xf32>
    %add3A_1843 = arith.addf %mul3A_1832, %mul3A_1840 : vector<16xf32>
    %mul3A_1844 = arith.mulf %mul3A_1832, %mul3A_1840 : vector<16xf32>
    %sub3A_1845 = arith.subf %add3A_1843, %mul3A_1844 : vector<16xf32>
    %mul3A_1846 = arith.mulf %div3A_1641, %sub3A_1845 : vector<16xf32>
    %swap3A_1847 = arith.constant 4 : i32
    %swap3A_1848 = arith.index_cast %swap3A_1847 : i32 to index
    %swap3A_1849 = arith.constant 64 : index
    %swap3A_1850 = tpu.vector_load %arg5[%swap3A_1848, %swap3A_1849] {strides = array<i32>} : memref<8x128xf32, #tpu.memory_space<vmem>>, vector<1x16xf32>,
    %swap3A_1851 = vector.shape_cast %swap3A_1850 : vector<1x16xf32> to vector<16xf32>
    %swap3A_1852 = vector.shape_cast %mul3A_1846 : vector<16xf32> to vector<1x16xf32>
    tpu.vector_store %arg5[%swap3A_1848, %swap3A_1849], %swap3A_1852 {strides = array<i32>} : memref<8x128xf32, #tpu.memory_space<vmem>>, vector<1x16xf32>,
    %eq3A_1853 = arith.cmpf oeq, %div3A_1642, %select_n3A_1670 : vector<16xf32>
    %jit3A_1854 = arith.constant 1.000000e+00 : f32
    %jit3A_1855 = arith.constant 0.000000e+00 : f32
    %broadcast_in_dim3A_1856 = vector.broadcast %jit3A_1854 : f32 to vector<16xf32>
    %broadcast_in_dim3A_1857 = vector.broadcast %jit3A_1855 : f32 to vector<16xf32>
    %select_n3A_1858 = arith.select %eq3A_1853, %broadcast_in_dim3A_1856, %broadcast_in_dim3A_1857 : vector<16xi1>, vector<16xf32>
    %eq3A_1859 = arith.cmpf oeq, %div3A_1642, %select_n3A_1669 : vector<16xf32>
    %jit3A_1860 = arith.constant 1.000000e+00 : f32
    %jit3A_1861 = arith.constant 0.000000e+00 : f32
    %broadcast_in_dim3A_1862 = vector.broadcast %jit3A_1860 : f32 to vector<16xf32>
    %broadcast_in_dim3A_1863 = vector.broadcast %jit3A_1861 : f32 to vector<16xf32>
    %select_n3A_1864 = arith.select %eq3A_1859, %broadcast_in_dim3A_1862, %broadcast_in_dim3A_1863 : vector<16xi1>, vector<16xf32>
    %sub3A_1865 = arith.constant 1.000000e+00 : f32
    %sub3A_1866 = vector.broadcast %sub3A_1865 : f32 to vector<16xf32>
    %sub3A_1867 = arith.subf %sub3A_1866, %add3A_1841 : vector<16xf32>
    %mul3A_1868 = arith.mulf %select_n3A_1858, %sub3A_1867 : vector<16xf32>
    %sub3A_1869 = arith.constant 1.000000e+00 : f32
    %sub3A_1870 = vector.broadcast %sub3A_1869 : f32 to vector<16xf32>
    %sub3A_1871 = arith.subf %sub3A_1870, %mul3A_1868 : vector<16xf32>
    %mul3A_1872 = arith.mulf %select_n3A_1864, %sub3A_1871 : vector<16xf32>
    %sub3A_1873 = arith.constant 1.000000e+00 : f32
    %sub3A_1874 = vector.broadcast %sub3A_1873 : f32 to vector<16xf32>
    %sub3A_1875 = arith.subf %sub3A_1874, %add3A_1842 : vector<16xf32>
    %mul3A_1876 = arith.mulf %mul3A_1872, %sub3A_1875 : vector<16xf32>
    %add3A_1877 = arith.addf %add3A_1841, %mul3A_1868 : vector<16xf32>
    %add3A_1878 = arith.addf %add3A_1842, %mul3A_1876 : vector<16xf32>
    %add3A_1879 = arith.addf %mul3A_1868, %mul3A_1876 : vector<16xf32>
    %mul3A_1880 = arith.mulf %mul3A_1868, %mul3A_1876 : vector<16xf32>
    %sub3A_1881 = arith.subf %add3A_1879, %mul3A_1880 : vector<16xf32>
    %mul3A_1882 = arith.mulf %div3A_1642, %sub3A_1881 : vector<16xf32>
    %swap3A_1883 = arith.constant 5 : i32
    %swap3A_1884 = arith.index_cast %swap3A_1883 : i32 to index
    %swap3A_1885 = arith.constant 64 : index
    %swap3A_1886 = tpu.vector_load %arg5[%swap3A_1884, %swap3A_1885] {strides = array<i32>} : memref<8x128xf32, #tpu.memory_space<vmem>>, vector<1x16xf32>,
    %swap3A_1887 = vector.shape_cast %swap3A_1886 : vector<1x16xf32> to vector<16xf32>
    %swap3A_1888 = vector.shape_cast %mul3A_1882 : vector<16xf32> to vector<1x16xf32>
    tpu.vector_store %arg5[%swap3A_1884, %swap3A_1885], %swap3A_1888 {strides = array<i32>} : memref<8x128xf32, #tpu.memory_space<vmem>>, vector<1x16xf32>,
    %eq3A_1889 = arith.cmpf oeq, %div3A_1643, %select_n3A_1670 : vector<16xf32>
    %jit3A_1890 = arith.constant 1.000000e+00 : f32
    %jit3A_1891 = arith.constant 0.000000e+00 : f32
    %broadcast_in_dim3A_1892 = vector.broadcast %jit3A_1890 : f32 to vector<16xf32>
    %broadcast_in_dim3A_1893 = vector.broadcast %jit3A_1891 : f32 to vector<16xf32>
    %select_n3A_1894 = arith.select %eq3A_1889, %broadcast_in_dim3A_1892, %broadcast_in_dim3A_1893 : vector<16xi1>, vector<16xf32>
    %eq3A_1895 = arith.cmpf oeq, %div3A_1643, %select_n3A_1669 : vector<16xf32>
    %jit3A_1896 = arith.constant 1.000000e+00 : f32
    %jit3A_1897 = arith.constant 0.000000e+00 : f32
    %broadcast_in_dim3A_1898 = vector.broadcast %jit3A_1896 : f32 to vector<16xf32>
    %broadcast_in_dim3A_1899 = vector.broadcast %jit3A_1897 : f32 to vector<16xf32>
    %select_n3A_1900 = arith.select %eq3A_1895, %broadcast_in_dim3A_1898, %broadcast_in_dim3A_1899 : vector<16xi1>, vector<16xf32>
    %sub3A_1901 = arith.constant 1.000000e+00 : f32
    %sub3A_1902 = vector.broadcast %sub3A_1901 : f32 to vector<16xf32>
    %sub3A_1903 = arith.subf %sub3A_1902, %add3A_1877 : vector<16xf32>
    %mul3A_1904 = arith.mulf %select_n3A_1894, %sub3A_1903 : vector<16xf32>
    %sub3A_1905 = arith.constant 1.000000e+00 : f32
    %sub3A_1906 = vector.broadcast %sub3A_1905 : f32 to vector<16xf32>
    %sub3A_1907 = arith.subf %sub3A_1906, %mul3A_1904 : vector<16xf32>
    %mul3A_1908 = arith.mulf %select_n3A_1900, %sub3A_1907 : vector<16xf32>
    %sub3A_1909 = arith.constant 1.000000e+00 : f32
    %sub3A_1910 = vector.broadcast %sub3A_1909 : f32 to vector<16xf32>
    %sub3A_1911 = arith.subf %sub3A_1910, %add3A_1878 : vector<16xf32>
    %mul3A_1912 = arith.mulf %mul3A_1908, %sub3A_1911 : vector<16xf32>
    %add3A_1913 = arith.addf %add3A_1877, %mul3A_1904 : vector<16xf32>
    %add3A_1914 = arith.addf %add3A_1878, %mul3A_1912 : vector<16xf32>
    %add3A_1915 = arith.addf %mul3A_1904, %mul3A_1912 : vector<16xf32>
    %mul3A_1916 = arith.mulf %mul3A_1904, %mul3A_1912 : vector<16xf32>
    %sub3A_1917 = arith.subf %add3A_1915, %mul3A_1916 : vector<16xf32>
    %mul3A_1918 = arith.mulf %div3A_1643, %sub3A_1917 : vector<16xf32>
    %swap3A_1919 = arith.constant 6 : i32
    %swap3A_1920 = arith.index_cast %swap3A_1919 : i32 to index
    %swap3A_1921 = arith.constant 64 : index
    %swap3A_1922 = tpu.vector_load %arg5[%swap3A_1920, %swap3A_1921] {strides = array<i32>} : memref<8x128xf32, #tpu.memory_space<vmem>>, vector<1x16xf32>,
    %swap3A_1923 = vector.shape_cast %swap3A_1922 : vector<1x16xf32> to vector<16xf32>
    %swap3A_1924 = vector.shape_cast %mul3A_1918 : vector<16xf32> to vector<1x16xf32>
    tpu.vector_store %arg5[%swap3A_1920, %swap3A_1921], %swap3A_1924 {strides = array<i32>} : memref<8x128xf32, #tpu.memory_space<vmem>>, vector<1x16xf32>,
    %eq3A_1925 = arith.cmpf oeq, %div3A_1644, %select_n3A_1670 : vector<16xf32>
    %jit3A_1926 = arith.constant 1.000000e+00 : f32
    %jit3A_1927 = arith.constant 0.000000e+00 : f32
    %broadcast_in_dim3A_1928 = vector.broadcast %jit3A_1926 : f32 to vector<16xf32>
    %broadcast_in_dim3A_1929 = vector.broadcast %jit3A_1927 : f32 to vector<16xf32>
    %select_n3A_1930 = arith.select %eq3A_1925, %broadcast_in_dim3A_1928, %broadcast_in_dim3A_1929 : vector<16xi1>, vector<16xf32>
    %eq3A_1931 = arith.cmpf oeq, %div3A_1644, %select_n3A_1669 : vector<16xf32>
    %jit3A_1932 = arith.constant 1.000000e+00 : f32
    %jit3A_1933 = arith.constant 0.000000e+00 : f32
    %broadcast_in_dim3A_1934 = vector.broadcast %jit3A_1932 : f32 to vector<16xf32>
    %broadcast_in_dim3A_1935 = vector.broadcast %jit3A_1933 : f32 to vector<16xf32>
    %select_n3A_1936 = arith.select %eq3A_1931, %broadcast_in_dim3A_1934, %broadcast_in_dim3A_1935 : vector<16xi1>, vector<16xf32>
    %sub3A_1937 = arith.constant 1.000000e+00 : f32
    %sub3A_1938 = vector.broadcast %sub3A_1937 : f32 to vector<16xf32>
    %sub3A_1939 = arith.subf %sub3A_1938, %add3A_1913 : vector<16xf32>
    %mul3A_1940 = arith.mulf %select_n3A_1930, %sub3A_1939 : vector<16xf32>
    %sub3A_1941 = arith.constant 1.000000e+00 : f32
    %sub3A_1942 = vector.broadcast %sub3A_1941 : f32 to vector<16xf32>
    %sub3A_1943 = arith.subf %sub3A_1942, %mul3A_1940 : vector<16xf32>
    %mul3A_1944 = arith.mulf %select_n3A_1936, %sub3A_1943 : vector<16xf32>
    %sub3A_1945 = arith.constant 1.000000e+00 : f32
    %sub3A_1946 = vector.broadcast %sub3A_1945 : f32 to vector<16xf32>
    %sub3A_1947 = arith.subf %sub3A_1946, %add3A_1914 : vector<16xf32>
    %mul3A_1948 = arith.mulf %mul3A_1944, %sub3A_1947 : vector<16xf32>
    %add3A_1949 = arith.addf %add3A_1913, %mul3A_1940 : vector<16xf32>
    %add3A_1950 = arith.addf %add3A_1914, %mul3A_1948 : vector<16xf32>
    %add3A_1951 = arith.addf %mul3A_1940, %mul3A_1948 : vector<16xf32>
    %mul3A_1952 = arith.mulf %mul3A_1940, %mul3A_1948 : vector<16xf32>
    %sub3A_1953 = arith.subf %add3A_1951, %mul3A_1952 : vector<16xf32>
    %mul3A_1954 = arith.mulf %div3A_1644, %sub3A_1953 : vector<16xf32>
    %swap3A_1955 = arith.constant 7 : i32
    %swap3A_1956 = arith.index_cast %swap3A_1955 : i32 to index
    %swap3A_1957 = arith.constant 64 : index
    %swap3A_1958 = tpu.vector_load %arg5[%swap3A_1956, %swap3A_1957] {strides = array<i32>} : memref<8x128xf32, #tpu.memory_space<vmem>>, vector<1x16xf32>,
    %swap3A_1959 = vector.shape_cast %swap3A_1958 : vector<1x16xf32> to vector<16xf32>
    %swap3A_1960 = vector.shape_cast %mul3A_1954 : vector<16xf32> to vector<1x16xf32>
    tpu.vector_store %arg5[%swap3A_1956, %swap3A_1957], %swap3A_1960 {strides = array<i32>} : memref<8x128xf32, #tpu.memory_space<vmem>>, vector<1x16xf32>,
    %get3A_1961 = arith.constant 0 : i32
    %get3A_1962 = arith.index_cast %get3A_1961 : i32 to index
    %get3A_1963 = arith.constant 80 : index
    %get3A_1964 = tpu.vector_load %arg4[%get3A_1962, %get3A_1963] {strides = array<i32>} : memref<8x128xf32, #tpu.memory_space<vmem>>, vector<1x16xf32>,
    %get3A_1965 = vector.shape_cast %get3A_1964 : vector<1x16xf32> to vector<16xf32>
    %get3A_1966 = arith.constant 1 : i32
    %get3A_1967 = arith.index_cast %get3A_1966 : i32 to index
    %get3A_1968 = arith.constant 80 : index
    %get3A_1969 = tpu.vector_load %arg4[%get3A_1967, %get3A_1968] {strides = array<i32>} : memref<8x128xf32, #tpu.memory_space<vmem>>, vector<1x16xf32>,
    %get3A_1970 = vector.shape_cast %get3A_1969 : vector<1x16xf32> to vector<16xf32>
    %get3A_1971 = arith.constant 2 : i32
    %get3A_1972 = arith.index_cast %get3A_1971 : i32 to index
    %get3A_1973 = arith.constant 80 : index
    %get3A_1974 = tpu.vector_load %arg4[%get3A_1972, %get3A_1973] {strides = array<i32>} : memref<8x128xf32, #tpu.memory_space<vmem>>, vector<1x16xf32>,
    %get3A_1975 = vector.shape_cast %get3A_1974 : vector<1x16xf32> to vector<16xf32>
    %get3A_1976 = arith.constant 3 : i32
    %get3A_1977 = arith.index_cast %get3A_1976 : i32 to index
    %get3A_1978 = arith.constant 80 : index
    %get3A_1979 = tpu.vector_load %arg4[%get3A_1977, %get3A_1978] {strides = array<i32>} : memref<8x128xf32, #tpu.memory_space<vmem>>, vector<1x16xf32>,
    %get3A_1980 = vector.shape_cast %get3A_1979 : vector<1x16xf32> to vector<16xf32>
    %get3A_1981 = arith.constant 4 : i32
    %get3A_1982 = arith.index_cast %get3A_1981 : i32 to index
    %get3A_1983 = arith.constant 80 : index
    %get3A_1984 = tpu.vector_load %arg4[%get3A_1982, %get3A_1983] {strides = array<i32>} : memref<8x128xf32, #tpu.memory_space<vmem>>, vector<1x16xf32>,
    %get3A_1985 = vector.shape_cast %get3A_1984 : vector<1x16xf32> to vector<16xf32>
    %get3A_1986 = arith.constant 5 : i32
    %get3A_1987 = arith.index_cast %get3A_1986 : i32 to index
    %get3A_1988 = arith.constant 80 : index
    %get3A_1989 = tpu.vector_load %arg4[%get3A_1987, %get3A_1988] {strides = array<i32>} : memref<8x128xf32, #tpu.memory_space<vmem>>, vector<1x16xf32>,
    %get3A_1990 = vector.shape_cast %get3A_1989 : vector<1x16xf32> to vector<16xf32>
    %get3A_1991 = arith.constant 6 : i32
    %get3A_1992 = arith.index_cast %get3A_1991 : i32 to index
    %get3A_1993 = arith.constant 80 : index
    %get3A_1994 = tpu.vector_load %arg4[%get3A_1992, %get3A_1993] {strides = array<i32>} : memref<8x128xf32, #tpu.memory_space<vmem>>, vector<1x16xf32>,
    %get3A_1995 = vector.shape_cast %get3A_1994 : vector<1x16xf32> to vector<16xf32>
    %get3A_1996 = arith.constant 7 : i32
    %get3A_1997 = arith.index_cast %get3A_1996 : i32 to index
    %get3A_1998 = arith.constant 80 : index
    %get3A_1999 = tpu.vector_load %arg4[%get3A_1997, %get3A_1998] {strides = array<i32>} : memref<8x128xf32, #tpu.memory_space<vmem>>, vector<1x16xf32>,
    %get3A_2000 = vector.shape_cast %get3A_1999 : vector<1x16xf32> to vector<16xf32>
    %max3A_2001 = arith.maximumf %get3A_1965, %get3A_1970 : vector<16xf32>
    %max3A_2002 = arith.maximumf %max3A_2001, %get3A_1975 : vector<16xf32>
    %max3A_2003 = arith.maximumf %max3A_2002, %get3A_1980 : vector<16xf32>
    %max3A_2004 = arith.maximumf %max3A_2003, %get3A_1985 : vector<16xf32>
    %max3A_2005 = arith.maximumf %max3A_2004, %get3A_1990 : vector<16xf32>
    %max3A_2006 = arith.maximumf %max3A_2005, %get3A_1995 : vector<16xf32>
    %max3A_2007 = arith.maximumf %max3A_2006, %get3A_2000 : vector<16xf32>
    %sub3A_2008 = arith.subf %get3A_1965, %max3A_2007 : vector<16xf32>
    %exp3A_2009 = math.exp %sub3A_2008 : vector<16xf32>
    %sub3A_2010 = arith.subf %get3A_1970, %max3A_2007 : vector<16xf32>
    %exp3A_2011 = math.exp %sub3A_2010 : vector<16xf32>
    %sub3A_2012 = arith.subf %get3A_1975, %max3A_2007 : vector<16xf32>
    %exp3A_2013 = math.exp %sub3A_2012 : vector<16xf32>
    %sub3A_2014 = arith.subf %get3A_1980, %max3A_2007 : vector<16xf32>
    %exp3A_2015 = math.exp %sub3A_2014 : vector<16xf32>
    %sub3A_2016 = arith.subf %get3A_1985, %max3A_2007 : vector<16xf32>
    %exp3A_2017 = math.exp %sub3A_2016 : vector<16xf32>
    %sub3A_2018 = arith.subf %get3A_1990, %max3A_2007 : vector<16xf32>
    %exp3A_2019 = math.exp %sub3A_2018 : vector<16xf32>
    %sub3A_2020 = arith.subf %get3A_1995, %max3A_2007 : vector<16xf32>
    %exp3A_2021 = math.exp %sub3A_2020 : vector<16xf32>
    %sub3A_2022 = arith.subf %get3A_2000, %max3A_2007 : vector<16xf32>
    %exp3A_2023 = math.exp %sub3A_2022 : vector<16xf32>
    %add3A_2024 = arith.addf %exp3A_2009, %exp3A_2011 : vector<16xf32>
    %add3A_2025 = arith.addf %add3A_2024, %exp3A_2013 : vector<16xf32>
    %add3A_2026 = arith.addf %add3A_2025, %exp3A_2015 : vector<16xf32>
    %add3A_2027 = arith.addf %add3A_2026, %exp3A_2017 : vector<16xf32>
    %add3A_2028 = arith.addf %add3A_2027, %exp3A_2019 : vector<16xf32>
    %add3A_2029 = arith.addf %add3A_2028, %exp3A_2021 : vector<16xf32>
    %add3A_2030 = arith.addf %add3A_2029, %exp3A_2023 : vector<16xf32>
    %div3A_2031 = arith.divf %exp3A_2009, %add3A_2030 : vector<16xf32>
    %div3A_2032 = arith.divf %exp3A_2011, %add3A_2030 : vector<16xf32>
    %div3A_2033 = arith.divf %exp3A_2013, %add3A_2030 : vector<16xf32>
    %div3A_2034 = arith.divf %exp3A_2015, %add3A_2030 : vector<16xf32>
    %div3A_2035 = arith.divf %exp3A_2017, %add3A_2030 : vector<16xf32>
    %div3A_2036 = arith.divf %exp3A_2019, %add3A_2030 : vector<16xf32>
    %div3A_2037 = arith.divf %exp3A_2021, %add3A_2030 : vector<16xf32>
    %div3A_2038 = arith.divf %exp3A_2023, %add3A_2030 : vector<16xf32>
    %max3A_2039 = arith.maximumf %div3A_2031, %div3A_2032 : vector<16xf32>
    %min3A_2040 = arith.minimumf %div3A_2031, %div3A_2032 : vector<16xf32>
    %gt3A_2041 = arith.cmpf ogt, %div3A_2033, %max3A_2039 : vector<16xf32>
    %max3A_2042 = arith.maximumf %min3A_2040, %div3A_2033 : vector<16xf32>
    %select_n3A_2043 = arith.select %gt3A_2041, %max3A_2039, %max3A_2042 : vector<16xi1>, vector<16xf32>
    %select_n3A_2044 = arith.select %gt3A_2041, %div3A_2033, %max3A_2039 : vector<16xi1>, vector<16xf32>
    %gt3A_2045 = arith.cmpf ogt, %div3A_2034, %select_n3A_2044 : vector<16xf32>
    %max3A_2046 = arith.maximumf %select_n3A_2043, %div3A_2034 : vector<16xf32>
    %select_n3A_2047 = arith.select %gt3A_2045, %select_n3A_2044, %max3A_2046 : vector<16xi1>, vector<16xf32>
    %select_n3A_2048 = arith.select %gt3A_2045, %div3A_2034, %select_n3A_2044 : vector<16xi1>, vector<16xf32>
    %gt3A_2049 = arith.cmpf ogt, %div3A_2035, %select_n3A_2048 : vector<16xf32>
    %max3A_2050 = arith.maximumf %select_n3A_2047, %div3A_2035 : vector<16xf32>
    %select_n3A_2051 = arith.select %gt3A_2049, %select_n3A_2048, %max3A_2050 : vector<16xi1>, vector<16xf32>
    %select_n3A_2052 = arith.select %gt3A_2049, %div3A_2035, %select_n3A_2048 : vector<16xi1>, vector<16xf32>
    %gt3A_2053 = arith.cmpf ogt, %div3A_2036, %select_n3A_2052 : vector<16xf32>
    %max3A_2054 = arith.maximumf %select_n3A_2051, %div3A_2036 : vector<16xf32>
    %select_n3A_2055 = arith.select %gt3A_2053, %select_n3A_2052, %max3A_2054 : vector<16xi1>, vector<16xf32>
    %select_n3A_2056 = arith.select %gt3A_2053, %div3A_2036, %select_n3A_2052 : vector<16xi1>, vector<16xf32>
    %gt3A_2057 = arith.cmpf ogt, %div3A_2037, %select_n3A_2056 : vector<16xf32>
    %max3A_2058 = arith.maximumf %select_n3A_2055, %div3A_2037 : vector<16xf32>
    %select_n3A_2059 = arith.select %gt3A_2057, %select_n3A_2056, %max3A_2058 : vector<16xi1>, vector<16xf32>
    %select_n3A_2060 = arith.select %gt3A_2057, %div3A_2037, %select_n3A_2056 : vector<16xi1>, vector<16xf32>
    %gt3A_2061 = arith.cmpf ogt, %div3A_2038, %select_n3A_2060 : vector<16xf32>
    %max3A_2062 = arith.maximumf %select_n3A_2059, %div3A_2038 : vector<16xf32>
    %select_n3A_2063 = arith.select %gt3A_2061, %select_n3A_2060, %max3A_2062 : vector<16xi1>, vector<16xf32>
    %select_n3A_2064 = arith.select %gt3A_2061, %div3A_2038, %select_n3A_2060 : vector<16xi1>, vector<16xf32>
    %sub3A_2065 = arith.subf %select_n3A_2064, %select_n3A_2064 : vector<16xf32>
    %sub3A_2066 = arith.subf %select_n3A_2064, %select_n3A_2064 : vector<16xf32>
    %eq3A_2067 = arith.cmpf oeq, %div3A_2031, %select_n3A_2064 : vector<16xf32>
    %jit3A_2068 = arith.constant 1.000000e+00 : f32
    %jit3A_2069 = arith.constant 0.000000e+00 : f32
    %broadcast_in_dim3A_2070 = vector.broadcast %jit3A_2068 : f32 to vector<16xf32>
    %broadcast_in_dim3A_2071 = vector.broadcast %jit3A_2069 : f32 to vector<16xf32>
    %select_n3A_2072 = arith.select %eq3A_2067, %broadcast_in_dim3A_2070, %broadcast_in_dim3A_2071 : vector<16xi1>, vector<16xf32>
    %eq3A_2073 = arith.cmpf oeq, %div3A_2031, %select_n3A_2063 : vector<16xf32>
    %jit3A_2074 = arith.constant 1.000000e+00 : f32
    %jit3A_2075 = arith.constant 0.000000e+00 : f32
    %broadcast_in_dim3A_2076 = vector.broadcast %jit3A_2074 : f32 to vector<16xf32>
    %broadcast_in_dim3A_2077 = vector.broadcast %jit3A_2075 : f32 to vector<16xf32>
    %select_n3A_2078 = arith.select %eq3A_2073, %broadcast_in_dim3A_2076, %broadcast_in_dim3A_2077 : vector<16xi1>, vector<16xf32>
    %sub3A_2079 = arith.constant 1.000000e+00 : f32
    %sub3A_2080 = vector.broadcast %sub3A_2079 : f32 to vector<16xf32>
    %sub3A_2081 = arith.subf %sub3A_2080, %sub3A_2065 : vector<16xf32>
    %mul3A_2082 = arith.mulf %select_n3A_2072, %sub3A_2081 : vector<16xf32>
    %sub3A_2083 = arith.constant 1.000000e+00 : f32
    %sub3A_2084 = vector.broadcast %sub3A_2083 : f32 to vector<16xf32>
    %sub3A_2085 = arith.subf %sub3A_2084, %mul3A_2082 : vector<16xf32>
    %mul3A_2086 = arith.mulf %select_n3A_2078, %sub3A_2085 : vector<16xf32>
    %sub3A_2087 = arith.constant 1.000000e+00 : f32
    %sub3A_2088 = vector.broadcast %sub3A_2087 : f32 to vector<16xf32>
    %sub3A_2089 = arith.subf %sub3A_2088, %sub3A_2066 : vector<16xf32>
    %mul3A_2090 = arith.mulf %mul3A_2086, %sub3A_2089 : vector<16xf32>
    %add3A_2091 = arith.addf %sub3A_2065, %mul3A_2082 : vector<16xf32>
    %add3A_2092 = arith.addf %sub3A_2066, %mul3A_2090 : vector<16xf32>
    %add3A_2093 = arith.addf %mul3A_2082, %mul3A_2090 : vector<16xf32>
    %mul3A_2094 = arith.mulf %mul3A_2082, %mul3A_2090 : vector<16xf32>
    %sub3A_2095 = arith.subf %add3A_2093, %mul3A_2094 : vector<16xf32>
    %mul3A_2096 = arith.mulf %div3A_2031, %sub3A_2095 : vector<16xf32>
    %swap3A_2097 = arith.constant 0 : i32
    %swap3A_2098 = arith.index_cast %swap3A_2097 : i32 to index
    %swap3A_2099 = arith.constant 80 : index
    %swap3A_2100 = tpu.vector_load %arg5[%swap3A_2098, %swap3A_2099] {strides = array<i32>} : memref<8x128xf32, #tpu.memory_space<vmem>>, vector<1x16xf32>,
    %swap3A_2101 = vector.shape_cast %swap3A_2100 : vector<1x16xf32> to vector<16xf32>
    %swap3A_2102 = vector.shape_cast %mul3A_2096 : vector<16xf32> to vector<1x16xf32>
    tpu.vector_store %arg5[%swap3A_2098, %swap3A_2099], %swap3A_2102 {strides = array<i32>} : memref<8x128xf32, #tpu.memory_space<vmem>>, vector<1x16xf32>,
    %eq3A_2103 = arith.cmpf oeq, %div3A_2032, %select_n3A_2064 : vector<16xf32>
    %jit3A_2104 = arith.constant 1.000000e+00 : f32
    %jit3A_2105 = arith.constant 0.000000e+00 : f32
    %broadcast_in_dim3A_2106 = vector.broadcast %jit3A_2104 : f32 to vector<16xf32>
    %broadcast_in_dim3A_2107 = vector.broadcast %jit3A_2105 : f32 to vector<16xf32>
    %select_n3A_2108 = arith.select %eq3A_2103, %broadcast_in_dim3A_2106, %broadcast_in_dim3A_2107 : vector<16xi1>, vector<16xf32>
    %eq3A_2109 = arith.cmpf oeq, %div3A_2032, %select_n3A_2063 : vector<16xf32>
    %jit3A_2110 = arith.constant 1.000000e+00 : f32
    %jit3A_2111 = arith.constant 0.000000e+00 : f32
    %broadcast_in_dim3A_2112 = vector.broadcast %jit3A_2110 : f32 to vector<16xf32>
    %broadcast_in_dim3A_2113 = vector.broadcast %jit3A_2111 : f32 to vector<16xf32>
    %select_n3A_2114 = arith.select %eq3A_2109, %broadcast_in_dim3A_2112, %broadcast_in_dim3A_2113 : vector<16xi1>, vector<16xf32>
    %sub3A_2115 = arith.constant 1.000000e+00 : f32
    %sub3A_2116 = vector.broadcast %sub3A_2115 : f32 to vector<16xf32>
    %sub3A_2117 = arith.subf %sub3A_2116, %add3A_2091 : vector<16xf32>
    %mul3A_2118 = arith.mulf %select_n3A_2108, %sub3A_2117 : vector<16xf32>
    %sub3A_2119 = arith.constant 1.000000e+00 : f32
    %sub3A_2120 = vector.broadcast %sub3A_2119 : f32 to vector<16xf32>
    %sub3A_2121 = arith.subf %sub3A_2120, %mul3A_2118 : vector<16xf32>
    %mul3A_2122 = arith.mulf %select_n3A_2114, %sub3A_2121 : vector<16xf32>
    %sub3A_2123 = arith.constant 1.000000e+00 : f32
    %sub3A_2124 = vector.broadcast %sub3A_2123 : f32 to vector<16xf32>
    %sub3A_2125 = arith.subf %sub3A_2124, %add3A_2092 : vector<16xf32>
    %mul3A_2126 = arith.mulf %mul3A_2122, %sub3A_2125 : vector<16xf32>
    %add3A_2127 = arith.addf %add3A_2091, %mul3A_2118 : vector<16xf32>
    %add3A_2128 = arith.addf %add3A_2092, %mul3A_2126 : vector<16xf32>
    %add3A_2129 = arith.addf %mul3A_2118, %mul3A_2126 : vector<16xf32>
    %mul3A_2130 = arith.mulf %mul3A_2118, %mul3A_2126 : vector<16xf32>
    %sub3A_2131 = arith.subf %add3A_2129, %mul3A_2130 : vector<16xf32>
    %mul3A_2132 = arith.mulf %div3A_2032, %sub3A_2131 : vector<16xf32>
    %swap3A_2133 = arith.constant 1 : i32
    %swap3A_2134 = arith.index_cast %swap3A_2133 : i32 to index
    %swap3A_2135 = arith.constant 80 : index
    %swap3A_2136 = tpu.vector_load %arg5[%swap3A_2134, %swap3A_2135] {strides = array<i32>} : memref<8x128xf32, #tpu.memory_space<vmem>>, vector<1x16xf32>,
    %swap3A_2137 = vector.shape_cast %swap3A_2136 : vector<1x16xf32> to vector<16xf32>
    %swap3A_2138 = vector.shape_cast %mul3A_2132 : vector<16xf32> to vector<1x16xf32>
    tpu.vector_store %arg5[%swap3A_2134, %swap3A_2135], %swap3A_2138 {strides = array<i32>} : memref<8x128xf32, #tpu.memory_space<vmem>>, vector<1x16xf32>,
    %eq3A_2139 = arith.cmpf oeq, %div3A_2033, %select_n3A_2064 : vector<16xf32>
    %jit3A_2140 = arith.constant 1.000000e+00 : f32
    %jit3A_2141 = arith.constant 0.000000e+00 : f32
    %broadcast_in_dim3A_2142 = vector.broadcast %jit3A_2140 : f32 to vector<16xf32>
    %broadcast_in_dim3A_2143 = vector.broadcast %jit3A_2141 : f32 to vector<16xf32>
    %select_n3A_2144 = arith.select %eq3A_2139, %broadcast_in_dim3A_2142, %broadcast_in_dim3A_2143 : vector<16xi1>, vector<16xf32>
    %eq3A_2145 = arith.cmpf oeq, %div3A_2033, %select_n3A_2063 : vector<16xf32>
    %jit3A_2146 = arith.constant 1.000000e+00 : f32
    %jit3A_2147 = arith.constant 0.000000e+00 : f32
    %broadcast_in_dim3A_2148 = vector.broadcast %jit3A_2146 : f32 to vector<16xf32>
    %broadcast_in_dim3A_2149 = vector.broadcast %jit3A_2147 : f32 to vector<16xf32>
    %select_n3A_2150 = arith.select %eq3A_2145, %broadcast_in_dim3A_2148, %broadcast_in_dim3A_2149 : vector<16xi1>, vector<16xf32>
    %sub3A_2151 = arith.constant 1.000000e+00 : f32
    %sub3A_2152 = vector.broadcast %sub3A_2151 : f32 to vector<16xf32>
    %sub3A_2153 = arith.subf %sub3A_2152, %add3A_2127 : vector<16xf32>
    %mul3A_2154 = arith.mulf %select_n3A_2144, %sub3A_2153 : vector<16xf32>
    %sub3A_2155 = arith.constant 1.000000e+00 : f32
    %sub3A_2156 = vector.broadcast %sub3A_2155 : f32 to vector<16xf32>
    %sub3A_2157 = arith.subf %sub3A_2156, %mul3A_2154 : vector<16xf32>
    %mul3A_2158 = arith.mulf %select_n3A_2150, %sub3A_2157 : vector<16xf32>
    %sub3A_2159 = arith.constant 1.000000e+00 : f32
    %sub3A_2160 = vector.broadcast %sub3A_2159 : f32 to vector<16xf32>
    %sub3A_2161 = arith.subf %sub3A_2160, %add3A_2128 : vector<16xf32>
    %mul3A_2162 = arith.mulf %mul3A_2158, %sub3A_2161 : vector<16xf32>
    %add3A_2163 = arith.addf %add3A_2127, %mul3A_2154 : vector<16xf32>
    %add3A_2164 = arith.addf %add3A_2128, %mul3A_2162 : vector<16xf32>
    %add3A_2165 = arith.addf %mul3A_2154, %mul3A_2162 : vector<16xf32>
    %mul3A_2166 = arith.mulf %mul3A_2154, %mul3A_2162 : vector<16xf32>
    %sub3A_2167 = arith.subf %add3A_2165, %mul3A_2166 : vector<16xf32>
    %mul3A_2168 = arith.mulf %div3A_2033, %sub3A_2167 : vector<16xf32>
    %swap3A_2169 = arith.constant 2 : i32
    %swap3A_2170 = arith.index_cast %swap3A_2169 : i32 to index
    %swap3A_2171 = arith.constant 80 : index
    %swap3A_2172 = tpu.vector_load %arg5[%swap3A_2170, %swap3A_2171] {strides = array<i32>} : memref<8x128xf32, #tpu.memory_space<vmem>>, vector<1x16xf32>,
    %swap3A_2173 = vector.shape_cast %swap3A_2172 : vector<1x16xf32> to vector<16xf32>
    %swap3A_2174 = vector.shape_cast %mul3A_2168 : vector<16xf32> to vector<1x16xf32>
    tpu.vector_store %arg5[%swap3A_2170, %swap3A_2171], %swap3A_2174 {strides = array<i32>} : memref<8x128xf32, #tpu.memory_space<vmem>>, vector<1x16xf32>,
    %eq3A_2175 = arith.cmpf oeq, %div3A_2034, %select_n3A_2064 : vector<16xf32>
    %jit3A_2176 = arith.constant 1.000000e+00 : f32
    %jit3A_2177 = arith.constant 0.000000e+00 : f32
    %broadcast_in_dim3A_2178 = vector.broadcast %jit3A_2176 : f32 to vector<16xf32>
    %broadcast_in_dim3A_2179 = vector.broadcast %jit3A_2177 : f32 to vector<16xf32>
    %select_n3A_2180 = arith.select %eq3A_2175, %broadcast_in_dim3A_2178, %broadcast_in_dim3A_2179 : vector<16xi1>, vector<16xf32>
    %eq3A_2181 = arith.cmpf oeq, %div3A_2034, %select_n3A_2063 : vector<16xf32>
    %jit3A_2182 = arith.constant 1.000000e+00 : f32
    %jit3A_2183 = arith.constant 0.000000e+00 : f32
    %broadcast_in_dim3A_2184 = vector.broadcast %jit3A_2182 : f32 to vector<16xf32>
    %broadcast_in_dim3A_2185 = vector.broadcast %jit3A_2183 : f32 to vector<16xf32>
    %select_n3A_2186 = arith.select %eq3A_2181, %broadcast_in_dim3A_2184, %broadcast_in_dim3A_2185 : vector<16xi1>, vector<16xf32>
    %sub3A_2187 = arith.constant 1.000000e+00 : f32
    %sub3A_2188 = vector.broadcast %sub3A_2187 : f32 to vector<16xf32>
    %sub3A_2189 = arith.subf %sub3A_2188, %add3A_2163 : vector<16xf32>
    %mul3A_2190 = arith.mulf %select_n3A_2180, %sub3A_2189 : vector<16xf32>
    %sub3A_2191 = arith.constant 1.000000e+00 : f32
    %sub3A_2192 = vector.broadcast %sub3A_2191 : f32 to vector<16xf32>
    %sub3A_2193 = arith.subf %sub3A_2192, %mul3A_2190 : vector<16xf32>
    %mul3A_2194 = arith.mulf %select_n3A_2186, %sub3A_2193 : vector<16xf32>
    %sub3A_2195 = arith.constant 1.000000e+00 : f32
    %sub3A_2196 = vector.broadcast %sub3A_2195 : f32 to vector<16xf32>
    %sub3A_2197 = arith.subf %sub3A_2196, %add3A_2164 : vector<16xf32>
    %mul3A_2198 = arith.mulf %mul3A_2194, %sub3A_2197 : vector<16xf32>
    %add3A_2199 = arith.addf %add3A_2163, %mul3A_2190 : vector<16xf32>
    %add3A_2200 = arith.addf %add3A_2164, %mul3A_2198 : vector<16xf32>
    %add3A_2201 = arith.addf %mul3A_2190, %mul3A_2198 : vector<16xf32>
    %mul3A_2202 = arith.mulf %mul3A_2190, %mul3A_2198 : vector<16xf32>
    %sub3A_2203 = arith.subf %add3A_2201, %mul3A_2202 : vector<16xf32>
    %mul3A_2204 = arith.mulf %div3A_2034, %sub3A_2203 : vector<16xf32>
    %swap3A_2205 = arith.constant 3 : i32
    %swap3A_2206 = arith.index_cast %swap3A_2205 : i32 to index
    %swap3A_2207 = arith.constant 80 : index
    %swap3A_2208 = tpu.vector_load %arg5[%swap3A_2206, %swap3A_2207] {strides = array<i32>} : memref<8x128xf32, #tpu.memory_space<vmem>>, vector<1x16xf32>,
    %swap3A_2209 = vector.shape_cast %swap3A_2208 : vector<1x16xf32> to vector<16xf32>
    %swap3A_2210 = vector.shape_cast %mul3A_2204 : vector<16xf32> to vector<1x16xf32>
    tpu.vector_store %arg5[%swap3A_2206, %swap3A_2207], %swap3A_2210 {strides = array<i32>} : memref<8x128xf32, #tpu.memory_space<vmem>>, vector<1x16xf32>,
    %eq3A_2211 = arith.cmpf oeq, %div3A_2035, %select_n3A_2064 : vector<16xf32>
    %jit3A_2212 = arith.constant 1.000000e+00 : f32
    %jit3A_2213 = arith.constant 0.000000e+00 : f32
    %broadcast_in_dim3A_2214 = vector.broadcast %jit3A_2212 : f32 to vector<16xf32>
    %broadcast_in_dim3A_2215 = vector.broadcast %jit3A_2213 : f32 to vector<16xf32>
    %select_n3A_2216 = arith.select %eq3A_2211, %broadcast_in_dim3A_2214, %broadcast_in_dim3A_2215 : vector<16xi1>, vector<16xf32>
    %eq3A_2217 = arith.cmpf oeq, %div3A_2035, %select_n3A_2063 : vector<16xf32>
    %jit3A_2218 = arith.constant 1.000000e+00 : f32
    %jit3A_2219 = arith.constant 0.000000e+00 : f32
    %broadcast_in_dim3A_2220 = vector.broadcast %jit3A_2218 : f32 to vector<16xf32>
    %broadcast_in_dim3A_2221 = vector.broadcast %jit3A_2219 : f32 to vector<16xf32>
    %select_n3A_2222 = arith.select %eq3A_2217, %broadcast_in_dim3A_2220, %broadcast_in_dim3A_2221 : vector<16xi1>, vector<16xf32>
    %sub3A_2223 = arith.constant 1.000000e+00 : f32
    %sub3A_2224 = vector.broadcast %sub3A_2223 : f32 to vector<16xf32>
    %sub3A_2225 = arith.subf %sub3A_2224, %add3A_2199 : vector<16xf32>
    %mul3A_2226 = arith.mulf %select_n3A_2216, %sub3A_2225 : vector<16xf32>
    %sub3A_2227 = arith.constant 1.000000e+00 : f32
    %sub3A_2228 = vector.broadcast %sub3A_2227 : f32 to vector<16xf32>
    %sub3A_2229 = arith.subf %sub3A_2228, %mul3A_2226 : vector<16xf32>
    %mul3A_2230 = arith.mulf %select_n3A_2222, %sub3A_2229 : vector<16xf32>
    %sub3A_2231 = arith.constant 1.000000e+00 : f32
    %sub3A_2232 = vector.broadcast %sub3A_2231 : f32 to vector<16xf32>
    %sub3A_2233 = arith.subf %sub3A_2232, %add3A_2200 : vector<16xf32>
    %mul3A_2234 = arith.mulf %mul3A_2230, %sub3A_2233 : vector<16xf32>
    %add3A_2235 = arith.addf %add3A_2199, %mul3A_2226 : vector<16xf32>
    %add3A_2236 = arith.addf %add3A_2200, %mul3A_2234 : vector<16xf32>
    %add3A_2237 = arith.addf %mul3A_2226, %mul3A_2234 : vector<16xf32>
    %mul3A_2238 = arith.mulf %mul3A_2226, %mul3A_2234 : vector<16xf32>
    %sub3A_2239 = arith.subf %add3A_2237, %mul3A_2238 : vector<16xf32>
    %mul3A_2240 = arith.mulf %div3A_2035, %sub3A_2239 : vector<16xf32>
    %swap3A_2241 = arith.constant 4 : i32
    %swap3A_2242 = arith.index_cast %swap3A_2241 : i32 to index
    %swap3A_2243 = arith.constant 80 : index
    %swap3A_2244 = tpu.vector_load %arg5[%swap3A_2242, %swap3A_2243] {strides = array<i32>} : memref<8x128xf32, #tpu.memory_space<vmem>>, vector<1x16xf32>,
    %swap3A_2245 = vector.shape_cast %swap3A_2244 : vector<1x16xf32> to vector<16xf32>
    %swap3A_2246 = vector.shape_cast %mul3A_2240 : vector<16xf32> to vector<1x16xf32>
    tpu.vector_store %arg5[%swap3A_2242, %swap3A_2243], %swap3A_2246 {strides = array<i32>} : memref<8x128xf32, #tpu.memory_space<vmem>>, vector<1x16xf32>,
    %eq3A_2247 = arith.cmpf oeq, %div3A_2036, %select_n3A_2064 : vector<16xf32>
    %jit3A_2248 = arith.constant 1.000000e+00 : f32
    %jit3A_2249 = arith.constant 0.000000e+00 : f32
    %broadcast_in_dim3A_2250 = vector.broadcast %jit3A_2248 : f32 to vector<16xf32>
    %broadcast_in_dim3A_2251 = vector.broadcast %jit3A_2249 : f32 to vector<16xf32>
    %select_n3A_2252 = arith.select %eq3A_2247, %broadcast_in_dim3A_2250, %broadcast_in_dim3A_2251 : vector<16xi1>, vector<16xf32>
    %eq3A_2253 = arith.cmpf oeq, %div3A_2036, %select_n3A_2063 : vector<16xf32>
    %jit3A_2254 = arith.constant 1.000000e+00 : f32
    %jit3A_2255 = arith.constant 0.000000e+00 : f32
    %broadcast_in_dim3A_2256 = vector.broadcast %jit3A_2254 : f32 to vector<16xf32>
    %broadcast_in_dim3A_2257 = vector.broadcast %jit3A_2255 : f32 to vector<16xf32>
    %select_n3A_2258 = arith.select %eq3A_2253, %broadcast_in_dim3A_2256, %broadcast_in_dim3A_2257 : vector<16xi1>, vector<16xf32>
    %sub3A_2259 = arith.constant 1.000000e+00 : f32
    %sub3A_2260 = vector.broadcast %sub3A_2259 : f32 to vector<16xf32>
    %sub3A_2261 = arith.subf %sub3A_2260, %add3A_2235 : vector<16xf32>
    %mul3A_2262 = arith.mulf %select_n3A_2252, %sub3A_2261 : vector<16xf32>
    %sub3A_2263 = arith.constant 1.000000e+00 : f32
    %sub3A_2264 = vector.broadcast %sub3A_2263 : f32 to vector<16xf32>
    %sub3A_2265 = arith.subf %sub3A_2264, %mul3A_2262 : vector<16xf32>
    %mul3A_2266 = arith.mulf %select_n3A_2258, %sub3A_2265 : vector<16xf32>
    %sub3A_2267 = arith.constant 1.000000e+00 : f32
    %sub3A_2268 = vector.broadcast %sub3A_2267 : f32 to vector<16xf32>
    %sub3A_2269 = arith.subf %sub3A_2268, %add3A_2236 : vector<16xf32>
    %mul3A_2270 = arith.mulf %mul3A_2266, %sub3A_2269 : vector<16xf32>
    %add3A_2271 = arith.addf %add3A_2235, %mul3A_2262 : vector<16xf32>
    %add3A_2272 = arith.addf %add3A_2236, %mul3A_2270 : vector<16xf32>
    %add3A_2273 = arith.addf %mul3A_2262, %mul3A_2270 : vector<16xf32>
    %mul3A_2274 = arith.mulf %mul3A_2262, %mul3A_2270 : vector<16xf32>
    %sub3A_2275 = arith.subf %add3A_2273, %mul3A_2274 : vector<16xf32>
    %mul3A_2276 = arith.mulf %div3A_2036, %sub3A_2275 : vector<16xf32>
    %swap3A_2277 = arith.constant 5 : i32
    %swap3A_2278 = arith.index_cast %swap3A_2277 : i32 to index
    %swap3A_2279 = arith.constant 80 : index
    %swap3A_2280 = tpu.vector_load %arg5[%swap3A_2278, %swap3A_2279] {strides = array<i32>} : memref<8x128xf32, #tpu.memory_space<vmem>>, vector<1x16xf32>,
    %swap3A_2281 = vector.shape_cast %swap3A_2280 : vector<1x16xf32> to vector<16xf32>
    %swap3A_2282 = vector.shape_cast %mul3A_2276 : vector<16xf32> to vector<1x16xf32>
    tpu.vector_store %arg5[%swap3A_2278, %swap3A_2279], %swap3A_2282 {strides = array<i32>} : memref<8x128xf32, #tpu.memory_space<vmem>>, vector<1x16xf32>,
    %eq3A_2283 = arith.cmpf oeq, %div3A_2037, %select_n3A_2064 : vector<16xf32>
    %jit3A_2284 = arith.constant 1.000000e+00 : f32
    %jit3A_2285 = arith.constant 0.000000e+00 : f32
    %broadcast_in_dim3A_2286 = vector.broadcast %jit3A_2284 : f32 to vector<16xf32>
    %broadcast_in_dim3A_2287 = vector.broadcast %jit3A_2285 : f32 to vector<16xf32>
    %select_n3A_2288 = arith.select %eq3A_2283, %broadcast_in_dim3A_2286, %broadcast_in_dim3A_2287 : vector<16xi1>, vector<16xf32>
    %eq3A_2289 = arith.cmpf oeq, %div3A_2037, %select_n3A_2063 : vector<16xf32>
    %jit3A_2290 = arith.constant 1.000000e+00 : f32
    %jit3A_2291 = arith.constant 0.000000e+00 : f32
    %broadcast_in_dim3A_2292 = vector.broadcast %jit3A_2290 : f32 to vector<16xf32>
    %broadcast_in_dim3A_2293 = vector.broadcast %jit3A_2291 : f32 to vector<16xf32>
    %select_n3A_2294 = arith.select %eq3A_2289, %broadcast_in_dim3A_2292, %broadcast_in_dim3A_2293 : vector<16xi1>, vector<16xf32>
    %sub3A_2295 = arith.constant 1.000000e+00 : f32
    %sub3A_2296 = vector.broadcast %sub3A_2295 : f32 to vector<16xf32>
    %sub3A_2297 = arith.subf %sub3A_2296, %add3A_2271 : vector<16xf32>
    %mul3A_2298 = arith.mulf %select_n3A_2288, %sub3A_2297 : vector<16xf32>
    %sub3A_2299 = arith.constant 1.000000e+00 : f32
    %sub3A_2300 = vector.broadcast %sub3A_2299 : f32 to vector<16xf32>
    %sub3A_2301 = arith.subf %sub3A_2300, %mul3A_2298 : vector<16xf32>
    %mul3A_2302 = arith.mulf %select_n3A_2294, %sub3A_2301 : vector<16xf32>
    %sub3A_2303 = arith.constant 1.000000e+00 : f32
    %sub3A_2304 = vector.broadcast %sub3A_2303 : f32 to vector<16xf32>
    %sub3A_2305 = arith.subf %sub3A_2304, %add3A_2272 : vector<16xf32>
    %mul3A_2306 = arith.mulf %mul3A_2302, %sub3A_2305 : vector<16xf32>
    %add3A_2307 = arith.addf %add3A_2271, %mul3A_2298 : vector<16xf32>
    %add3A_2308 = arith.addf %add3A_2272, %mul3A_2306 : vector<16xf32>
    %add3A_2309 = arith.addf %mul3A_2298, %mul3A_2306 : vector<16xf32>
    %mul3A_2310 = arith.mulf %mul3A_2298, %mul3A_2306 : vector<16xf32>
    %sub3A_2311 = arith.subf %add3A_2309, %mul3A_2310 : vector<16xf32>
    %mul3A_2312 = arith.mulf %div3A_2037, %sub3A_2311 : vector<16xf32>
    %swap3A_2313 = arith.constant 6 : i32
    %swap3A_2314 = arith.index_cast %swap3A_2313 : i32 to index
    %swap3A_2315 = arith.constant 80 : index
    %swap3A_2316 = tpu.vector_load %arg5[%swap3A_2314, %swap3A_2315] {strides = array<i32>} : memref<8x128xf32, #tpu.memory_space<vmem>>, vector<1x16xf32>,
    %swap3A_2317 = vector.shape_cast %swap3A_2316 : vector<1x16xf32> to vector<16xf32>
    %swap3A_2318 = vector.shape_cast %mul3A_2312 : vector<16xf32> to vector<1x16xf32>
    tpu.vector_store %arg5[%swap3A_2314, %swap3A_2315], %swap3A_2318 {strides = array<i32>} : memref<8x128xf32, #tpu.memory_space<vmem>>, vector<1x16xf32>,
    %eq3A_2319 = arith.cmpf oeq, %div3A_2038, %select_n3A_2064 : vector<16xf32>
    %jit3A_2320 = arith.constant 1.000000e+00 : f32
    %jit3A_2321 = arith.constant 0.000000e+00 : f32
    %broadcast_in_dim3A_2322 = vector.broadcast %jit3A_2320 : f32 to vector<16xf32>
    %broadcast_in_dim3A_2323 = vector.broadcast %jit3A_2321 : f32 to vector<16xf32>
    %select_n3A_2324 = arith.select %eq3A_2319, %broadcast_in_dim3A_2322, %broadcast_in_dim3A_2323 : vector<16xi1>, vector<16xf32>
    %eq3A_2325 = arith.cmpf oeq, %div3A_2038, %select_n3A_2063 : vector<16xf32>
    %jit3A_2326 = arith.constant 1.000000e+00 : f32
    %jit3A_2327 = arith.constant 0.000000e+00 : f32
    %broadcast_in_dim3A_2328 = vector.broadcast %jit3A_2326 : f32 to vector<16xf32>
    %broadcast_in_dim3A_2329 = vector.broadcast %jit3A_2327 : f32 to vector<16xf32>
    %select_n3A_2330 = arith.select %eq3A_2325, %broadcast_in_dim3A_2328, %broadcast_in_dim3A_2329 : vector<16xi1>, vector<16xf32>
    %sub3A_2331 = arith.constant 1.000000e+00 : f32
    %sub3A_2332 = vector.broadcast %sub3A_2331 : f32 to vector<16xf32>
    %sub3A_2333 = arith.subf %sub3A_2332, %add3A_2307 : vector<16xf32>
    %mul3A_2334 = arith.mulf %select_n3A_2324, %sub3A_2333 : vector<16xf32>
    %sub3A_2335 = arith.constant 1.000000e+00 : f32
    %sub3A_2336 = vector.broadcast %sub3A_2335 : f32 to vector<16xf32>
    %sub3A_2337 = arith.subf %sub3A_2336, %mul3A_2334 : vector<16xf32>
    %mul3A_2338 = arith.mulf %select_n3A_2330, %sub3A_2337 : vector<16xf32>
    %sub3A_2339 = arith.constant 1.000000e+00 : f32
    %sub3A_2340 = vector.broadcast %sub3A_2339 : f32 to vector<16xf32>
    %sub3A_2341 = arith.subf %sub3A_2340, %add3A_2308 : vector<16xf32>
    %mul3A_2342 = arith.mulf %mul3A_2338, %sub3A_2341 : vector<16xf32>
    %add3A_2343 = arith.addf %add3A_2307, %mul3A_2334 : vector<16xf32>
    %add3A_2344 = arith.addf %add3A_2308, %mul3A_2342 : vector<16xf32>
    %add3A_2345 = arith.addf %mul3A_2334, %mul3A_2342 : vector<16xf32>
    %mul3A_2346 = arith.mulf %mul3A_2334, %mul3A_2342 : vector<16xf32>
    %sub3A_2347 = arith.subf %add3A_2345, %mul3A_2346 : vector<16xf32>
    %mul3A_2348 = arith.mulf %div3A_2038, %sub3A_2347 : vector<16xf32>
    %swap3A_2349 = arith.constant 7 : i32
    %swap3A_2350 = arith.index_cast %swap3A_2349 : i32 to index
    %swap3A_2351 = arith.constant 80 : index
    %swap3A_2352 = tpu.vector_load %arg5[%swap3A_2350, %swap3A_2351] {strides = array<i32>} : memref<8x128xf32, #tpu.memory_space<vmem>>, vector<1x16xf32>,
    %swap3A_2353 = vector.shape_cast %swap3A_2352 : vector<1x16xf32> to vector<16xf32>
    %swap3A_2354 = vector.shape_cast %mul3A_2348 : vector<16xf32> to vector<1x16xf32>
    tpu.vector_store %arg5[%swap3A_2350, %swap3A_2351], %swap3A_2354 {strides = array<i32>} : memref<8x128xf32, #tpu.memory_space<vmem>>, vector<1x16xf32>,
    %get3A_2355 = arith.constant 0 : i32
    %get3A_2356 = arith.index_cast %get3A_2355 : i32 to index
    %get3A_2357 = arith.constant 96 : index
    %get3A_2358 = tpu.vector_load %arg4[%get3A_2356, %get3A_2357] {strides = array<i32>} : memref<8x128xf32, #tpu.memory_space<vmem>>, vector<1x16xf32>,
    %get3A_2359 = vector.shape_cast %get3A_2358 : vector<1x16xf32> to vector<16xf32>
    %get3A_2360 = arith.constant 1 : i32
    %get3A_2361 = arith.index_cast %get3A_2360 : i32 to index
    %get3A_2362 = arith.constant 96 : index
    %get3A_2363 = tpu.vector_load %arg4[%get3A_2361, %get3A_2362] {strides = array<i32>} : memref<8x128xf32, #tpu.memory_space<vmem>>, vector<1x16xf32>,
    %get3A_2364 = vector.shape_cast %get3A_2363 : vector<1x16xf32> to vector<16xf32>
    %get3A_2365 = arith.constant 2 : i32
    %get3A_2366 = arith.index_cast %get3A_2365 : i32 to index
    %get3A_2367 = arith.constant 96 : index
    %get3A_2368 = tpu.vector_load %arg4[%get3A_2366, %get3A_2367] {strides = array<i32>} : memref<8x128xf32, #tpu.memory_space<vmem>>, vector<1x16xf32>,
    %get3A_2369 = vector.shape_cast %get3A_2368 : vector<1x16xf32> to vector<16xf32>
    %get3A_2370 = arith.constant 3 : i32
    %get3A_2371 = arith.index_cast %get3A_2370 : i32 to index
    %get3A_2372 = arith.constant 96 : index
    %get3A_2373 = tpu.vector_load %arg4[%get3A_2371, %get3A_2372] {strides = array<i32>} : memref<8x128xf32, #tpu.memory_space<vmem>>, vector<1x16xf32>,
    %get3A_2374 = vector.shape_cast %get3A_2373 : vector<1x16xf32> to vector<16xf32>
    %get3A_2375 = arith.constant 4 : i32
    %get3A_2376 = arith.index_cast %get3A_2375 : i32 to index
    %get3A_2377 = arith.constant 96 : index
    %get3A_2378 = tpu.vector_load %arg4[%get3A_2376, %get3A_2377] {strides = array<i32>} : memref<8x128xf32, #tpu.memory_space<vmem>>, vector<1x16xf32>,
    %get3A_2379 = vector.shape_cast %get3A_2378 : vector<1x16xf32> to vector<16xf32>
    %get3A_2380 = arith.constant 5 : i32
    %get3A_2381 = arith.index_cast %get3A_2380 : i32 to index
    %get3A_2382 = arith.constant 96 : index
    %get3A_2383 = tpu.vector_load %arg4[%get3A_2381, %get3A_2382] {strides = array<i32>} : memref<8x128xf32, #tpu.memory_space<vmem>>, vector<1x16xf32>,
    %get3A_2384 = vector.shape_cast %get3A_2383 : vector<1x16xf32> to vector<16xf32>
    %get3A_2385 = arith.constant 6 : i32
    %get3A_2386 = arith.index_cast %get3A_2385 : i32 to index
    %get3A_2387 = arith.constant 96 : index
    %get3A_2388 = tpu.vector_load %arg4[%get3A_2386, %get3A_2387] {strides = array<i32>} : memref<8x128xf32, #tpu.memory_space<vmem>>, vector<1x16xf32>,
    %get3A_2389 = vector.shape_cast %get3A_2388 : vector<1x16xf32> to vector<16xf32>
    %get3A_2390 = arith.constant 7 : i32
    %get3A_2391 = arith.index_cast %get3A_2390 : i32 to index
    %get3A_2392 = arith.constant 96 : index
    %get3A_2393 = tpu.vector_load %arg4[%get3A_2391, %get3A_2392] {strides = array<i32>} : memref<8x128xf32, #tpu.memory_space<vmem>>, vector<1x16xf32>,
    %get3A_2394 = vector.shape_cast %get3A_2393 : vector<1x16xf32> to vector<16xf32>
    %max3A_2395 = arith.maximumf %get3A_2359, %get3A_2364 : vector<16xf32>
    %max3A_2396 = arith.maximumf %max3A_2395, %get3A_2369 : vector<16xf32>
    %max3A_2397 = arith.maximumf %max3A_2396, %get3A_2374 : vector<16xf32>
    %max3A_2398 = arith.maximumf %max3A_2397, %get3A_2379 : vector<16xf32>
    %max3A_2399 = arith.maximumf %max3A_2398, %get3A_2384 : vector<16xf32>
    %max3A_2400 = arith.maximumf %max3A_2399, %get3A_2389 : vector<16xf32>
    %max3A_2401 = arith.maximumf %max3A_2400, %get3A_2394 : vector<16xf32>
    %sub3A_2402 = arith.subf %get3A_2359, %max3A_2401 : vector<16xf32>
    %exp3A_2403 = math.exp %sub3A_2402 : vector<16xf32>
    %sub3A_2404 = arith.subf %get3A_2364, %max3A_2401 : vector<16xf32>
    %exp3A_2405 = math.exp %sub3A_2404 : vector<16xf32>
    %sub3A_2406 = arith.subf %get3A_2369, %max3A_2401 : vector<16xf32>
    %exp3A_2407 = math.exp %sub3A_2406 : vector<16xf32>
    %sub3A_2408 = arith.subf %get3A_2374, %max3A_2401 : vector<16xf32>
    %exp3A_2409 = math.exp %sub3A_2408 : vector<16xf32>
    %sub3A_2410 = arith.subf %get3A_2379, %max3A_2401 : vector<16xf32>
    %exp3A_2411 = math.exp %sub3A_2410 : vector<16xf32>
    %sub3A_2412 = arith.subf %get3A_2384, %max3A_2401 : vector<16xf32>
    %exp3A_2413 = math.exp %sub3A_2412 : vector<16xf32>
    %sub3A_2414 = arith.subf %get3A_2389, %max3A_2401 : vector<16xf32>
    %exp3A_2415 = math.exp %sub3A_2414 : vector<16xf32>
    %sub3A_2416 = arith.subf %get3A_2394, %max3A_2401 : vector<16xf32>
    %exp3A_2417 = math.exp %sub3A_2416 : vector<16xf32>
    %add3A_2418 = arith.addf %exp3A_2403, %exp3A_2405 : vector<16xf32>
    %add3A_2419 = arith.addf %add3A_2418, %exp3A_2407 : vector<16xf32>
    %add3A_2420 = arith.addf %add3A_2419, %exp3A_2409 : vector<16xf32>
    %add3A_2421 = arith.addf %add3A_2420, %exp3A_2411 : vector<16xf32>
    %add3A_2422 = arith.addf %add3A_2421, %exp3A_2413 : vector<16xf32>
    %add3A_2423 = arith.addf %add3A_2422, %exp3A_2415 : vector<16xf32>
    %add3A_2424 = arith.addf %add3A_2423, %exp3A_2417 : vector<16xf32>
    %div3A_2425 = arith.divf %exp3A_2403, %add3A_2424 : vector<16xf32>
    %div3A_2426 = arith.divf %exp3A_2405, %add3A_2424 : vector<16xf32>
    %div3A_2427 = arith.divf %exp3A_2407, %add3A_2424 : vector<16xf32>
    %div3A_2428 = arith.divf %exp3A_2409, %add3A_2424 : vector<16xf32>
    %div3A_2429 = arith.divf %exp3A_2411, %add3A_2424 : vector<16xf32>
    %div3A_2430 = arith.divf %exp3A_2413, %add3A_2424 : vector<16xf32>
    %div3A_2431 = arith.divf %exp3A_2415, %add3A_2424 : vector<16xf32>
    %div3A_2432 = arith.divf %exp3A_2417, %add3A_2424 : vector<16xf32>
    %max3A_2433 = arith.maximumf %div3A_2425, %div3A_2426 : vector<16xf32>
    %min3A_2434 = arith.minimumf %div3A_2425, %div3A_2426 : vector<16xf32>
    %gt3A_2435 = arith.cmpf ogt, %div3A_2427, %max3A_2433 : vector<16xf32>
    %max3A_2436 = arith.maximumf %min3A_2434, %div3A_2427 : vector<16xf32>
    %select_n3A_2437 = arith.select %gt3A_2435, %max3A_2433, %max3A_2436 : vector<16xi1>, vector<16xf32>
    %select_n3A_2438 = arith.select %gt3A_2435, %div3A_2427, %max3A_2433 : vector<16xi1>, vector<16xf32>
    %gt3A_2439 = arith.cmpf ogt, %div3A_2428, %select_n3A_2438 : vector<16xf32>
    %max3A_2440 = arith.maximumf %select_n3A_2437, %div3A_2428 : vector<16xf32>
    %select_n3A_2441 = arith.select %gt3A_2439, %select_n3A_2438, %max3A_2440 : vector<16xi1>, vector<16xf32>
    %select_n3A_2442 = arith.select %gt3A_2439, %div3A_2428, %select_n3A_2438 : vector<16xi1>, vector<16xf32>
    %gt3A_2443 = arith.cmpf ogt, %div3A_2429, %select_n3A_2442 : vector<16xf32>
    %max3A_2444 = arith.maximumf %select_n3A_2441, %div3A_2429 : vector<16xf32>
    %select_n3A_2445 = arith.select %gt3A_2443, %select_n3A_2442, %max3A_2444 : vector<16xi1>, vector<16xf32>
    %select_n3A_2446 = arith.select %gt3A_2443, %div3A_2429, %select_n3A_2442 : vector<16xi1>, vector<16xf32>
    %gt3A_2447 = arith.cmpf ogt, %div3A_2430, %select_n3A_2446 : vector<16xf32>
    %max3A_2448 = arith.maximumf %select_n3A_2445, %div3A_2430 : vector<16xf32>
    %select_n3A_2449 = arith.select %gt3A_2447, %select_n3A_2446, %max3A_2448 : vector<16xi1>, vector<16xf32>
    %select_n3A_2450 = arith.select %gt3A_2447, %div3A_2430, %select_n3A_2446 : vector<16xi1>, vector<16xf32>
    %gt3A_2451 = arith.cmpf ogt, %div3A_2431, %select_n3A_2450 : vector<16xf32>
    %max3A_2452 = arith.maximumf %select_n3A_2449, %div3A_2431 : vector<16xf32>
    %select_n3A_2453 = arith.select %gt3A_2451, %select_n3A_2450, %max3A_2452 : vector<16xi1>, vector<16xf32>
    %select_n3A_2454 = arith.select %gt3A_2451, %div3A_2431, %select_n3A_2450 : vector<16xi1>, vector<16xf32>
    %gt3A_2455 = arith.cmpf ogt, %div3A_2432, %select_n3A_2454 : vector<16xf32>
    %max3A_2456 = arith.maximumf %select_n3A_2453, %div3A_2432 : vector<16xf32>
    %select_n3A_2457 = arith.select %gt3A_2455, %select_n3A_2454, %max3A_2456 : vector<16xi1>, vector<16xf32>
    %select_n3A_2458 = arith.select %gt3A_2455, %div3A_2432, %select_n3A_2454 : vector<16xi1>, vector<16xf32>
    %sub3A_2459 = arith.subf %select_n3A_2458, %select_n3A_2458 : vector<16xf32>
    %sub3A_2460 = arith.subf %select_n3A_2458, %select_n3A_2458 : vector<16xf32>
    %eq3A_2461 = arith.cmpf oeq, %div3A_2425, %select_n3A_2458 : vector<16xf32>
    %jit3A_2462 = arith.constant 1.000000e+00 : f32
    %jit3A_2463 = arith.constant 0.000000e+00 : f32
    %broadcast_in_dim3A_2464 = vector.broadcast %jit3A_2462 : f32 to vector<16xf32>
    %broadcast_in_dim3A_2465 = vector.broadcast %jit3A_2463 : f32 to vector<16xf32>
    %select_n3A_2466 = arith.select %eq3A_2461, %broadcast_in_dim3A_2464, %broadcast_in_dim3A_2465 : vector<16xi1>, vector<16xf32>
    %eq3A_2467 = arith.cmpf oeq, %div3A_2425, %select_n3A_2457 : vector<16xf32>
    %jit3A_2468 = arith.constant 1.000000e+00 : f32
    %jit3A_2469 = arith.constant 0.000000e+00 : f32
    %broadcast_in_dim3A_2470 = vector.broadcast %jit3A_2468 : f32 to vector<16xf32>
    %broadcast_in_dim3A_2471 = vector.broadcast %jit3A_2469 : f32 to vector<16xf32>
    %select_n3A_2472 = arith.select %eq3A_2467, %broadcast_in_dim3A_2470, %broadcast_in_dim3A_2471 : vector<16xi1>, vector<16xf32>
    %sub3A_2473 = arith.constant 1.000000e+00 : f32
    %sub3A_2474 = vector.broadcast %sub3A_2473 : f32 to vector<16xf32>
    %sub3A_2475 = arith.subf %sub3A_2474, %sub3A_2459 : vector<16xf32>
    %mul3A_2476 = arith.mulf %select_n3A_2466, %sub3A_2475 : vector<16xf32>
    %sub3A_2477 = arith.constant 1.000000e+00 : f32
    %sub3A_2478 = vector.broadcast %sub3A_2477 : f32 to vector<16xf32>
    %sub3A_2479 = arith.subf %sub3A_2478, %mul3A_2476 : vector<16xf32>
    %mul3A_2480 = arith.mulf %select_n3A_2472, %sub3A_2479 : vector<16xf32>
    %sub3A_2481 = arith.constant 1.000000e+00 : f32
    %sub3A_2482 = vector.broadcast %sub3A_2481 : f32 to vector<16xf32>
    %sub3A_2483 = arith.subf %sub3A_2482, %sub3A_2460 : vector<16xf32>
    %mul3A_2484 = arith.mulf %mul3A_2480, %sub3A_2483 : vector<16xf32>
    %add3A_2485 = arith.addf %sub3A_2459, %mul3A_2476 : vector<16xf32>
    %add3A_2486 = arith.addf %sub3A_2460, %mul3A_2484 : vector<16xf32>
    %add3A_2487 = arith.addf %mul3A_2476, %mul3A_2484 : vector<16xf32>
    %mul3A_2488 = arith.mulf %mul3A_2476, %mul3A_2484 : vector<16xf32>
    %sub3A_2489 = arith.subf %add3A_2487, %mul3A_2488 : vector<16xf32>
    %mul3A_2490 = arith.mulf %div3A_2425, %sub3A_2489 : vector<16xf32>
    %swap3A_2491 = arith.constant 0 : i32
    %swap3A_2492 = arith.index_cast %swap3A_2491 : i32 to index
    %swap3A_2493 = arith.constant 96 : index
    %swap3A_2494 = tpu.vector_load %arg5[%swap3A_2492, %swap3A_2493] {strides = array<i32>} : memref<8x128xf32, #tpu.memory_space<vmem>>, vector<1x16xf32>,
    %swap3A_2495 = vector.shape_cast %swap3A_2494 : vector<1x16xf32> to vector<16xf32>
    %swap3A_2496 = vector.shape_cast %mul3A_2490 : vector<16xf32> to vector<1x16xf32>
    tpu.vector_store %arg5[%swap3A_2492, %swap3A_2493], %swap3A_2496 {strides = array<i32>} : memref<8x128xf32, #tpu.memory_space<vmem>>, vector<1x16xf32>,
    %eq3A_2497 = arith.cmpf oeq, %div3A_2426, %select_n3A_2458 : vector<16xf32>
    %jit3A_2498 = arith.constant 1.000000e+00 : f32
    %jit3A_2499 = arith.constant 0.000000e+00 : f32
    %broadcast_in_dim3A_2500 = vector.broadcast %jit3A_2498 : f32 to vector<16xf32>
    %broadcast_in_dim3A_2501 = vector.broadcast %jit3A_2499 : f32 to vector<16xf32>
    %select_n3A_2502 = arith.select %eq3A_2497, %broadcast_in_dim3A_2500, %broadcast_in_dim3A_2501 : vector<16xi1>, vector<16xf32>
    %eq3A_2503 = arith.cmpf oeq, %div3A_2426, %select_n3A_2457 : vector<16xf32>
    %jit3A_2504 = arith.constant 1.000000e+00 : f32
    %jit3A_2505 = arith.constant 0.000000e+00 : f32
    %broadcast_in_dim3A_2506 = vector.broadcast %jit3A_2504 : f32 to vector<16xf32>
    %broadcast_in_dim3A_2507 = vector.broadcast %jit3A_2505 : f32 to vector<16xf32>
    %select_n3A_2508 = arith.select %eq3A_2503, %broadcast_in_dim3A_2506, %broadcast_in_dim3A_2507 : vector<16xi1>, vector<16xf32>
    %sub3A_2509 = arith.constant 1.000000e+00 : f32
    %sub3A_2510 = vector.broadcast %sub3A_2509 : f32 to vector<16xf32>
    %sub3A_2511 = arith.subf %sub3A_2510, %add3A_2485 : vector<16xf32>
    %mul3A_2512 = arith.mulf %select_n3A_2502, %sub3A_2511 : vector<16xf32>
    %sub3A_2513 = arith.constant 1.000000e+00 : f32
    %sub3A_2514 = vector.broadcast %sub3A_2513 : f32 to vector<16xf32>
    %sub3A_2515 = arith.subf %sub3A_2514, %mul3A_2512 : vector<16xf32>
    %mul3A_2516 = arith.mulf %select_n3A_2508, %sub3A_2515 : vector<16xf32>
    %sub3A_2517 = arith.constant 1.000000e+00 : f32
    %sub3A_2518 = vector.broadcast %sub3A_2517 : f32 to vector<16xf32>
    %sub3A_2519 = arith.subf %sub3A_2518, %add3A_2486 : vector<16xf32>
    %mul3A_2520 = arith.mulf %mul3A_2516, %sub3A_2519 : vector<16xf32>
    %add3A_2521 = arith.addf %add3A_2485, %mul3A_2512 : vector<16xf32>
    %add3A_2522 = arith.addf %add3A_2486, %mul3A_2520 : vector<16xf32>
    %add3A_2523 = arith.addf %mul3A_2512, %mul3A_2520 : vector<16xf32>
    %mul3A_2524 = arith.mulf %mul3A_2512, %mul3A_2520 : vector<16xf32>
    %sub3A_2525 = arith.subf %add3A_2523, %mul3A_2524 : vector<16xf32>
    %mul3A_2526 = arith.mulf %div3A_2426, %sub3A_2525 : vector<16xf32>
    %swap3A_2527 = arith.constant 1 : i32
    %swap3A_2528 = arith.index_cast %swap3A_2527 : i32 to index
    %swap3A_2529 = arith.constant 96 : index
    %swap3A_2530 = tpu.vector_load %arg5[%swap3A_2528, %swap3A_2529] {strides = array<i32>} : memref<8x128xf32, #tpu.memory_space<vmem>>, vector<1x16xf32>,
    %swap3A_2531 = vector.shape_cast %swap3A_2530 : vector<1x16xf32> to vector<16xf32>
    %swap3A_2532 = vector.shape_cast %mul3A_2526 : vector<16xf32> to vector<1x16xf32>
    tpu.vector_store %arg5[%swap3A_2528, %swap3A_2529], %swap3A_2532 {strides = array<i32>} : memref<8x128xf32, #tpu.memory_space<vmem>>, vector<1x16xf32>,
    %eq3A_2533 = arith.cmpf oeq, %div3A_2427, %select_n3A_2458 : vector<16xf32>
    %jit3A_2534 = arith.constant 1.000000e+00 : f32
    %jit3A_2535 = arith.constant 0.000000e+00 : f32
    %broadcast_in_dim3A_2536 = vector.broadcast %jit3A_2534 : f32 to vector<16xf32>
    %broadcast_in_dim3A_2537 = vector.broadcast %jit3A_2535 : f32 to vector<16xf32>
    %select_n3A_2538 = arith.select %eq3A_2533, %broadcast_in_dim3A_2536, %broadcast_in_dim3A_2537 : vector<16xi1>, vector<16xf32>
    %eq3A_2539 = arith.cmpf oeq, %div3A_2427, %select_n3A_2457 : vector<16xf32>
    %jit3A_2540 = arith.constant 1.000000e+00 : f32
    %jit3A_2541 = arith.constant 0.000000e+00 : f32
    %broadcast_in_dim3A_2542 = vector.broadcast %jit3A_2540 : f32 to vector<16xf32>
    %broadcast_in_dim3A_2543 = vector.broadcast %jit3A_2541 : f32 to vector<16xf32>
    %select_n3A_2544 = arith.select %eq3A_2539, %broadcast_in_dim3A_2542, %broadcast_in_dim3A_2543 : vector<16xi1>, vector<16xf32>
    %sub3A_2545 = arith.constant 1.000000e+00 : f32
    %sub3A_2546 = vector.broadcast %sub3A_2545 : f32 to vector<16xf32>
    %sub3A_2547 = arith.subf %sub3A_2546, %add3A_2521 : vector<16xf32>
    %mul3A_2548 = arith.mulf %select_n3A_2538, %sub3A_2547 : vector<16xf32>
    %sub3A_2549 = arith.constant 1.000000e+00 : f32
    %sub3A_2550 = vector.broadcast %sub3A_2549 : f32 to vector<16xf32>
    %sub3A_2551 = arith.subf %sub3A_2550, %mul3A_2548 : vector<16xf32>
    %mul3A_2552 = arith.mulf %select_n3A_2544, %sub3A_2551 : vector<16xf32>
    %sub3A_2553 = arith.constant 1.000000e+00 : f32
    %sub3A_2554 = vector.broadcast %sub3A_2553 : f32 to vector<16xf32>
    %sub3A_2555 = arith.subf %sub3A_2554, %add3A_2522 : vector<16xf32>
    %mul3A_2556 = arith.mulf %mul3A_2552, %sub3A_2555 : vector<16xf32>
    %add3A_2557 = arith.addf %add3A_2521, %mul3A_2548 : vector<16xf32>
    %add3A_2558 = arith.addf %add3A_2522, %mul3A_2556 : vector<16xf32>
    %add3A_2559 = arith.addf %mul3A_2548, %mul3A_2556 : vector<16xf32>
    %mul3A_2560 = arith.mulf %mul3A_2548, %mul3A_2556 : vector<16xf32>
    %sub3A_2561 = arith.subf %add3A_2559, %mul3A_2560 : vector<16xf32>
    %mul3A_2562 = arith.mulf %div3A_2427, %sub3A_2561 : vector<16xf32>
    %swap3A_2563 = arith.constant 2 : i32
    %swap3A_2564 = arith.index_cast %swap3A_2563 : i32 to index
    %swap3A_2565 = arith.constant 96 : index
    %swap3A_2566 = tpu.vector_load %arg5[%swap3A_2564, %swap3A_2565] {strides = array<i32>} : memref<8x128xf32, #tpu.memory_space<vmem>>, vector<1x16xf32>,
    %swap3A_2567 = vector.shape_cast %swap3A_2566 : vector<1x16xf32> to vector<16xf32>
    %swap3A_2568 = vector.shape_cast %mul3A_2562 : vector<16xf32> to vector<1x16xf32>
    tpu.vector_store %arg5[%swap3A_2564, %swap3A_2565], %swap3A_2568 {strides = array<i32>} : memref<8x128xf32, #tpu.memory_space<vmem>>, vector<1x16xf32>,
    %eq3A_2569 = arith.cmpf oeq, %div3A_2428, %select_n3A_2458 : vector<16xf32>
    %jit3A_2570 = arith.constant 1.000000e+00 : f32
    %jit3A_2571 = arith.constant 0.000000e+00 : f32
    %broadcast_in_dim3A_2572 = vector.broadcast %jit3A_2570 : f32 to vector<16xf32>
    %broadcast_in_dim3A_2573 = vector.broadcast %jit3A_2571 : f32 to vector<16xf32>
    %select_n3A_2574 = arith.select %eq3A_2569, %broadcast_in_dim3A_2572, %broadcast_in_dim3A_2573 : vector<16xi1>, vector<16xf32>
    %eq3A_2575 = arith.cmpf oeq, %div3A_2428, %select_n3A_2457 : vector<16xf32>
    %jit3A_2576 = arith.constant 1.000000e+00 : f32
    %jit3A_2577 = arith.constant 0.000000e+00 : f32
    %broadcast_in_dim3A_2578 = vector.broadcast %jit3A_2576 : f32 to vector<16xf32>
    %broadcast_in_dim3A_2579 = vector.broadcast %jit3A_2577 : f32 to vector<16xf32>
    %select_n3A_2580 = arith.select %eq3A_2575, %broadcast_in_dim3A_2578, %broadcast_in_dim3A_2579 : vector<16xi1>, vector<16xf32>
    %sub3A_2581 = arith.constant 1.000000e+00 : f32
    %sub3A_2582 = vector.broadcast %sub3A_2581 : f32 to vector<16xf32>
    %sub3A_2583 = arith.subf %sub3A_2582, %add3A_2557 : vector<16xf32>
    %mul3A_2584 = arith.mulf %select_n3A_2574, %sub3A_2583 : vector<16xf32>
    %sub3A_2585 = arith.constant 1.000000e+00 : f32
    %sub3A_2586 = vector.broadcast %sub3A_2585 : f32 to vector<16xf32>
    %sub3A_2587 = arith.subf %sub3A_2586, %mul3A_2584 : vector<16xf32>
    %mul3A_2588 = arith.mulf %select_n3A_2580, %sub3A_2587 : vector<16xf32>
    %sub3A_2589 = arith.constant 1.000000e+00 : f32
    %sub3A_2590 = vector.broadcast %sub3A_2589 : f32 to vector<16xf32>
    %sub3A_2591 = arith.subf %sub3A_2590, %add3A_2558 : vector<16xf32>
    %mul3A_2592 = arith.mulf %mul3A_2588, %sub3A_2591 : vector<16xf32>
    %add3A_2593 = arith.addf %add3A_2557, %mul3A_2584 : vector<16xf32>
    %add3A_2594 = arith.addf %add3A_2558, %mul3A_2592 : vector<16xf32>
    %add3A_2595 = arith.addf %mul3A_2584, %mul3A_2592 : vector<16xf32>
    %mul3A_2596 = arith.mulf %mul3A_2584, %mul3A_2592 : vector<16xf32>
    %sub3A_2597 = arith.subf %add3A_2595, %mul3A_2596 : vector<16xf32>
    %mul3A_2598 = arith.mulf %div3A_2428, %sub3A_2597 : vector<16xf32>
    %swap3A_2599 = arith.constant 3 : i32
    %swap3A_2600 = arith.index_cast %swap3A_2599 : i32 to index
    %swap3A_2601 = arith.constant 96 : index
    %swap3A_2602 = tpu.vector_load %arg5[%swap3A_2600, %swap3A_2601] {strides = array<i32>} : memref<8x128xf32, #tpu.memory_space<vmem>>, vector<1x16xf32>,
    %swap3A_2603 = vector.shape_cast %swap3A_2602 : vector<1x16xf32> to vector<16xf32>
    %swap3A_2604 = vector.shape_cast %mul3A_2598 : vector<16xf32> to vector<1x16xf32>
    tpu.vector_store %arg5[%swap3A_2600, %swap3A_2601], %swap3A_2604 {strides = array<i32>} : memref<8x128xf32, #tpu.memory_space<vmem>>, vector<1x16xf32>,
    %eq3A_2605 = arith.cmpf oeq, %div3A_2429, %select_n3A_2458 : vector<16xf32>
    %jit3A_2606 = arith.constant 1.000000e+00 : f32
    %jit3A_2607 = arith.constant 0.000000e+00 : f32
    %broadcast_in_dim3A_2608 = vector.broadcast %jit3A_2606 : f32 to vector<16xf32>
    %broadcast_in_dim3A_2609 = vector.broadcast %jit3A_2607 : f32 to vector<16xf32>
    %select_n3A_2610 = arith.select %eq3A_2605, %broadcast_in_dim3A_2608, %broadcast_in_dim3A_2609 : vector<16xi1>, vector<16xf32>
    %eq3A_2611 = arith.cmpf oeq, %div3A_2429, %select_n3A_2457 : vector<16xf32>
    %jit3A_2612 = arith.constant 1.000000e+00 : f32
    %jit3A_2613 = arith.constant 0.000000e+00 : f32
    %broadcast_in_dim3A_2614 = vector.broadcast %jit3A_2612 : f32 to vector<16xf32>
    %broadcast_in_dim3A_2615 = vector.broadcast %jit3A_2613 : f32 to vector<16xf32>
    %select_n3A_2616 = arith.select %eq3A_2611, %broadcast_in_dim3A_2614, %broadcast_in_dim3A_2615 : vector<16xi1>, vector<16xf32>
    %sub3A_2617 = arith.constant 1.000000e+00 : f32
    %sub3A_2618 = vector.broadcast %sub3A_2617 : f32 to vector<16xf32>
    %sub3A_2619 = arith.subf %sub3A_2618, %add3A_2593 : vector<16xf32>
    %mul3A_2620 = arith.mulf %select_n3A_2610, %sub3A_2619 : vector<16xf32>
    %sub3A_2621 = arith.constant 1.000000e+00 : f32
    %sub3A_2622 = vector.broadcast %sub3A_2621 : f32 to vector<16xf32>
    %sub3A_2623 = arith.subf %sub3A_2622, %mul3A_2620 : vector<16xf32>
    %mul3A_2624 = arith.mulf %select_n3A_2616, %sub3A_2623 : vector<16xf32>
    %sub3A_2625 = arith.constant 1.000000e+00 : f32
    %sub3A_2626 = vector.broadcast %sub3A_2625 : f32 to vector<16xf32>
    %sub3A_2627 = arith.subf %sub3A_2626, %add3A_2594 : vector<16xf32>
    %mul3A_2628 = arith.mulf %mul3A_2624, %sub3A_2627 : vector<16xf32>
    %add3A_2629 = arith.addf %add3A_2593, %mul3A_2620 : vector<16xf32>
    %add3A_2630 = arith.addf %add3A_2594, %mul3A_2628 : vector<16xf32>
    %add3A_2631 = arith.addf %mul3A_2620, %mul3A_2628 : vector<16xf32>
    %mul3A_2632 = arith.mulf %mul3A_2620, %mul3A_2628 : vector<16xf32>
    %sub3A_2633 = arith.subf %add3A_2631, %mul3A_2632 : vector<16xf32>
    %mul3A_2634 = arith.mulf %div3A_2429, %sub3A_2633 : vector<16xf32>
    %swap3A_2635 = arith.constant 4 : i32
    %swap3A_2636 = arith.index_cast %swap3A_2635 : i32 to index
    %swap3A_2637 = arith.constant 96 : index
    %swap3A_2638 = tpu.vector_load %arg5[%swap3A_2636, %swap3A_2637] {strides = array<i32>} : memref<8x128xf32, #tpu.memory_space<vmem>>, vector<1x16xf32>,
    %swap3A_2639 = vector.shape_cast %swap3A_2638 : vector<1x16xf32> to vector<16xf32>
    %swap3A_2640 = vector.shape_cast %mul3A_2634 : vector<16xf32> to vector<1x16xf32>
    tpu.vector_store %arg5[%swap3A_2636, %swap3A_2637], %swap3A_2640 {strides = array<i32>} : memref<8x128xf32, #tpu.memory_space<vmem>>, vector<1x16xf32>,
    %eq3A_2641 = arith.cmpf oeq, %div3A_2430, %select_n3A_2458 : vector<16xf32>
    %jit3A_2642 = arith.constant 1.000000e+00 : f32
    %jit3A_2643 = arith.constant 0.000000e+00 : f32
    %broadcast_in_dim3A_2644 = vector.broadcast %jit3A_2642 : f32 to vector<16xf32>
    %broadcast_in_dim3A_2645 = vector.broadcast %jit3A_2643 : f32 to vector<16xf32>
    %select_n3A_2646 = arith.select %eq3A_2641, %broadcast_in_dim3A_2644, %broadcast_in_dim3A_2645 : vector<16xi1>, vector<16xf32>
    %eq3A_2647 = arith.cmpf oeq, %div3A_2430, %select_n3A_2457 : vector<16xf32>
    %jit3A_2648 = arith.constant 1.000000e+00 : f32
    %jit3A_2649 = arith.constant 0.000000e+00 : f32
    %broadcast_in_dim3A_2650 = vector.broadcast %jit3A_2648 : f32 to vector<16xf32>
    %broadcast_in_dim3A_2651 = vector.broadcast %jit3A_2649 : f32 to vector<16xf32>
    %select_n3A_2652 = arith.select %eq3A_2647, %broadcast_in_dim3A_2650, %broadcast_in_dim3A_2651 : vector<16xi1>, vector<16xf32>
    %sub3A_2653 = arith.constant 1.000000e+00 : f32
    %sub3A_2654 = vector.broadcast %sub3A_2653 : f32 to vector<16xf32>
    %sub3A_2655 = arith.subf %sub3A_2654, %add3A_2629 : vector<16xf32>
    %mul3A_2656 = arith.mulf %select_n3A_2646, %sub3A_2655 : vector<16xf32>
    %sub3A_2657 = arith.constant 1.000000e+00 : f32
    %sub3A_2658 = vector.broadcast %sub3A_2657 : f32 to vector<16xf32>
    %sub3A_2659 = arith.subf %sub3A_2658, %mul3A_2656 : vector<16xf32>
    %mul3A_2660 = arith.mulf %select_n3A_2652, %sub3A_2659 : vector<16xf32>
    %sub3A_2661 = arith.constant 1.000000e+00 : f32
    %sub3A_2662 = vector.broadcast %sub3A_2661 : f32 to vector<16xf32>
    %sub3A_2663 = arith.subf %sub3A_2662, %add3A_2630 : vector<16xf32>
    %mul3A_2664 = arith.mulf %mul3A_2660, %sub3A_2663 : vector<16xf32>
    %add3A_2665 = arith.addf %add3A_2629, %mul3A_2656 : vector<16xf32>
    %add3A_2666 = arith.addf %add3A_2630, %mul3A_2664 : vector<16xf32>
    %add3A_2667 = arith.addf %mul3A_2656, %mul3A_2664 : vector<16xf32>
    %mul3A_2668 = arith.mulf %mul3A_2656, %mul3A_2664 : vector<16xf32>
    %sub3A_2669 = arith.subf %add3A_2667, %mul3A_2668 : vector<16xf32>
    %mul3A_2670 = arith.mulf %div3A_2430, %sub3A_2669 : vector<16xf32>
    %swap3A_2671 = arith.constant 5 : i32
    %swap3A_2672 = arith.index_cast %swap3A_2671 : i32 to index
    %swap3A_2673 = arith.constant 96 : index
    %swap3A_2674 = tpu.vector_load %arg5[%swap3A_2672, %swap3A_2673] {strides = array<i32>} : memref<8x128xf32, #tpu.memory_space<vmem>>, vector<1x16xf32>,
    %swap3A_2675 = vector.shape_cast %swap3A_2674 : vector<1x16xf32> to vector<16xf32>
    %swap3A_2676 = vector.shape_cast %mul3A_2670 : vector<16xf32> to vector<1x16xf32>
    tpu.vector_store %arg5[%swap3A_2672, %swap3A_2673], %swap3A_2676 {strides = array<i32>} : memref<8x128xf32, #tpu.memory_space<vmem>>, vector<1x16xf32>,
    %eq3A_2677 = arith.cmpf oeq, %div3A_2431, %select_n3A_2458 : vector<16xf32>
    %jit3A_2678 = arith.constant 1.000000e+00 : f32
    %jit3A_2679 = arith.constant 0.000000e+00 : f32
    %broadcast_in_dim3A_2680 = vector.broadcast %jit3A_2678 : f32 to vector<16xf32>
    %broadcast_in_dim3A_2681 = vector.broadcast %jit3A_2679 : f32 to vector<16xf32>
    %select_n3A_2682 = arith.select %eq3A_2677, %broadcast_in_dim3A_2680, %broadcast_in_dim3A_2681 : vector<16xi1>, vector<16xf32>
    %eq3A_2683 = arith.cmpf oeq, %div3A_2431, %select_n3A_2457 : vector<16xf32>
    %jit3A_2684 = arith.constant 1.000000e+00 : f32
    %jit3A_2685 = arith.constant 0.000000e+00 : f32
    %broadcast_in_dim3A_2686 = vector.broadcast %jit3A_2684 : f32 to vector<16xf32>
    %broadcast_in_dim3A_2687 = vector.broadcast %jit3A_2685 : f32 to vector<16xf32>
    %select_n3A_2688 = arith.select %eq3A_2683, %broadcast_in_dim3A_2686, %broadcast_in_dim3A_2687 : vector<16xi1>, vector<16xf32>
    %sub3A_2689 = arith.constant 1.000000e+00 : f32
    %sub3A_2690 = vector.broadcast %sub3A_2689 : f32 to vector<16xf32>
    %sub3A_2691 = arith.subf %sub3A_2690, %add3A_2665 : vector<16xf32>
    %mul3A_2692 = arith.mulf %select_n3A_2682, %sub3A_2691 : vector<16xf32>
    %sub3A_2693 = arith.constant 1.000000e+00 : f32
    %sub3A_2694 = vector.broadcast %sub3A_2693 : f32 to vector<16xf32>
    %sub3A_2695 = arith.subf %sub3A_2694, %mul3A_2692 : vector<16xf32>
    %mul3A_2696 = arith.mulf %select_n3A_2688, %sub3A_2695 : vector<16xf32>
    %sub3A_2697 = arith.constant 1.000000e+00 : f32
    %sub3A_2698 = vector.broadcast %sub3A_2697 : f32 to vector<16xf32>
    %sub3A_2699 = arith.subf %sub3A_2698, %add3A_2666 : vector<16xf32>
    %mul3A_2700 = arith.mulf %mul3A_2696, %sub3A_2699 : vector<16xf32>
    %add3A_2701 = arith.addf %add3A_2665, %mul3A_2692 : vector<16xf32>
    %add3A_2702 = arith.addf %add3A_2666, %mul3A_2700 : vector<16xf32>
    %add3A_2703 = arith.addf %mul3A_2692, %mul3A_2700 : vector<16xf32>
    %mul3A_2704 = arith.mulf %mul3A_2692, %mul3A_2700 : vector<16xf32>
    %sub3A_2705 = arith.subf %add3A_2703, %mul3A_2704 : vector<16xf32>
    %mul3A_2706 = arith.mulf %div3A_2431, %sub3A_2705 : vector<16xf32>
    %swap3A_2707 = arith.constant 6 : i32
    %swap3A_2708 = arith.index_cast %swap3A_2707 : i32 to index
    %swap3A_2709 = arith.constant 96 : index
    %swap3A_2710 = tpu.vector_load %arg5[%swap3A_2708, %swap3A_2709] {strides = array<i32>} : memref<8x128xf32, #tpu.memory_space<vmem>>, vector<1x16xf32>,
    %swap3A_2711 = vector.shape_cast %swap3A_2710 : vector<1x16xf32> to vector<16xf32>
    %swap3A_2712 = vector.shape_cast %mul3A_2706 : vector<16xf32> to vector<1x16xf32>
    tpu.vector_store %arg5[%swap3A_2708, %swap3A_2709], %swap3A_2712 {strides = array<i32>} : memref<8x128xf32, #tpu.memory_space<vmem>>, vector<1x16xf32>,
    %eq3A_2713 = arith.cmpf oeq, %div3A_2432, %select_n3A_2458 : vector<16xf32>
    %jit3A_2714 = arith.constant 1.000000e+00 : f32
    %jit3A_2715 = arith.constant 0.000000e+00 : f32
    %broadcast_in_dim3A_2716 = vector.broadcast %jit3A_2714 : f32 to vector<16xf32>
    %broadcast_in_dim3A_2717 = vector.broadcast %jit3A_2715 : f32 to vector<16xf32>
    %select_n3A_2718 = arith.select %eq3A_2713, %broadcast_in_dim3A_2716, %broadcast_in_dim3A_2717 : vector<16xi1>, vector<16xf32>
    %eq3A_2719 = arith.cmpf oeq, %div3A_2432, %select_n3A_2457 : vector<16xf32>
    %jit3A_2720 = arith.constant 1.000000e+00 : f32
    %jit3A_2721 = arith.constant 0.000000e+00 : f32
    %broadcast_in_dim3A_2722 = vector.broadcast %jit3A_2720 : f32 to vector<16xf32>
    %broadcast_in_dim3A_2723 = vector.broadcast %jit3A_2721 : f32 to vector<16xf32>
    %select_n3A_2724 = arith.select %eq3A_2719, %broadcast_in_dim3A_2722, %broadcast_in_dim3A_2723 : vector<16xi1>, vector<16xf32>
    %sub3A_2725 = arith.constant 1.000000e+00 : f32
    %sub3A_2726 = vector.broadcast %sub3A_2725 : f32 to vector<16xf32>
    %sub3A_2727 = arith.subf %sub3A_2726, %add3A_2701 : vector<16xf32>
    %mul3A_2728 = arith.mulf %select_n3A_2718, %sub3A_2727 : vector<16xf32>
    %sub3A_2729 = arith.constant 1.000000e+00 : f32
    %sub3A_2730 = vector.broadcast %sub3A_2729 : f32 to vector<16xf32>
    %sub3A_2731 = arith.subf %sub3A_2730, %mul3A_2728 : vector<16xf32>
    %mul3A_2732 = arith.mulf %select_n3A_2724, %sub3A_2731 : vector<16xf32>
    %sub3A_2733 = arith.constant 1.000000e+00 : f32
    %sub3A_2734 = vector.broadcast %sub3A_2733 : f32 to vector<16xf32>
    %sub3A_2735 = arith.subf %sub3A_2734, %add3A_2702 : vector<16xf32>
    %mul3A_2736 = arith.mulf %mul3A_2732, %sub3A_2735 : vector<16xf32>
    %add3A_2737 = arith.addf %add3A_2701, %mul3A_2728 : vector<16xf32>
    %add3A_2738 = arith.addf %add3A_2702, %mul3A_2736 : vector<16xf32>
    %add3A_2739 = arith.addf %mul3A_2728, %mul3A_2736 : vector<16xf32>
    %mul3A_2740 = arith.mulf %mul3A_2728, %mul3A_2736 : vector<16xf32>
    %sub3A_2741 = arith.subf %add3A_2739, %mul3A_2740 : vector<16xf32>
    %mul3A_2742 = arith.mulf %div3A_2432, %sub3A_2741 : vector<16xf32>
    %swap3A_2743 = arith.constant 7 : i32
    %swap3A_2744 = arith.index_cast %swap3A_2743 : i32 to index
    %swap3A_2745 = arith.constant 96 : index
    %swap3A_2746 = tpu.vector_load %arg5[%swap3A_2744, %swap3A_2745] {strides = array<i32>} : memref<8x128xf32, #tpu.memory_space<vmem>>, vector<1x16xf32>,
    %swap3A_2747 = vector.shape_cast %swap3A_2746 : vector<1x16xf32> to vector<16xf32>
    %swap3A_2748 = vector.shape_cast %mul3A_2742 : vector<16xf32> to vector<1x16xf32>
    tpu.vector_store %arg5[%swap3A_2744, %swap3A_2745], %swap3A_2748 {strides = array<i32>} : memref<8x128xf32, #tpu.memory_space<vmem>>, vector<1x16xf32>,
    %get3A_2749 = arith.constant 0 : i32
    %get3A_2750 = arith.index_cast %get3A_2749 : i32 to index
    %get3A_2751 = arith.constant 112 : index
    %get3A_2752 = tpu.vector_load %arg4[%get3A_2750, %get3A_2751] {strides = array<i32>} : memref<8x128xf32, #tpu.memory_space<vmem>>, vector<1x16xf32>,
    %get3A_2753 = vector.shape_cast %get3A_2752 : vector<1x16xf32> to vector<16xf32>
    %get3A_2754 = arith.constant 1 : i32
    %get3A_2755 = arith.index_cast %get3A_2754 : i32 to index
    %get3A_2756 = arith.constant 112 : index
    %get3A_2757 = tpu.vector_load %arg4[%get3A_2755, %get3A_2756] {strides = array<i32>} : memref<8x128xf32, #tpu.memory_space<vmem>>, vector<1x16xf32>,
    %get3A_2758 = vector.shape_cast %get3A_2757 : vector<1x16xf32> to vector<16xf32>
    %get3A_2759 = arith.constant 2 : i32
    %get3A_2760 = arith.index_cast %get3A_2759 : i32 to index
    %get3A_2761 = arith.constant 112 : index
    %get3A_2762 = tpu.vector_load %arg4[%get3A_2760, %get3A_2761] {strides = array<i32>} : memref<8x128xf32, #tpu.memory_space<vmem>>, vector<1x16xf32>,
    %get3A_2763 = vector.shape_cast %get3A_2762 : vector<1x16xf32> to vector<16xf32>
    %get3A_2764 = arith.constant 3 : i32
    %get3A_2765 = arith.index_cast %get3A_2764 : i32 to index
    %get3A_2766 = arith.constant 112 : index
    %get3A_2767 = tpu.vector_load %arg4[%get3A_2765, %get3A_2766] {strides = array<i32>} : memref<8x128xf32, #tpu.memory_space<vmem>>, vector<1x16xf32>,
    %get3A_2768 = vector.shape_cast %get3A_2767 : vector<1x16xf32> to vector<16xf32>
    %get3A_2769 = arith.constant 4 : i32
    %get3A_2770 = arith.index_cast %get3A_2769 : i32 to index
    %get3A_2771 = arith.constant 112 : index
    %get3A_2772 = tpu.vector_load %arg4[%get3A_2770, %get3A_2771] {strides = array<i32>} : memref<8x128xf32, #tpu.memory_space<vmem>>, vector<1x16xf32>,
    %get3A_2773 = vector.shape_cast %get3A_2772 : vector<1x16xf32> to vector<16xf32>
    %get3A_2774 = arith.constant 5 : i32
    %get3A_2775 = arith.index_cast %get3A_2774 : i32 to index
    %get3A_2776 = arith.constant 112 : index
    %get3A_2777 = tpu.vector_load %arg4[%get3A_2775, %get3A_2776] {strides = array<i32>} : memref<8x128xf32, #tpu.memory_space<vmem>>, vector<1x16xf32>,
    %get3A_2778 = vector.shape_cast %get3A_2777 : vector<1x16xf32> to vector<16xf32>
    %get3A_2779 = arith.constant 6 : i32
    %get3A_2780 = arith.index_cast %get3A_2779 : i32 to index
    %get3A_2781 = arith.constant 112 : index
    %get3A_2782 = tpu.vector_load %arg4[%get3A_2780, %get3A_2781] {strides = array<i32>} : memref<8x128xf32, #tpu.memory_space<vmem>>, vector<1x16xf32>,
    %get3A_2783 = vector.shape_cast %get3A_2782 : vector<1x16xf32> to vector<16xf32>
    %get3A_2784 = arith.constant 7 : i32
    %get3A_2785 = arith.index_cast %get3A_2784 : i32 to index
    %get3A_2786 = arith.constant 112 : index
    %get3A_2787 = tpu.vector_load %arg4[%get3A_2785, %get3A_2786] {strides = array<i32>} : memref<8x128xf32, #tpu.memory_space<vmem>>, vector<1x16xf32>,
    %get3A_2788 = vector.shape_cast %get3A_2787 : vector<1x16xf32> to vector<16xf32>
    %max3A_2789 = arith.maximumf %get3A_2753, %get3A_2758 : vector<16xf32>
    %max3A_2790 = arith.maximumf %max3A_2789, %get3A_2763 : vector<16xf32>
    %max3A_2791 = arith.maximumf %max3A_2790, %get3A_2768 : vector<16xf32>
    %max3A_2792 = arith.maximumf %max3A_2791, %get3A_2773 : vector<16xf32>
    %max3A_2793 = arith.maximumf %max3A_2792, %get3A_2778 : vector<16xf32>
    %max3A_2794 = arith.maximumf %max3A_2793, %get3A_2783 : vector<16xf32>
    %max3A_2795 = arith.maximumf %max3A_2794, %get3A_2788 : vector<16xf32>
    %sub3A_2796 = arith.subf %get3A_2753, %max3A_2795 : vector<16xf32>
    %exp3A_2797 = math.exp %sub3A_2796 : vector<16xf32>
    %sub3A_2798 = arith.subf %get3A_2758, %max3A_2795 : vector<16xf32>
    %exp3A_2799 = math.exp %sub3A_2798 : vector<16xf32>
    %sub3A_2800 = arith.subf %get3A_2763, %max3A_2795 : vector<16xf32>
    %exp3A_2801 = math.exp %sub3A_2800 : vector<16xf32>
    %sub3A_2802 = arith.subf %get3A_2768, %max3A_2795 : vector<16xf32>
    %exp3A_2803 = math.exp %sub3A_2802 : vector<16xf32>
    %sub3A_2804 = arith.subf %get3A_2773, %max3A_2795 : vector<16xf32>
    %exp3A_2805 = math.exp %sub3A_2804 : vector<16xf32>
    %sub3A_2806 = arith.subf %get3A_2778, %max3A_2795 : vector<16xf32>
    %exp3A_2807 = math.exp %sub3A_2806 : vector<16xf32>
    %sub3A_2808 = arith.subf %get3A_2783, %max3A_2795 : vector<16xf32>
    %exp3A_2809 = math.exp %sub3A_2808 : vector<16xf32>
    %sub3A_2810 = arith.subf %get3A_2788, %max3A_2795 : vector<16xf32>
    %exp3A_2811 = math.exp %sub3A_2810 : vector<16xf32>
    %add3A_2812 = arith.addf %exp3A_2797, %exp3A_2799 : vector<16xf32>
    %add3A_2813 = arith.addf %add3A_2812, %exp3A_2801 : vector<16xf32>
    %add3A_2814 = arith.addf %add3A_2813, %exp3A_2803 : vector<16xf32>
    %add3A_2815 = arith.addf %add3A_2814, %exp3A_2805 : vector<16xf32>
    %add3A_2816 = arith.addf %add3A_2815, %exp3A_2807 : vector<16xf32>
    %add3A_2817 = arith.addf %add3A_2816, %exp3A_2809 : vector<16xf32>
    %add3A_2818 = arith.addf %add3A_2817, %exp3A_2811 : vector<16xf32>
    %div3A_2819 = arith.divf %exp3A_2797, %add3A_2818 : vector<16xf32>
    %div3A_2820 = arith.divf %exp3A_2799, %add3A_2818 : vector<16xf32>
    %div3A_2821 = arith.divf %exp3A_2801, %add3A_2818 : vector<16xf32>
    %div3A_2822 = arith.divf %exp3A_2803, %add3A_2818 : vector<16xf32>
    %div3A_2823 = arith.divf %exp3A_2805, %add3A_2818 : vector<16xf32>
    %div3A_2824 = arith.divf %exp3A_2807, %add3A_2818 : vector<16xf32>
    %div3A_2825 = arith.divf %exp3A_2809, %add3A_2818 : vector<16xf32>
    %div3A_2826 = arith.divf %exp3A_2811, %add3A_2818 : vector<16xf32>
    %max3A_2827 = arith.maximumf %div3A_2819, %div3A_2820 : vector<16xf32>
    %min3A_2828 = arith.minimumf %div3A_2819, %div3A_2820 : vector<16xf32>
    %gt3A_2829 = arith.cmpf ogt, %div3A_2821, %max3A_2827 : vector<16xf32>
    %max3A_2830 = arith.maximumf %min3A_2828, %div3A_2821 : vector<16xf32>
    %select_n3A_2831 = arith.select %gt3A_2829, %max3A_2827, %max3A_2830 : vector<16xi1>, vector<16xf32>
    %select_n3A_2832 = arith.select %gt3A_2829, %div3A_2821, %max3A_2827 : vector<16xi1>, vector<16xf32>
    %gt3A_2833 = arith.cmpf ogt, %div3A_2822, %select_n3A_2832 : vector<16xf32>
    %max3A_2834 = arith.maximumf %select_n3A_2831, %div3A_2822 : vector<16xf32>
    %select_n3A_2835 = arith.select %gt3A_2833, %select_n3A_2832, %max3A_2834 : vector<16xi1>, vector<16xf32>
    %select_n3A_2836 = arith.select %gt3A_2833, %div3A_2822, %select_n3A_2832 : vector<16xi1>, vector<16xf32>
    %gt3A_2837 = arith.cmpf ogt, %div3A_2823, %select_n3A_2836 : vector<16xf32>
    %max3A_2838 = arith.maximumf %select_n3A_2835, %div3A_2823 : vector<16xf32>
    %select_n3A_2839 = arith.select %gt3A_2837, %select_n3A_2836, %max3A_2838 : vector<16xi1>, vector<16xf32>
    %select_n3A_2840 = arith.select %gt3A_2837, %div3A_2823, %select_n3A_2836 : vector<16xi1>, vector<16xf32>
    %gt3A_2841 = arith.cmpf ogt, %div3A_2824, %select_n3A_2840 : vector<16xf32>
    %max3A_2842 = arith.maximumf %select_n3A_2839, %div3A_2824 : vector<16xf32>
    %select_n3A_2843 = arith.select %gt3A_2841, %select_n3A_2840, %max3A_2842 : vector<16xi1>, vector<16xf32>
    %select_n3A_2844 = arith.select %gt3A_2841, %div3A_2824, %select_n3A_2840 : vector<16xi1>, vector<16xf32>
    %gt3A_2845 = arith.cmpf ogt, %div3A_2825, %select_n3A_2844 : vector<16xf32>
    %max3A_2846 = arith.maximumf %select_n3A_2843, %div3A_2825 : vector<16xf32>
    %select_n3A_2847 = arith.select %gt3A_2845, %select_n3A_2844, %max3A_2846 : vector<16xi1>, vector<16xf32>
    %select_n3A_2848 = arith.select %gt3A_2845, %div3A_2825, %select_n3A_2844 : vector<16xi1>, vector<16xf32>
    %gt3A_2849 = arith.cmpf ogt, %div3A_2826, %select_n3A_2848 : vector<16xf32>
    %max3A_2850 = arith.maximumf %select_n3A_2847, %div3A_2826 : vector<16xf32>
    %select_n3A_2851 = arith.select %gt3A_2849, %select_n3A_2848, %max3A_2850 : vector<16xi1>, vector<16xf32>
    %select_n3A_2852 = arith.select %gt3A_2849, %div3A_2826, %select_n3A_2848 : vector<16xi1>, vector<16xf32>
    %sub3A_2853 = arith.subf %select_n3A_2852, %select_n3A_2852 : vector<16xf32>
    %sub3A_2854 = arith.subf %select_n3A_2852, %select_n3A_2852 : vector<16xf32>
    %eq3A_2855 = arith.cmpf oeq, %div3A_2819, %select_n3A_2852 : vector<16xf32>
    %jit3A_2856 = arith.constant 1.000000e+00 : f32
    %jit3A_2857 = arith.constant 0.000000e+00 : f32
    %broadcast_in_dim3A_2858 = vector.broadcast %jit3A_2856 : f32 to vector<16xf32>
    %broadcast_in_dim3A_2859 = vector.broadcast %jit3A_2857 : f32 to vector<16xf32>
    %select_n3A_2860 = arith.select %eq3A_2855, %broadcast_in_dim3A_2858, %broadcast_in_dim3A_2859 : vector<16xi1>, vector<16xf32>
    %eq3A_2861 = arith.cmpf oeq, %div3A_2819, %select_n3A_2851 : vector<16xf32>
    %jit3A_2862 = arith.constant 1.000000e+00 : f32
    %jit3A_2863 = arith.constant 0.000000e+00 : f32
    %broadcast_in_dim3A_2864 = vector.broadcast %jit3A_2862 : f32 to vector<16xf32>
    %broadcast_in_dim3A_2865 = vector.broadcast %jit3A_2863 : f32 to vector<16xf32>
    %select_n3A_2866 = arith.select %eq3A_2861, %broadcast_in_dim3A_2864, %broadcast_in_dim3A_2865 : vector<16xi1>, vector<16xf32>
    %sub3A_2867 = arith.constant 1.000000e+00 : f32
    %sub3A_2868 = vector.broadcast %sub3A_2867 : f32 to vector<16xf32>
    %sub3A_2869 = arith.subf %sub3A_2868, %sub3A_2853 : vector<16xf32>
    %mul3A_2870 = arith.mulf %select_n3A_2860, %sub3A_2869 : vector<16xf32>
    %sub3A_2871 = arith.constant 1.000000e+00 : f32
    %sub3A_2872 = vector.broadcast %sub3A_2871 : f32 to vector<16xf32>
    %sub3A_2873 = arith.subf %sub3A_2872, %mul3A_2870 : vector<16xf32>
    %mul3A_2874 = arith.mulf %select_n3A_2866, %sub3A_2873 : vector<16xf32>
    %sub3A_2875 = arith.constant 1.000000e+00 : f32
    %sub3A_2876 = vector.broadcast %sub3A_2875 : f32 to vector<16xf32>
    %sub3A_2877 = arith.subf %sub3A_2876, %sub3A_2854 : vector<16xf32>
    %mul3A_2878 = arith.mulf %mul3A_2874, %sub3A_2877 : vector<16xf32>
    %add3A_2879 = arith.addf %sub3A_2853, %mul3A_2870 : vector<16xf32>
    %add3A_2880 = arith.addf %sub3A_2854, %mul3A_2878 : vector<16xf32>
    %add3A_2881 = arith.addf %mul3A_2870, %mul3A_2878 : vector<16xf32>
    %mul3A_2882 = arith.mulf %mul3A_2870, %mul3A_2878 : vector<16xf32>
    %sub3A_2883 = arith.subf %add3A_2881, %mul3A_2882 : vector<16xf32>
    %mul3A_2884 = arith.mulf %div3A_2819, %sub3A_2883 : vector<16xf32>
    %swap3A_2885 = arith.constant 0 : i32
    %swap3A_2886 = arith.index_cast %swap3A_2885 : i32 to index
    %swap3A_2887 = arith.constant 112 : index
    %swap3A_2888 = tpu.vector_load %arg5[%swap3A_2886, %swap3A_2887] {strides = array<i32>} : memref<8x128xf32, #tpu.memory_space<vmem>>, vector<1x16xf32>,
    %swap3A_2889 = vector.shape_cast %swap3A_2888 : vector<1x16xf32> to vector<16xf32>
    %swap3A_2890 = vector.shape_cast %mul3A_2884 : vector<16xf32> to vector<1x16xf32>
    tpu.vector_store %arg5[%swap3A_2886, %swap3A_2887], %swap3A_2890 {strides = array<i32>} : memref<8x128xf32, #tpu.memory_space<vmem>>, vector<1x16xf32>,
    %eq3A_2891 = arith.cmpf oeq, %div3A_2820, %select_n3A_2852 : vector<16xf32>
    %jit3A_2892 = arith.constant 1.000000e+00 : f32
    %jit3A_2893 = arith.constant 0.000000e+00 : f32
    %broadcast_in_dim3A_2894 = vector.broadcast %jit3A_2892 : f32 to vector<16xf32>
    %broadcast_in_dim3A_2895 = vector.broadcast %jit3A_2893 : f32 to vector<16xf32>
    %select_n3A_2896 = arith.select %eq3A_2891, %broadcast_in_dim3A_2894, %broadcast_in_dim3A_2895 : vector<16xi1>, vector<16xf32>
    %eq3A_2897 = arith.cmpf oeq, %div3A_2820, %select_n3A_2851 : vector<16xf32>
    %jit3A_2898 = arith.constant 1.000000e+00 : f32
    %jit3A_2899 = arith.constant 0.000000e+00 : f32
    %broadcast_in_dim3A_2900 = vector.broadcast %jit3A_2898 : f32 to vector<16xf32>
    %broadcast_in_dim3A_2901 = vector.broadcast %jit3A_2899 : f32 to vector<16xf32>
    %select_n3A_2902 = arith.select %eq3A_2897, %broadcast_in_dim3A_2900, %broadcast_in_dim3A_2901 : vector<16xi1>, vector<16xf32>
    %sub3A_2903 = arith.constant 1.000000e+00 : f32
    %sub3A_2904 = vector.broadcast %sub3A_2903 : f32 to vector<16xf32>
    %sub3A_2905 = arith.subf %sub3A_2904, %add3A_2879 : vector<16xf32>
    %mul3A_2906 = arith.mulf %select_n3A_2896, %sub3A_2905 : vector<16xf32>
    %sub3A_2907 = arith.constant 1.000000e+00 : f32
    %sub3A_2908 = vector.broadcast %sub3A_2907 : f32 to vector<16xf32>
    %sub3A_2909 = arith.subf %sub3A_2908, %mul3A_2906 : vector<16xf32>
    %mul3A_2910 = arith.mulf %select_n3A_2902, %sub3A_2909 : vector<16xf32>
    %sub3A_2911 = arith.constant 1.000000e+00 : f32
    %sub3A_2912 = vector.broadcast %sub3A_2911 : f32 to vector<16xf32>
    %sub3A_2913 = arith.subf %sub3A_2912, %add3A_2880 : vector<16xf32>
    %mul3A_2914 = arith.mulf %mul3A_2910, %sub3A_2913 : vector<16xf32>
    %add3A_2915 = arith.addf %add3A_2879, %mul3A_2906 : vector<16xf32>
    %add3A_2916 = arith.addf %add3A_2880, %mul3A_2914 : vector<16xf32>
    %add3A_2917 = arith.addf %mul3A_2906, %mul3A_2914 : vector<16xf32>
    %mul3A_2918 = arith.mulf %mul3A_2906, %mul3A_2914 : vector<16xf32>
    %sub3A_2919 = arith.subf %add3A_2917, %mul3A_2918 : vector<16xf32>
    %mul3A_2920 = arith.mulf %div3A_2820, %sub3A_2919 : vector<16xf32>
    %swap3A_2921 = arith.constant 1 : i32
    %swap3A_2922 = arith.index_cast %swap3A_2921 : i32 to index
    %swap3A_2923 = arith.constant 112 : index
    %swap3A_2924 = tpu.vector_load %arg5[%swap3A_2922, %swap3A_2923] {strides = array<i32>} : memref<8x128xf32, #tpu.memory_space<vmem>>, vector<1x16xf32>,
    %swap3A_2925 = vector.shape_cast %swap3A_2924 : vector<1x16xf32> to vector<16xf32>
    %swap3A_2926 = vector.shape_cast %mul3A_2920 : vector<16xf32> to vector<1x16xf32>
    tpu.vector_store %arg5[%swap3A_2922, %swap3A_2923], %swap3A_2926 {strides = array<i32>} : memref<8x128xf32, #tpu.memory_space<vmem>>, vector<1x16xf32>,
    %eq3A_2927 = arith.cmpf oeq, %div3A_2821, %select_n3A_2852 : vector<16xf32>
    %jit3A_2928 = arith.constant 1.000000e+00 : f32
    %jit3A_2929 = arith.constant 0.000000e+00 : f32
    %broadcast_in_dim3A_2930 = vector.broadcast %jit3A_2928 : f32 to vector<16xf32>
    %broadcast_in_dim3A_2931 = vector.broadcast %jit3A_2929 : f32 to vector<16xf32>
    %select_n3A_2932 = arith.select %eq3A_2927, %broadcast_in_dim3A_2930, %broadcast_in_dim3A_2931 : vector<16xi1>, vector<16xf32>
    %eq3A_2933 = arith.cmpf oeq, %div3A_2821, %select_n3A_2851 : vector<16xf32>
    %jit3A_2934 = arith.constant 1.000000e+00 : f32
    %jit3A_2935 = arith.constant 0.000000e+00 : f32
    %broadcast_in_dim3A_2936 = vector.broadcast %jit3A_2934 : f32 to vector<16xf32>
    %broadcast_in_dim3A_2937 = vector.broadcast %jit3A_2935 : f32 to vector<16xf32>
    %select_n3A_2938 = arith.select %eq3A_2933, %broadcast_in_dim3A_2936, %broadcast_in_dim3A_2937 : vector<16xi1>, vector<16xf32>
    %sub3A_2939 = arith.constant 1.000000e+00 : f32
    %sub3A_2940 = vector.broadcast %sub3A_2939 : f32 to vector<16xf32>
    %sub3A_2941 = arith.subf %sub3A_2940, %add3A_2915 : vector<16xf32>
    %mul3A_2942 = arith.mulf %select_n3A_2932, %sub3A_2941 : vector<16xf32>
    %sub3A_2943 = arith.constant 1.000000e+00 : f32
    %sub3A_2944 = vector.broadcast %sub3A_2943 : f32 to vector<16xf32>
    %sub3A_2945 = arith.subf %sub3A_2944, %mul3A_2942 : vector<16xf32>
    %mul3A_2946 = arith.mulf %select_n3A_2938, %sub3A_2945 : vector<16xf32>
    %sub3A_2947 = arith.constant 1.000000e+00 : f32
    %sub3A_2948 = vector.broadcast %sub3A_2947 : f32 to vector<16xf32>
    %sub3A_2949 = arith.subf %sub3A_2948, %add3A_2916 : vector<16xf32>
    %mul3A_2950 = arith.mulf %mul3A_2946, %sub3A_2949 : vector<16xf32>
    %add3A_2951 = arith.addf %add3A_2915, %mul3A_2942 : vector<16xf32>
    %add3A_2952 = arith.addf %add3A_2916, %mul3A_2950 : vector<16xf32>
    %add3A_2953 = arith.addf %mul3A_2942, %mul3A_2950 : vector<16xf32>
    %mul3A_2954 = arith.mulf %mul3A_2942, %mul3A_2950 : vector<16xf32>
    %sub3A_2955 = arith.subf %add3A_2953, %mul3A_2954 : vector<16xf32>
    %mul3A_2956 = arith.mulf %div3A_2821, %sub3A_2955 : vector<16xf32>
    %swap3A_2957 = arith.constant 2 : i32
    %swap3A_2958 = arith.index_cast %swap3A_2957 : i32 to index
    %swap3A_2959 = arith.constant 112 : index
    %swap3A_2960 = tpu.vector_load %arg5[%swap3A_2958, %swap3A_2959] {strides = array<i32>} : memref<8x128xf32, #tpu.memory_space<vmem>>, vector<1x16xf32>,
    %swap3A_2961 = vector.shape_cast %swap3A_2960 : vector<1x16xf32> to vector<16xf32>
    %swap3A_2962 = vector.shape_cast %mul3A_2956 : vector<16xf32> to vector<1x16xf32>
    tpu.vector_store %arg5[%swap3A_2958, %swap3A_2959], %swap3A_2962 {strides = array<i32>} : memref<8x128xf32, #tpu.memory_space<vmem>>, vector<1x16xf32>,
    %eq3A_2963 = arith.cmpf oeq, %div3A_2822, %select_n3A_2852 : vector<16xf32>
    %jit3A_2964 = arith.constant 1.000000e+00 : f32
    %jit3A_2965 = arith.constant 0.000000e+00 : f32
    %broadcast_in_dim3A_2966 = vector.broadcast %jit3A_2964 : f32 to vector<16xf32>
    %broadcast_in_dim3A_2967 = vector.broadcast %jit3A_2965 : f32 to vector<16xf32>
    %select_n3A_2968 = arith.select %eq3A_2963, %broadcast_in_dim3A_2966, %broadcast_in_dim3A_2967 : vector<16xi1>, vector<16xf32>
    %eq3A_2969 = arith.cmpf oeq, %div3A_2822, %select_n3A_2851 : vector<16xf32>
    %jit3A_2970 = arith.constant 1.000000e+00 : f32
    %jit3A_2971 = arith.constant 0.000000e+00 : f32
    %broadcast_in_dim3A_2972 = vector.broadcast %jit3A_2970 : f32 to vector<16xf32>
    %broadcast_in_dim3A_2973 = vector.broadcast %jit3A_2971 : f32 to vector<16xf32>
    %select_n3A_2974 = arith.select %eq3A_2969, %broadcast_in_dim3A_2972, %broadcast_in_dim3A_2973 : vector<16xi1>, vector<16xf32>
    %sub3A_2975 = arith.constant 1.000000e+00 : f32
    %sub3A_2976 = vector.broadcast %sub3A_2975 : f32 to vector<16xf32>
    %sub3A_2977 = arith.subf %sub3A_2976, %add3A_2951 : vector<16xf32>
    %mul3A_2978 = arith.mulf %select_n3A_2968, %sub3A_2977 : vector<16xf32>
    %sub3A_2979 = arith.constant 1.000000e+00 : f32
    %sub3A_2980 = vector.broadcast %sub3A_2979 : f32 to vector<16xf32>
    %sub3A_2981 = arith.subf %sub3A_2980, %mul3A_2978 : vector<16xf32>
    %mul3A_2982 = arith.mulf %select_n3A_2974, %sub3A_2981 : vector<16xf32>
    %sub3A_2983 = arith.constant 1.000000e+00 : f32
    %sub3A_2984 = vector.broadcast %sub3A_2983 : f32 to vector<16xf32>
    %sub3A_2985 = arith.subf %sub3A_2984, %add3A_2952 : vector<16xf32>
    %mul3A_2986 = arith.mulf %mul3A_2982, %sub3A_2985 : vector<16xf32>
    %add3A_2987 = arith.addf %add3A_2951, %mul3A_2978 : vector<16xf32>
    %add3A_2988 = arith.addf %add3A_2952, %mul3A_2986 : vector<16xf32>
    %add3A_2989 = arith.addf %mul3A_2978, %mul3A_2986 : vector<16xf32>
    %mul3A_2990 = arith.mulf %mul3A_2978, %mul3A_2986 : vector<16xf32>
    %sub3A_2991 = arith.subf %add3A_2989, %mul3A_2990 : vector<16xf32>
    %mul3A_2992 = arith.mulf %div3A_2822, %sub3A_2991 : vector<16xf32>
    %swap3A_2993 = arith.constant 3 : i32
    %swap3A_2994 = arith.index_cast %swap3A_2993 : i32 to index
    %swap3A_2995 = arith.constant 112 : index
    %swap3A_2996 = tpu.vector_load %arg5[%swap3A_2994, %swap3A_2995] {strides = array<i32>} : memref<8x128xf32, #tpu.memory_space<vmem>>, vector<1x16xf32>,
    %swap3A_2997 = vector.shape_cast %swap3A_2996 : vector<1x16xf32> to vector<16xf32>
    %swap3A_2998 = vector.shape_cast %mul3A_2992 : vector<16xf32> to vector<1x16xf32>
    tpu.vector_store %arg5[%swap3A_2994, %swap3A_2995], %swap3A_2998 {strides = array<i32>} : memref<8x128xf32, #tpu.memory_space<vmem>>, vector<1x16xf32>,
    %eq3A_2999 = arith.cmpf oeq, %div3A_2823, %select_n3A_2852 : vector<16xf32>
    %jit3A_3000 = arith.constant 1.000000e+00 : f32
    %jit3A_3001 = arith.constant 0.000000e+00 : f32
    %broadcast_in_dim3A_3002 = vector.broadcast %jit3A_3000 : f32 to vector<16xf32>
    %broadcast_in_dim3A_3003 = vector.broadcast %jit3A_3001 : f32 to vector<16xf32>
    %select_n3A_3004 = arith.select %eq3A_2999, %broadcast_in_dim3A_3002, %broadcast_in_dim3A_3003 : vector<16xi1>, vector<16xf32>
    %eq3A_3005 = arith.cmpf oeq, %div3A_2823, %select_n3A_2851 : vector<16xf32>
    %jit3A_3006 = arith.constant 1.000000e+00 : f32
    %jit3A_3007 = arith.constant 0.000000e+00 : f32
    %broadcast_in_dim3A_3008 = vector.broadcast %jit3A_3006 : f32 to vector<16xf32>
    %broadcast_in_dim3A_3009 = vector.broadcast %jit3A_3007 : f32 to vector<16xf32>
    %select_n3A_3010 = arith.select %eq3A_3005, %broadcast_in_dim3A_3008, %broadcast_in_dim3A_3009 : vector<16xi1>, vector<16xf32>
    %sub3A_3011 = arith.constant 1.000000e+00 : f32
    %sub3A_3012 = vector.broadcast %sub3A_3011 : f32 to vector<16xf32>
    %sub3A_3013 = arith.subf %sub3A_3012, %add3A_2987 : vector<16xf32>
    %mul3A_3014 = arith.mulf %select_n3A_3004, %sub3A_3013 : vector<16xf32>
    %sub3A_3015 = arith.constant 1.000000e+00 : f32
    %sub3A_3016 = vector.broadcast %sub3A_3015 : f32 to vector<16xf32>
    %sub3A_3017 = arith.subf %sub3A_3016, %mul3A_3014 : vector<16xf32>
    %mul3A_3018 = arith.mulf %select_n3A_3010, %sub3A_3017 : vector<16xf32>
    %sub3A_3019 = arith.constant 1.000000e+00 : f32
    %sub3A_3020 = vector.broadcast %sub3A_3019 : f32 to vector<16xf32>
    %sub3A_3021 = arith.subf %sub3A_3020, %add3A_2988 : vector<16xf32>
    %mul3A_3022 = arith.mulf %mul3A_3018, %sub3A_3021 : vector<16xf32>
    %add3A_3023 = arith.addf %add3A_2987, %mul3A_3014 : vector<16xf32>
    %add3A_3024 = arith.addf %add3A_2988, %mul3A_3022 : vector<16xf32>
    %add3A_3025 = arith.addf %mul3A_3014, %mul3A_3022 : vector<16xf32>
    %mul3A_3026 = arith.mulf %mul3A_3014, %mul3A_3022 : vector<16xf32>
    %sub3A_3027 = arith.subf %add3A_3025, %mul3A_3026 : vector<16xf32>
    %mul3A_3028 = arith.mulf %div3A_2823, %sub3A_3027 : vector<16xf32>
    %swap3A_3029 = arith.constant 4 : i32
    %swap3A_3030 = arith.index_cast %swap3A_3029 : i32 to index
    %swap3A_3031 = arith.constant 112 : index
    %swap3A_3032 = tpu.vector_load %arg5[%swap3A_3030, %swap3A_3031] {strides = array<i32>} : memref<8x128xf32, #tpu.memory_space<vmem>>, vector<1x16xf32>,
    %swap3A_3033 = vector.shape_cast %swap3A_3032 : vector<1x16xf32> to vector<16xf32>
    %swap3A_3034 = vector.shape_cast %mul3A_3028 : vector<16xf32> to vector<1x16xf32>
    tpu.vector_store %arg5[%swap3A_3030, %swap3A_3031], %swap3A_3034 {strides = array<i32>} : memref<8x128xf32, #tpu.memory_space<vmem>>, vector<1x16xf32>,
    %eq3A_3035 = arith.cmpf oeq, %div3A_2824, %select_n3A_2852 : vector<16xf32>
    %jit3A_3036 = arith.constant 1.000000e+00 : f32
    %jit3A_3037 = arith.constant 0.000000e+00 : f32
    %broadcast_in_dim3A_3038 = vector.broadcast %jit3A_3036 : f32 to vector<16xf32>
    %broadcast_in_dim3A_3039 = vector.broadcast %jit3A_3037 : f32 to vector<16xf32>
    %select_n3A_3040 = arith.select %eq3A_3035, %broadcast_in_dim3A_3038, %broadcast_in_dim3A_3039 : vector<16xi1>, vector<16xf32>
    %eq3A_3041 = arith.cmpf oeq, %div3A_2824, %select_n3A_2851 : vector<16xf32>
    %jit3A_3042 = arith.constant 1.000000e+00 : f32
    %jit3A_3043 = arith.constant 0.000000e+00 : f32
    %broadcast_in_dim3A_3044 = vector.broadcast %jit3A_3042 : f32 to vector<16xf32>
    %broadcast_in_dim3A_3045 = vector.broadcast %jit3A_3043 : f32 to vector<16xf32>
    %select_n3A_3046 = arith.select %eq3A_3041, %broadcast_in_dim3A_3044, %broadcast_in_dim3A_3045 : vector<16xi1>, vector<16xf32>
    %sub3A_3047 = arith.constant 1.000000e+00 : f32
    %sub3A_3048 = vector.broadcast %sub3A_3047 : f32 to vector<16xf32>
    %sub3A_3049 = arith.subf %sub3A_3048, %add3A_3023 : vector<16xf32>
    %mul3A_3050 = arith.mulf %select_n3A_3040, %sub3A_3049 : vector<16xf32>
    %sub3A_3051 = arith.constant 1.000000e+00 : f32
    %sub3A_3052 = vector.broadcast %sub3A_3051 : f32 to vector<16xf32>
    %sub3A_3053 = arith.subf %sub3A_3052, %mul3A_3050 : vector<16xf32>
    %mul3A_3054 = arith.mulf %select_n3A_3046, %sub3A_3053 : vector<16xf32>
    %sub3A_3055 = arith.constant 1.000000e+00 : f32
    %sub3A_3056 = vector.broadcast %sub3A_3055 : f32 to vector<16xf32>
    %sub3A_3057 = arith.subf %sub3A_3056, %add3A_3024 : vector<16xf32>
    %mul3A_3058 = arith.mulf %mul3A_3054, %sub3A_3057 : vector<16xf32>
    %add3A_3059 = arith.addf %add3A_3023, %mul3A_3050 : vector<16xf32>
    %add3A_3060 = arith.addf %add3A_3024, %mul3A_3058 : vector<16xf32>
    %add3A_3061 = arith.addf %mul3A_3050, %mul3A_3058 : vector<16xf32>
    %mul3A_3062 = arith.mulf %mul3A_3050, %mul3A_3058 : vector<16xf32>
    %sub3A_3063 = arith.subf %add3A_3061, %mul3A_3062 : vector<16xf32>
    %mul3A_3064 = arith.mulf %div3A_2824, %sub3A_3063 : vector<16xf32>
    %swap3A_3065 = arith.constant 5 : i32
    %swap3A_3066 = arith.index_cast %swap3A_3065 : i32 to index
    %swap3A_3067 = arith.constant 112 : index
    %swap3A_3068 = tpu.vector_load %arg5[%swap3A_3066, %swap3A_3067] {strides = array<i32>} : memref<8x128xf32, #tpu.memory_space<vmem>>, vector<1x16xf32>,
    %swap3A_3069 = vector.shape_cast %swap3A_3068 : vector<1x16xf32> to vector<16xf32>
    %swap3A_3070 = vector.shape_cast %mul3A_3064 : vector<16xf32> to vector<1x16xf32>
    tpu.vector_store %arg5[%swap3A_3066, %swap3A_3067], %swap3A_3070 {strides = array<i32>} : memref<8x128xf32, #tpu.memory_space<vmem>>, vector<1x16xf32>,
    %eq3A_3071 = arith.cmpf oeq, %div3A_2825, %select_n3A_2852 : vector<16xf32>
    %jit3A_3072 = arith.constant 1.000000e+00 : f32
    %jit3A_3073 = arith.constant 0.000000e+00 : f32
    %broadcast_in_dim3A_3074 = vector.broadcast %jit3A_3072 : f32 to vector<16xf32>
    %broadcast_in_dim3A_3075 = vector.broadcast %jit3A_3073 : f32 to vector<16xf32>
    %select_n3A_3076 = arith.select %eq3A_3071, %broadcast_in_dim3A_3074, %broadcast_in_dim3A_3075 : vector<16xi1>, vector<16xf32>
    %eq3A_3077 = arith.cmpf oeq, %div3A_2825, %select_n3A_2851 : vector<16xf32>
    %jit3A_3078 = arith.constant 1.000000e+00 : f32
    %jit3A_3079 = arith.constant 0.000000e+00 : f32
    %broadcast_in_dim3A_3080 = vector.broadcast %jit3A_3078 : f32 to vector<16xf32>
    %broadcast_in_dim3A_3081 = vector.broadcast %jit3A_3079 : f32 to vector<16xf32>
    %select_n3A_3082 = arith.select %eq3A_3077, %broadcast_in_dim3A_3080, %broadcast_in_dim3A_3081 : vector<16xi1>, vector<16xf32>
    %sub3A_3083 = arith.constant 1.000000e+00 : f32
    %sub3A_3084 = vector.broadcast %sub3A_3083 : f32 to vector<16xf32>
    %sub3A_3085 = arith.subf %sub3A_3084, %add3A_3059 : vector<16xf32>
    %mul3A_3086 = arith.mulf %select_n3A_3076, %sub3A_3085 : vector<16xf32>
    %sub3A_3087 = arith.constant 1.000000e+00 : f32
    %sub3A_3088 = vector.broadcast %sub3A_3087 : f32 to vector<16xf32>
    %sub3A_3089 = arith.subf %sub3A_3088, %mul3A_3086 : vector<16xf32>
    %mul3A_3090 = arith.mulf %select_n3A_3082, %sub3A_3089 : vector<16xf32>
    %sub3A_3091 = arith.constant 1.000000e+00 : f32
    %sub3A_3092 = vector.broadcast %sub3A_3091 : f32 to vector<16xf32>
    %sub3A_3093 = arith.subf %sub3A_3092, %add3A_3060 : vector<16xf32>
    %mul3A_3094 = arith.mulf %mul3A_3090, %sub3A_3093 : vector<16xf32>
    %add3A_3095 = arith.addf %add3A_3059, %mul3A_3086 : vector<16xf32>
    %add3A_3096 = arith.addf %add3A_3060, %mul3A_3094 : vector<16xf32>
    %add3A_3097 = arith.addf %mul3A_3086, %mul3A_3094 : vector<16xf32>
    %mul3A_3098 = arith.mulf %mul3A_3086, %mul3A_3094 : vector<16xf32>
    %sub3A_3099 = arith.subf %add3A_3097, %mul3A_3098 : vector<16xf32>
    %mul3A_3100 = arith.mulf %div3A_2825, %sub3A_3099 : vector<16xf32>
    %swap3A_3101 = arith.constant 6 : i32
    %swap3A_3102 = arith.index_cast %swap3A_3101 : i32 to index
    %swap3A_3103 = arith.constant 112 : index
    %swap3A_3104 = tpu.vector_load %arg5[%swap3A_3102, %swap3A_3103] {strides = array<i32>} : memref<8x128xf32, #tpu.memory_space<vmem>>, vector<1x16xf32>,
    %swap3A_3105 = vector.shape_cast %swap3A_3104 : vector<1x16xf32> to vector<16xf32>
    %swap3A_3106 = vector.shape_cast %mul3A_3100 : vector<16xf32> to vector<1x16xf32>
    tpu.vector_store %arg5[%swap3A_3102, %swap3A_3103], %swap3A_3106 {strides = array<i32>} : memref<8x128xf32, #tpu.memory_space<vmem>>, vector<1x16xf32>,
    %eq3A_3107 = arith.cmpf oeq, %div3A_2826, %select_n3A_2852 : vector<16xf32>
    %jit3A_3108 = arith.constant 1.000000e+00 : f32
    %jit3A_3109 = arith.constant 0.000000e+00 : f32
    %broadcast_in_dim3A_3110 = vector.broadcast %jit3A_3108 : f32 to vector<16xf32>
    %broadcast_in_dim3A_3111 = vector.broadcast %jit3A_3109 : f32 to vector<16xf32>
    %select_n3A_3112 = arith.select %eq3A_3107, %broadcast_in_dim3A_3110, %broadcast_in_dim3A_3111 : vector<16xi1>, vector<16xf32>
    %eq3A_3113 = arith.cmpf oeq, %div3A_2826, %select_n3A_2851 : vector<16xf32>
    %jit3A_3114 = arith.constant 1.000000e+00 : f32
    %jit3A_3115 = arith.constant 0.000000e+00 : f32
    %broadcast_in_dim3A_3116 = vector.broadcast %jit3A_3114 : f32 to vector<16xf32>
    %broadcast_in_dim3A_3117 = vector.broadcast %jit3A_3115 : f32 to vector<16xf32>
    %select_n3A_3118 = arith.select %eq3A_3113, %broadcast_in_dim3A_3116, %broadcast_in_dim3A_3117 : vector<16xi1>, vector<16xf32>
    %sub3A_3119 = arith.constant 1.000000e+00 : f32
    %sub3A_3120 = vector.broadcast %sub3A_3119 : f32 to vector<16xf32>
    %sub3A_3121 = arith.subf %sub3A_3120, %add3A_3095 : vector<16xf32>
    %mul3A_3122 = arith.mulf %select_n3A_3112, %sub3A_3121 : vector<16xf32>
    %sub3A_3123 = arith.constant 1.000000e+00 : f32
    %sub3A_3124 = vector.broadcast %sub3A_3123 : f32 to vector<16xf32>
    %sub3A_3125 = arith.subf %sub3A_3124, %mul3A_3122 : vector<16xf32>
    %mul3A_3126 = arith.mulf %select_n3A_3118, %sub3A_3125 : vector<16xf32>
    %sub3A_3127 = arith.constant 1.000000e+00 : f32
    %sub3A_3128 = vector.broadcast %sub3A_3127 : f32 to vector<16xf32>
    %sub3A_3129 = arith.subf %sub3A_3128, %add3A_3096 : vector<16xf32>
    %mul3A_3130 = arith.mulf %mul3A_3126, %sub3A_3129 : vector<16xf32>
    %add3A_3131 = arith.addf %add3A_3095, %mul3A_3122 : vector<16xf32>
    %add3A_3132 = arith.addf %add3A_3096, %mul3A_3130 : vector<16xf32>
    %add3A_3133 = arith.addf %mul3A_3122, %mul3A_3130 : vector<16xf32>
    %mul3A_3134 = arith.mulf %mul3A_3122, %mul3A_3130 : vector<16xf32>
    %sub3A_3135 = arith.subf %add3A_3133, %mul3A_3134 : vector<16xf32>
    %mul3A_3136 = arith.mulf %div3A_2826, %sub3A_3135 : vector<16xf32>
    %swap3A_3137 = arith.constant 7 : i32
    %swap3A_3138 = arith.index_cast %swap3A_3137 : i32 to index
    %swap3A_3139 = arith.constant 112 : index
    %swap3A_3140 = tpu.vector_load %arg5[%swap3A_3138, %swap3A_3139] {strides = array<i32>} : memref<8x128xf32, #tpu.memory_space<vmem>>, vector<1x16xf32>,
    %swap3A_3141 = vector.shape_cast %swap3A_3140 : vector<1x16xf32> to vector<16xf32>
    %swap3A_3142 = vector.shape_cast %mul3A_3136 : vector<16xf32> to vector<1x16xf32>
    tpu.vector_store %arg5[%swap3A_3138, %swap3A_3139], %swap3A_3142 {strides = array<i32>} : memref<8x128xf32, #tpu.memory_space<vmem>>, vector<1x16xf32>,
    "tpu.region"() ({
      %run_scoped3A = tpu.sem_alloc : memref<!tpu.dma_semaphore, #tpu.memory_space<semaphore_mem>>
      %dma_start3A = arith.constant 0 : i32
      %dma_start3A_3143 = tpu.memref_slice %arg3[%dma_start3A, %mul3A_2] : memref<8x4096xf32, #tpu.memory_space<hbm>> -> memref<8x128xf32, #tpu.memory_space<hbm>>
      %dma_start3A_3144 = arith.constant 0 : i32
      %dma_start3A_3145 = tpu.memref_slice %arg3[%dma_start3A_3144, %mul3A_2] : memref<8x4096xf32, #tpu.memory_space<hbm>> -> memref<8x128xf32, #tpu.memory_space<hbm>>
      tpu.enqueue_dma source(%arg5 : memref<8x128xf32, #tpu.memory_space<vmem>>) target(%dma_start3A_3145 : memref<8x128xf32, #tpu.memory_space<hbm>>) target_semaphore(%run_scoped3A : memref<!tpu.dma_semaphore, #tpu.memory_space<semaphore_mem>>)
      %dma_wait3A = arith.constant 0 : i32
      %dma_wait3A_3146 = tpu.memref_slice %arg3[%dma_wait3A, %mul3A_2] : memref<8x4096xf32, #tpu.memory_space<hbm>> -> memref<8x128xf32, #tpu.memory_space<hbm>>
      %dma_wait3A_3147 = arith.constant 0 : i32
      %dma_wait3A_3148 = tpu.memref_slice %arg3[%dma_wait3A_3147, %mul3A_2] : memref<8x4096xf32, #tpu.memory_space<hbm>> -> memref<8x128xf32, #tpu.memory_space<hbm>>
      tpu.wait_dma2 semaphore(%run_scoped3A : memref<!tpu.dma_semaphore, #tpu.memory_space<semaphore_mem>>) src(%arg5 : memref<8x128xf32, #tpu.memory_space<vmem>>) dst(%dma_wait3A_3148 : memref<8x128xf32, #tpu.memory_space<hbm>>)
      tpu.yield
    }) : () -> ()
    return
  }
}

module attributes {stable_mosaic.version = 14 : i64} {
  func.func @_score_body(%arg0: i32, %arg1: memref<1024x8xf32, #tpu.memory_space<vmem>>, %arg2: memref<1024x768xf32, #tpu.memory_space<vmem>>, %arg3: memref<768x8xf32, #tpu.memory_space<vmem>>, %arg4: memref<1x8xf32, #tpu.memory_space<vmem>>, %arg5: memref<1024x8xf32, #tpu.memory_space<vmem>>) attributes {dimension_semantics = [#tpu.dimension_semantics<parallel>], iteration_bounds = array<i64: 4>, scalar_prefetch = 0 : i64, scratch_operands = 0 : i64, tpu.core_type = #tpu.core_type<tc>, window_params = [{transform_indices = @transform_0, window_bounds = array<i64: 1024, 8>}, {transform_indices = @transform_1, window_bounds = array<i64: 1024, 768>}, {pipeline_mode = #tpu.pipeline_mode<synchronous>, transform_indices = @transform_2, window_bounds = array<i64: 768, 8>}, {pipeline_mode = #tpu.pipeline_mode<synchronous>, transform_indices = @transform_3, window_bounds = array<i64: 1, 8>}, {transform_indices = @transform_4, window_bounds = array<i64: 1024, 8>}]} {
    %get3A = arith.constant 0 : index
    %get3A_0 = arith.constant 0 : index
    %get3A_1 = vector.load %arg2[%get3A, %get3A_0] : memref<1024x768xf32, #tpu.memory_space<vmem>>, vector<1024x768xf32>
    %get3A_2 = arith.constant 0 : index
    %get3A_3 = arith.constant 0 : index
    %get3A_4 = vector.load %arg3[%get3A_2, %get3A_3] : memref<768x8xf32, #tpu.memory_space<vmem>>, vector<768x8xf32>
    %dot_general3A = arith.constant dense<0.000000e+00> : vector<1024x8xf32>
    %dot_general3A_5 = tpu.matmul %get3A_1, %get3A_4, %dot_general3A {dimension_numbers = #tpu.dot_dimension_numbers<[1], [0], [0], [1], [0, 0, 1, 1], [], []>, transpose_lhs_hint = false} : vector<1024x768xf32>, vector<768x8xf32>, vector<1024x8xf32> -> vector<1024x8xf32>
    %get3A_6 = arith.constant 0 : index
    %get3A_7 = arith.constant 0 : index
    %get3A_8 = vector.load %arg4[%get3A_6, %get3A_7] : memref<1x8xf32, #tpu.memory_space<vmem>>, vector<1x8xf32>
    %add3A = vector.broadcast %get3A_8 : vector<1x8xf32> to vector<1024x8xf32>
    %add3A_9 = arith.addf %dot_general3A_5, %add3A : vector<1024x8xf32>
    %get3A_10 = arith.constant 0 : index
    %get3A_11 = arith.constant 0 : index
    %get3A_12 = vector.load %arg1[%get3A_10, %get3A_11] : memref<1024x8xf32, #tpu.memory_space<vmem>>, vector<1024x8xf32>
    %add3A_13 = arith.addf %add3A_9, %get3A_12 : vector<1024x8xf32>
    %swap3A = arith.constant 0 : index
    %swap3A_14 = arith.constant 0 : index
    %swap3A_15 = vector.load %arg5[%swap3A, %swap3A_14] : memref<1024x8xf32, #tpu.memory_space<vmem>>, vector<1024x8xf32>
    tpu.vector_store %arg5[%swap3A, %swap3A_14], %add3A_13 {strides = array<i32>} : memref<1024x8xf32, #tpu.memory_space<vmem>>, vector<1024x8xf32>,
    return
  }
  func.func @transform_0(%arg0: i32) -> (i32, i32) {
    %c0_i32 = arith.constant 0 : i32
    %c0_i32_0 = arith.constant 0 : i32
    return %arg0, %c0_i32 : i32, i32
  }
  func.func @transform_1(%arg0: i32) -> (i32, i32) {
    %c0_i32 = arith.constant 0 : i32
    %c0_i32_0 = arith.constant 0 : i32
    return %arg0, %c0_i32 : i32, i32
  }
  func.func @transform_2(%arg0: i32) -> (i32, i32) {
    %c0_i32 = arith.constant 0 : i32
    %c0_i32_0 = arith.constant 0 : i32
    %c0_i32_1 = arith.constant 0 : i32
    return %c0_i32, %c0_i32_0 : i32, i32
  }
  func.func @transform_3(%arg0: i32) -> (i32, i32) {
    %c0_i32 = arith.constant 0 : i32
    %c0_i32_0 = arith.constant 0 : i32
    %c0_i32_1 = arith.constant 0 : i32
    return %c0_i32, %c0_i32_0 : i32, i32
  }
  func.func @transform_4(%arg0: i32) -> (i32, i32) {
    %c0_i32 = arith.constant 0 : i32
    %c0_i32_0 = arith.constant 0 : i32
    return %arg0, %c0_i32 : i32, i32
  }
}

module attributes {stable_mosaic.version = 14 : i64} {
  func.func @_expert_body(%arg0: i32, %arg1: memref<1024x8xf32, #tpu.memory_space<vmem>>, %arg2: memref<1024x768xf32, #tpu.memory_space<vmem>>, %arg3: memref<6144x768xbf16, #tpu.memory_space<vmem>>, %arg4: memref<8x768xf32, #tpu.memory_space<vmem>>, %arg5: memref<1024x768xf32, #tpu.memory_space<vmem>>, %arg6: memref<1024x6144xbf16, #tpu.memory_space<vmem>>) attributes {dimension_semantics = [#tpu.dimension_semantics<parallel>], iteration_bounds = array<i64: 4>, scalar_prefetch = 0 : i64, scratch_operands = 1 : i64, tpu.core_type = #tpu.core_type<tc>, window_params = [{transform_indices = @transform_0, window_bounds = array<i64: 1024, 8>}, {transform_indices = @transform_1, window_bounds = array<i64: 1024, 768>}, {pipeline_mode = #tpu.pipeline_mode<synchronous>, transform_indices = @transform_2, window_bounds = array<i64: 6144, 768>}, {pipeline_mode = #tpu.pipeline_mode<synchronous>, transform_indices = @transform_3, window_bounds = array<i64: 8, 768>}, {transform_indices = @transform_4, window_bounds = array<i64: 1024, 768>}]} {
    %get3A = arith.constant 0 : index
    %get3A_0 = arith.constant 0 : index
    %get3A_1 = vector.load %arg1[%get3A, %get3A_0] : memref<1024x8xf32, #tpu.memory_space<vmem>>, vector<1024x8xf32>
    %get3A_2 = arith.constant 0 : index
    %get3A_3 = arith.constant 0 : index
    %get3A_4 = vector.load %arg2[%get3A_2, %get3A_3] : memref<1024x768xf32, #tpu.memory_space<vmem>>, vector<1024x768xf32>
    %convert_element_type3A = arith.truncf %get3A_4 : vector<1024x768xf32> to vector<1024x768xbf16>
    %convert_element_type3A_5 = arith.truncf %get3A_1 : vector<1024x8xf32> to vector<1024x8xbf16>
    %slice3A = vector.extract_strided_slice %convert_element_type3A_5 {offsets = [0, 0], sizes = [1024, 1], strides = [1, 1]} : vector<1024x8xbf16> to vector<1024x1xbf16>
    %mul3A = vector.broadcast %slice3A : vector<1024x1xbf16> to vector<1024x768xbf16>
    %mul3A_6 = arith.mulf %convert_element_type3A, %mul3A : vector<1024x768xbf16>
    %swap3A = arith.constant 0 : index
    %swap3A_7 = arith.constant 0 : index
    %swap3A_8 = vector.load %arg6[%swap3A, %swap3A_7] : memref<1024x6144xbf16, #tpu.memory_space<vmem>>, vector<1024x768xbf16>
    tpu.vector_store %arg6[%swap3A, %swap3A_7], %mul3A_6 {strides = array<i32>} : memref<1024x6144xbf16, #tpu.memory_space<vmem>>, vector<1024x768xbf16>,
    %slice3A_9 = vector.extract_strided_slice %convert_element_type3A_5 {offsets = [0, 1], sizes = [1024, 1], strides = [1, 1]} : vector<1024x8xbf16> to vector<1024x1xbf16>
    %mul3A_10 = vector.broadcast %slice3A_9 : vector<1024x1xbf16> to vector<1024x768xbf16>
    %mul3A_11 = arith.mulf %convert_element_type3A, %mul3A_10 : vector<1024x768xbf16>
    %swap3A_12 = arith.constant 0 : index
    %swap3A_13 = arith.constant 768 : index
    %swap3A_14 = vector.load %arg6[%swap3A_12, %swap3A_13] : memref<1024x6144xbf16, #tpu.memory_space<vmem>>, vector<1024x768xbf16>
    tpu.vector_store %arg6[%swap3A_12, %swap3A_13], %mul3A_11 {strides = array<i32>} : memref<1024x6144xbf16, #tpu.memory_space<vmem>>, vector<1024x768xbf16>,
    %slice3A_15 = vector.extract_strided_slice %convert_element_type3A_5 {offsets = [0, 2], sizes = [1024, 1], strides = [1, 1]} : vector<1024x8xbf16> to vector<1024x1xbf16>
    %mul3A_16 = vector.broadcast %slice3A_15 : vector<1024x1xbf16> to vector<1024x768xbf16>
    %mul3A_17 = arith.mulf %convert_element_type3A, %mul3A_16 : vector<1024x768xbf16>
    %swap3A_18 = arith.constant 0 : index
    %swap3A_19 = arith.constant 1536 : index
    %swap3A_20 = vector.load %arg6[%swap3A_18, %swap3A_19] : memref<1024x6144xbf16, #tpu.memory_space<vmem>>, vector<1024x768xbf16>
    tpu.vector_store %arg6[%swap3A_18, %swap3A_19], %mul3A_17 {strides = array<i32>} : memref<1024x6144xbf16, #tpu.memory_space<vmem>>, vector<1024x768xbf16>,
    %slice3A_21 = vector.extract_strided_slice %convert_element_type3A_5 {offsets = [0, 3], sizes = [1024, 1], strides = [1, 1]} : vector<1024x8xbf16> to vector<1024x1xbf16>
    %mul3A_22 = vector.broadcast %slice3A_21 : vector<1024x1xbf16> to vector<1024x768xbf16>
    %mul3A_23 = arith.mulf %convert_element_type3A, %mul3A_22 : vector<1024x768xbf16>
    %swap3A_24 = arith.constant 0 : index
    %swap3A_25 = arith.constant 2304 : index
    %swap3A_26 = vector.load %arg6[%swap3A_24, %swap3A_25] : memref<1024x6144xbf16, #tpu.memory_space<vmem>>, vector<1024x768xbf16>
    tpu.vector_store %arg6[%swap3A_24, %swap3A_25], %mul3A_23 {strides = array<i32>} : memref<1024x6144xbf16, #tpu.memory_space<vmem>>, vector<1024x768xbf16>,
    %slice3A_27 = vector.extract_strided_slice %convert_element_type3A_5 {offsets = [0, 4], sizes = [1024, 1], strides = [1, 1]} : vector<1024x8xbf16> to vector<1024x1xbf16>
    %mul3A_28 = vector.broadcast %slice3A_27 : vector<1024x1xbf16> to vector<1024x768xbf16>
    %mul3A_29 = arith.mulf %convert_element_type3A, %mul3A_28 : vector<1024x768xbf16>
    %swap3A_30 = arith.constant 0 : index
    %swap3A_31 = arith.constant 3072 : index
    %swap3A_32 = vector.load %arg6[%swap3A_30, %swap3A_31] : memref<1024x6144xbf16, #tpu.memory_space<vmem>>, vector<1024x768xbf16>
    tpu.vector_store %arg6[%swap3A_30, %swap3A_31], %mul3A_29 {strides = array<i32>} : memref<1024x6144xbf16, #tpu.memory_space<vmem>>, vector<1024x768xbf16>,
    %slice3A_33 = vector.extract_strided_slice %convert_element_type3A_5 {offsets = [0, 5], sizes = [1024, 1], strides = [1, 1]} : vector<1024x8xbf16> to vector<1024x1xbf16>
    %mul3A_34 = vector.broadcast %slice3A_33 : vector<1024x1xbf16> to vector<1024x768xbf16>
    %mul3A_35 = arith.mulf %convert_element_type3A, %mul3A_34 : vector<1024x768xbf16>
    %swap3A_36 = arith.constant 0 : index
    %swap3A_37 = arith.constant 3840 : index
    %swap3A_38 = vector.load %arg6[%swap3A_36, %swap3A_37] : memref<1024x6144xbf16, #tpu.memory_space<vmem>>, vector<1024x768xbf16>
    tpu.vector_store %arg6[%swap3A_36, %swap3A_37], %mul3A_35 {strides = array<i32>} : memref<1024x6144xbf16, #tpu.memory_space<vmem>>, vector<1024x768xbf16>,
    %slice3A_39 = vector.extract_strided_slice %convert_element_type3A_5 {offsets = [0, 6], sizes = [1024, 1], strides = [1, 1]} : vector<1024x8xbf16> to vector<1024x1xbf16>
    %mul3A_40 = vector.broadcast %slice3A_39 : vector<1024x1xbf16> to vector<1024x768xbf16>
    %mul3A_41 = arith.mulf %convert_element_type3A, %mul3A_40 : vector<1024x768xbf16>
    %swap3A_42 = arith.constant 0 : index
    %swap3A_43 = arith.constant 4608 : index
    %swap3A_44 = vector.load %arg6[%swap3A_42, %swap3A_43] : memref<1024x6144xbf16, #tpu.memory_space<vmem>>, vector<1024x768xbf16>
    tpu.vector_store %arg6[%swap3A_42, %swap3A_43], %mul3A_41 {strides = array<i32>} : memref<1024x6144xbf16, #tpu.memory_space<vmem>>, vector<1024x768xbf16>,
    %slice3A_45 = vector.extract_strided_slice %convert_element_type3A_5 {offsets = [0, 7], sizes = [1024, 1], strides = [1, 1]} : vector<1024x8xbf16> to vector<1024x1xbf16>
    %mul3A_46 = vector.broadcast %slice3A_45 : vector<1024x1xbf16> to vector<1024x768xbf16>
    %mul3A_47 = arith.mulf %convert_element_type3A, %mul3A_46 : vector<1024x768xbf16>
    %swap3A_48 = arith.constant 0 : index
    %swap3A_49 = arith.constant 5376 : index
    %swap3A_50 = vector.load %arg6[%swap3A_48, %swap3A_49] : memref<1024x6144xbf16, #tpu.memory_space<vmem>>, vector<1024x768xbf16>
    tpu.vector_store %arg6[%swap3A_48, %swap3A_49], %mul3A_47 {strides = array<i32>} : memref<1024x6144xbf16, #tpu.memory_space<vmem>>, vector<1024x768xbf16>,
    %get3A_51 = arith.constant 0 : index
    %get3A_52 = arith.constant 0 : index
    %get3A_53 = vector.load %arg6[%get3A_51, %get3A_52] : memref<1024x6144xbf16, #tpu.memory_space<vmem>>, vector<1024x6144xbf16>
    %get3A_54 = arith.constant 0 : index
    %get3A_55 = arith.constant 0 : index
    %get3A_56 = vector.load %arg3[%get3A_54, %get3A_55] : memref<6144x768xbf16, #tpu.memory_space<vmem>>, vector<6144x768xbf16>
    %dot_general3A = arith.constant dense<0.000000e+00> : vector<1024x768xf32>
    %dot_general3A_57 = tpu.matmul %get3A_53, %get3A_56, %dot_general3A {dimension_numbers = #tpu.dot_dimension_numbers<[1], [0], [0], [1], [0, 0, 1, 1], [], []>, transpose_lhs_hint = false} : vector<1024x6144xbf16>, vector<6144x768xbf16>, vector<1024x768xf32> -> vector<1024x768xf32>
    %get3A_58 = arith.constant 0 : index
    %get3A_59 = arith.constant 0 : index
    %get3A_60 = vector.load %arg4[%get3A_58, %get3A_59] : memref<8x768xf32, #tpu.memory_space<vmem>>, vector<8x768xf32>
    %dot_general3A_61 = arith.constant dense<0.000000e+00> : vector<1024x768xf32>
    %dot_general3A_62 = tpu.matmul %get3A_1, %get3A_60, %dot_general3A_61 {dimension_numbers = #tpu.dot_dimension_numbers<[1], [0], [0], [1], [0, 0, 1, 1], [], []>, transpose_lhs_hint = false} : vector<1024x8xf32>, vector<8x768xf32>, vector<1024x768xf32> -> vector<1024x768xf32>
    %add3A = arith.addf %dot_general3A_57, %dot_general3A_62 : vector<1024x768xf32>
    %swap3A_63 = arith.constant 0 : index
    %swap3A_64 = arith.constant 0 : index
    %swap3A_65 = vector.load %arg5[%swap3A_63, %swap3A_64] : memref<1024x768xf32, #tpu.memory_space<vmem>>, vector<1024x768xf32>
    tpu.vector_store %arg5[%swap3A_63, %swap3A_64], %add3A {strides = array<i32>} : memref<1024x768xf32, #tpu.memory_space<vmem>>, vector<1024x768xf32>,
    return
  }
  func.func @transform_0(%arg0: i32) -> (i32, i32) {
    %c0_i32 = arith.constant 0 : i32
    %c0_i32_0 = arith.constant 0 : i32
    return %arg0, %c0_i32 : i32, i32
  }
  func.func @transform_1(%arg0: i32) -> (i32, i32) {
    %c0_i32 = arith.constant 0 : i32
    %c0_i32_0 = arith.constant 0 : i32
    return %arg0, %c0_i32 : i32, i32
  }
  func.func @transform_2(%arg0: i32) -> (i32, i32) {
    %c0_i32 = arith.constant 0 : i32
    %c0_i32_0 = arith.constant 0 : i32
    %c0_i32_1 = arith.constant 0 : i32
    return %c0_i32, %c0_i32_0 : i32, i32
  }
  func.func @transform_3(%arg0: i32) -> (i32, i32) {
    %c0_i32 = arith.constant 0 : i32
    %c0_i32_0 = arith.constant 0 : i32
    %c0_i32_1 = arith.constant 0 : i32
    return %c0_i32, %c0_i32_0 : i32, i32
  }
  func.func @transform_4(%arg0: i32) -> (i32, i32) {
    %c0_i32 = arith.constant 0 : i32
    %c0_i32_0 = arith.constant 0 : i32
    return %arg0, %c0_i32 : i32, i32
  }
}

</mosaic_0001>

<sc_bundles>
// kernel: _run.5.cloned.1.call-start
scs
__scs_entry_jumppad:
0x0: {  	(pc) =	sbr.rel $0x88, $3  }
0x1: {  	(tag) =	ssettag $0x0;
	lr =	simm.s32 $0x1  }
0x2: {  	[smem:$0x3F9C] =	sst lr;
	_ =	strace $0xD0000000  }
0x3: {  	_ = 	snop  }
0x4: {  	_ = 	snop  }
0x5: {  	_ = 	snop  }
0x6: {  	_ = 	snop  }
0x7: {  	_ = 	snop  }
__scs_overlays_trampoline_lowered:
0x8: {  	[smem:$0x3FAB] =	sst s0  }
0x9: {  	[smem:$0x3FAC] =	sst s1  }
0xa: {  	[smem:$0x3FAD] =	sst s2  }
0xb: {  	[smem:$0x3FAE] =	sst s3  }
0xc: {  	[smem:$0x3FAF] =	sst s4  }
0xd: {  	[smem:$0x3FB0] =	sst s5  }
0xe: {  	[smem:$0x3FB1] =	sst s6  }
0xf: {  	[smem:$0x3FB2] =	sst s7  }
0x10: {  	[smem:$0x3FB3] =	sst s8  }
0x11: {  	[smem:$0x3FB4] =	sst s9;
	s0 =	simm.s32 @!p0 $0x0  }
0x12: {  	s1 =	sld [smem:$0x3F9A];
	s0 =	simm.s32 @p0 $0x1  }
0x13: {  	[smem:$0x3FB5] =	sst s0;
	s0 =	simm.s32 @!p1 $0x0  }
0x14: {  	s2 =	sld [smem:$0x3F99];
	s0 =	simm.s32 @p1 $0x1  }
0x15: {  	[smem:$0x3FB6] =	sst s0;
	s0 =	simm.s32 @!p2 $0x0  }
0x16: {  	s3 =	sld [smem:$0x3FDB];
	s0 =	simm.s32 @p2 $0x1  }
0x17: {  	s4 =	simm.s32 $0x1BF5;
	[smem:$0x3FB8] =	sst s0  }
0x18: {  	s0 =	sld [smem:$0x3F9B];
	_ =	swait.ge [sflag:s4], $0x0  }
0x19: {  	s7 =	sld [smem:$0x3F9C]  }
0x1a: {  	s8 =	sadd.s32 $0xFFFFE003, lr  }
0x1b: {  	s9 =	sadd.s32 $0xFFFFFEF7, lr;
	s5 =	simm.s32 $0xFFFFFFFF;
	p2 =	slt.u32 s8, $0xFFFFF086  }
0x1c: {  	p1 =	slt.u32 s9, $0xF7A;
	s5 =	simm.s32 @!p2 $0x0  }
0x1d: {  	s5 =	simm.s32 @p1 $0x1;
	p0 =	seq.s32 s7, s2  }
0x1e: {  	s7 =	smul.u32 @!p0 $0xF7A, s2;
	p2 =	seq.s32 @!p0 s5, $0x0  }
0x1f: {  	s9 =	smul.u32 $0xF7A, s1;
	s8 =	simm.s32 @!p0 $0x1BF5;
	p2 =	por !p2, p0  }
0x20: {  	[sflag:s8] =	ssyncset.s32 @!p0 $0xFFFFF086;
	s6 =	sadd.s32 @!p0 s3, s7;
	s7 =	simm.s32 @!p0 $0x108  }
0x21: {  	s3 =	sadd.s32 s3, s9;
	s6 =	sadd.s32 @!p0 $0x88, s6;
	s7 =	simm.s32 @p2 $0x1082  }
0x22: {  	[simem:s7], [sflag:s8] =	dma.local @!p0 [hbm:s6], $0xF7A  }
0x23: {  	s9 =	sor.u32 $0xD0000000, s2;
	s6 =	simm.s32 $0x108;
	_ =	swait.ge @!p0 [sflag:s8], $0x0  }
0x24: {  	s3 =	sadd.s32 $0x88, s3;
	s6 =	simm.s32 @!p1 $0x1082;
	[sflag:s4] =	ssyncset.s32 $0xFFFFF086  }
0x25: {  	[simem:s6], [sflag:s4] =	dma.local [hbm:s3], $0xF7A  }
0x26: {  	[smem:$0x3F9C] =	sst s1;
	(tag) =	ssettag s2;
	_ =	strace s9  }
0x27: {  	s1 =	sld [smem:$0x3FAC]  }
0x28: {  	s2 =	sld [smem:$0x3FAD]  }
0x29: {  	s4 =	sld [smem:$0x3FAF]  }
0x2a: {  	p0 =	seq.s32 s5, $0x0;
	s5 =	sld [smem:$0x3FB0]  }
0x2b: {  	s6 =	sld [smem:$0x3FB1]  }
0x2c: {  	s7 =	sld [smem:$0x3FB2]  }
0x2d: {  	s3 =	simm.s32 $0x108;
	s8 =	sld [smem:$0x3FB3]  }
0x2e: {  	s3 =	simm.s32 @!p0 $0x1082;
	s9 =	sld [smem:$0x3FB4]  }
0x2f: {  	lr =	sadd.s32 s0, s3;
	s0 =	sld [smem:$0x3FAB]  }
0x30: {  	s3 =	sld [smem:$0x3FAE]  }
0x31: {  	[smem:$0x3FB7] =	sst s10  }
0x32: {  	s10 =	sld [smem:$0x3FB5];
	_ =	sdelay $0x3  }
0x33: {  	p0 =	seq.s32 s10, $0x1;
	s10 =	sld [smem:$0x3FB7];
	_ =	sdelay $0x3  }
0x34: {  	[smem:$0x3FB7] =	sst s10  }
0x35: {  	s10 =	sld [smem:$0x3FB6];
	_ =	sdelay $0x3  }
0x36: {  	p1 =	seq.s32 s10, $0x1;
	s10 =	sld [smem:$0x3FB7];
	_ =	sdelay $0x3  }
0x37: {  	[smem:$0x3FB7] =	sst s10  }
0x38: {  	s10 =	sld [smem:$0x3FB8]  }
0x39: {  	_ = 	snop;
	(pc) =	sbr.ind lr, $3  }
0x3a: {  	_ = 	snop  }
0x3b: {  	_ = 	snop  }
0x3c: {  	p2 =	seq.s32 s10, $0x1;
	s10 =	sld [smem:$0x3FB7]  }
0x3d: {  	_ =	shalt  }
0x3e: {  	_ =	shalt  }
0x3f: {  	_ =	shalt  }
0x40: {  	_ =	shalt  }
0x41: {  	_ =	shalt  }
0x42: {  	_ =	shalt  }
0x43: {  	_ =	shalt  }
0x44: {  	_ =	shalt  }
0x45: {  	_ =	shalt  }
0x46: {  	_ =	shalt  }
0x47: {  	_ =	shalt  }
0x48: {  	_ =	shalt  }
0x49: {  	_ =	shalt  }
0x4a: {  	_ =	shalt  }
0x4b: {  	_ =	shalt  }
0x4c: {  	_ =	shalt  }
0x4d: {  	_ =	shalt  }
0x4e: {  	_ =	shalt  }
0x4f: {  	_ =	shalt  }
0x50: {  	_ =	shalt  }
0x51: {  	_ =	shalt  }
0x52: {  	_ =	shalt  }
0x53: {  	_ =	shalt  }
0x54: {  	_ =	shalt  }
0x55: {  	_ =	shalt  }
0x56: {  	_ =	shalt  }
0x57: {  	_ =	shalt  }
0x58: {  	_ =	shalt  }
0x59: {  	_ =	shalt  }
0x5a: {  	_ =	shalt  }
0x5b: {  	_ =	shalt  }
0x5c: {  	_ =	shalt  }
0x5d: {  	_ =	shalt  }
0x5e: {  	_ =	shalt  }
0x5f: {  	_ =	shalt  }
0x60: {  	_ =	shalt  }
0x61: {  	_ =	shalt  }
0x62: {  	_ =	shalt  }
0x63: {  	_ =	shalt  }
0x64: {  	_ =	shalt  }
0x65: {  	_ =	shalt  }
0x66: {  	_ =	shalt  }
0x67: {  	_ =	shalt  }
0x68: {  	_ =	shalt  }
0x69: {  	_ =	shalt  }
0x6a: {  	_ =	shalt  }
0x6b: {  	_ =	shalt  }
0x6c: {  	_ =	shalt  }
0x6d: {  	_ =	shalt  }
0x6e: {  	_ =	shalt  }
0x6f: {  	_ =	shalt  }
0x70: {  	_ =	shalt  }
0x71: {  	_ =	shalt  }
0x72: {  	_ =	shalt  }
0x73: {  	_ =	shalt  }
0x74: {  	_ =	shalt  }
0x75: {  	_ =	shalt  }
0x76: {  	_ =	shalt  }
0x77: {  	_ =	shalt  }
0x78: {  	_ =	shalt  }
0x79: {  	_ =	shalt  }
0x7a: {  	_ =	shalt  }
0x7b: {  	_ =	shalt  }
0x7c: {  	_ =	shalt  }
0x7d: {  	_ =	shalt  }
0x7e: {  	_ =	shalt  }
0x7f: {  	_ =	shalt  }
0x80: {  	_ =	shalt  }
0x81: {  	_ =	shalt  }
0x82: {  	_ =	shalt  }
0x83: {  	_ =	shalt  }
0x84: {  	_ =	shalt  }
0x85: {  	_ =	shalt  }
0x86: {  	_ =	shalt  }
0x87: {  	_ =	shalt  }
.Lfunc_end0:
.L_simem_size_0:
called_computation_lowered:
.L_overlay_start_0:
0x88: {  	s2 =	sld [smem:$0x3FD9]  }
0x89: {  	s3 =	sld [smem:$0x3FFE];
	_ =	sdelay $0x1  }
0x8a: {  	s1 =	srdreg.scid  }
0x8b: {  	s0 =	sand.u32 $0x1, s1  }
0x8c: {  	s17 =	sshll.u32 s0, $0xA;
	s2 =	sadd.s32 s3, s2  }
0x8d: {  	s2 =	sadd.s32 s2, s17  }
0x8e: {  	[smem:$0x3FC3] =	sst s2  }
0x8f: {  	_ = 	snop  }
0x90: {  	s2 =	sld [smem:$0x3FD0];
	(tm) =	ssettm $0x1  }
0x91: {  	s18 =	sld [smem:$0x3FFB];
	_ =	sdelay $0x3  }
0x92: {  	_ =	strace s18  }
0x93: {  	s3 =	sld [smem:$0x3FFC];
	_ =	sdelay $0x3  }
0x94: {  	_ =	strace s3  }
0x95: {  	s3 =	sld [smem:$0x3FFD];
	_ =	sdelay $0x3  }
0x96: {  	_ =	strace s3  }
0x97: {  	_ =	strace $0x8FFFFFFF  }
0x98: {  	s19 =	sld [smem:$0x3FDB];
	_ =	sdelay $0x1  }
0x99: {  	s4 =	simm.s32 $_scs_section_size  }
0x9a: {  	s5 =	simm.s32 $_size__tile_overlayer_lowered;
	s6 =	simm.s32 $_tile_overlayer_lowered  }
0x9b: {  	s22 =	simm.s32 $0x1BFF;
	s21 =	sshll.u32 s6, $0x1;
	s3 =	sadd.s32 s4, s19  }
0x9c: {  	s7 =	simm.s32 $0x0;
	s20 =	sshll.u32 s5, $0x1;
	s5 =	sadd.s32 s21, s3  }
0x9d: {  	[timem:s7], [sflag:s22] =	dma.local [hbm:s5], s20  }
0x9e: {  	_ =	swait.ge [sflag:s22], s20  }
0x9f: {  	s4 =	ssub.s32 $0x0, s20;
	[sflag:s22] =	ssyncset.done $0x0  }
0xa0: {  	[sflag:s22] =	ssyncadd.s32 s4;
	_ =	sdelay $0x1  }
0xa1: {  	s23 =	simm.s32 $0x1B8B  }
0xa2: {  	_ =	swait.ge [sflag:s23], $0x1  }
0xa3: {  	[sflag:s23] =	ssyncset.done $0x0  }
0xa4: {  	s25 =	simm.s32 $0x1B8E;
	s24 =	sld [smem:$0x3FFE];
	[sflag:s23] =	ssyncadd.s32 $0xFFFFFFFF  }
0xa5: {  	s26 =	simm.s32 $execute0_lowered;
	[smem:$0x3FD2] =	sst s25  }
0xa6: {  	s5 =	sshll.u32 s26, $0x1;
	_ =	strace $0x80000046;
	[dreg:$0x1] =	wrdreg $0xFFFFFFFF  }
0xa7: {  	s28 =	simm.s32 $_size_execute0_lowered;
	s3 =	sadd.s32 s3, s5;
	[dreg:$0x0] =	wrdreg $0x0  }
0xa8: {  	s5 =	sshll.u32 s28, $0x1;
	[dreg:$0x2] =	wrdreg s3  }
0xa9: {  	[dreg:$0x3] =	wrdreg s5  }
0xaa: {  	[dreg:$0x4] =	wrdreg $0xC0  }
0xab: {  	_ =	task [dreg:s7], $0x5FFFF  }
0xac: {  	[dreg:$0x1] =	wrdreg $0xFFFFFFFF  }
0xad: {  	[dreg:$0x0] =	wrdreg $0x60  }
0xae: {  	[dreg:$0x2] =	wrdreg s2  }
0xaf: {  	[dreg:$0x3] =	wrdreg s24  }
0xb0: {  	[dreg:$0x4] =	wrdreg $0x9  }
0xb1: {  	_ =	task.clear_ibuf [dreg:s7], $0x5FFFF;
	_ =	strace $0x90000046  }
0xb2: {  	s29 =	simm.s32 $0x9;
	_ =	strace $0x80000048  }
0xb3: {  	_ =	swait.ge [sflag:s29], $0x1  }
0xb4: {  	[sflag:s29] =	ssyncadd.s32 $0xFFFFFFFF  }
0xb5: {  	_ =	strace $0x90000048  }
0xb6: {  	_ =	sfence  }
0xb7: {  	s30 =	sld [smem:$0x0];
	_ =	sdelay $0x2  }
0xb8: {  	s31 =	sshll.u32 s1, $0xD;
	s1 =	sshrl.u32 s1, $0x2  }
0xb9: {  	s3 =	sand.u32 $0x4000, s31;
	s1 =	sadd.s32 s1, s30  }
0xba: {  	s0 =	sor.u32 s3, s0;
	s1 =	sshll.u32 s1, $0x11  }
0xbb: {  	s0 =	sor.u32 s1, s0  }
0xbc: {  	s0 =	sadd.s32 $0x8F2B, s0  }
0xbd: {  	[sflag:s0] =	ssyncadd.remote.s32 $0x1  }
0xbe: {  	_ =	sfence.sel $0xFFFF  }
0xbf: {  	[dreg:$0x0] =	wrdreg $0xFFFFFFFF;
	(pc) =	sbr.abs _section_cstart, $3  }
0xc0: {  	[dreg:$0x1] =	wrdreg $0xFFFFFFFF  }
0xc1: {  	_ =	task.clear_ibuf [dreg:s7], $0x2FFFF;
	_ =	strace $0x9FFFFFFF  }
0xc2: {  	(tm) =	ssettm $0x7FFFFFFF  }
0xc3: {  	_ =	shalt  }
tec
execute0_lowered:
.L_overlay_start_1:
0x0: {  	(tag) =	ssettag $0x1  }
0x1: {  	s3 =	rddreg [dreg:$0x0]  }
0x2: {  	s4 =	rddreg [dreg:$0x1];
	s2 =	srdreg.scid  }
0x3: {  	s0 =	rddreg [dreg:$0x2];
	s1 =	stileid.u32;
	s5 =	sand.u32 $0x1, s2  }
0x4: {  	s2 =	simm.s32 $0x0;
	s6 =	sshll.u32 s1, $0x8;
	s7 =	sshll.u32 s5, $0x7  }
0x5: {  	[smem:$0x7FF] =	sst s2;
	s5 =	ssub.s32 $0x2, s5;
	s6 =	sor.u32 s7, s6  }
0x6: {  	_ =	strace $0x80000047;
	s31 =	sshrl.u32 s5, $0x1;
	s7 =	simm.s32 $0x400  }
0x7: {  	s4 =	sadd.s32 s6, s4;
	s5 =	ssub.s32 s5, s31;
	s3 =	sadd.s32 s3, s6  }
0x8: {  	s6 =	simm.s32 $0x1;
	s4 =	sadd.s32 $0xC00, s4;
	s5 =	smax.u32 s5, $0x1  }
.LBB2_1:
0x9: {  	[tilespmem:s2], [sflag:$0x1] =	stream.linear.gather [hbm4b:s3+s2], $0x400, $0x38;
	[tilespmem:$0x800] =	vst v63  }
0xa: {  	_ =	swait.ge [sflag:s6], $0x400  }
0xb: {  	[sflag:s6] =	ssyncset.done $0x0  }
0xc: {  	[sflag:s6] =	ssyncadd.s32 $0xFFFFFC00  }
0xd: {  	v0 =	vld [tilespmem:$0x0]  }
0xe: {  	v1 =	vld [tilespmem:$0x80]  }
0xf: {  	v2 =	vld [tilespmem:$0x100]  }
0x10: {  	v4 =	vld [tilespmem:$0x180]  }
0x11: {  	v5 =	vld [tilespmem:$0x200]  }
0x12: {  	v6 =	vld [tilespmem:$0x280]  }
0x13: {  	v7 =	vld [tilespmem:$0x300];
	v8 =	vmax.f32 v0, v1  }
0x14: {  	v9 =	vld [tilespmem:$0x380];
	v8 =	vmax.f32 v8, v2  }
0x15: {  	v8 =	vmax.f32 v8, v4  }
0x16: {  	v8 =	vmax.f32 v8, v5  }
0x17: {  	v8 =	vmax.f32 v8, v6  }
0x18: {  	v8 =	vmax.f32 v8, v7  }
0x19: {  	v8 =	vmax.f32 v8, v9  }
0x1a: {  	v0 =	vsub.f32 v0, v8  }
0x1b: {  	v1 =	vsub.f32 v1, v8  }
0x1c: {  	v0 =	vmul.f32 $1.442695020e+00, v0  }
0x1d: {  	v2 =	vsub.f32 v2, v8;
	v1 =	vmul.f32 $1.442695020e+00, v1  }
0x1e: {  	(erf) = vpow2.f32 v0  }
0x1f: {  	v13 =	vsub.f32 v4, v8;
	v12 =	vmul.f32 $1.442695020e+00, v2;
	(erf) = vpow2.f32 v1;
	_ =	sdelay $0x1  }
0x20: {  	v15 =	vsub.f32 v5, v8;
	v14 =	vmul.f32 $1.442695020e+00, v13;
	(erf) = vpow2.f32 v12;
	_ =	sdelay $0x1  }
0x21: {  	v17 =	vsub.f32 v6, v8;
	v16 =	vmul.f32 $1.442695020e+00, v15;
	(erf) = vpow2.f32 v14;
	_ =	sdelay $0x1  }
0x22: {  	v19 =	vsub.f32 v7, v8;
	v18 =	vmul.f32 $1.442695020e+00, v17;
	(erf) = vpow2.f32 v16;
	_ =	sdelay $0x1  }
0x23: {  	v22 =	vsub.f32 v9, v8;
	v21 =	vmul.f32 $1.442695020e+00, v19;
	v20 =	vpop (erf);
	(erf) = vpow2.f32 v18  }
0x24: {  	v23 =	vpop (erf)  }
0x25: {  	v24 =	vmul.f32 $1.442695020e+00, v22;
	(erf) = vpow2.f32 v21;
	v25 =	vadd.f32 v23, v20  }
0x26: {  	v26 =	vpop (erf)  }
0x27: {  	(erf) = vpow2.f32 v24;
	v27 =	vadd.f32 v25, v26  }
0x28: {  	v28 =	vpop (erf)  }
0x29: {  	v0 =	vadd.f32 v27, v28  }
0x2a: {  	v29 =	vpop (erf)  }
0x2b: {  	v0 =	vadd.f32 v0, v29  }
0x2c: {  	v30 =	vpop (erf)  }
0x2d: {  	v0 =	vadd.f32 v0, v30  }
0x2e: {  	v31 =	vpop (erf)  }
0x2f: {  	v0 =	vadd.f32 v0, v31  }
0x30: {  	v10 =	vpop (erf)  }
0x31: {  	v0 =	vadd.f32 v0, v10;
	_ =	sdelay $0x1  }
0x32: {  	(erf) = vrcp.f32 v0;
	_ =	sdelay $0x8  }
0x33: {  	v12 =	vpop (erf)  }
0x34: {  	v32 =	vmul.f32 v12, v20;
	v2 =	vmul.f32 v12, v23  }
0x35: {  	v0 =	vmul.f32 v12, v26  }
0x36: {  	v5 =	vmax.f32 v32, v2  }
0x37: {  	v1 =	vmul.f32 v12, v28;
	vm0 =	vgt.f32 v0, v5  }
0x38: {  	v13 =	vsel vm0, v0, v5  }
0x39: {  	v11 =	vmul.f32 v12, v29;
	vm1 =	vgt.f32 v1, v13  }
0x3a: {  	v14 =	vsel vm1, v1, v13  }
0x3b: {  	v6 =	vmul.f32 v12, v30;
	vm2 =	vgt.f32 v11, v14  }
0x3c: {  	v39 =	vmin.f32 v32, v2;
	v15 =	vsel vm2, v11, v14  }
0x3d: {  	v7 =	vmul.f32 v12, v31;
	v8 =	vmax.f32 v39, v0;
	vm3 =	vgt.f32 v6, v15  }
0x3e: {  	v5 =	vsel vm0, v5, v8;
	v40 =	vsel vm3, v6, v15  }
0x3f: {  	v8 =	vmul.f32 v12, v10;
	v5 =	vmax.f32 v5, v1;
	vm7 =	vgt.f32 v7, v40  }
0x40: {  	v43 =	vld [tilespmem:$0x10];
	v5 =	vsel vm1, v13, v5;
	v41 =	vsel vm7, v7, v40  }
0x41: {  	v44 =	vld [tilespmem:$0x90];
	v5 =	vmax.f32 v5, v11;
	vm8 =	vgt.f32 v8, v41  }
0x42: {  	v17 =	vld [tilespmem:$0x110];
	v5 =	vsel vm2, v14, v5;
	v10 =	vsel vm8, v8, v41  }
0x43: {  	v18 =	vld [tilespmem:$0x190];
	v5 =	vmax.f32 v5, v6;
	v42 =	vsub.f32 v10, v10  }
0x44: {  	v3 =	vimm.f32 $0.0e+00;
	v20 =	vld [tilespmem:$0x210];
	v5 =	vsel vm3, v15, v5  }
0x45: {  	v46 =	vld [tilespmem:$0x290];
	v5 =	vmax.f32 v5, v7;
	vm9 =	veq.f32 v32, v10;
	v16 =	vsub.f32 $1.000000000e+00, v42  }
0x46: {  	v22 =	vmax.f32 v43, v44;
	v5 =	vsel vm7, v40, v5;
	v45 =	vsel vm9, $0x3F800000, v3  }
0x47: {  	v22 =	vmax.f32 v22, v17;
	v5 =	vmax.f32 v5, v8;
	v19 =	vmul.f32 v16, v45  }
0x48: {  	v21 =	vld [tilespmem:$0x310];
	v22 =	vmax.f32 v22, v18;
	v9 =	vsel vm8, v41, v5  }
0x49: {  	v24 =	vld [tilespmem:$0x390];
	v22 =	vmax.f32 v22, v20;
	vm10 =	veq.f32 v32, v9;
	v47 =	vsub.f32 $1.000000000e+00, v19  }
0x4a: {  	v48 =	vmax.f32 v22, v46;
	v23 =	vsel vm10, $0x3F800000, v3  }
0x4b: {  	vm11 =	veq.f32 v2, v10;
	vm12 =	veq.f32 v2, v9;
	v12 =	vmul.f32 v47, v23  }
0x4c: {  	vm13 =	veq.f32 v0, v10;
	vm14 =	veq.f32 v0, v9;
	vm15 =	veq.f32 v1, v10  }
0x4d: {  	vm4 =	veq.f32 v1, v9;
	v12 =	vmul.f32 v12, v16;
	v16 =	vmax.f32 v48, v21  }
0x4e: {  	vm5 =	veq.f32 v11, v10;
	vm6 =	veq.f32 v11, v9;
	v16 =	vmax.f32 v16, v24  }
0x4f: {  	vm7 =	veq.f32 v6, v10;
	v49 =	vadd.f32 v19, v42;
	v14 =	vsub.f32 v43, v16  }
0x50: {  	vm8 =	veq.f32 v6, v9;
	v26 =	vsel vm11, $0x3F800000, v3;
	v15 =	vsub.f32 v44, v16  }
0x51: {  	v50 =	vsub.f32 $1.000000000e+00, v49;
	v13 =	vadd.f32 v12, v42;
	v14 =	vmul.f32 $1.442695020e+00, v14  }
0x52: {  	v25 =	vmul.f32 v12, v19;
	v17 =	vsub.f32 v17, v16;
	v15 =	vmul.f32 $1.442695020e+00, v15  }
0x53: {  	v12 =	vadd.f32 v12, v19;
	v19 =	vmul.f32 v50, v26;
	(erf) = vpow2.f32 v14  }
0x54: {  	v53 =	vsub.f32 v18, v16;
	v52 =	vmul.f32 $1.442695020e+00, v17;
	(erf) = vpow2.f32 v15  }
0x55: {  	v51 =	vsel vm12, $0x3F800000, v3;
	v59 =	vsel vm13, $0x3F800000, v3;
	v57 =	vsub.f32 v20, v16  }
0x56: {  	v55 =	vadd.f32 v19, v49;
	v56 =	vmul.f32 $1.442695020e+00, v53;
	(erf) = vpow2.f32 v52  }
0x57: {  	v34 =	vsel vm14, $0x3F800000, v3;
	v5 =	vsub.f32 v46, v16;
	v26 =	vsub.f32 $1.000000000e+00, v19  }
0x58: {  	v61 =	vmul.f32 $1.442695020e+00, v57;
	v60 =	vsub.f32 $1.000000000e+00, v55;
	(erf) = vpow2.f32 v56  }
0x59: {  	v58 =	vsub.f32 $1.000000000e+00, v13;
	v5 =	vmul.f32 $1.442695020e+00, v5;
	v54 =	vmul.f32 v26, v51  }
0x5a: {  	v33 =	vsub.f32 v21, v16;
	v63 =	vmul.f32 v60, v59;
	(erf) = vpow2.f32 v61  }
0x5b: {  	v28 =	vsel vm5, $0x3F800000, v3;
	v36 =	vsub.f32 v24, v16;
	v62 =	vmul.f32 v58, v54  }
0x5c: {  	v35 =	vmul.f32 $1.442695020e+00, v33;
	v18 =	vadd.f32 v63, v55;
	(erf) = vpow2.f32 v5;
	v21 =	vpop (erf)  }
0x5d: {  	v40 =	vmul.f32 $1.442695020e+00, v36;
	v13 =	vadd.f32 v62, v13;
	v37 =	vsub.f32 $1.000000000e+00, v63;
	v39 =	vpop (erf)  }
0x5e: {  	v38 =	vsub.f32 $1.000000000e+00, v18;
	(erf) = vpow2.f32 v35;
	v41 =	vadd.f32 v39, v21  }
0x5f: {  	v43 =	vsel vm15, $0x3F800000, v3;
	v16 =	vmul.f32 v37, v34;
	v42 =	vsub.f32 $1.000000000e+00, v13;
	v44 =	vpop (erf)  }
0x60: {  	v22 =	vmul.f32 v38, v43;
	(erf) = vpow2.f32 v40;
	v45 =	vadd.f32 v41, v44  }
0x61: {  	v12 =	vsub.f32 v12, v25;
	v51 =	vadd.f32 v62, v19;
	v46 =	vmul.f32 v42, v16;
	v47 =	vpop (erf)  }
0x62: {  	vm9 =	veq.f32 v7, v10;
	v18 =	vadd.f32 v22, v18;
	v5 =	vadd.f32 v45, v47  }
0x63: {  	v48 =	vsel vm4, $0x3F800000, v3;
	v13 =	vadd.f32 v46, v13;
	v24 =	vsub.f32 $1.000000000e+00, v22;
	v49 =	vpop (erf)  }
0x64: {  	v4 =	vmul.f32 v12, v32;
	v27 =	vsub.f32 $1.000000000e+00, v18;
	v5 =	vadd.f32 v5, v49  }
0x65: {  	v15 =	vmul.f32 v62, v19;
	v20 =	vmul.f32 v24, v48;
	v50 =	vsub.f32 $1.000000000e+00, v13;
	v29 =	vpop (erf)  }
0x66: {  	vm10 =	veq.f32 v7, v9;
	v27 =	vmul.f32 v27, v28;
	v5 =	vadd.f32 v5, v29  }
0x67: {  	vm12 =	veq.f32 v8, v10;
	[tilespmem:$0x1FEC0] =	vst v4;
	v4 =	vsub.f32 v51, v15;
	v52 =	vmul.f32 v50, v20;
	v53 =	vpop (erf)  }
0x68: {  	v59 =	vsel vm7, $0x3F800000, v3;
	v18 =	vadd.f32 v27, v18;
	v5 =	vadd.f32 v5, v53  }
0x69: {  	vm7 =	veq.f32 v8, v9;
	v54 =	vsub.f32 $1.000000000e+00, v27;
	v13 =	vadd.f32 v52, v13;
	v30 =	vpop (erf)  }
0x6a: {  	v55 =	vsel vm6, $0x3F800000, v3;
	v58 =	vsub.f32 $1.000000000e+00, v18;
	v5 =	vadd.f32 v5, v30  }
0x6b: {  	v2 =	vmul.f32 v4, v2;
	v56 =	vmul.f32 v54, v55;
	v57 =	vsub.f32 $1.000000000e+00, v13  }
0x6c: {  	v38 =	vsel vm9, $0x3F800000, v3;
	v15 =	vmul.f32 v58, v59;
	(erf) = vrcp.f32 v5  }
0x6d: {  	v60 =	vadd.f32 v46, v63;
	v14 =	vmul.f32 v46, v63;
	v19 =	vmul.f32 v57, v56  }
0x6e: {  	v63 =	vsel vm8, $0x3F800000, v3;
	v61 =	vadd.f32 v52, v22;
	v33 =	vadd.f32 v15, v18  }
0x6f: {  	v12 =	vmul.f32 v52, v22;
	v56 =	vld [tilespmem:$0x20];
	v13 =	vadd.f32 v19, v13;
	v62 =	vsub.f32 $1.000000000e+00, v15  }
0x70: {  	v58 =	vld [tilespmem:$0xA0];
	v24 =	vadd.f32 v19, v27;
	v19 =	vmul.f32 v19, v27;
	v37 =	vsub.f32 $1.000000000e+00, v33  }
0x71: {  	v14 =	vsub.f32 v60, v14;
	v22 =	vmul.f32 v62, v63;
	v5 =	vsub.f32 $1.000000000e+00, v13  }
0x72: {  	v17 =	vsub.f32 v61, v12;
	v28 =	vsub.f32 v24, v19;
	v18 =	vmul.f32 v37, v38  }
0x73: {  	v41 =	vsel vm10, $0x3F800000, v3;
	v0 =	vmul.f32 v14, v0;
	v31 =	vmul.f32 v5, v22  }
0x74: {  	v1 =	vmul.f32 v17, v1;
	v32 =	vmul.f32 v28, v11;
	v42 =	vsub.f32 $1.000000000e+00, v18  }
0x75: {  	v12 =	vadd.f32 v18, v33;
	v33 =	vmax.f32 v56, v58;
	v35 =	vmul.f32 v31, v15;
	v36 =	vpop (erf)  }
0x76: {  	[tilespmem:$0x1FEF0] =	vst v1;
	v34 =	vadd.f32 v31, v15;
	v11 =	vmul.f32 v36, v21;
	v1 =	vmul.f32 v36, v39  }
0x77: {  	[tilespmem:$0x1FEE0] =	vst v0;
	v13 =	vadd.f32 v31, v13;
	v16 =	vmul.f32 v42, v41;
	v0 =	vmul.f32 v36, v44  }
0x78: {  	v12 =	vsub.f32 $1.000000000e+00, v12;
	v39 =	vsub.f32 v34, v35;
	v40 =	vmax.f32 v11, v1  }
0x79: {  	[tilespmem:$0x1FED0] =	vst v2;
	v2 =	vmul.f32 v36, v47;
	v10 =	vmul.f32 v36, v49;
	vm11 =	vgt.f32 v0, v40  }
0x7a: {  	v44 =	vsel vm12, $0x3F800000, v3;
	v14 =	vmul.f32 v36, v29;
	v43 =	vsel vm11, v0, v40  }
0x7b: {  	v47 =	vsub.f32 $1.000000000e+00, v13;
	v17 =	vmul.f32 v36, v53;
	vm13 =	vgt.f32 v2, v43  }
0x7c: {  	v35 =	vsel vm7, $0x3F800000, v3;
	v12 =	vmul.f32 v12, v44;
	v45 =	vsel vm13, v2, v43  }
0x7d: {  	v46 =	vmin.f32 v11, v1;
	v49 =	vmul.f32 v47, v16;
	vm14 =	vgt.f32 v10, v45  }
0x7e: {  	v16 =	vmul.f32 v36, v30;
	v26 =	vmax.f32 v46, v0;
	v48 =	vsel vm14, v10, v45  }
0x7f: {  	v61 =	vsub.f32 $1.000000000e+00, v12;
	v19 =	vsel vm11, v40, v26;
	vm15 =	vgt.f32 v14, v48  }
0x80: {  	v60 =	vld [tilespmem:$0x120];
	v13 =	vadd.f32 v49, v13;
	v19 =	vmax.f32 v19, v2;
	v50 =	vsel vm15, v14, v48  }
0x81: {  	v54 =	vadd.f32 v49, v18;
	v51 =	vsel vm13, v43, v19;
	vm4 =	vgt.f32 v17, v50  }
0x82: {  	v18 =	vmul.f32 v49, v18;
	v15 =	vmax.f32 v51, v10;
	v52 =	vsel vm4, v17, v50  }
0x83: {  	v9 =	vmul.f32 v61, v35;
	v15 =	vsel vm14, v45, v15;
	vm5 =	vgt.f32 v16, v52  }
0x84: {  	v13 =	vsub.f32 $1.000000000e+00, v13;
	v53 =	vmax.f32 v15, v14;
	v15 =	vsel vm5, v16, v52  }
0x85: {  	v63 =	vld [tilespmem:$0x1A0];
	v33 =	vmax.f32 v33, v60;
	v55 =	vsub.f32 v15, v15  }
0x86: {  	v18 =	vsub.f32 v54, v18;
	v9 =	vmul.f32 v13, v9;
	v22 =	vsel vm15, v48, v53  }
0x87: {  	v31 =	vld [tilespmem:$0x220];
	v57 =	vmax.f32 v22, v17;
	vm6 =	veq.f32 v11, v15;
	v59 =	vsub.f32 $1.000000000e+00, v55  }
0x88: {  	v36 =	vld [tilespmem:$0x2A0];
	v41 =	vadd.f32 v9, v12;
	v20 =	vsel vm4, v50, v57;
	v62 =	vsel vm6, $0x3F800000, v3  }
0x89: {  	v9 =	vmul.f32 v9, v12;
	v20 =	vmax.f32 v20, v16;
	v28 =	vmul.f32 v59, v62  }
0x8a: {  	v40 =	vmax.f32 v33, v63;
	v44 =	vmul.f32 v18, v7;
	v19 =	vsel vm5, v52, v20  }
0x8b: {  	[tilespmem:$0x1FF00] =	vst v32;
	v32 =	vld [tilespmem:$0x320];
	v9 =	vsub.f32 v41, v9;
	vm0 =	veq.f32 v11, v19;
	v37 =	vsub.f32 $1.000000000e+00, v28  }
0x8c: {  	v34 =	vld [tilespmem:$0x3A0];
	v39 =	vmul.f32 v39, v6;
	v21 =	vmax.f32 v40, v31;
	v38 =	vsel vm0, $0x3F800000, v3  }
0x8d: {  	v43 =	vmax.f32 v21, v36;
	[tilespmem:$0x1FF20] =	vst v44;
	v44 =	vmul.f32 v9, v8;
	v13 =	vmul.f32 v37, v38  }
0x8e: {  	vm8 =	veq.f32 v1, v15;
	vm9 =	veq.f32 v1, v19;
	v45 =	vadd.f32 v28, v55  }
0x8f: {  	vm10 =	veq.f32 v0, v15;
	vm11 =	veq.f32 v0, v19;
	v42 =	vmul.f32 v13, v59  }
0x90: {  	vm12 =	veq.f32 v2, v15;
	v47 =	vsub.f32 $1.000000000e+00, v45;
	v13 =	vmax.f32 v43, v32  }
0x91: {  	v50 =	vsel vm8, $0x3F800000, v3;
	v13 =	vmax.f32 v13, v34;
	v46 =	vadd.f32 v42, v55  }
0x92: {  	v23 =	vmul.f32 v47, v50;
	v48 =	vsub.f32 v56, v13;
	v22 =	vsub.f32 v58, v13  }
0x93: {  	v51 =	vsel vm9, $0x3F800000, v3;
	v12 =	vadd.f32 v42, v28;
	v25 =	vsub.f32 v60, v13  }
0x94: {  	v59 =	vsel vm10, $0x3F800000, v3;
	v52 =	vsub.f32 $1.000000000e+00, v23;
	v54 =	vsub.f32 v63, v13  }
0x95: {  	v49 =	vmul.f32 v42, v28;
	v18 =	vadd.f32 v23, v45;
	v57 =	vsub.f32 v31, v13  }
0x96: {  	v20 =	vsub.f32 v36, v13;
	v35 =	vsub.f32 v32, v13;
	v36 =	vsel vm11, $0x3F800000, v3  }
0x97: {  	v24 =	vmul.f32 $1.442695020e+00, v48;
	v22 =	vmul.f32 $1.442695020e+00, v22;
	v60 =	vsub.f32 $1.000000000e+00, v18  }
0x98: {  	v53 =	vmul.f32 $1.442695020e+00, v25;
	v55 =	vmul.f32 v52, v51;
	v58 =	vsub.f32 $1.000000000e+00, v46  }
0x99: {  	v13 =	vsub.f32 v34, v13;
	(erf) = vpow2.f32 v24;
	v63 =	vmul.f32 v60, v59  }
0x9a: {  	v42 =	vsel vm12, $0x3F800000, v3;
	v62 =	vmul.f32 v58, v55;
	(erf) = vpow2.f32 v22  }
0x9b: {  	v56 =	vmul.f32 $1.442695020e+00, v54;
	v61 =	vmul.f32 $1.442695020e+00, v57;
	v18 =	vadd.f32 v63, v18  }
0x9c: {  	(erf) = vpow2.f32 v53;
	v21 =	vadd.f32 v62, v46;
	v38 =	vsub.f32 $1.000000000e+00, v63  }
0x9d: {  	[tilespmem:$0x1FF10] =	vst v39;
	v20 =	vmul.f32 $1.442695020e+00, v20;
	v37 =	vmul.f32 $1.442695020e+00, v35;
	v39 =	vsub.f32 $1.000000000e+00, v18  }
0x9e: {  	(erf) = vpow2.f32 v56;
	v22 =	vmul.f32 v38, v36;
	v41 =	vsub.f32 $1.000000000e+00, v21  }
0x9f: {  	vm13 =	veq.f32 v2, v19;
	v13 =	vmul.f32 $1.442695020e+00, v13;
	v29 =	vmul.f32 v39, v42  }
0xa0: {  	vm14 =	veq.f32 v10, v15;
	(erf) = vpow2.f32 v61;
	v46 =	vmul.f32 v41, v22  }
0xa1: {  	v45 =	vsub.f32 v12, v49;
	v48 =	vsel vm13, $0x3F800000, v3;
	v18 =	vadd.f32 v29, v18  }
0xa2: {  	(erf) = vpow2.f32 v20;
	v47 =	vadd.f32 v46, v21;
	v49 =	vsub.f32 $1.000000000e+00, v29;
	v28 =	vpop (erf)  }
0xa3: {  	v52 =	vsel vm14, $0x3F800000, v3;
	(erf) = vpow2.f32 v37;
	v30 =	vpop (erf);
	v50 =	vsub.f32 $1.000000000e+00, v18  }
0xa4: {  	v21 =	vmul.f32 v49, v48;
	v51 =	vsub.f32 $1.000000000e+00, v47;
	v40 =	vadd.f32 v30, v28  }
0xa5: {  	vm15 =	veq.f32 v10, v19;
	vm4 =	veq.f32 v14, v15;
	v32 =	vpop (erf);
	v54 =	vmul.f32 v50, v52  }
0xa6: {  	(erf) = vpow2.f32 v13;
	v21 =	vmul.f32 v51, v21;
	v43 =	vadd.f32 v40, v32  }
0xa7: {  	vm5 =	veq.f32 v14, v19;
	vm7 =	veq.f32 v17, v19;
	v22 =	vpop (erf);
	v57 =	vsub.f32 $1.000000000e+00, v54  }
0xa8: {  	v7 =	vsel vm5, $0x3F800000, v3;
	v20 =	vadd.f32 v21, v47;
	v13 =	vadd.f32 v43, v22  }
0xa9: {  	vm6 =	veq.f32 v17, v15;
	v58 =	vsel vm15, $0x3F800000, v3;
	v27 =	vpop (erf);
	v18 =	vadd.f32 v54, v18  }
0xaa: {  	v26 =	vmul.f32 v57, v58;
	v59 =	vsub.f32 $1.000000000e+00, v20;
	v13 =	vadd.f32 v13, v27  }
0xab: {  	v55 =	vadd.f32 v62, v23;
	v23 =	vmul.f32 v62, v23;
	v34 =	vpop (erf);
	v37 =	vsub.f32 $1.000000000e+00, v18  }
0xac: {  	v60 =	vsel vm4, $0x3F800000, v3;
	v62 =	vmul.f32 v59, v26;
	v13 =	vadd.f32 v13, v34  }
0xad: {  	vm8 =	veq.f32 v16, v15;
	v61 =	vsub.f32 v55, v23;
	v56 =	vpop (erf);
	v25 =	vmul.f32 v37, v60  }
0xae: {  	v53 =	vmul.f32 v45, v11;
	v20 =	vadd.f32 v62, v20;
	v13 =	vadd.f32 v13, v56  }
0xaf: {  	v1 =	vmul.f32 v61, v1;
	v35 =	vpop (erf);
	v5 =	vsub.f32 $1.000000000e+00, v25;
	v9 =	vadd.f32 v25, v18  }
0xb0: {  	v36 =	vadd.f32 v46, v63;
	v12 =	vmul.f32 v46, v63;
	v13 =	vadd.f32 v13, v35  }
0xb1: {  	v23 =	vmul.f32 v5, v7;
	v8 =	vsub.f32 $1.000000000e+00, v20;
	v38 =	vsub.f32 $1.000000000e+00, v9  }
0xb2: {  	v63 =	vsub.f32 v36, v12;
	v40 =	vsel vm6, $0x3F800000, v3;
	(erf) = vrcp.f32 v13  }
0xb3: {  	v4 =	vadd.f32 v21, v29;
	v37 =	vmul.f32 v8, v23;
	v43 =	vmul.f32 v38, v40  }
0xb4: {  	v21 =	vmul.f32 v21, v29;
	v6 =	vadd.f32 v62, v54;
	v11 =	vmul.f32 v62, v54  }
0xb5: {  	v61 =	vld [tilespmem:$0x30];
	v46 =	vsel vm7, $0x3F800000, v3;
	v42 =	vadd.f32 v37, v20;
	v47 =	vsub.f32 $1.000000000e+00, v43  }
0xb6: {  	v0 =	vmul.f32 v63, v0;
	v63 =	vld [tilespmem:$0xB0];
	v31 =	vsub.f32 v6, v11;
	v13 =	vsub.f32 v4, v21  }
0xb7: {  	vm10 =	veq.f32 v16, v19;
	v48 =	vmul.f32 v47, v46;
	v51 =	vsub.f32 $1.000000000e+00, v42  }
0xb8: {  	v41 =	vmul.f32 v31, v10;
	v57 =	vadd.f32 v43, v9;
	v9 =	vld [tilespmem:$0x130];
	v39 =	vmul.f32 v13, v2  }
0xb9: {  	[tilespmem:$0x1FF30] =	vst v44;
	v11 =	vld [tilespmem:$0x1B0];
	v45 =	vadd.f32 v37, v25;
	v21 =	vmul.f32 v37, v25;
	v15 =	vmul.f32 v51, v48  }
0xba: {  	v49 =	vsel vm8, $0x3F800000, v3;
	v52 =	vsel vm10, $0x3F800000, v3;
	[tilespmem:$0x1FF70] =	vst v39;
	v39 =	vld [tilespmem:$0x230]  }
0xbb: {  	[tilespmem:$0x1FF80] =	vst v41;
	v41 =	vmax.f32 v61, v63;
	v21 =	vsub.f32 v45, v21;
	v62 =	vadd.f32 v15, v42;
	v44 =	vpop (erf)  }
0xbc: {  	v7 =	vadd.f32 v15, v43;
	v15 =	vmul.f32 v15, v43;
	v20 =	vmul.f32 v44, v28  }
0xbd: {  	[tilespmem:$0x1FF60] =	vst v0;
	v41 =	vmax.f32 v41, v9;
	v18 =	vmul.f32 v44, v30;
	v0 =	vmul.f32 v44, v32  }
0xbe: {  	v46 =	vld [tilespmem:$0x2B0];
	v41 =	vmax.f32 v41, v11;
	v2 =	vmul.f32 v44, v22;
	v19 =	vmul.f32 v44, v27  }
0xbf: {  	v41 =	vmax.f32 v41, v39;
	v22 =	vmul.f32 v44, v34;
	v23 =	vmul.f32 v44, v56  }
0xc0: {  	v24 =	vmul.f32 v44, v35;
	v28 =	vmax.f32 v20, v18;
	v54 =	vmin.f32 v20, v18  }
0xc1: {  	v32 =	vsub.f32 $1.000000000e+00, v62;
	vm9 =	vgt.f32 v0, v28;
	v33 =	vmax.f32 v54, v0  }
0xc2: {  	v50 =	vsel vm9, v0, v28;
	v56 =	vsel vm9, v28, v33;
	v28 =	vsub.f32 $1.000000000e+00, v57  }
0xc3: {  	v41 =	vmax.f32 v41, v46;
	vm11 =	vgt.f32 v2, v50;
	v33 =	vmax.f32 v56, v2  }
0xc4: {  	[tilespmem:$0x1FF40] =	vst v53;
	v40 =	vld [tilespmem:$0x330];
	v53 =	vsel vm11, v2, v50;
	v59 =	vsel vm11, v50, v33;
	v25 =	vmul.f32 v28, v49  }
0xc5: {  	v47 =	vld [tilespmem:$0x3B0];
	v33 =	vsub.f32 v7, v15;
	vm12 =	vgt.f32 v19, v53;
	v29 =	vmax.f32 v59, v19  }
0xc6: {  	v50 =	vmul.f32 v21, v14;
	v55 =	vsel vm12, v19, v53;
	v29 =	vsel vm12, v53, v29  }
0xc7: {  	v10 =	vsub.f32 $1.000000000e+00, v25;
	vm13 =	vgt.f32 v22, v55;
	v29 =	vmax.f32 v29, v22  }
0xc8: {  	v51 =	vmul.f32 v33, v17;
	v58 =	vsel vm13, v22, v55;
	v29 =	vsel vm13, v55, v29  }
0xc9: {  	v26 =	vmul.f32 v10, v52;
	v52 =	vmax.f32 v41, v40;
	vm14 =	vgt.f32 v23, v58  }
0xca: {  	v29 =	vmax.f32 v29, v23;
	v17 =	vmax.f32 v52, v47;
	v60 =	vsel vm14, v23, v58  }
0xcb: {  	v44 =	vsel vm14, v58, v29;
	v26 =	vmul.f32 v32, v26;
	v31 =	vsub.f32 v61, v17  }
0xcc: {  	v28 =	vsub.f32 v63, v17;
	v37 =	vsub.f32 v9, v17;
	vm15 =	vgt.f32 v24, v60  }
0xcd: {  	[tilespmem:$0x1FF50] =	vst v1;
	v63 =	vsub.f32 v39, v17;
	v7 =	vsub.f32 v46, v17;
	v1 =	vsel vm15, v24, v60  }
0xce: {  	v10 =	vsub.f32 v40, v17;
	v27 =	vmax.f32 v44, v24;
	v8 =	vsub.f32 v1, v1  }
0xcf: {  	v27 =	vsel vm15, v60, v27;
	v53 =	vadd.f32 v26, v25;
	v25 =	vmul.f32 v26, v25  }
0xd0: {  	v31 =	vmul.f32 $1.442695020e+00, v31;
	vm4 =	veq.f32 v20, v1;
	v38 =	vsub.f32 $1.000000000e+00, v8  }
0xd1: {  	v28 =	vmul.f32 $1.442695020e+00, v28;
	v59 =	vmul.f32 $1.442695020e+00, v37;
	v45 =	vsel vm4, $0x3F800000, v3  }
0xd2: {  	v60 =	vsub.f32 v11, v17;
	v6 =	vmul.f32 $1.442695020e+00, v63;
	v29 =	vmul.f32 v38, v45  }
0xd3: {  	v9 =	vmul.f32 $1.442695020e+00, v7;
	v12 =	vmul.f32 $1.442695020e+00, v10;
	v17 =	vsub.f32 v47, v17  }
0xd4: {  	vm0 =	veq.f32 v20, v27;
	vm5 =	veq.f32 v18, v1;
	v42 =	vsub.f32 $1.000000000e+00, v29  }
0xd5: {  	v48 =	vsel vm0, $0x3F800000, v3;
	(erf) = vpow2.f32 v31;
	v54 =	vadd.f32 v29, v8  }
0xd6: {  	vm6 =	veq.f32 v18, v27;
	(erf) = vpow2.f32 v28;
	v49 =	vmul.f32 v42, v48  }
0xd7: {  	vm7 =	veq.f32 v0, v1;
	vm8 =	veq.f32 v0, v27;
	v57 =	vsub.f32 $1.000000000e+00, v54  }
0xd8: {  	v56 =	vsel vm5, $0x3F800000, v3;
	v62 =	vmul.f32 $1.442695020e+00, v60;
	v32 =	vmul.f32 v49, v38  }
0xd9: {  	vm9 =	veq.f32 v2, v1;
	(erf) = vpow2.f32 v59;
	v35 =	vmul.f32 v57, v56  }
0xda: {  	vm10 =	veq.f32 v2, v27;
	vm11 =	veq.f32 v19, v1;
	v55 =	vadd.f32 v32, v8  }
0xdb: {  	(erf) = vpow2.f32 v62;
	v61 =	vsub.f32 $1.000000000e+00, v35;
	v26 =	vadd.f32 v35, v54  }
0xdc: {  	vm12 =	veq.f32 v19, v27;
	v58 =	vsel vm6, $0x3F800000, v3;
	(erf) = vpow2.f32 v6  }
0xdd: {  	v34 =	vmul.f32 v61, v58;
	v5 =	vsub.f32 $1.000000000e+00, v26;
	v8 =	vsub.f32 $1.000000000e+00, v55  }
0xde: {  	vm13 =	veq.f32 v22, v1;
	v4 =	vsel vm7, $0x3F800000, v3;
	(erf) = vpow2.f32 v9;
	v39 =	vpop (erf)  }
0xdf: {  	vm14 =	veq.f32 v22, v27;
	v33 =	vpop (erf);
	v37 =	vmul.f32 v5, v4;
	v34 =	vmul.f32 v8, v34  }
0xe0: {  	vm15 =	veq.f32 v23, v1;
	v17 =	vmul.f32 $1.442695020e+00, v17;
	v45 =	vadd.f32 v33, v39  }
0xe1: {  	(erf) = vpow2.f32 v12;
	v38 =	vsub.f32 $1.000000000e+00, v37;
	v13 =	vadd.f32 v34, v55  }
0xe2: {  	v11 =	vsel vm8, $0x3F800000, v3;
	v40 =	vpop (erf);
	(erf) = vpow2.f32 v17;
	v26 =	vadd.f32 v37, v26  }
0xe3: {  	v49 =	vadd.f32 v45, v40;
	v44 =	vmul.f32 v38, v11;
	v46 =	vsub.f32 $1.000000000e+00, v13  }
0xe4: {  	v21 =	vsub.f32 v53, v25;
	vm5 =	veq.f32 v23, v27;
	v52 =	vpop (erf);
	v47 =	vsub.f32 $1.000000000e+00, v26  }
0xe5: {  	[tilespmem:$0x1FF90] =	vst v50;
	v48 =	vsel vm9, $0x3F800000, v3;
	v17 =	vadd.f32 v49, v52;
	v50 =	vmul.f32 v46, v44  }
0xe6: {  	[tilespmem:$0x1FFA0] =	vst v51;
	v56 =	vsel vm11, $0x3F800000, v3;
	v14 =	vadd.f32 v32, v29;
	v51 =	vmul.f32 v47, v48;
	v38 =	vpop (erf)  }
0xe7: {  	v29 =	vmul.f32 v32, v29;
	v17 =	vadd.f32 v17, v38;
	v30 =	vadd.f32 v50, v13  }
0xe8: {  	v54 =	vmul.f32 v21, v16;
	v44 =	vsub.f32 $1.000000000e+00, v51;
	v26 =	vadd.f32 v51, v26;
	v47 =	vpop (erf)  }
0xe9: {  	v45 =	vsel vm10, $0x3F800000, v3;
	v29 =	vsub.f32 v14, v29;
	v43 =	vadd.f32 v17, v47  }
0xea: {  	v36 =	vpop (erf);
	v32 =	vmul.f32 v44, v45;
	v46 =	vsub.f32 $1.000000000e+00, v30;
	v53 =	vsub.f32 $1.000000000e+00, v26  }
0xeb: {  	v60 =	vadd.f32 v34, v35;
	v34 =	vmul.f32 v34, v35;
	v59 =	vadd.f32 v43, v36  }
0xec: {  	v61 =	vsel vm12, $0x3F800000, v3;
	v35 =	vpop (erf);
	v55 =	vmul.f32 v46, v32;
	v58 =	vmul.f32 v53, v56  }
0xed: {  	v14 =	vsel vm14, $0x3F800000, v3;
	v57 =	vmul.f32 v29, v20;
	v29 =	vadd.f32 v59, v35  }
0xee: {  	[tilespmem:$0x1FFB0] =	vst v54;
	v54 =	vsel vm5, $0x3F800000, v3;
	v30 =	vadd.f32 v55, v30;
	v42 =	vsub.f32 $1.000000000e+00, v58  }
0xef: {  	vm12 =	veq.f32 v24, v1;
	v26 =	vadd.f32 v58, v26;
	(erf) = vrcp.f32 v29  }
0xf0: {  	v32 =	vsub.f32 v60, v34;
	v34 =	vmul.f32 v42, v61;
	v62 =	vsub.f32 $1.000000000e+00, v30  }
0xf1: {  	v7 =	vadd.f32 v50, v37;
	v25 =	vmul.f32 v50, v37;
	v6 =	vsub.f32 $1.000000000e+00, v26  }
0xf2: {  	v8 =	vsel vm13, $0x3F800000, v3;
	vm13 =	veq.f32 v24, v27;
	v34 =	vmul.f32 v62, v34  }
0xf3: {  	v25 =	vsub.f32 v7, v25;
	v9 =	vadd.f32 v55, v51;
	v29 =	vmul.f32 v6, v8  }
0xf4: {  	v21 =	vmul.f32 v55, v51;
	v11 =	vadd.f32 v34, v58;
	v20 =	vmul.f32 v34, v58  }
0xf5: {  	v63 =	vmul.f32 v32, v18;
	v10 =	vadd.f32 v34, v30;
	v12 =	vsub.f32 $1.000000000e+00, v29  }
0xf6: {  	v51 =	vsel vm15, $0x3F800000, v3;
	v13 =	vsub.f32 v9, v21;
	v30 =	vsub.f32 v11, v20  }
0xf7: {  	v21 =	vmul.f32 v25, v0;
	v34 =	vmul.f32 v12, v14;
	v15 =	vsub.f32 $1.000000000e+00, v10  }
0xf8: {  	v9 =	vimm.f32 $0.0e+00;
	v20 =	vmul.f32 v13, v2;
	v16 =	vmul.f32 v30, v19;
	v18 =	vpop (erf)  }
0xf9: {  	v17 =	vmul.f32 v15, v34;
	v19 =	vadd.f32 v29, v26;
	v26 =	vmul.f32 v18, v39  }
0xfa: {  	v45 =	vsel vm13, $0x3F800000, v9;
	v0 =	vmul.f32 v18, v33;
	v25 =	vmul.f32 v18, v40  }
0xfb: {  	v8 =	vld [tilespmem:$0x40];
	v13 =	vsel vm12, $0x3F800000, v9;
	v2 =	vmul.f32 v18, v52;
	v33 =	vmul.f32 v18, v38  }
0xfc: {  	v11 =	vld [tilespmem:$0xC0];
	v28 =	vmul.f32 v18, v47;
	v31 =	vmul.f32 v18, v36;
	v37 =	vadd.f32 v17, v10  }
0xfd: {  	v32 =	vmul.f32 v18, v35;
	v48 =	vadd.f32 v17, v29;
	v49 =	vsub.f32 $1.000000000e+00, v19  }
0xfe: {  	v12 =	vld [tilespmem:$0x140];
	v29 =	vmul.f32 v17, v29;
	v17 =	vimm.f32 $0.0e+00;
	v50 =	vmax.f32 v26, v0  }
0xff: {  	[tilespmem:$0x1FFC0] =	vst v57;
	v14 =	vld [tilespmem:$0x1C0];
	v57 =	vmin.f32 v26, v0;
	vm4 =	vgt.f32 v25, v50;
	v52 =	vmul.f32 v49, v51  }
0x100: {  	v41 =	vmax.f32 v57, v25;
	v59 =	vsub.f32 $1.000000000e+00, v37;
	v29 =	vsub.f32 v48, v29  }
0x101: {  	v53 =	vsel vm4, v25, v50;
	v58 =	vsel vm4, v50, v41;
	v50 =	vmax.f32 v8, v11  }
0x102: {  	vm6 =	vgt.f32 v2, v53;
	v55 =	vsub.f32 $1.000000000e+00, v52;
	v36 =	vmax.f32 v58, v2  }
0x103: {  	[tilespmem:$0x1FFD0] =	vst v63;
	v22 =	vmul.f32 v29, v22;
	v63 =	vadd.f32 v52, v19;
	v50 =	vmax.f32 v50, v12  }
0x104: {  	v56 =	vsel vm6, v2, v53;
	v61 =	vsel vm6, v53, v36;
	v50 =	vmax.f32 v50, v14  }
0x105: {  	vm7 =	vgt.f32 v33, v56;
	v38 =	vmul.f32 v55, v54;
	v35 =	vmax.f32 v61, v33  }
0x106: {  	v29 =	vsub.f32 $1.000000000e+00, v63;
	v44 =	vsel vm7, v33, v56;
	v35 =	vsel vm7, v56, v35  }
0x107: {  	v56 =	vld [tilespmem:$0x240];
	vm8 =	vgt.f32 v28, v44;
	v38 =	vmul.f32 v59, v38;
	v35 =	vmax.f32 v35, v28  }
0x108: {  	v29 =	vmul.f32 v29, v13;
	v60 =	vsel vm8, v28, v44;
	v35 =	vsel vm8, v44, v35  }
0x109: {  	v48 =	vld [tilespmem:$0x2C0];
	vm9 =	vgt.f32 v31, v60;
	v37 =	vadd.f32 v38, v37;
	v40 =	vadd.f32 v38, v52  }
0x10a: {  	v35 =	vmax.f32 v35, v31;
	v49 =	vsub.f32 $1.000000000e+00, v29;
	v62 =	vsel vm9, v31, v60  }
0x10b: {  	v57 =	vld [tilespmem:$0x340];
	v30 =	vmul.f32 v38, v52;
	v35 =	vsel vm9, v60, v35;
	vm10 =	vgt.f32 v32, v62  }
0x10c: {  	v35 =	vmax.f32 v35, v32;
	v45 =	vmul.f32 v49, v45;
	v59 =	vmax.f32 v50, v56  }
0x10d: {  	v37 =	vsub.f32 $1.000000000e+00, v37;
	v30 =	vsub.f32 v40, v30;
	v34 =	vsel vm10, v32, v62  }
0x10e: {  	v35 =	vsel vm10, v62, v35;
	v49 =	vmax.f32 v59, v48;
	v6 =	vsub.f32 v34, v34  }
0x10f: {  	vm11 =	veq.f32 v26, v34;
	vm1 =	veq.f32 v26, v35;
	vm14 =	veq.f32 v0, v34  }
0x110: {  	vm15 =	veq.f32 v0, v35;
	v49 =	vmax.f32 v49, v57;
	v37 =	vmul.f32 v37, v45  }
0x111: {  	vm4 =	veq.f32 v25, v34;
	vm5 =	veq.f32 v25, v35;
	v7 =	vsub.f32 $1.000000000e+00, v6  }
0x112: {  	v52 =	vld [tilespmem:$0x3C0];
	vm6 =	veq.f32 v2, v34;
	vm7 =	veq.f32 v2, v35;
	v10 =	vsel vm11, $0x3F800000, v9  }
0x113: {  	vm8 =	veq.f32 v33, v34;
	v23 =	vmul.f32 v30, v23;
	v1 =	vmul.f32 v7, v10  }
0x114: {  	vm9 =	veq.f32 v33, v35;
	vm10 =	veq.f32 v28, v34;
	vm12 =	veq.f32 v31, v34  }
0x115: {  	vm13 =	veq.f32 v31, v35;
	v55 =	vsub.f32 $1.000000000e+00, v1;
	v47 =	vadd.f32 v1, v6  }
0x116: {  	v46 =	vsel vm1, $0x3F800000, v9;
	v58 =	vsel vm14, $0x3F800000, v17;
	v61 =	vsel vm15, $0x3F800000, v17  }
0x117: {  	v49 =	vmax.f32 v49, v52;
	v36 =	vmul.f32 v55, v46;
	v51 =	vsub.f32 $1.000000000e+00, v47  }
0x118: {  	v4 =	vsel vm4, $0x3F800000, v17;
	v13 =	vsel vm6, $0x3F800000, v17;
	vm11 =	veq.f32 v28, v35  }
0x119: {  	v42 =	vsub.f32 v8, v49;
	v36 =	vmul.f32 v36, v7;
	v38 =	vmul.f32 v51, v58  }
0x11a: {  	vm14 =	veq.f32 v32, v34;
	v63 =	vsub.f32 v11, v49;
	v43 =	vsub.f32 v12, v49  }
0x11b: {  	v42 =	vmul.f32 $1.442695020e+00, v42;
	v39 =	vadd.f32 v36, v6;
	v60 =	vsub.f32 $1.000000000e+00, v38  }
0x11c: {  	v51 =	vadd.f32 v37, v29;
	v29 =	vmul.f32 v37, v29;
	v3 =	vadd.f32 v38, v47  }
0x11d: {  	v37 =	vmul.f32 $1.442695020e+00, v63;
	v45 =	vmul.f32 v60, v61;
	v62 =	vsub.f32 $1.000000000e+00, v39  }
0x11e: {  	v27 =	vsub.f32 v14, v49;
	(erf) = vpow2.f32 v42;
	v5 =	vsub.f32 $1.000000000e+00, v3  }
0x11f: {  	v8 =	vsel vm5, $0x3F800000, v17;
	(erf) = vpow2.f32 v37;
	v41 =	vmul.f32 v62, v45  }
0x120: {  	v11 =	vsub.f32 v48, v49;
	v6 =	vmul.f32 $1.442695020e+00, v43;
	v42 =	vmul.f32 v5, v4  }
0x121: {  	v27 =	vmul.f32 $1.442695020e+00, v27;
	v7 =	vsub.f32 v56, v49;
	v39 =	vadd.f32 v41, v39  }
0x122: {  	(erf) = vpow2.f32 v6;
	v9 =	vadd.f32 v42, v3;
	v12 =	vsub.f32 $1.000000000e+00, v42  }
0x123: {  	[tilespmem:$0x1FFE0] =	vst v16;
	v16 =	vsub.f32 v57, v49;
	v10 =	vmul.f32 $1.442695020e+00, v7;
	(erf) = vpow2.f32 v27  }
0x124: {  	v14 =	vsub.f32 $1.000000000e+00, v9;
	v43 =	vmul.f32 v12, v8;
	v18 =	vsub.f32 $1.000000000e+00, v39  }
0x125: {  	v54 =	vsub.f32 v52, v49;
	v15 =	vmul.f32 $1.442695020e+00, v11;
	(erf) = vpow2.f32 v10  }
0x126: {  	vm4 =	veq.f32 v32, v35;
	v19 =	vmul.f32 v14, v13;
	v43 =	vmul.f32 v18, v43  }
0x127: {  	v53 =	vmul.f32 $1.442695020e+00, v16;
	v56 =	vmul.f32 $1.442695020e+00, v54;
	v58 =	vsel vm7, $0x3F800000, v17  }
0x128: {  	v47 =	vpop (erf);
	(erf) = vpow2.f32 v15;
	v55 =	vsub.f32 $1.000000000e+00, v19;
	v39 =	vadd.f32 v43, v39  }
0x129: {  	v63 =	vadd.f32 v36, v1;
	(erf) = vpow2.f32 v53;
	v48 =	vpop (erf);
	v44 =	vadd.f32 v19, v9  }
0x12a: {  	v57 =	vadd.f32 v48, v47;
	v45 =	vmul.f32 v55, v58;
	v60 =	vsub.f32 $1.000000000e+00, v39  }
0x12b: {  	v1 =	vmul.f32 v36, v1;
	v62 =	vsel vm8, $0x3F800000, v17;
	v50 =	vpop (erf);
	v61 =	vsub.f32 $1.000000000e+00, v44  }
0x12c: {  	(erf) = vpow2.f32 v56;
	v59 =	vadd.f32 v57, v50;
	v37 =	vmul.f32 v60, v45  }
0x12d: {  	v29 =	vsub.f32 v51, v29;
	v1 =	vsub.f32 v63, v1;
	v52 =	vpop (erf);
	v40 =	vmul.f32 v61, v62  }
0x12e: {  	v7 =	vsel vm10, $0x3F800000, v17;
	v27 =	vadd.f32 v59, v52;
	v39 =	vadd.f32 v37, v39  }
0x12f: {  	v24 =	vmul.f32 v29, v24;
	v45 =	vpop (erf);
	v49 =	vsub.f32 $1.000000000e+00, v40;
	v44 =	vadd.f32 v40, v44  }
0x130: {  	v29 =	vmul.f32 v1, v26;
	v53 =	vsel vm9, $0x3F800000, v17;
	v27 =	vadd.f32 v27, v45  }
0x131: {  	v51 =	vpop (erf);
	v4 =	vmul.f32 v49, v53;
	v5 =	vsub.f32 $1.000000000e+00, v39;
	v54 =	vsub.f32 $1.000000000e+00, v44  }
0x132: {  	v12 =	vsel vm11, $0x3F800000, v17;
	v9 =	vadd.f32 v41, v38;
	v27 =	vadd.f32 v27, v51  }
0x133: {  	v11 =	vadd.f32 v43, v42;
	v53 =	vpop (erf);
	v6 =	vmul.f32 v5, v4;
	v8 =	vmul.f32 v54, v7  }
0x134: {  	v38 =	vmul.f32 v41, v38;
	v15 =	vadd.f32 v37, v19;
	v27 =	vadd.f32 v27, v53  }
0x135: {  	v42 =	vmul.f32 v43, v42;
	v49 =	vpop (erf);
	v39 =	vadd.f32 v6, v39;
	v10 =	vsub.f32 $1.000000000e+00, v8  }
0x136: {  	v37 =	vmul.f32 v37, v19;
	v19 =	vadd.f32 v8, v44;
	v27 =	vadd.f32 v27, v49  }
0x137: {  	v16 =	vadd.f32 v6, v40;
	v40 =	vmul.f32 v6, v40;
	v13 =	vmul.f32 v10, v12  }
0x138: {  	v14 =	vsub.f32 $1.000000000e+00, v39;
	v55 =	vsub.f32 $1.000000000e+00, v19;
	(erf) = vrcp.f32 v27  }
0x139: {  	v56 =	vsel vm12, $0x3F800000, v17;
	v36 =	vsub.f32 v9, v38;
	v42 =	vsub.f32 v11, v42  }
0x13a: {  	v44 =	vsub.f32 v16, v40;
	v38 =	vmul.f32 v14, v13;
	v58 =	vmul.f32 v55, v56  }
0x13b: {  	v61 =	vsel vm13, $0x3F800000, v17;
	v18 =	vsub.f32 v15, v37;
	v15 =	vld [tilespmem:$0x50];
	v27 =	vmul.f32 v36, v0  }
0x13c: {  	v16 =	vld [tilespmem:$0xD0];
	v0 =	vmul.f32 v44, v33;
	v60 =	vadd.f32 v38, v39;
	v62 =	vsub.f32 $1.000000000e+00, v58  }
0x13d: {  	v46 =	vadd.f32 v38, v8;
	v54 =	vmul.f32 v38, v8;
	v37 =	vadd.f32 v58, v19;
	v19 =	vld [tilespmem:$0x150]  }
0x13e: {  	v30 =	vmul.f32 v42, v25;
	[tilespmem:$0x1FFF0] =	vst v0;
	v0 =	vmul.f32 v62, v61;
	v6 =	vsub.f32 $1.000000000e+00, v60  }
0x13f: {  	v25 =	vmul.f32 v18, v2;
	v57 =	vsub.f32 v46, v54;
	v37 =	vsub.f32 $1.000000000e+00, v37  }
0x140: {  	v4 =	vsel vm14, $0x3F800000, v17;
	v7 =	vsel vm4, $0x3F800000, v17;
	v0 =	vmul.f32 v6, v0  }
0x141: {  	v55 =	vmax.f32 v15, v16;
	v26 =	vmul.f32 v57, v28;
	v37 =	vmul.f32 v37, v4;
	v59 =	vpop (erf)  }
0x142: {  	v6 =	vmax.f32 v55, v19;
	v36 =	vmul.f32 v0, v58;
	v33 =	vmul.f32 v59, v47  }
0x143: {  	v14 =	vadd.f32 v0, v58;
	v1 =	vmul.f32 v59, v48;
	v2 =	vmul.f32 v59, v50  }
0x144: {  	v61 =	vld [tilespmem:$0x1D0];
	v0 =	vadd.f32 v0, v60;
	v34 =	vmul.f32 v59, v52;
	v41 =	vmul.f32 v59, v45  }
0x145: {  	v60 =	vsub.f32 $1.000000000e+00, v37;
	v38 =	vmul.f32 v59, v51;
	v39 =	vmul.f32 v59, v53  }
0x146: {  	v40 =	vmul.f32 v59, v49;
	v63 =	vmax.f32 v33, v1;
	v9 =	vmin.f32 v33, v1  }
0x147: {  	v45 =	vmul.f32 v60, v7;
	vm15 =	vgt.f32 v2, v63;
	v10 =	vmax.f32 v9, v2  }
0x148: {  	v56 =	vsub.f32 $1.000000000e+00, v0;
	v5 =	vsel vm15, v2, v63;
	v35 =	vsel vm15, v63, v10  }
0x149: {  	v46 =	vmax.f32 v6, v61;
	vm5 =	vgt.f32 v34, v5;
	v35 =	vmax.f32 v35, v34  }
0x14a: {  	v45 =	vmul.f32 v56, v45;
	v8 =	vsel vm5, v34, v5;
	v35 =	vsel vm5, v5, v35  }
0x14b: {  	v36 =	vsub.f32 v14, v36;
	v63 =	vld [tilespmem:$0x250];
	vm6 =	vgt.f32 v41, v8;
	v35 =	vmax.f32 v35, v41  }
0x14c: {  	v10 =	vadd.f32 v45, v37;
	v11 =	vsel vm6, v41, v8;
	v35 =	vsel vm6, v8, v35  }
0x14d: {  	v4 =	vld [tilespmem:$0x2D0];
	v37 =	vmul.f32 v45, v37;
	vm7 =	vgt.f32 v38, v11;
	v35 =	vmax.f32 v35, v38  }
0x14e: {  	v31 =	vmul.f32 v36, v31;
	v5 =	vld [tilespmem:$0x350];
	v12 =	vsel vm7, v38, v11;
	v35 =	vsel vm7, v11, v35  }
0x14f: {  	v37 =	vsub.f32 v10, v37;
	vm8 =	vgt.f32 v39, v12;
	v35 =	vmax.f32 v35, v39  }
0x150: {  	v46 =	vmax.f32 v46, v63;
	v13 =	vsel vm8, v39, v12;
	v35 =	vsel vm8, v12, v35  }
0x151: {  	v32 =	vmul.f32 v37, v32;
	vm9 =	vgt.f32 v40, v13;
	v35 =	vmax.f32 v35, v40  }
0x152: {  	v46 =	vmax.f32 v46, v4;
	v43 =	vsel vm9, v40, v13;
	v0 =	vsel vm9, v13, v35;
	v35 =	vld [tilespmem:$0x3D0]  }
0x153: {  	v46 =	vmax.f32 v46, v5;
	v18 =	vsub.f32 v43, v43;
	vm10 =	veq.f32 v33, v43  }
0x154: {  	vm0 =	veq.f32 v33, v0;
	vm11 =	veq.f32 v1, v43;
	vm12 =	veq.f32 v1, v0  }
0x155: {  	vm13 =	veq.f32 v2, v43;
	vm14 =	veq.f32 v2, v0;
	v62 =	vsub.f32 $1.000000000e+00, v18  }
0x156: {  	vm15 =	veq.f32 v34, v43;
	vm4 =	veq.f32 v34, v0;
	v3 =	vsel vm10, $0x3F800000, v17  }
0x157: {  	vm5 =	veq.f32 v41, v43;
	v49 =	vmul.f32 v62, v3;
	v12 =	vmax.f32 v46, v35  }
0x158: {  	vm6 =	veq.f32 v41, v0;
	vm7 =	veq.f32 v38, v43;
	v47 =	vsub.f32 v15, v12  }
0x159: {  	vm8 =	veq.f32 v38, v0;
	v7 =	vsub.f32 $1.000000000e+00, v49;
	v11 =	vadd.f32 v49, v18  }
0x15a: {  	v8 =	vsel vm0, $0x3F800000, v17;
	v44 =	vsub.f32 v16, v12;
	v47 =	vmul.f32 $1.442695020e+00, v47  }
0x15b: {  	v14 =	vsel vm11, $0x3F800000, v17;
	v9 =	vmul.f32 v7, v8;
	v13 =	vsub.f32 $1.000000000e+00, v11  }
0x15c: {  	v6 =	vsel vm14, $0x3F800000, v17;
	v44 =	vmul.f32 $1.442695020e+00, v44;
	(erf) = vpow2.f32 v47  }
0x15d: {  	v51 =	vsub.f32 v19, v12;
	v36 =	vmul.f32 v9, v62;
	v46 =	vmul.f32 v13, v14  }
0x15e: {  	v15 =	vsel vm12, $0x3F800000, v17;
	v19 =	vsub.f32 v61, v12;
	(erf) = vpow2.f32 v44  }
0x15f: {  	v42 =	vadd.f32 v36, v18;
	v18 =	vmul.f32 $1.442695020e+00, v51;
	v57 =	vadd.f32 v46, v11  }
0x160: {  	v59 =	vsub.f32 v63, v12;
	v61 =	vsel vm13, $0x3F800000, v17;
	v16 =	vsub.f32 $1.000000000e+00, v46  }
0x161: {  	v58 =	vmul.f32 $1.442695020e+00, v19;
	(erf) = vpow2.f32 v18;
	v62 =	vsub.f32 $1.000000000e+00, v57  }
0x162: {  	v63 =	vmul.f32 $1.442695020e+00, v59;
	v28 =	vmul.f32 v16, v15;
	v60 =	vsub.f32 $1.000000000e+00, v42  }
0x163: {  	v3 =	vsub.f32 v4, v12;
	(erf) = vpow2.f32 v58;
	v50 =	vmul.f32 v62, v61  }
0x164: {  	v5 =	vsub.f32 v5, v12;
	v35 =	vsub.f32 v35, v12;
	v48 =	vmul.f32 v60, v28  }
0x165: {  	v4 =	vmul.f32 $1.442695020e+00, v3;
	(erf) = vpow2.f32 v63;
	v51 =	vadd.f32 v50, v57  }
0x166: {  	v12 =	vsel vm15, $0x3F800000, v17;
	v42 =	vadd.f32 v48, v42;
	v8 =	vsub.f32 $1.000000000e+00, v50  }
0x167: {  	v7 =	vmul.f32 $1.442695020e+00, v5;
	(erf) = vpow2.f32 v4;
	v53 =	vpop (erf);
	v9 =	vsub.f32 $1.000000000e+00, v51  }
0x168: {  	v35 =	vmul.f32 $1.442695020e+00, v35;
	v54 =	vpop (erf);
	v45 =	vmul.f32 v8, v6;
	v11 =	vsub.f32 $1.000000000e+00, v42  }
0x169: {  	(erf) = vpow2.f32 v7;
	v10 =	vadd.f32 v54, v53;
	v47 =	vmul.f32 v9, v12  }
0x16a: {  	vm9 =	veq.f32 v39, v43;
	vm10 =	veq.f32 v39, v0;
	v14 =	vmul.f32 v11, v45;
	v56 =	vpop (erf)  }
0x16b: {  	(erf) = vpow2.f32 v35;
	v13 =	vadd.f32 v10, v56;
	v15 =	vadd.f32 v47, v51  }
0x16c: {  	vm12 =	veq.f32 v40, v43;
	v44 =	vpop (erf);
	v42 =	vadd.f32 v14, v42;
	v18 =	vsub.f32 $1.000000000e+00, v47  }
0x16d: {  	v16 =	vsel vm4, $0x3F800000, v17;
	v58 =	vsel vm5, $0x3F800000, v17;
	v35 =	vadd.f32 v13, v44  }
0x16e: {  	v55 =	vpop (erf);
	v57 =	vsub.f32 $1.000000000e+00, v15;
	v51 =	vmul.f32 v18, v16;
	v19 =	vsub.f32 $1.000000000e+00, v42  }
0x16f: {  	v60 =	vadd.f32 v36, v49;
	v36 =	vmul.f32 v36, v49;
	v35 =	vadd.f32 v35, v55  }
0x170: {  	v28 =	vadd.f32 v48, v46;
	v59 =	vpop (erf);
	v57 =	vmul.f32 v57, v58;
	v51 =	vmul.f32 v19, v51  }
0x171: {  	v61 =	vsel vm6, $0x3F800000, v17;
	v36 =	vsub.f32 v60, v36;
	v35 =	vadd.f32 v35, v59  }
0x172: {  	v46 =	vmul.f32 v48, v46;
	v52 =	vpop (erf);
	v58 =	vsub.f32 $1.000000000e+00, v57;
	v42 =	vadd.f32 v51, v42  }
0x173: {  	v63 =	vsel vm9, $0x3F800000, v17;
	v45 =	vadd.f32 v57, v15;
	v35 =	vadd.f32 v35, v52  }
0x174: {  	v46 =	vsub.f32 v28, v46;
	v62 =	vpop (erf);
	v3 =	vmul.f32 v58, v61;
	v4 =	vsub.f32 $1.000000000e+00, v42  }
0x175: {  	v6 =	vsel vm7, $0x3F800000, v17;
	v5 =	vsub.f32 $1.000000000e+00, v45;
	v35 =	vadd.f32 v35, v62  }
0x176: {  	v37 =	vmul.f32 v36, v33;
	vm7 =	veq.f32 v40, v0;
	v48 =	vmul.f32 v4, v3  }
0x177: {  	v12 =	vsel vm8, $0x3F800000, v17;
	v7 =	vmul.f32 v5, v6;
	(erf) = vrcp.f32 v35  }
0x178: {  	v8 =	vadd.f32 v14, v50;
	v50 =	vmul.f32 v14, v50;
	v42 =	vadd.f32 v48, v42  }
0x179: {  	v36 =	vmul.f32 v46, v1;
	v10 =	vsub.f32 $1.000000000e+00, v7;
	v45 =	vadd.f32 v7, v45  }
0x17a: {  	v9 =	vadd.f32 v51, v47;
	v47 =	vmul.f32 v51, v47;
	v15 =	vsub.f32 v8, v50  }
0x17b: {  	v13 =	vmul.f32 v10, v12;
	v14 =	vsub.f32 $1.000000000e+00, v42;
	v1 =	vsub.f32 $1.000000000e+00, v45  }
0x17c: {  	v47 =	vsub.f32 v9, v47;
	v11 =	vadd.f32 v48, v57;
	v48 =	vmul.f32 v48, v57  }
0x17d: {  	v8 =	vsel vm12, $0x3F800000, v17;
	v18 =	vmul.f32 v14, v13;
	v6 =	vmul.f32 v1, v63  }
0x17e: {  	v34 =	vmul.f32 v47, v34;
	v5 =	vsel vm10, $0x3F800000, v17;
	v16 =	vsub.f32 v11, v48  }
0x17f: {  	v57 =	vadd.f32 v18, v7;
	v46 =	vmul.f32 v18, v7;
	v7 =	vsub.f32 $1.000000000e+00, v6  }
0x180: {  	v35 =	vmul.f32 v15, v2;
	v33 =	vmul.f32 v16, v41;
	v19 =	vadd.f32 v18, v42;
	v28 =	vpop (erf)  }
0x181: {  	v16 =	vadd.f32 v6, v45;
	v43 =	vmul.f32 v7, v5;
	v42 =	vmul.f32 v28, v53  }
0x182: {  	v12 =	vsub.f32 $1.000000000e+00, v19;
	v41 =	vmul.f32 v28, v54;
	v2 =	vmul.f32 v28, v56  }
0x183: {  	v46 =	vsub.f32 v57, v46;
	v4 =	vmul.f32 v28, v44;
	v44 =	vmul.f32 v28, v55  }
0x184: {  	v47 =	vmul.f32 v28, v59;
	v43 =	vmul.f32 v12, v43;
	v53 =	vmax.f32 v42, v41  }
0x185: {  	v51 =	vmul.f32 v28, v52;
	v10 =	vmin.f32 v42, v41;
	vm11 =	vgt.f32 v2, v53  }
0x186: {  	v48 =	vadd.f32 v43, v19;
	v18 =	vadd.f32 v43, v6;
	v56 =	vsel vm11, v2, v53  }
0x187: {  	v43 =	vmul.f32 v43, v6;
	v49 =	vmax.f32 v10, v2;
	vm13 =	vgt.f32 v4, v56  }
0x188: {  	v38 =	vmul.f32 v46, v38;
	v49 =	vsel vm11, v53, v49;
	v9 =	vsel vm13, v4, v56  }
0x189: {  	v43 =	vsub.f32 v18, v43;
	v53 =	vmax.f32 v49, v4;
	vm14 =	vgt.f32 v44, v9  }
0x18a: {  	v14 =	vsel vm13, v56, v53;
	v53 =	vsub.f32 $1.000000000e+00, v16;
	v11 =	vsel vm14, v44, v9  }
0x18b: {  	v48 =	vsub.f32 $1.000000000e+00, v48;
	v50 =	vmax.f32 v14, v44;
	vm15 =	vgt.f32 v47, v11  }
0x18c: {  	v50 =	vsel vm14, v9, v50;
	v53 =	vmul.f32 v53, v8;
	v13 =	vsel vm15, v47, v11  }
0x18d: {  	v46 =	vld [tilespmem:$0x60];
	v49 =	vmul.f32 v28, v62;
	v50 =	vmax.f32 v50, v47;
	vm4 =	vgt.f32 v51, v13  }
0x18e: {  	v10 =	vld [tilespmem:$0xE0];
	v50 =	vsel vm15, v11, v50;
	v6 =	vsub.f32 $1.000000000e+00, v53;
	v15 =	vsel vm4, v51, v13  }
0x18f: {  	v8 =	vsel vm7, $0x3F800000, v17;
	v50 =	vmax.f32 v50, v51;
	vm5 =	vgt.f32 v49, v15  }
0x190: {  	v5 =	vsel vm4, v13, v50;
	v55 =	vmul.f32 v6, v8;
	v45 =	vsel vm5, v49, v15  }
0x191: {  	v7 =	vmax.f32 v5, v49;
	v19 =	vsub.f32 v45, v45  }
0x192: {  	v39 =	vmul.f32 v43, v39;
	v0 =	vsel vm5, v15, v7;
	v48 =	vmul.f32 v48, v55  }
0x193: {  	v15 =	vmax.f32 v46, v10;
	vm6 =	veq.f32 v42, v45;
	v28 =	vsub.f32 $1.000000000e+00, v19  }
0x194: {  	vm0 =	veq.f32 v42, v0;
	vm8 =	veq.f32 v41, v45;
	v3 =	vsel vm6, $0x3F800000, v17  }
0x195: {  	vm9 =	veq.f32 v41, v0;
	vm10 =	veq.f32 v2, v45;
	v50 =	vmul.f32 v28, v3  }
0x196: {  	v59 =	vld [tilespmem:$0x160];
	vm11 =	veq.f32 v2, v0;
	vm12 =	veq.f32 v4, v45;
	vm13 =	veq.f32 v4, v0  }
0x197: {  	v62 =	vld [tilespmem:$0x1E0];
	vm14 =	veq.f32 v44, v45;
	vm15 =	veq.f32 v44, v0;
	v11 =	vsub.f32 $1.000000000e+00, v50  }
0x198: {  	v63 =	vld [tilespmem:$0x260];
	vm4 =	veq.f32 v47, v45;
	v12 =	vsel vm0, $0x3F800000, v17;
	v9 =	vadd.f32 v50, v19  }
0x199: {  	v60 =	vld [tilespmem:$0x2E0];
	v8 =	vadd.f32 v48, v53;
	v48 =	vmul.f32 v48, v53;
	v57 =	vmul.f32 v11, v12  }
0x19a: {  	v55 =	vld [tilespmem:$0x360];
	vm5 =	veq.f32 v47, v0;
	v14 =	vsel vm8, $0x3F800000, v17;
	v13 =	vsub.f32 $1.000000000e+00, v9  }
0x19b: {  	v1 =	vld [tilespmem:$0x3E0];
	v48 =	vsub.f32 v8, v48;
	v54 =	vmul.f32 v57, v28;
	v57 =	vmax.f32 v15, v59  }
0x19c: {  	v16 =	vsel vm9, $0x3F800000, v17;
	v43 =	vmul.f32 v13, v14;
	v57 =	vmax.f32 v57, v62  }
0x19d: {  	v40 =	vmul.f32 v48, v40;
	v12 =	vsel vm11, $0x3F800000, v17;
	v57 =	vmax.f32 v57, v63  }
0x19e: {  	v28 =	vsel vm10, $0x3F800000, v17;
	v52 =	vadd.f32 v43, v9;
	v57 =	vmax.f32 v57, v60  }
0x19f: {  	v61 =	vsub.f32 $1.000000000e+00, v43;
	v56 =	vadd.f32 v54, v19;
	v57 =	vmax.f32 v57, v55  }
0x1a0: {  	v8 =	vadd.f32 v54, v50;
	v18 =	vsub.f32 $1.000000000e+00, v52;
	v57 =	vmax.f32 v57, v1  }
0x1a1: {  	v5 =	vmul.f32 v61, v16;
	v19 =	vsub.f32 $1.000000000e+00, v56;
	v9 =	vsub.f32 v46, v57  }
0x1a2: {  	v50 =	vmul.f32 v54, v50;
	v6 =	vmul.f32 v18, v28;
	v10 =	vsub.f32 v10, v57  }
0x1a3: {  	v3 =	vmul.f32 v19, v5;
	v13 =	vsub.f32 v59, v57;
	v5 =	vmul.f32 $1.442695020e+00, v9  }
0x1a4: {  	v14 =	vsub.f32 v62, v57;
	v11 =	vsub.f32 $1.000000000e+00, v6;
	v46 =	vmul.f32 $1.442695020e+00, v10  }
0x1a5: {  	v56 =	vadd.f32 v3, v56;
	(erf) = vpow2.f32 v5;
	v5 =	vadd.f32 v6, v52  }
0x1a6: {  	v18 =	vsel vm12, $0x3F800000, v17;
	v52 =	vmul.f32 $1.442695020e+00, v13;
	(erf) = vpow2.f32 v46  }
0x1a7: {  	v53 =	vmul.f32 v11, v12;
	v15 =	vsub.f32 $1.000000000e+00, v56;
	v16 =	vsub.f32 $1.000000000e+00, v5  }
0x1a8: {  	v19 =	vsub.f32 v63, v57;
	v46 =	vmul.f32 $1.442695020e+00, v14;
	(erf) = vpow2.f32 v52  }
0x1a9: {  	v9 =	vsub.f32 v60, v57;
	v53 =	vmul.f32 v15, v53;
	v58 =	vmul.f32 v16, v18  }
0x1aa: {  	v50 =	vsub.f32 v8, v50;
	v52 =	vmul.f32 $1.442695020e+00, v19;
	(erf) = vpow2.f32 v46  }
0x1ab: {  	v10 =	vsel vm13, $0x3F800000, v17;
	v12 =	vmul.f32 $1.442695020e+00, v9;
	v59 =	vsub.f32 $1.000000000e+00, v58  }
0x1ac: {  	v13 =	vsub.f32 v55, v57;
	v28 =	vadd.f32 v53, v56;
	(erf) = vpow2.f32 v52  }
0x1ad: {  	v1 =	vsub.f32 v1, v57;
	v5 =	vadd.f32 v58, v5;
	v59 =	vmul.f32 v59, v10  }
0x1ae: {  	v54 =	vmul.f32 $1.442695020e+00, v13;
	(erf) = vpow2.f32 v12;
	v11 =	vsub.f32 $1.000000000e+00, v28;
	v55 =	vpop (erf)  }
0x1af: {  	v1 =	vmul.f32 $1.442695020e+00, v1;
	v16 =	vsel vm14, $0x3F800000, v17;
	v14 =	vsub.f32 $1.000000000e+00, v5;
	v48 =	vpop (erf)  }
0x1b0: {  	(erf) = vpow2.f32 v54;
	v52 =	vmul.f32 v11, v59;
	v15 =	vadd.f32 v48, v55  }
0x1b1: {  	v19 =	vadd.f32 v3, v43;
	v13 =	vadd.f32 v53, v6;
	v54 =	vmul.f32 v14, v16;
	v59 =	vpop (erf)  }
0x1b2: {  	(erf) = vpow2.f32 v1;
	v28 =	vadd.f32 v52, v28;
	v18 =	vadd.f32 v15, v59  }
0x1b3: {  	v3 =	vmul.f32 v3, v43;
	v10 =	vsub.f32 $1.000000000e+00, v54;
	v5 =	vadd.f32 v54, v5;
	v60 =	vpop (erf)  }
0x1b4: {  	v6 =	vmul.f32 v53, v6;
	v11 =	vsel vm15, $0x3F800000, v17;
	v9 =	vadd.f32 v18, v60  }
0x1b5: {  	v57 =	vpop (erf);
	v46 =	vmul.f32 v10, v11;
	v12 =	vsub.f32 $1.000000000e+00, v28;
	v14 =	vsub.f32 $1.000000000e+00, v5  }
0x1b6: {  	v42 =	vmul.f32 v50, v42;
	v15 =	vsel vm4, $0x3F800000, v17;
	v43 =	vadd.f32 v9, v57  }
0x1b7: {  	v3 =	vsub.f32 v19, v3;
	v56 =	vpop (erf);
	v46 =	vmul.f32 v12, v46;
	v50 =	vmul.f32 v14, v15  }
0x1b8: {  	vm7 =	veq.f32 v51, v0;
	v16 =	vsub.f32 v13, v6;
	v43 =	vadd.f32 v43, v56  }
0x1b9: {  	vm6 =	veq.f32 v51, v45;
	v1 =	vadd.f32 v46, v28;
	v6 =	vpop (erf);
	v28 =	vadd.f32 v50, v5  }
0x1ba: {  	v8 =	vsel vm5, $0x3F800000, v17;
	v19 =	vsub.f32 $1.000000000e+00, v50;
	v18 =	vadd.f32 v43, v6  }
0x1bb: {  	v41 =	vmul.f32 v3, v41;
	v12 =	vsel vm6, $0x3F800000, v17;
	v11 =	vsub.f32 $1.000000000e+00, v28;
	v5 =	vpop (erf)  }
0x1bc: {  	v3 =	vmul.f32 v19, v8;
	v9 =	vsub.f32 $1.000000000e+00, v1;
	v53 =	vadd.f32 v18, v5  }
0x1bd: {  	v10 =	vadd.f32 v52, v58;
	v52 =	vmul.f32 v52, v58;
	v58 =	vmul.f32 v11, v12  }
0x1be: {  	vm8 =	veq.f32 v49, v45;
	v3 =	vmul.f32 v9, v3;
	(erf) = vrcp.f32 v53  }
0x1bf: {  	v52 =	vsub.f32 v10, v52;
	v43 =	vmul.f32 v16, v2;
	v2 =	vadd.f32 v58, v28  }
0x1c0: {  	v45 =	vsel vm8, $0x3F800000, v17;
	v13 =	vadd.f32 v46, v54;
	v1 =	vadd.f32 v3, v1  }
0x1c1: {  	v15 =	vsel vm7, $0x3F800000, v17;
	v14 =	vsub.f32 $1.000000000e+00, v58;
	v2 =	vsub.f32 $1.000000000e+00, v2  }
0x1c2: {  	v46 =	vmul.f32 v46, v54;
	v61 =	vadd.f32 v3, v50;
	v3 =	vmul.f32 v3, v50  }
0x1c3: {  	v16 =	vmul.f32 v14, v15;
	v18 =	vsub.f32 $1.000000000e+00, v1;
	v12 =	vmul.f32 v2, v45  }
0x1c4: {  	vm9 =	veq.f32 v49, v0;
	v53 =	vsub.f32 v13, v46;
	v3 =	vsub.f32 v61, v3  }
0x1c5: {  	v46 =	vmul.f32 v52, v4;
	v50 =	vmul.f32 v18, v16;
	v19 =	vsub.f32 $1.000000000e+00, v12  }
0x1c6: {  	v10 =	vsel vm9, $0x3F800000, v17;
	v45 =	vmul.f32 v53, v44;
	v44 =	vmul.f32 v3, v47  }
0x1c7: {  	v62 =	vld [tilespmem:$0x70];
	v61 =	vmul.f32 v50, v58;
	v10 =	vmul.f32 v19, v10;
	v28 =	vpop (erf)  }
0x1c8: {  	v11 =	vadd.f32 v50, v1;
	v54 =	vmul.f32 v28, v55;
	v9 =	vmul.f32 v28, v48;
	v55 =	vld [tilespmem:$0xF0]  }
0x1c9: {  	v0 =	vld [tilespmem:$0x170];
	v58 =	vadd.f32 v50, v58;
	v53 =	vmul.f32 v28, v59;
	v52 =	vmul.f32 v28, v60  }
0x1ca: {  	v15 =	vmul.f32 v28, v57;
	v59 =	vld [tilespmem:$0x1F0];
	v50 =	vmul.f32 v28, v56;
	v13 =	vmax.f32 v54, v9  }
0x1cb: {  	v48 =	vmul.f32 v28, v6;
	v6 =	vld [tilespmem:$0x270];
	v14 =	vmin.f32 v54, v9;
	vm10 =	vgt.f32 v53, v13  }
0x1cc: {  	v47 =	vmul.f32 v28, v5;
	v60 =	vld [tilespmem:$0x2F0];
	v5 =	vmax.f32 v14, v53;
	v16 =	vsel vm10, v53, v13  }
0x1cd: {  	v4 =	vld [tilespmem:$0x370];
	v5 =	vsel vm10, v13, v5;
	vm11 =	vgt.f32 v52, v16;
	v18 =	vmax.f32 v62, v55  }
0x1ce: {  	v3 =	vld [tilespmem:$0x3F0];
	v5 =	vmax.f32 v5, v52;
	v19 =	vmax.f32 v18, v0;
	v28 =	vsel vm11, v52, v16  }
0x1cf: {  	v5 =	vsel vm11, v16, v5;
	vm12 =	vgt.f32 v15, v28;
	v57 =	vmax.f32 v19, v59  }
0x1d0: {  	v5 =	vmax.f32 v5, v15;
	v8 =	vmax.f32 v57, v6;
	v13 =	vsel vm12, v15, v28  }
0x1d1: {  	v5 =	vsel vm12, v28, v5;
	vm13 =	vgt.f32 v50, v13;
	v56 =	vmax.f32 v8, v60  }
0x1d2: {  	v5 =	vmax.f32 v5, v50;
	v56 =	vmax.f32 v56, v4;
	v14 =	vsel vm13, v50, v13  }
0x1d3: {  	v5 =	vsel vm13, v13, v5;
	vm14 =	vgt.f32 v48, v14;
	v56 =	vmax.f32 v56, v3  }
0x1d4: {  	v5 =	vmax.f32 v5, v48;
	v16 =	vsub.f32 v62, v56;
	v18 =	vsel vm14, v48, v14  }
0x1d5: {  	v55 =	vsub.f32 v55, v56;
	v0 =	vsub.f32 v0, v56;
	v5 =	vsel vm14, v14, v5  }
0x1d6: {  	v19 =	vsub.f32 v59, v56;
	vm15 =	vgt.f32 v47, v18;
	v57 =	vmul.f32 $1.442695020e+00, v16  }
0x1d7: {  	v6 =	vsub.f32 v6, v56;
	v8 =	vsel vm15, v47, v18;
	v55 =	vmul.f32 $1.442695020e+00, v55  }
0x1d8: {  	v14 =	vsub.f32 v60, v56;
	v1 =	vsub.f32 v8, v8;
	(erf) = vpow2.f32 v57  }
0x1d9: {  	v4 =	vsub.f32 v4, v56;
	v0 =	vmul.f32 $1.442695020e+00, v0;
	(erf) = vpow2.f32 v55  }
0x1da: {  	v3 =	vsub.f32 v3, v56;
	vm4 =	veq.f32 v54, v8;
	v55 =	vsub.f32 $1.000000000e+00, v1  }
0x1db: {  	v28 =	vmul.f32 $1.442695020e+00, v19;
	v13 =	vsel vm4, $0x3F800000, v17;
	(erf) = vpow2.f32 v0  }
0x1dc: {  	v5 =	vmax.f32 v5, v47;
	v16 =	vmul.f32 $1.442695020e+00, v6;
	v57 =	vmul.f32 v55, v13  }
0x1dd: {  	v63 =	vsel vm15, v18, v5;
	v4 =	vmul.f32 $1.442695020e+00, v4;
	(erf) = vpow2.f32 v28  }
0x1de: {  	vm5 =	veq.f32 v54, v63;
	v18 =	vsub.f32 $1.000000000e+00, v57;
	v28 =	vadd.f32 v57, v1  }
0x1df: {  	v19 =	vsel vm5, $0x3F800000, v17;
	v0 =	vmul.f32 $1.442695020e+00, v14;
	(erf) = vpow2.f32 v16  }
0x1e0: {  	vm6 =	veq.f32 v9, v8;
	v6 =	vmul.f32 v18, v19;
	v13 =	vsub.f32 $1.000000000e+00, v28  }
0x1e1: {  	v3 =	vmul.f32 $1.442695020e+00, v3;
	v14 =	vsel vm6, $0x3F800000, v17;
	(erf) = vpow2.f32 v0;
	v16 =	vpop (erf)  }
0x1e2: {  	v11 =	vsub.f32 $1.000000000e+00, v11;
	v7 =	vmul.f32 v6, v55;
	v6 =	vmul.f32 v13, v14;
	v55 =	vpop (erf)  }
0x1e3: {  	vm7 =	veq.f32 v9, v63;
	(erf) = vpow2.f32 v4;
	v18 =	vadd.f32 v55, v16  }
0x1e4: {  	v10 =	vmul.f32 v11, v10;
	v5 =	vsel vm7, $0x3F800000, v17;
	v14 =	vpop (erf);
	v2 =	vsub.f32 $1.000000000e+00, v6  }
0x1e5: {  	(erf) = vpow2.f32 v3;
	v28 =	vadd.f32 v6, v28;
	v4 =	vadd.f32 v18, v14  }
0x1e6: {  	v19 =	vsub.f32 v58, v61;
	v1 =	vadd.f32 v7, v1;
	v58 =	vpop (erf);
	v59 =	vmul.f32 v2, v5  }
0x1e7: {  	vm8 =	veq.f32 v53, v8;
	v11 =	vsub.f32 $1.000000000e+00, v28;
	v4 =	vadd.f32 v4, v58  }
0x1e8: {  	v60 =	vpop (erf);
	v13 =	vsub.f32 $1.000000000e+00, v1;
	v18 =	vsel vm8, $0x3F800000, v17  }
0x1e9: {  	v0 =	vmul.f32 v11, v18;
	v4 =	vadd.f32 v4, v60  }
0x1ea: {  	v56 =	vadd.f32 v10, v12;
	v10 =	vmul.f32 v10, v12;
	v12 =	vmul.f32 v13, v59;
	v59 =	vpop (erf)  }
0x1eb: {  	vm9 =	veq.f32 v53, v63;
	v61 =	vsub.f32 $1.000000000e+00, v0;
	v4 =	vadd.f32 v4, v59  }
0x1ec: {  	vm10 =	veq.f32 v52, v8;
	v1 =	vadd.f32 v12, v1;
	v3 =	vadd.f32 v0, v28;
	v62 =	vpop (erf)  }
0x1ed: {  	v51 =	vmul.f32 v19, v51;
	v19 =	vsel vm9, $0x3F800000, v17;
	v28 =	vadd.f32 v4, v62  }
0x1ee: {  	v13 =	vmul.f32 v61, v19;
	v18 =	vsub.f32 $1.000000000e+00, v1;
	v19 =	vsub.f32 $1.000000000e+00, v3;
	v11 =	vpop (erf)  }
0x1ef: {  	v10 =	vsub.f32 v56, v10;
	v5 =	vadd.f32 v28, v11;
	v28 =	vsel vm10, $0x3F800000, v17  }
0x1f0: {  	vm11 =	veq.f32 v52, v63;
	v2 =	vmul.f32 v18, v13;
	v4 =	vmul.f32 v19, v28  }
0x1f1: {  	vm12 =	veq.f32 v15, v8;
	v61 =	vadd.f32 v7, v57;
	v7 =	vmul.f32 v7, v57  }
0x1f2: {  	v1 =	vadd.f32 v2, v1;
	(erf) = vrcp.f32 v5;
	v18 =	vsub.f32 $1.000000000e+00, v4  }
0x1f3: {  	v7 =	vsub.f32 v61, v7;
	v19 =	vsel vm11, $0x3F800000, v17;
	v13 =	vadd.f32 v4, v3  }
0x1f4: {  	v56 =	vadd.f32 v2, v0;
	v28 =	vsub.f32 $1.000000000e+00, v1;
	v5 =	vmul.f32 v18, v19  }
0x1f5: {  	v0 =	vmul.f32 v2, v0;
	v3 =	vadd.f32 v12, v6;
	v61 =	vsub.f32 $1.000000000e+00, v13  }
0x1f6: {  	v6 =	vmul.f32 v12, v6;
	v2 =	vmul.f32 v28, v5;
	v28 =	vsel vm12, $0x3F800000, v17  }
0x1f7: {  	vm13 =	veq.f32 v15, v63;
	v0 =	vsub.f32 v56, v0;
	v5 =	vmul.f32 v61, v28  }
0x1f8: {  	vm4 =	veq.f32 v50, v8;
	v18 =	vmul.f32 v10, v49;
	v6 =	vsub.f32 v3, v6  }
0x1f9: {  	v49 =	vsel vm13, $0x3F800000, v17;
	v19 =	vmul.f32 v0, v53;
	v10 =	vsub.f32 $1.000000000e+00, v5  }
0x1fa: {  	v28 =	vmul.f32 v7, v54;
	v57 =	vadd.f32 v2, v4;
	v4 =	vmul.f32 v2, v4  }
0x1fb: {  	v61 =	vmul.f32 v6, v9;
	v6 =	vadd.f32 v2, v1;
	v9 =	vpop (erf);
	v49 =	vmul.f32 v10, v49  }
0x1fc: {  	v54 =	vsub.f32 v57, v4;
	v3 =	vmul.f32 v9, v16;
	v57 =	vmul.f32 v9, v55  }
0x1fd: {  	v7 =	vsub.f32 $1.000000000e+00, v6;
	v55 =	vmul.f32 v9, v58;
	v53 =	vmul.f32 v9, v62  }
0x1fe: {  	v13 =	vadd.f32 v5, v13;
	v10 =	vmul.f32 v54, v52;
	v54 =	vmul.f32 v9, v14  }
0x1ff: {  	v0 =	vmul.f32 v7, v49;
	v16 =	vmax.f32 v3, v57;
	v49 =	vmin.f32 v3, v57  }
0x200: {  	v2 =	vsub.f32 $1.000000000e+00, v13;
	vm14 =	vgt.f32 v54, v16;
	v12 =	vmax.f32 v49, v54  }
0x201: {  	v56 =	vmul.f32 v9, v11;
	v12 =	vsel vm14, v16, v12;
	v4 =	vsel vm14, v54, v16  }
0x202: {  	v49 =	vmul.f32 v9, v60;
	vm0 =	vgt.f32 v55, v4;
	v12 =	vmax.f32 v12, v55  }
0x203: {  	v62 =	vld [tilespmem:$0x1FEE0];
	v52 =	vmul.f32 v9, v59;
	v58 =	vsel vm0, v4, v12;
	v4 =	vsel vm0, v55, v4  }
0x204: {  	v7 =	vsel vm4, $0x3F800000, v17;
	vm0 =	vgt.f32 v49, v4;
	v59 =	vmax.f32 v58, v49  }
0x205: {  	v9 =	vmul.f32 v2, v7;
	v60 =	vsel vm0, v49, v4;
	v4 =	vsel vm0, v4, v59;
	v59 =	vld [tilespmem:$0x1FED0]  }
0x206: {  	vm7 =	veq.f32 v50, v63;
	vm15 =	vgt.f32 v52, v60;
	v4 =	vmax.f32 v4, v52  }
0x207: {  	v58 =	vld [tilespmem:$0x1FEC0];
	v16 =	vsel vm15, v52, v60;
	v4 =	vsel vm15, v60, v4;
	v60 =	vsub.f32 $1.000000000e+00, v9  }
0x208: {  	v7 =	vsel vm7, $0x3F800000, v17;
	[tilespmem:$0x500] =	vst v62;
	v62 =	vld [tilespmem:$0x1FF10];
	vm5 =	vgt.f32 v53, v16  }
0x209: {  	v14 =	vadd.f32 v0, v6;
	v11 =	vsel vm5, v53, v16;
	v6 =	vmul.f32 v60, v7;
	v60 =	vld [tilespmem:$0x1FF00]  }
0x20a: {  	v12 =	vadd.f32 v0, v5;
	v0 =	vmul.f32 v0, v5;
	vm6 =	vgt.f32 v56, v11;
	[tilespmem:$0x480] =	vst v59;
	v59 =	vld [tilespmem:$0x1FEF0]  }
0x20b: {  	v7 =	vld [tilespmem:$0x1FF20];
	v5 =	vsel vm6, v56, v11  }
0x20c: {  	v0 =	vsub.f32 v12, v0;
	v4 =	vmax.f32 v4, v53;
	[tilespmem:$0x400] =	vst v58;
	v58 =	vsub.f32 v5, v5  }
0x20d: {  	v12 =	vadd.f32 v9, v13;
	[tilespmem:$0x680] =	vst v62;
	v4 =	vsel vm5, v16, v4;
	v16 =	vsub.f32 $1.000000000e+00, v14  }
0x20e: {  	vm8 =	veq.f32 v48, v8;
	vm9 =	veq.f32 v3, v5;
	[tilespmem:$0x600] =	vst v60;
	v13 =	vsub.f32 $1.000000000e+00, v58  }
0x20f: {  	v62 =	vld [tilespmem:$0x1FF30];
	v16 =	vmul.f32 v16, v6;
	v60 =	vsel vm9, $0x3F800000, v17;
	[tilespmem:$0x580] =	vst v59;
	v59 =	vsub.f32 $1.000000000e+00, v12  }
0x210: {  	v6 =	vld [tilespmem:$0x1FF40];
	[tilespmem:$0x700] =	vst v7;
	v7 =	vmul.f32 v0, v15;
	v15 =	vmul.f32 v13, v60;
	v60 =	vsel vm8, $0x3F800000, v17  }
0x211: {  	v59 =	vmul.f32 v59, v60;
	v60 =	vld [tilespmem:$0x1FF50];
	_ =	sdelay $0x1  }
0x212: {  	v4 =	vmax.f32 v4, v56  }
0x213: {  	v2 =	vld [tilespmem:$0x1FF80];
	v4 =	vsel vm6, v11, v4;
	[tilespmem:$0x780] =	vst v62  }
0x214: {  	vm11 =	veq.f32 v3, v4;
	v62 =	vld [tilespmem:$0x1FF60];
	[tilespmem:$0x410] =	vst v6;
	v6 =	vsub.f32 $1.000000000e+00, v15  }
0x215: {  	v0 =	vld [tilespmem:$0x1FF70];
	[tilespmem:$0x490] =	vst v60;
	v60 =	vsel vm11, $0x3F800000, v17  }
0x216: {  	v60 =	vmul.f32 v6, v60  }
0x217: {  	v11 =	vadd.f32 v15, v58  }
0x218: {  	vm10 =	veq.f32 v48, v63;
	[tilespmem:$0x610] =	vst v2;
	v2 =	vmul.f32 v60, v13;
	v60 =	vld [tilespmem:$0x1FFC0]  }
0x219: {  	vm12 =	veq.f32 v57, v5;
	[tilespmem:$0x510] =	vst v62;
	v62 =	vsub.f32 $1.000000000e+00, v59;
	v1 =	vsub.f32 $1.000000000e+00, v11  }
0x21a: {  	[tilespmem:$0x590] =	vst v0;
	v0 =	vsel vm12, $0x3F800000, v17;
	v6 =	vsel vm10, $0x3F800000, v17  }
0x21b: {  	v62 =	vmul.f32 v62, v6;
	v6 =	vmul.f32 v1, v0;
	v1 =	vadd.f32 v16, v14;
	v14 =	vld [tilespmem:$0x1FFB0];
	_ =	sdelay $0x1  }
0x21c: {  	[tilespmem:$0x420] =	vst v60;
	v60 =	vld [tilespmem:$0x1FFD0]  }
0x21d: {  	vm13 =	veq.f32 v47, v8;
	v0 =	vld [tilespmem:$0x1FF90]  }
0x21e: {  	vm14 =	veq.f32 v57, v4;
	v13 =	vld [tilespmem:$0x1FFA0];
	v8 =	vsub.f32 $1.000000000e+00, v6;
	v11 =	vadd.f32 v6, v11  }
0x21f: {  	[tilespmem:$0x790] =	vst v14;
	v14 =	vadd.f32 v2, v58;
	v58 =	vsel vm14, $0x3F800000, v17  }
0x220: {  	[tilespmem:$0x520] =	vst v21;
	vm15 =	veq.f32 v54, v5;
	v8 =	vmul.f32 v8, v58;
	v58 =	vsub.f32 $1.000000000e+00, v11  }
0x221: {  	[tilespmem:$0x4A0] =	vst v60;
	v60 =	vsel vm15, $0x3F800000, v17  }
0x222: {  	vm6 =	veq.f32 v47, v63;
	[tilespmem:$0x690] =	vst v0;
	v0 =	vsub.f32 $1.000000000e+00, v14;
	v21 =	vmul.f32 v58, v60;
	v60 =	vld [tilespmem:$0x1FFE0]  }
0x223: {  	vm4 =	veq.f32 v54, v4;
	v12 =	vadd.f32 v59, v12;
	[tilespmem:$0x710] =	vst v13;
	v13 =	vsub.f32 $1.000000000e+00, v1  }
0x224: {  	[tilespmem:$0x430] =	vst v29;
	vm5 =	veq.f32 v55, v5;
	v29 =	vsel vm6, $0x3F800000, v17;
	v0 =	vmul.f32 v0, v8  }
0x225: {  	[tilespmem:$0x5A0] =	vst v20;
	v12 =	vsub.f32 $1.000000000e+00, v12;
	v13 =	vmul.f32 v13, v62;
	v11 =	vadd.f32 v21, v11  }
0x226: {  	[tilespmem:$0x6A0] =	vst v22;
	v22 =	vsel vm5, $0x3F800000, v17;
	v14 =	vadd.f32 v0, v14;
	v62 =	vsub.f32 $1.000000000e+00, v21  }
0x227: {  	v8 =	vsel vm4, $0x3F800000, v17;
	v1 =	vadd.f32 v13, v1;
	[tilespmem:$0x620] =	vst v60;
	v60 =	vsub.f32 $1.000000000e+00, v11  }
0x228: {  	[tilespmem:$0x720] =	vst v23;
	v58 =	vsel vm13, $0x3F800000, v17;
	v8 =	vmul.f32 v62, v8;
	v62 =	vsub.f32 $1.000000000e+00, v14  }
0x229: {  	[tilespmem:$0x7A0] =	vst v24;
	vm7 =	veq.f32 v55, v4;
	v12 =	vmul.f32 v12, v58;
	v22 =	vmul.f32 v60, v22  }
0x22a: {  	[tilespmem:$0x530] =	vst v30;
	v24 =	vadd.f32 v16, v9;
	v1 =	vsub.f32 $1.000000000e+00, v1;
	v8 =	vmul.f32 v62, v8  }
0x22b: {  	[tilespmem:$0x5B0] =	vst v25;
	v9 =	vmul.f32 v16, v9;
	v63 =	vsub.f32 $1.000000000e+00, v12;
	v11 =	vadd.f32 v22, v11  }
0x22c: {  	[tilespmem:$0x4B0] =	vst v27;
	vm8 =	veq.f32 v49, v5;
	v14 =	vadd.f32 v8, v14;
	v30 =	vsub.f32 $1.000000000e+00, v22  }
0x22d: {  	[tilespmem:$0x6B0] =	vst v26;
	v16 =	vmul.f32 v63, v29;
	v60 =	vsel vm7, $0x3F800000, v17;
	v62 =	vsub.f32 $1.000000000e+00, v11  }
0x22e: {  	[tilespmem:$0x730] =	vst v31;
	v58 =	vld [tilespmem:$0x1FFF0];
	v29 =	vsel vm8, $0x3F800000, v17;
	v63 =	vsub.f32 $1.000000000e+00, v14;
	v20 =	vmul.f32 v30, v60  }
0x22f: {  	[tilespmem:$0x7B0] =	vst v32;
	vm9 =	veq.f32 v49, v4;
	v1 =	vmul.f32 v1, v16;
	v16 =	vmul.f32 v62, v29  }
0x230: {  	[tilespmem:$0x440] =	vst v37;
	v37 =	vsel vm9, $0x3F800000, v17;
	v20 =	vmul.f32 v63, v20  }
0x231: {  	[tilespmem:$0x4C0] =	vst v36;
	vm10 =	veq.f32 v52, v5;
	v31 =	vadd.f32 v1, v12;
	v11 =	vadd.f32 v16, v11  }
0x232: {  	[tilespmem:$0x5C0] =	vst v34;
	v1 =	vmul.f32 v1, v12;
	v32 =	vadd.f32 v20, v14;
	v36 =	vsub.f32 $1.000000000e+00, v16  }
0x233: {  	[tilespmem:$0x630] =	vst v58;
	v30 =	vadd.f32 v13, v59;
	v13 =	vmul.f32 v13, v59;
	v58 =	vsub.f32 $1.000000000e+00, v11  }
0x234: {  	[tilespmem:$0x540] =	vst v35;
	v60 =	vsel vm10, $0x3F800000, v17;
	v14 =	vmul.f32 v36, v37;
	v59 =	vsub.f32 $1.000000000e+00, v32  }
0x235: {  	[tilespmem:$0x640] =	vst v33;
	v9 =	vsub.f32 v24, v9;
	v26 =	vmul.f32 v58, v60  }
0x236: {  	[tilespmem:$0x6C0] =	vst v38;
	v1 =	vsub.f32 v31, v1;
	v13 =	vsub.f32 v30, v13;
	v14 =	vmul.f32 v59, v14  }
0x237: {  	[tilespmem:$0x740] =	vst v39;
	vm12 =	veq.f32 v53, v5;
	v62 =	vadd.f32 v2, v15;
	v11 =	vadd.f32 v26, v11  }
0x238: {  	[tilespmem:$0x7C0] =	vst v40;
	vm11 =	veq.f32 v52, v4;
	v12 =	vadd.f32 v14, v32;
	v63 =	vsub.f32 $1.000000000e+00, v26  }
0x239: {  	[tilespmem:$0x450] =	vst v42;
	v2 =	vmul.f32 v2, v15;
	v29 =	vsel vm11, $0x3F800000, v17;
	v30 =	vsub.f32 $1.000000000e+00, v11  }
0x23a: {  	[tilespmem:$0x4D0] =	vst v41;
	v32 =	vsel vm12, $0x3F800000, v17;
	v15 =	vmul.f32 v63, v29;
	v31 =	vsub.f32 $1.000000000e+00, v12  }
0x23b: {  	[tilespmem:$0x550] =	vst v43;
	v9 =	vmul.f32 v9, v50;
	vm14 =	veq.f32 v56, v5;
	v33 =	vmul.f32 v30, v32  }
0x23c: {  	[tilespmem:$0x5D0] =	vst v46;
	v40 =	vsel vm14, $0x3F800000, v17;
	vm15 =	veq.f32 v56, v4;
	v15 =	vmul.f32 v31, v15  }
0x23d: {  	[tilespmem:$0x650] =	vst v45;
	vm13 =	veq.f32 v53, v4;
	v2 =	vsub.f32 v62, v2;
	v34 =	vsub.f32 $1.000000000e+00, v33  }
0x23e: {  	[tilespmem:$0x6D0] =	vst v44;
	v35 =	vsel vm13, $0x3F800000, v17;
	v12 =	vadd.f32 v15, v12;
	v11 =	vadd.f32 v33, v11  }
0x23f: {  	[tilespmem:$0x750] =	vst v51;
	v39 =	vadd.f32 v8, v21;
	v8 =	vmul.f32 v8, v21;
	v2 =	vmul.f32 v2, v3  }
0x240: {  	[tilespmem:$0x7D0] =	vst v18;
	v3 =	vmul.f32 v34, v35;
	v37 =	vsub.f32 $1.000000000e+00, v12;
	v38 =	vsub.f32 $1.000000000e+00, v11  }
0x241: {  	[tilespmem:$0x560] =	vst v19;
	v1 =	vmul.f32 v1, v47;
	v43 =	vadd.f32 v20, v22;
	v44 =	vmul.f32 v20, v22  }
0x242: {  	[tilespmem:$0x460] =	vst v28;
	v42 =	vsub.f32 v39, v8;
	v3 =	vmul.f32 v37, v3;
	v41 =	vmul.f32 v38, v40  }
0x243: {  	[tilespmem:$0x4E0] =	vst v61;
	v36 =	vadd.f32 v0, v6;
	v0 =	vmul.f32 v0, v6;
	v47 =	vsub.f32 v43, v44  }
0x244: {  	[tilespmem:$0x5E0] =	vst v10;
	v13 =	vmul.f32 v13, v48;
	v45 =	vadd.f32 v3, v12;
	v46 =	vsub.f32 $1.000000000e+00, v41  }
0x245: {  	[tilespmem:$0x660] =	vst v7;
	v48 =	vsel vm15, $0x3F800000, v17;
	v6 =	vmul.f32 v42, v54;
	v0 =	vsub.f32 v36, v0  }
0x246: {  	[tilespmem:$0x6E0] =	vst v9;
	v7 =	vmul.f32 v47, v55;
	v4 =	vmul.f32 v46, v48;
	v50 =	vsub.f32 $1.000000000e+00, v45  }
0x247: {  	[tilespmem:$0x7E0] =	vst v1;
	v0 =	vmul.f32 v0, v57;
	v51 =	vadd.f32 v14, v16;
	v54 =	vmul.f32 v14, v16  }
0x248: {  	[tilespmem:$0x760] =	vst v13;
	v55 =	vadd.f32 v15, v26;
	v57 =	vmul.f32 v15, v26;
	v4 =	vmul.f32 v50, v4  }
0x249: {  	[tilespmem:$0x470] =	vst v2;
	v58 =	vsub.f32 v51, v54;
	v59 =	vadd.f32 v3, v33;
	v3 =	vmul.f32 v3, v33  }
0x24a: {  	[tilespmem:$0x570] =	vst v6;
	v60 =	vsub.f32 v55, v57;
	v61 =	vadd.f32 v4, v41;
	v4 =	vmul.f32 v4, v41  }
0x24b: {  	[tilespmem:$0x5F0] =	vst v7;
	v2 =	vmul.f32 v58, v49;
	v3 =	vsub.f32 v59, v3  }
0x24c: {  	[tilespmem:$0x4F0] =	vst v0;
	v0 =	vmul.f32 v60, v52;
	v1 =	vsub.f32 v61, v4  }
0x24d: {  	[tilespmem:$0x670] =	vst v2;
	v62 =	vmul.f32 v3, v53  }
0x24e: {  	[tilespmem:$0x6F0] =	vst v0;
	v63 =	vmul.f32 v1, v56  }
0x24f: {  	p0 =	sne.s32 s5, $0x1;
	[tilespmem:$0x770] =	vst v62  }
.Ltmp0:
0x250: {  	[tilespmem:$0x7F0] =	vst v63;
	(pc) =	sbr.rel @p0 .LBB2_1-.Ltmp0, $4  }
0x251: {  	[hbm4b:s4+s2] =	stream.linear.scatter [tilespmem:s7], [sflag:$0x1], $0x400, $0x38;
	[tilespmem:$0x800] =	vst v63  }
0x252: {  	_ =	swait.ge [sflag:s6], $0x400  }
0x253: {  	[sflag:s6] =	ssyncset.done $0x0  }
0x254: {  	s5 =	sadd.s32 $0xFFFFFFFF, s5;
	[sflag:s6] =	ssyncadd.s32 $0xFFFFFC00  }
0x255: {  	_ =	sfence.sel $0x180000  }
0x256: {  	[bflag:$0x0] =	sbarrier.arrive $0xFFFF  }
0x257: {  	p0 =	sne.s32 s1, $0x0;
	_ =	strace $0x90000047  }
0x258: {  	s0 =	sadd.s32 @!p0 $0x100000, s0;
	[bflag:$0x2] =	sbarrier.arrive $0xFFFF  }
0x259: {  	[sflag:s0] =	ssyncadd.tile.s32 @!p0 $0x1;
	_ =	shalt  }
.Lfunc_end2:
_tile_overlayer_lowered:
.L_overlay_start_2:
0x25a: {  	(tag) =	ssettag $0x2  }
0x25b: {  	s0 =	rddreg [dreg:$0x0];
	s2 =	stileid.u32  }
0x25c: {  	s1 =	rddreg [dreg:$0x1];
	p0 =	sne.s32 s2, $0x0  }
0x25d: {  	s3 =	rddreg [dreg:$0x2];
	[bflag:$0x3] =	sbarrier.arrive $0xFFFF;
	s2 =	simm.s32 @!p0 $0x1C01  }
0x25e: {  	[timem:s3], [sflag:s2] =	dma.local @!p0 [hbm:s0], s1  }
0x25f: {  	s0 =	simm.s32 @!p0 $0x1  }
0x260: {  	_ =	swait.ge @!p0 [sflag:s0], s1  }
0x261: {  	s1 =	ssub.s32 @!p0 $0x0, s1;
	[sflag:s0] =	ssyncset.done @!p0 $0x0  }
0x262: {  	[sflag:s0] =	ssyncadd.s32 @!p0 s1  }
0x263: {  	[bflag:$0x3] =	sbarrier.arrive $0xFFFF  }
0x264: {  	_ =	shalt  }

</sc_bundles>
